<compile_context>
chip_gen: v7x
topology: tpu7x:2x2x1
jax: 0.10.2.dev20260603
libtpu: 0.0.44.dev20260713+nightly
codegen_flags: <defaults>
</compile_context>

<pallas_src>
import functools

import jax
import jax.numpy as jnp
from jax import lax
from jax.experimental import pallas as pl
from jax.experimental.pallas import tpu as pltpu
from jax.experimental.pallas import tpu_sc as plsc

NUM_CORES = 2
NUM_SUBCORES = 16
NUM_WORKERS = NUM_CORES * NUM_SUBCORES
LANES = 16
B, D, H, W = 2, 160, 192, 224
SPLIT = 4
HH = H // SPLIT
NUM_TILES = B * D * SPLIT
TILES_PER_WORKER = NUM_TILES // NUM_WORKERS
VECS_PER_ROW = W // LANES
NBUF = 4
TBL = 32


@functools.partial(
    pl.kernel,
    out_type=jax.ShapeDtypeStruct((B, 1, D, H, W), jnp.float32),
    mesh=plsc.VectorSubcoreMesh(
        core_axis_name="c",
        subcore_axis_name="s",
        num_cores=NUM_CORES,
        num_subcores=NUM_SUBCORES,
    ),
    scratch_types=[
        pltpu.VMEM((TBL, LANES), jnp.float32),
        pltpu.VMEM((TBL,), jnp.int32),
        pltpu.VMEM((TBL,), jnp.int32),
        [pltpu.VMEM((HH, W), jnp.float32) for _ in range(NBUF)],
        [pltpu.VMEM((HH, W), jnp.float32) for _ in range(NBUF)],
        [pltpu.SemaphoreType.DMA for _ in range(NBUF)],
        [pltpu.SemaphoreType.DMA for _ in range(NBUF)],
    ],
    compiler_params=pltpu.CompilerParams(needs_layout_passes=False),
)
def _remap(x_hbm, src_hbm, dst_hbm, out_hbm, tab_v, src_v, dst_v, inb, outb,
           in_sem, out_sem):
    wid = lax.axis_index("s") * NUM_CORES + lax.axis_index("c")
    tile0 = wid * TILES_PER_WORKER

    pltpu.sync_copy(src_hbm, src_v)
    pltpu.sync_copy(dst_hbm, dst_v)
    lane = lax.iota(jnp.int32, LANES)
    zero = jnp.zeros((LANES,), jnp.float32)
    for v in range(TBL):
        tab_v[v, pl.ds(0, LANES)] = zero
    for h in range(TBL // LANES):
        s = src_v[pl.ds(h * LANES, LANES)]
        d = dst_v[pl.ds(h * LANES, LANES)].astype(jnp.float32)
        for l in range(LANES):
            plsc.store_scatter(tab_v, [s, jnp.full((LANES,), l, jnp.int32)],
                               d)

    def tile_slice(ref, t):
        n = t // (D * SPLIT)
        r = t % (D * SPLIT)
        d = r // SPLIT
        h = (r % SPLIT) * HH
        return ref.at[n, 0, d, pl.ds(h, HH)]

    for b in range(NBUF):
        pltpu.async_copy(tile_slice(x_hbm, tile0 + b), inb[b], in_sem[b])

    @pl.loop(0, TILES_PER_WORKER, step=NBUF)
    def _(c0):
        for b in range(NBUF):
            c = c0 + b
            t = tile0 + c
            pltpu.make_async_copy(tile_slice(x_hbm, t), inb[b],
                                  in_sem[b]).wait()

            @pl.when(c >= NBUF)
            def _():
                pltpu.make_async_copy(outb[b], tile_slice(out_hbm, t),
                                      out_sem[b]).wait()

            src_buf = inb[b]
            dst_buf = outb[b]

            @plsc.parallel_loop(0, HH, 1, unroll=3)
            def _(r):
                for j in range(VECS_PER_ROW):
                    v = src_buf[r, pl.ds(j * LANES, LANES)]
                    idx = v.astype(jnp.int32)
                    dst_buf[r, pl.ds(j * LANES, LANES)] = plsc.load_gather(
                        tab_v, [idx, lane])

            pltpu.async_copy(dst_buf, tile_slice(out_hbm, t), out_sem[b])

            @pl.when(c + NBUF < TILES_PER_WORKER)
            def _():
                pltpu.async_copy(tile_slice(x_hbm, t + NBUF), inb[b],
                                 in_sem[b])

    for b in range(NBUF):
        t = tile0 + TILES_PER_WORKER - NBUF + b
        pltpu.make_async_copy(outb[b], tile_slice(out_hbm, t),
                              out_sem[b]).wait()


def kernel(x, source_values, dest_values):
    return _remap(x, source_values, dest_values)

# --- scband reference (transcript-rebuilt; emitter-appended) ---
"""Pipeline reference for scband-convert-labels-76579266887902 (READ-ONLY COPY).

The authoritative reference and input builder live on the scoring server;
editing this copy changes nothing except your own understanding.
"""

import jax, jax.numpy as jnp
import numpy as np

NUM_LABELS = 32

def setup_inputs(seed: int = 0) -> dict:
    key = jax.random.key(seed)
    # label volume stored as float32 (common in medical imaging pipelines); integer values in [0, 32)
    x = jax.random.randint(key, (2, 1, 160, 192, 224), 0, NUM_LABELS).astype(jnp.float32)
    source_values = jnp.arange(NUM_LABELS, dtype=jnp.int32)
    dest_values = jnp.array([0, 2, 3, 4, 5, 7, 8, 10, 11, 12, 13, 14, 15, 16, 17, 18, 24, 26, 28, 41, 42, 43, 44, 46, 47, 49, 50, 51, 52, 53, 54, 58], dtype=jnp.int32)
    return {"x": x, "source_values": source_values, "dest_values": dest_values}

def reference(x, source_values, dest_values):
    # mapping[src_val] = dest_val  (scatter-overwrite into dense lookup table)
    max_label = NUM_LABELS - 1  # source_values.max() is 31 by construction
    mapping = jnp.zeros(max_label + 1, dtype=jnp.int32).at[source_values].set(dest_values)
    # gather: output[b,0,...] = mapping[x[b,0,...]] ; preserve input dtype like torch's clone-and-assign
    labels = x.astype(jnp.int32)
    out = jnp.take(mapping, labels, axis=0).astype(x.dtype)
    return out

if __name__ == "__main__":
    import jax
    _d = setup_inputs()
    print(jax.jit(kernel)(*tuple(_d.values())))

</pallas_src>

<mosaic_0001>
#map = affine_map<(d0, d1) -> (0, 0, 0, 0, 0)>
#map1 = affine_map<(d0, d1) -> (0)>
module attributes {stable_mosaic.version = 14 : i64} {
  func.func @_remap(%arg0: i32, %arg1: i32, %arg2: memref<2x1x160x192x224xf32, #tpu.memory_space<hbm>>, %arg3: memref<32xi32, #tpu.memory_space<hbm>>, %arg4: memref<32xi32, #tpu.memory_space<hbm>>, %arg5: memref<2x1x160x192x224xf32, #tpu.memory_space<hbm>>, %arg6: memref<32x16xf32, #tpu.memory_space<vmem>>, %arg7: memref<32xi32, #tpu.memory_space<vmem>>, %arg8: memref<32xi32, #tpu.memory_space<vmem>>, %arg9: memref<48x224xf32, #tpu.memory_space<vmem>>, %arg10: memref<48x224xf32, #tpu.memory_space<vmem>>, %arg11: memref<48x224xf32, #tpu.memory_space<vmem>>, %arg12: memref<48x224xf32, #tpu.memory_space<vmem>>, %arg13: memref<48x224xf32, #tpu.memory_space<vmem>>, %arg14: memref<48x224xf32, #tpu.memory_space<vmem>>, %arg15: memref<48x224xf32, #tpu.memory_space<vmem>>, %arg16: memref<48x224xf32, #tpu.memory_space<vmem>>, %arg17: memref<!tpu.dma_semaphore, #tpu.memory_space<semaphore_mem>>, %arg18: memref<!tpu.dma_semaphore, #tpu.memory_space<semaphore_mem>>, %arg19: memref<!tpu.dma_semaphore, #tpu.memory_space<semaphore_mem>>, %arg20: memref<!tpu.dma_semaphore, #tpu.memory_space<semaphore_mem>>, %arg21: memref<!tpu.dma_semaphore, #tpu.memory_space<semaphore_mem>>, %arg22: memref<!tpu.dma_semaphore, #tpu.memory_space<semaphore_mem>>, %arg23: memref<!tpu.dma_semaphore, #tpu.memory_space<semaphore_mem>>, %arg24: memref<!tpu.dma_semaphore, #tpu.memory_space<semaphore_mem>>) attributes {dimension_semantics = [#tpu.dimension_semantics<core_parallel>, #tpu.dimension_semantics<subcore_parallel>], iteration_bounds = array<i64: 2, 16>, scalar_prefetch = 0 : i64, scratch_operands = 19 : i64, tpu.core_type = #tpu.core_type<sc_vector_subcore>, window_params = [{transform_indices = #map}, {transform_indices = #map1}, {transform_indices = #map1}, {transform_indices = #map}]} {
    %mul3A = arith.constant 2 : i32
    %mul3A_0 = arith.muli %arg1, %mul3A : i32
    %add3A = arith.addi %mul3A_0, %arg0 : i32
    %mul3A_1 = arith.constant 40 : i32
    %mul3A_2 = arith.muli %add3A, %mul3A_1 : i32
    "tpu.region"() ({
      %run_scoped3A = tpu.sem_alloc : memref<!tpu.dma_semaphore, #tpu.memory_space<semaphore_mem>>
      tpu.enqueue_dma source(%arg3 : memref<32xi32, #tpu.memory_space<hbm>>) target(%arg7 : memref<32xi32, #tpu.memory_space<vmem>>) target_semaphore(%run_scoped3A : memref<!tpu.dma_semaphore, #tpu.memory_space<semaphore_mem>>)
      tpu.wait_dma2 semaphore(%run_scoped3A : memref<!tpu.dma_semaphore, #tpu.memory_space<semaphore_mem>>) src(%arg3 : memref<32xi32, #tpu.memory_space<hbm>>) dst(%arg7 : memref<32xi32, #tpu.memory_space<vmem>>)
      tpu.yield
    }) : () -> ()
    "tpu.region"() ({
      %run_scoped3A = tpu.sem_alloc : memref<!tpu.dma_semaphore, #tpu.memory_space<semaphore_mem>>
      tpu.enqueue_dma source(%arg4 : memref<32xi32, #tpu.memory_space<hbm>>) target(%arg8 : memref<32xi32, #tpu.memory_space<vmem>>) target_semaphore(%run_scoped3A : memref<!tpu.dma_semaphore, #tpu.memory_space<semaphore_mem>>)
      tpu.wait_dma2 semaphore(%run_scoped3A : memref<!tpu.dma_semaphore, #tpu.memory_space<semaphore_mem>>) src(%arg4 : memref<32xi32, #tpu.memory_space<hbm>>) dst(%arg8 : memref<32xi32, #tpu.memory_space<vmem>>)
      tpu.yield
    }) : () -> ()
    %iota3A = tpu.iota {dimensions = array<i32: 0>} : vector<16xi32>
    %broadcast_in_dim3A = arith.constant 0.000000e+00 : f32
    %broadcast_in_dim3A_3 = vector.broadcast %broadcast_in_dim3A : f32 to vector<16xf32>
    %swap3A = arith.constant 0 : i32
    %swap3A_4 = arith.index_cast %swap3A : i32 to index
    %swap3A_5 = arith.constant 0 : index
    %swap3A_6 = tpu.vector_load %arg6[%swap3A_4, %swap3A_5] {strides = array<i32>} : memref<32x16xf32, #tpu.memory_space<vmem>>, vector<16xf32>,
    tpu.vector_store %arg6[%swap3A_4, %swap3A_5], %broadcast_in_dim3A_3 {strides = array<i32>} : memref<32x16xf32, #tpu.memory_space<vmem>>, vector<16xf32>,
    %swap3A_7 = arith.constant 1 : i32
    %swap3A_8 = arith.index_cast %swap3A_7 : i32 to index
    %swap3A_9 = arith.constant 0 : index
    %swap3A_10 = tpu.vector_load %arg6[%swap3A_8, %swap3A_9] {strides = array<i32>} : memref<32x16xf32, #tpu.memory_space<vmem>>, vector<16xf32>,
    tpu.vector_store %arg6[%swap3A_8, %swap3A_9], %broadcast_in_dim3A_3 {strides = array<i32>} : memref<32x16xf32, #tpu.memory_space<vmem>>, vector<16xf32>,
    %swap3A_11 = arith.constant 2 : i32
    %swap3A_12 = arith.index_cast %swap3A_11 : i32 to index
    %swap3A_13 = arith.constant 0 : index
    %swap3A_14 = tpu.vector_load %arg6[%swap3A_12, %swap3A_13] {strides = array<i32>} : memref<32x16xf32, #tpu.memory_space<vmem>>, vector<16xf32>,
    tpu.vector_store %arg6[%swap3A_12, %swap3A_13], %broadcast_in_dim3A_3 {strides = array<i32>} : memref<32x16xf32, #tpu.memory_space<vmem>>, vector<16xf32>,
    %swap3A_15 = arith.constant 3 : i32
    %swap3A_16 = arith.index_cast %swap3A_15 : i32 to index
    %swap3A_17 = arith.constant 0 : index
    %swap3A_18 = tpu.vector_load %arg6[%swap3A_16, %swap3A_17] {strides = array<i32>} : memref<32x16xf32, #tpu.memory_space<vmem>>, vector<16xf32>,
    tpu.vector_store %arg6[%swap3A_16, %swap3A_17], %broadcast_in_dim3A_3 {strides = array<i32>} : memref<32x16xf32, #tpu.memory_space<vmem>>, vector<16xf32>,
    %swap3A_19 = arith.constant 4 : i32
    %swap3A_20 = arith.index_cast %swap3A_19 : i32 to index
    %swap3A_21 = arith.constant 0 : index
    %swap3A_22 = tpu.vector_load %arg6[%swap3A_20, %swap3A_21] {strides = array<i32>} : memref<32x16xf32, #tpu.memory_space<vmem>>, vector<16xf32>,
    tpu.vector_store %arg6[%swap3A_20, %swap3A_21], %broadcast_in_dim3A_3 {strides = array<i32>} : memref<32x16xf32, #tpu.memory_space<vmem>>, vector<16xf32>,
    %swap3A_23 = arith.constant 5 : i32
    %swap3A_24 = arith.index_cast %swap3A_23 : i32 to index
    %swap3A_25 = arith.constant 0 : index
    %swap3A_26 = tpu.vector_load %arg6[%swap3A_24, %swap3A_25] {strides = array<i32>} : memref<32x16xf32, #tpu.memory_space<vmem>>, vector<16xf32>,
    tpu.vector_store %arg6[%swap3A_24, %swap3A_25], %broadcast_in_dim3A_3 {strides = array<i32>} : memref<32x16xf32, #tpu.memory_space<vmem>>, vector<16xf32>,
    %swap3A_27 = arith.constant 6 : i32
    %swap3A_28 = arith.index_cast %swap3A_27 : i32 to index
    %swap3A_29 = arith.constant 0 : index
    %swap3A_30 = tpu.vector_load %arg6[%swap3A_28, %swap3A_29] {strides = array<i32>} : memref<32x16xf32, #tpu.memory_space<vmem>>, vector<16xf32>,
    tpu.vector_store %arg6[%swap3A_28, %swap3A_29], %broadcast_in_dim3A_3 {strides = array<i32>} : memref<32x16xf32, #tpu.memory_space<vmem>>, vector<16xf32>,
    %swap3A_31 = arith.constant 7 : i32
    %swap3A_32 = arith.index_cast %swap3A_31 : i32 to index
    %swap3A_33 = arith.constant 0 : index
    %swap3A_34 = tpu.vector_load %arg6[%swap3A_32, %swap3A_33] {strides = array<i32>} : memref<32x16xf32, #tpu.memory_space<vmem>>, vector<16xf32>,
    tpu.vector_store %arg6[%swap3A_32, %swap3A_33], %broadcast_in_dim3A_3 {strides = array<i32>} : memref<32x16xf32, #tpu.memory_space<vmem>>, vector<16xf32>,
    %swap3A_35 = arith.constant 8 : i32
    %swap3A_36 = arith.index_cast %swap3A_35 : i32 to index
    %swap3A_37 = arith.constant 0 : index
    %swap3A_38 = tpu.vector_load %arg6[%swap3A_36, %swap3A_37] {strides = array<i32>} : memref<32x16xf32, #tpu.memory_space<vmem>>, vector<16xf32>,
    tpu.vector_store %arg6[%swap3A_36, %swap3A_37], %broadcast_in_dim3A_3 {strides = array<i32>} : memref<32x16xf32, #tpu.memory_space<vmem>>, vector<16xf32>,
    %swap3A_39 = arith.constant 9 : i32
    %swap3A_40 = arith.index_cast %swap3A_39 : i32 to index
    %swap3A_41 = arith.constant 0 : index
    %swap3A_42 = tpu.vector_load %arg6[%swap3A_40, %swap3A_41] {strides = array<i32>} : memref<32x16xf32, #tpu.memory_space<vmem>>, vector<16xf32>,
    tpu.vector_store %arg6[%swap3A_40, %swap3A_41], %broadcast_in_dim3A_3 {strides = array<i32>} : memref<32x16xf32, #tpu.memory_space<vmem>>, vector<16xf32>,
    %swap3A_43 = arith.constant 10 : i32
    %swap3A_44 = arith.index_cast %swap3A_43 : i32 to index
    %swap3A_45 = arith.constant 0 : index
    %swap3A_46 = tpu.vector_load %arg6[%swap3A_44, %swap3A_45] {strides = array<i32>} : memref<32x16xf32, #tpu.memory_space<vmem>>, vector<16xf32>,
    tpu.vector_store %arg6[%swap3A_44, %swap3A_45], %broadcast_in_dim3A_3 {strides = array<i32>} : memref<32x16xf32, #tpu.memory_space<vmem>>, vector<16xf32>,
    %swap3A_47 = arith.constant 11 : i32
    %swap3A_48 = arith.index_cast %swap3A_47 : i32 to index
    %swap3A_49 = arith.constant 0 : index
    %swap3A_50 = tpu.vector_load %arg6[%swap3A_48, %swap3A_49] {strides = array<i32>} : memref<32x16xf32, #tpu.memory_space<vmem>>, vector<16xf32>,
    tpu.vector_store %arg6[%swap3A_48, %swap3A_49], %broadcast_in_dim3A_3 {strides = array<i32>} : memref<32x16xf32, #tpu.memory_space<vmem>>, vector<16xf32>,
    %swap3A_51 = arith.constant 12 : i32
    %swap3A_52 = arith.index_cast %swap3A_51 : i32 to index
    %swap3A_53 = arith.constant 0 : index
    %swap3A_54 = tpu.vector_load %arg6[%swap3A_52, %swap3A_53] {strides = array<i32>} : memref<32x16xf32, #tpu.memory_space<vmem>>, vector<16xf32>,
    tpu.vector_store %arg6[%swap3A_52, %swap3A_53], %broadcast_in_dim3A_3 {strides = array<i32>} : memref<32x16xf32, #tpu.memory_space<vmem>>, vector<16xf32>,
    %swap3A_55 = arith.constant 13 : i32
    %swap3A_56 = arith.index_cast %swap3A_55 : i32 to index
    %swap3A_57 = arith.constant 0 : index
    %swap3A_58 = tpu.vector_load %arg6[%swap3A_56, %swap3A_57] {strides = array<i32>} : memref<32x16xf32, #tpu.memory_space<vmem>>, vector<16xf32>,
    tpu.vector_store %arg6[%swap3A_56, %swap3A_57], %broadcast_in_dim3A_3 {strides = array<i32>} : memref<32x16xf32, #tpu.memory_space<vmem>>, vector<16xf32>,
    %swap3A_59 = arith.constant 14 : i32
    %swap3A_60 = arith.index_cast %swap3A_59 : i32 to index
    %swap3A_61 = arith.constant 0 : index
    %swap3A_62 = tpu.vector_load %arg6[%swap3A_60, %swap3A_61] {strides = array<i32>} : memref<32x16xf32, #tpu.memory_space<vmem>>, vector<16xf32>,
    tpu.vector_store %arg6[%swap3A_60, %swap3A_61], %broadcast_in_dim3A_3 {strides = array<i32>} : memref<32x16xf32, #tpu.memory_space<vmem>>, vector<16xf32>,
    %swap3A_63 = arith.constant 15 : i32
    %swap3A_64 = arith.index_cast %swap3A_63 : i32 to index
    %swap3A_65 = arith.constant 0 : index
    %swap3A_66 = tpu.vector_load %arg6[%swap3A_64, %swap3A_65] {strides = array<i32>} : memref<32x16xf32, #tpu.memory_space<vmem>>, vector<16xf32>,
    tpu.vector_store %arg6[%swap3A_64, %swap3A_65], %broadcast_in_dim3A_3 {strides = array<i32>} : memref<32x16xf32, #tpu.memory_space<vmem>>, vector<16xf32>,
    %swap3A_67 = arith.constant 16 : i32
    %swap3A_68 = arith.index_cast %swap3A_67 : i32 to index
    %swap3A_69 = arith.constant 0 : index
    %swap3A_70 = tpu.vector_load %arg6[%swap3A_68, %swap3A_69] {strides = array<i32>} : memref<32x16xf32, #tpu.memory_space<vmem>>, vector<16xf32>,
    tpu.vector_store %arg6[%swap3A_68, %swap3A_69], %broadcast_in_dim3A_3 {strides = array<i32>} : memref<32x16xf32, #tpu.memory_space<vmem>>, vector<16xf32>,
    %swap3A_71 = arith.constant 17 : i32
    %swap3A_72 = arith.index_cast %swap3A_71 : i32 to index
    %swap3A_73 = arith.constant 0 : index
    %swap3A_74 = tpu.vector_load %arg6[%swap3A_72, %swap3A_73] {strides = array<i32>} : memref<32x16xf32, #tpu.memory_space<vmem>>, vector<16xf32>,
    tpu.vector_store %arg6[%swap3A_72, %swap3A_73], %broadcast_in_dim3A_3 {strides = array<i32>} : memref<32x16xf32, #tpu.memory_space<vmem>>, vector<16xf32>,
    %swap3A_75 = arith.constant 18 : i32
    %swap3A_76 = arith.index_cast %swap3A_75 : i32 to index
    %swap3A_77 = arith.constant 0 : index
    %swap3A_78 = tpu.vector_load %arg6[%swap3A_76, %swap3A_77] {strides = array<i32>} : memref<32x16xf32, #tpu.memory_space<vmem>>, vector<16xf32>,
    tpu.vector_store %arg6[%swap3A_76, %swap3A_77], %broadcast_in_dim3A_3 {strides = array<i32>} : memref<32x16xf32, #tpu.memory_space<vmem>>, vector<16xf32>,
    %swap3A_79 = arith.constant 19 : i32
    %swap3A_80 = arith.index_cast %swap3A_79 : i32 to index
    %swap3A_81 = arith.constant 0 : index
    %swap3A_82 = tpu.vector_load %arg6[%swap3A_80, %swap3A_81] {strides = array<i32>} : memref<32x16xf32, #tpu.memory_space<vmem>>, vector<16xf32>,
    tpu.vector_store %arg6[%swap3A_80, %swap3A_81], %broadcast_in_dim3A_3 {strides = array<i32>} : memref<32x16xf32, #tpu.memory_space<vmem>>, vector<16xf32>,
    %swap3A_83 = arith.constant 20 : i32
    %swap3A_84 = arith.index_cast %swap3A_83 : i32 to index
    %swap3A_85 = arith.constant 0 : index
    %swap3A_86 = tpu.vector_load %arg6[%swap3A_84, %swap3A_85] {strides = array<i32>} : memref<32x16xf32, #tpu.memory_space<vmem>>, vector<16xf32>,
    tpu.vector_store %arg6[%swap3A_84, %swap3A_85], %broadcast_in_dim3A_3 {strides = array<i32>} : memref<32x16xf32, #tpu.memory_space<vmem>>, vector<16xf32>,
    %swap3A_87 = arith.constant 21 : i32
    %swap3A_88 = arith.index_cast %swap3A_87 : i32 to index
    %swap3A_89 = arith.constant 0 : index
    %swap3A_90 = tpu.vector_load %arg6[%swap3A_88, %swap3A_89] {strides = array<i32>} : memref<32x16xf32, #tpu.memory_space<vmem>>, vector<16xf32>,
    tpu.vector_store %arg6[%swap3A_88, %swap3A_89], %broadcast_in_dim3A_3 {strides = array<i32>} : memref<32x16xf32, #tpu.memory_space<vmem>>, vector<16xf32>,
    %swap3A_91 = arith.constant 22 : i32
    %swap3A_92 = arith.index_cast %swap3A_91 : i32 to index
    %swap3A_93 = arith.constant 0 : index
    %swap3A_94 = tpu.vector_load %arg6[%swap3A_92, %swap3A_93] {strides = array<i32>} : memref<32x16xf32, #tpu.memory_space<vmem>>, vector<16xf32>,
    tpu.vector_store %arg6[%swap3A_92, %swap3A_93], %broadcast_in_dim3A_3 {strides = array<i32>} : memref<32x16xf32, #tpu.memory_space<vmem>>, vector<16xf32>,
    %swap3A_95 = arith.constant 23 : i32
    %swap3A_96 = arith.index_cast %swap3A_95 : i32 to index
    %swap3A_97 = arith.constant 0 : index
    %swap3A_98 = tpu.vector_load %arg6[%swap3A_96, %swap3A_97] {strides = array<i32>} : memref<32x16xf32, #tpu.memory_space<vmem>>, vector<16xf32>,
    tpu.vector_store %arg6[%swap3A_96, %swap3A_97], %broadcast_in_dim3A_3 {strides = array<i32>} : memref<32x16xf32, #tpu.memory_space<vmem>>, vector<16xf32>,
    %swap3A_99 = arith.constant 24 : i32
    %swap3A_100 = arith.index_cast %swap3A_99 : i32 to index
    %swap3A_101 = arith.constant 0 : index
    %swap3A_102 = tpu.vector_load %arg6[%swap3A_100, %swap3A_101] {strides = array<i32>} : memref<32x16xf32, #tpu.memory_space<vmem>>, vector<16xf32>,
    tpu.vector_store %arg6[%swap3A_100, %swap3A_101], %broadcast_in_dim3A_3 {strides = array<i32>} : memref<32x16xf32, #tpu.memory_space<vmem>>, vector<16xf32>,
    %swap3A_103 = arith.constant 25 : i32
    %swap3A_104 = arith.index_cast %swap3A_103 : i32 to index
    %swap3A_105 = arith.constant 0 : index
    %swap3A_106 = tpu.vector_load %arg6[%swap3A_104, %swap3A_105] {strides = array<i32>} : memref<32x16xf32, #tpu.memory_space<vmem>>, vector<16xf32>,
    tpu.vector_store %arg6[%swap3A_104, %swap3A_105], %broadcast_in_dim3A_3 {strides = array<i32>} : memref<32x16xf32, #tpu.memory_space<vmem>>, vector<16xf32>,
    %swap3A_107 = arith.constant 26 : i32
    %swap3A_108 = arith.index_cast %swap3A_107 : i32 to index
    %swap3A_109 = arith.constant 0 : index
    %swap3A_110 = tpu.vector_load %arg6[%swap3A_108, %swap3A_109] {strides = array<i32>} : memref<32x16xf32, #tpu.memory_space<vmem>>, vector<16xf32>,
    tpu.vector_store %arg6[%swap3A_108, %swap3A_109], %broadcast_in_dim3A_3 {strides = array<i32>} : memref<32x16xf32, #tpu.memory_space<vmem>>, vector<16xf32>,
    %swap3A_111 = arith.constant 27 : i32
    %swap3A_112 = arith.index_cast %swap3A_111 : i32 to index
    %swap3A_113 = arith.constant 0 : index
    %swap3A_114 = tpu.vector_load %arg6[%swap3A_112, %swap3A_113] {strides = array<i32>} : memref<32x16xf32, #tpu.memory_space<vmem>>, vector<16xf32>,
    tpu.vector_store %arg6[%swap3A_112, %swap3A_113], %broadcast_in_dim3A_3 {strides = array<i32>} : memref<32x16xf32, #tpu.memory_space<vmem>>, vector<16xf32>,
    %swap3A_115 = arith.constant 28 : i32
    %swap3A_116 = arith.index_cast %swap3A_115 : i32 to index
    %swap3A_117 = arith.constant 0 : index
    %swap3A_118 = tpu.vector_load %arg6[%swap3A_116, %swap3A_117] {strides = array<i32>} : memref<32x16xf32, #tpu.memory_space<vmem>>, vector<16xf32>,
    tpu.vector_store %arg6[%swap3A_116, %swap3A_117], %broadcast_in_dim3A_3 {strides = array<i32>} : memref<32x16xf32, #tpu.memory_space<vmem>>, vector<16xf32>,
    %swap3A_119 = arith.constant 29 : i32
    %swap3A_120 = arith.index_cast %swap3A_119 : i32 to index
    %swap3A_121 = arith.constant 0 : index
    %swap3A_122 = tpu.vector_load %arg6[%swap3A_120, %swap3A_121] {strides = array<i32>} : memref<32x16xf32, #tpu.memory_space<vmem>>, vector<16xf32>,
    tpu.vector_store %arg6[%swap3A_120, %swap3A_121], %broadcast_in_dim3A_3 {strides = array<i32>} : memref<32x16xf32, #tpu.memory_space<vmem>>, vector<16xf32>,
    %swap3A_123 = arith.constant 30 : i32
    %swap3A_124 = arith.index_cast %swap3A_123 : i32 to index
    %swap3A_125 = arith.constant 0 : index
    %swap3A_126 = tpu.vector_load %arg6[%swap3A_124, %swap3A_125] {strides = array<i32>} : memref<32x16xf32, #tpu.memory_space<vmem>>, vector<16xf32>,
    tpu.vector_store %arg6[%swap3A_124, %swap3A_125], %broadcast_in_dim3A_3 {strides = array<i32>} : memref<32x16xf32, #tpu.memory_space<vmem>>, vector<16xf32>,
    %swap3A_127 = arith.constant 31 : i32
    %swap3A_128 = arith.index_cast %swap3A_127 : i32 to index
    %swap3A_129 = arith.constant 0 : index
    %swap3A_130 = tpu.vector_load %arg6[%swap3A_128, %swap3A_129] {strides = array<i32>} : memref<32x16xf32, #tpu.memory_space<vmem>>, vector<16xf32>,
    tpu.vector_store %arg6[%swap3A_128, %swap3A_129], %broadcast_in_dim3A_3 {strides = array<i32>} : memref<32x16xf32, #tpu.memory_space<vmem>>, vector<16xf32>,
    %get3A = arith.constant 0 : index
    %get3A_131 = tpu.vector_load %arg7[%get3A] {strides = array<i32>} : memref<32xi32, #tpu.memory_space<vmem>>, vector<16xi32>,
    %get3A_132 = arith.constant 0 : index
    %get3A_133 = tpu.vector_load %arg8[%get3A_132] {strides = array<i32>} : memref<32xi32, #tpu.memory_space<vmem>>, vector<16xi32>,
    %convert_element_type3A = arith.sitofp %get3A_133 : vector<16xi32> to vector<16xf32>
    %broadcast_in_dim3A_134 = arith.constant 0 : i32
    %broadcast_in_dim3A_135 = vector.broadcast %broadcast_in_dim3A_134 : i32 to vector<16xi32>
    tpu.vector_store_idx %arg6[%get3A_131, %broadcast_in_dim3A_135], %convert_element_type3A : memref<32x16xf32, #tpu.memory_space<vmem>>[vector<16xi32>, vector<16xi32>], vector<16xf32>,
    %broadcast_in_dim3A_136 = arith.constant 1 : i32
    %broadcast_in_dim3A_137 = vector.broadcast %broadcast_in_dim3A_136 : i32 to vector<16xi32>
    tpu.vector_store_idx %arg6[%get3A_131, %broadcast_in_dim3A_137], %convert_element_type3A : memref<32x16xf32, #tpu.memory_space<vmem>>[vector<16xi32>, vector<16xi32>], vector<16xf32>,
    %broadcast_in_dim3A_138 = arith.constant 2 : i32
    %broadcast_in_dim3A_139 = vector.broadcast %broadcast_in_dim3A_138 : i32 to vector<16xi32>
    tpu.vector_store_idx %arg6[%get3A_131, %broadcast_in_dim3A_139], %convert_element_type3A : memref<32x16xf32, #tpu.memory_space<vmem>>[vector<16xi32>, vector<16xi32>], vector<16xf32>,
    %broadcast_in_dim3A_140 = arith.constant 3 : i32
    %broadcast_in_dim3A_141 = vector.broadcast %broadcast_in_dim3A_140 : i32 to vector<16xi32>
    tpu.vector_store_idx %arg6[%get3A_131, %broadcast_in_dim3A_141], %convert_element_type3A : memref<32x16xf32, #tpu.memory_space<vmem>>[vector<16xi32>, vector<16xi32>], vector<16xf32>,
    %broadcast_in_dim3A_142 = arith.constant 4 : i32
    %broadcast_in_dim3A_143 = vector.broadcast %broadcast_in_dim3A_142 : i32 to vector<16xi32>
    tpu.vector_store_idx %arg6[%get3A_131, %broadcast_in_dim3A_143], %convert_element_type3A : memref<32x16xf32, #tpu.memory_space<vmem>>[vector<16xi32>, vector<16xi32>], vector<16xf32>,
    %broadcast_in_dim3A_144 = arith.constant 5 : i32
    %broadcast_in_dim3A_145 = vector.broadcast %broadcast_in_dim3A_144 : i32 to vector<16xi32>
    tpu.vector_store_idx %arg6[%get3A_131, %broadcast_in_dim3A_145], %convert_element_type3A : memref<32x16xf32, #tpu.memory_space<vmem>>[vector<16xi32>, vector<16xi32>], vector<16xf32>,
    %broadcast_in_dim3A_146 = arith.constant 6 : i32
    %broadcast_in_dim3A_147 = vector.broadcast %broadcast_in_dim3A_146 : i32 to vector<16xi32>
    tpu.vector_store_idx %arg6[%get3A_131, %broadcast_in_dim3A_147], %convert_element_type3A : memref<32x16xf32, #tpu.memory_space<vmem>>[vector<16xi32>, vector<16xi32>], vector<16xf32>,
    %broadcast_in_dim3A_148 = arith.constant 7 : i32
    %broadcast_in_dim3A_149 = vector.broadcast %broadcast_in_dim3A_148 : i32 to vector<16xi32>
    tpu.vector_store_idx %arg6[%get3A_131, %broadcast_in_dim3A_149], %convert_element_type3A : memref<32x16xf32, #tpu.memory_space<vmem>>[vector<16xi32>, vector<16xi32>], vector<16xf32>,
    %broadcast_in_dim3A_150 = arith.constant 8 : i32
    %broadcast_in_dim3A_151 = vector.broadcast %broadcast_in_dim3A_150 : i32 to vector<16xi32>
    tpu.vector_store_idx %arg6[%get3A_131, %broadcast_in_dim3A_151], %convert_element_type3A : memref<32x16xf32, #tpu.memory_space<vmem>>[vector<16xi32>, vector<16xi32>], vector<16xf32>,
    %broadcast_in_dim3A_152 = arith.constant 9 : i32
    %broadcast_in_dim3A_153 = vector.broadcast %broadcast_in_dim3A_152 : i32 to vector<16xi32>
    tpu.vector_store_idx %arg6[%get3A_131, %broadcast_in_dim3A_153], %convert_element_type3A : memref<32x16xf32, #tpu.memory_space<vmem>>[vector<16xi32>, vector<16xi32>], vector<16xf32>,
    %broadcast_in_dim3A_154 = arith.constant 10 : i32
    %broadcast_in_dim3A_155 = vector.broadcast %broadcast_in_dim3A_154 : i32 to vector<16xi32>
    tpu.vector_store_idx %arg6[%get3A_131, %broadcast_in_dim3A_155], %convert_element_type3A : memref<32x16xf32, #tpu.memory_space<vmem>>[vector<16xi32>, vector<16xi32>], vector<16xf32>,
    %broadcast_in_dim3A_156 = arith.constant 11 : i32
    %broadcast_in_dim3A_157 = vector.broadcast %broadcast_in_dim3A_156 : i32 to vector<16xi32>
    tpu.vector_store_idx %arg6[%get3A_131, %broadcast_in_dim3A_157], %convert_element_type3A : memref<32x16xf32, #tpu.memory_space<vmem>>[vector<16xi32>, vector<16xi32>], vector<16xf32>,
    %broadcast_in_dim3A_158 = arith.constant 12 : i32
    %broadcast_in_dim3A_159 = vector.broadcast %broadcast_in_dim3A_158 : i32 to vector<16xi32>
    tpu.vector_store_idx %arg6[%get3A_131, %broadcast_in_dim3A_159], %convert_element_type3A : memref<32x16xf32, #tpu.memory_space<vmem>>[vector<16xi32>, vector<16xi32>], vector<16xf32>,
    %broadcast_in_dim3A_160 = arith.constant 13 : i32
    %broadcast_in_dim3A_161 = vector.broadcast %broadcast_in_dim3A_160 : i32 to vector<16xi32>
    tpu.vector_store_idx %arg6[%get3A_131, %broadcast_in_dim3A_161], %convert_element_type3A : memref<32x16xf32, #tpu.memory_space<vmem>>[vector<16xi32>, vector<16xi32>], vector<16xf32>,
    %broadcast_in_dim3A_162 = arith.constant 14 : i32
    %broadcast_in_dim3A_163 = vector.broadcast %broadcast_in_dim3A_162 : i32 to vector<16xi32>
    tpu.vector_store_idx %arg6[%get3A_131, %broadcast_in_dim3A_163], %convert_element_type3A : memref<32x16xf32, #tpu.memory_space<vmem>>[vector<16xi32>, vector<16xi32>], vector<16xf32>,
    %broadcast_in_dim3A_164 = arith.constant 15 : i32
    %broadcast_in_dim3A_165 = vector.broadcast %broadcast_in_dim3A_164 : i32 to vector<16xi32>
    tpu.vector_store_idx %arg6[%get3A_131, %broadcast_in_dim3A_165], %convert_element_type3A : memref<32x16xf32, #tpu.memory_space<vmem>>[vector<16xi32>, vector<16xi32>], vector<16xf32>,
    %get3A_166 = arith.constant 16 : index
    %get3A_167 = tpu.vector_load %arg7[%get3A_166] {strides = array<i32>} : memref<32xi32, #tpu.memory_space<vmem>>, vector<16xi32>,
    %get3A_168 = arith.constant 16 : index
    %get3A_169 = tpu.vector_load %arg8[%get3A_168] {strides = array<i32>} : memref<32xi32, #tpu.memory_space<vmem>>, vector<16xi32>,
    %convert_element_type3A_170 = arith.sitofp %get3A_169 : vector<16xi32> to vector<16xf32>
    %broadcast_in_dim3A_171 = arith.constant 0 : i32
    %broadcast_in_dim3A_172 = vector.broadcast %broadcast_in_dim3A_171 : i32 to vector<16xi32>
    tpu.vector_store_idx %arg6[%get3A_167, %broadcast_in_dim3A_172], %convert_element_type3A_170 : memref<32x16xf32, #tpu.memory_space<vmem>>[vector<16xi32>, vector<16xi32>], vector<16xf32>,
    %broadcast_in_dim3A_173 = arith.constant 1 : i32
    %broadcast_in_dim3A_174 = vector.broadcast %broadcast_in_dim3A_173 : i32 to vector<16xi32>
    tpu.vector_store_idx %arg6[%get3A_167, %broadcast_in_dim3A_174], %convert_element_type3A_170 : memref<32x16xf32, #tpu.memory_space<vmem>>[vector<16xi32>, vector<16xi32>], vector<16xf32>,
    %broadcast_in_dim3A_175 = arith.constant 2 : i32
    %broadcast_in_dim3A_176 = vector.broadcast %broadcast_in_dim3A_175 : i32 to vector<16xi32>
    tpu.vector_store_idx %arg6[%get3A_167, %broadcast_in_dim3A_176], %convert_element_type3A_170 : memref<32x16xf32, #tpu.memory_space<vmem>>[vector<16xi32>, vector<16xi32>], vector<16xf32>,
    %broadcast_in_dim3A_177 = arith.constant 3 : i32
    %broadcast_in_dim3A_178 = vector.broadcast %broadcast_in_dim3A_177 : i32 to vector<16xi32>
    tpu.vector_store_idx %arg6[%get3A_167, %broadcast_in_dim3A_178], %convert_element_type3A_170 : memref<32x16xf32, #tpu.memory_space<vmem>>[vector<16xi32>, vector<16xi32>], vector<16xf32>,
    %broadcast_in_dim3A_179 = arith.constant 4 : i32
    %broadcast_in_dim3A_180 = vector.broadcast %broadcast_in_dim3A_179 : i32 to vector<16xi32>
    tpu.vector_store_idx %arg6[%get3A_167, %broadcast_in_dim3A_180], %convert_element_type3A_170 : memref<32x16xf32, #tpu.memory_space<vmem>>[vector<16xi32>, vector<16xi32>], vector<16xf32>,
    %broadcast_in_dim3A_181 = arith.constant 5 : i32
    %broadcast_in_dim3A_182 = vector.broadcast %broadcast_in_dim3A_181 : i32 to vector<16xi32>
    tpu.vector_store_idx %arg6[%get3A_167, %broadcast_in_dim3A_182], %convert_element_type3A_170 : memref<32x16xf32, #tpu.memory_space<vmem>>[vector<16xi32>, vector<16xi32>], vector<16xf32>,
    %broadcast_in_dim3A_183 = arith.constant 6 : i32
    %broadcast_in_dim3A_184 = vector.broadcast %broadcast_in_dim3A_183 : i32 to vector<16xi32>
    tpu.vector_store_idx %arg6[%get3A_167, %broadcast_in_dim3A_184], %convert_element_type3A_170 : memref<32x16xf32, #tpu.memory_space<vmem>>[vector<16xi32>, vector<16xi32>], vector<16xf32>,
    %broadcast_in_dim3A_185 = arith.constant 7 : i32
    %broadcast_in_dim3A_186 = vector.broadcast %broadcast_in_dim3A_185 : i32 to vector<16xi32>
    tpu.vector_store_idx %arg6[%get3A_167, %broadcast_in_dim3A_186], %convert_element_type3A_170 : memref<32x16xf32, #tpu.memory_space<vmem>>[vector<16xi32>, vector<16xi32>], vector<16xf32>,
    %broadcast_in_dim3A_187 = arith.constant 8 : i32
    %broadcast_in_dim3A_188 = vector.broadcast %broadcast_in_dim3A_187 : i32 to vector<16xi32>
    tpu.vector_store_idx %arg6[%get3A_167, %broadcast_in_dim3A_188], %convert_element_type3A_170 : memref<32x16xf32, #tpu.memory_space<vmem>>[vector<16xi32>, vector<16xi32>], vector<16xf32>,
    %broadcast_in_dim3A_189 = arith.constant 9 : i32
    %broadcast_in_dim3A_190 = vector.broadcast %broadcast_in_dim3A_189 : i32 to vector<16xi32>
    tpu.vector_store_idx %arg6[%get3A_167, %broadcast_in_dim3A_190], %convert_element_type3A_170 : memref<32x16xf32, #tpu.memory_space<vmem>>[vector<16xi32>, vector<16xi32>], vector<16xf32>,
    %broadcast_in_dim3A_191 = arith.constant 10 : i32
    %broadcast_in_dim3A_192 = vector.broadcast %broadcast_in_dim3A_191 : i32 to vector<16xi32>
    tpu.vector_store_idx %arg6[%get3A_167, %broadcast_in_dim3A_192], %convert_element_type3A_170 : memref<32x16xf32, #tpu.memory_space<vmem>>[vector<16xi32>, vector<16xi32>], vector<16xf32>,
    %broadcast_in_dim3A_193 = arith.constant 11 : i32
    %broadcast_in_dim3A_194 = vector.broadcast %broadcast_in_dim3A_193 : i32 to vector<16xi32>
    tpu.vector_store_idx %arg6[%get3A_167, %broadcast_in_dim3A_194], %convert_element_type3A_170 : memref<32x16xf32, #tpu.memory_space<vmem>>[vector<16xi32>, vector<16xi32>], vector<16xf32>,
    %broadcast_in_dim3A_195 = arith.constant 12 : i32
    %broadcast_in_dim3A_196 = vector.broadcast %broadcast_in_dim3A_195 : i32 to vector<16xi32>
    tpu.vector_store_idx %arg6[%get3A_167, %broadcast_in_dim3A_196], %convert_element_type3A_170 : memref<32x16xf32, #tpu.memory_space<vmem>>[vector<16xi32>, vector<16xi32>], vector<16xf32>,
    %broadcast_in_dim3A_197 = arith.constant 13 : i32
    %broadcast_in_dim3A_198 = vector.broadcast %broadcast_in_dim3A_197 : i32 to vector<16xi32>
    tpu.vector_store_idx %arg6[%get3A_167, %broadcast_in_dim3A_198], %convert_element_type3A_170 : memref<32x16xf32, #tpu.memory_space<vmem>>[vector<16xi32>, vector<16xi32>], vector<16xf32>,
    %broadcast_in_dim3A_199 = arith.constant 14 : i32
    %broadcast_in_dim3A_200 = vector.broadcast %broadcast_in_dim3A_199 : i32 to vector<16xi32>
    tpu.vector_store_idx %arg6[%get3A_167, %broadcast_in_dim3A_200], %convert_element_type3A_170 : memref<32x16xf32, #tpu.memory_space<vmem>>[vector<16xi32>, vector<16xi32>], vector<16xf32>,
    %broadcast_in_dim3A_201 = arith.constant 15 : i32
    %broadcast_in_dim3A_202 = vector.broadcast %broadcast_in_dim3A_201 : i32 to vector<16xi32>
    tpu.vector_store_idx %arg6[%get3A_167, %broadcast_in_dim3A_202], %convert_element_type3A_170 : memref<32x16xf32, #tpu.memory_space<vmem>>[vector<16xi32>, vector<16xi32>], vector<16xf32>,
    %add3A_203 = arith.constant 0 : i32
    %add3A_204 = arith.addi %mul3A_2, %add3A_203 : i32
    %jit3A = arith.constant 640 : i32
    %div3A = arith.divsi %add3A_204, %jit3A : i32
    %sign3A = arith.constant 0 : i32
    %sign3A_205 = arith.cmpi sgt, %add3A_204, %sign3A : i32
    %sign3A_206 = arith.extui %sign3A_205 : i1 to i32
    %sign3A_207 = arith.constant 0 : i32
    %sign3A_208 = arith.cmpi slt, %add3A_204, %sign3A_207 : i32
    %sign3A_209 = arith.extui %sign3A_208 : i1 to i32
    %sign3A_210 = arith.subi %sign3A_206, %sign3A_209 : i32
    %sign3A_211 = arith.constant 0 : i32
    %sign3A_212 = arith.cmpi sgt, %jit3A, %sign3A_211 : i32
    %sign3A_213 = arith.extui %sign3A_212 : i1 to i32
    %sign3A_214 = arith.constant 0 : i32
    %sign3A_215 = arith.cmpi slt, %jit3A, %sign3A_214 : i32
    %sign3A_216 = arith.extui %sign3A_215 : i1 to i32
    %sign3A_217 = arith.subi %sign3A_213, %sign3A_216 : i32
    %ne3A = arith.cmpi ne, %sign3A_210, %sign3A_217 : i32
    %rem3A = arith.remsi %add3A_204, %jit3A : i32
    %ne3A_218 = arith.constant 0 : i32
    %ne3A_219 = arith.cmpi ne, %rem3A, %ne3A_218 : i32
    %and3A = arith.andi %ne3A, %ne3A_219 : i1
    %sub3A = arith.constant 1 : i32
    %sub3A_220 = arith.subi %div3A, %sub3A : i32
    %select_n3A = arith.select %and3A, %sub3A_220, %div3A : i32
    %jit3A_221 = arith.constant 640 : i32
    %eq3A = arith.constant 0 : i32
    %eq3A_222 = arith.cmpi eq, %jit3A_221, %eq3A : i32
    %jit3A_223 = arith.constant 1 : i32
    %select_n3A_224 = arith.select %eq3A_222, %jit3A_223, %jit3A_221 : i32
    %rem3A_225 = arith.remsi %add3A_204, %select_n3A_224 : i32
    %ne3A_226 = arith.constant 0 : i32
    %ne3A_227 = arith.cmpi ne, %rem3A_225, %ne3A_226 : i32
    %lt3A = arith.constant 0 : i32
    %lt3A_228 = arith.cmpi slt, %rem3A_225, %lt3A : i32
    %lt3A_229 = arith.constant 0 : i32
    %lt3A_230 = arith.cmpi slt, %select_n3A_224, %lt3A_229 : i32
    %ne3A_231 = arith.xori %lt3A_228, %lt3A_230 : i1
    %and3A_232 = arith.andi %ne3A_231, %ne3A_227 : i1
    %add3A_233 = arith.addi %rem3A_225, %select_n3A_224 : i32
    %select_n3A_234 = arith.select %and3A_232, %add3A_233, %rem3A_225 : i32
    %jit3A_235 = arith.constant 4 : i32
    %div3A_236 = arith.divsi %select_n3A_234, %jit3A_235 : i32
    %sign3A_237 = arith.constant 0 : i32
    %sign3A_238 = arith.cmpi sgt, %select_n3A_234, %sign3A_237 : i32
    %sign3A_239 = arith.extui %sign3A_238 : i1 to i32
    %sign3A_240 = arith.constant 0 : i32
    %sign3A_241 = arith.cmpi slt, %select_n3A_234, %sign3A_240 : i32
    %sign3A_242 = arith.extui %sign3A_241 : i1 to i32
    %sign3A_243 = arith.subi %sign3A_239, %sign3A_242 : i32
    %sign3A_244 = arith.constant 0 : i32
    %sign3A_245 = arith.cmpi sgt, %jit3A_235, %sign3A_244 : i32
    %sign3A_246 = arith.extui %sign3A_245 : i1 to i32
    %sign3A_247 = arith.constant 0 : i32
    %sign3A_248 = arith.cmpi slt, %jit3A_235, %sign3A_247 : i32
    %sign3A_249 = arith.extui %sign3A_248 : i1 to i32
    %sign3A_250 = arith.subi %sign3A_246, %sign3A_249 : i32
    %ne3A_251 = arith.cmpi ne, %sign3A_243, %sign3A_250 : i32
    %rem3A_252 = arith.remsi %select_n3A_234, %jit3A_235 : i32
    %ne3A_253 = arith.constant 0 : i32
    %ne3A_254 = arith.cmpi ne, %rem3A_252, %ne3A_253 : i32
    %and3A_255 = arith.andi %ne3A_251, %ne3A_254 : i1
    %sub3A_256 = arith.constant 1 : i32
    %sub3A_257 = arith.subi %div3A_236, %sub3A_256 : i32
    %select_n3A_258 = arith.select %and3A_255, %sub3A_257, %div3A_236 : i32
    %jit3A_259 = arith.constant 4 : i32
    %eq3A_260 = arith.constant 0 : i32
    %eq3A_261 = arith.cmpi eq, %jit3A_259, %eq3A_260 : i32
    %jit3A_262 = arith.constant 1 : i32
    %select_n3A_263 = arith.select %eq3A_261, %jit3A_262, %jit3A_259 : i32
    %rem3A_264 = arith.remsi %select_n3A_234, %select_n3A_263 : i32
    %ne3A_265 = arith.constant 0 : i32
    %ne3A_266 = arith.cmpi ne, %rem3A_264, %ne3A_265 : i32
    %lt3A_267 = arith.constant 0 : i32
    %lt3A_268 = arith.cmpi slt, %rem3A_264, %lt3A_267 : i32
    %lt3A_269 = arith.constant 0 : i32
    %lt3A_270 = arith.cmpi slt, %select_n3A_263, %lt3A_269 : i32
    %ne3A_271 = arith.xori %lt3A_268, %lt3A_270 : i1
    %and3A_272 = arith.andi %ne3A_271, %ne3A_266 : i1
    %add3A_273 = arith.addi %rem3A_264, %select_n3A_263 : i32
    %select_n3A_274 = arith.select %and3A_272, %add3A_273, %rem3A_264 : i32
    %mul3A_275 = arith.constant 48 : i32
    %mul3A_276 = arith.muli %select_n3A_274, %mul3A_275 : i32
    %dma_start3A = arith.constant 0 : i32
    %dma_start3A_277 = arith.constant 0 : i32
    %dma_start3A_278 = tpu.memref_slice %arg2[%select_n3A, %dma_start3A, %select_n3A_258, %mul3A_276, %dma_start3A_277] : memref<2x1x160x192x224xf32, #tpu.memory_space<hbm>> -> memref<1x1x1x48x224xf32, #tpu.memory_space<hbm>>
    %dma_start3A_279 = tpu.memref_squeeze %dma_start3A_278 : memref<1x1x1x48x224xf32, #tpu.memory_space<hbm>> -> memref<48x224xf32, #tpu.memory_space<hbm>>
    %dma_start3A_280 = arith.constant 0 : i32
    %dma_start3A_281 = tpu.memref_slice %arg2[%select_n3A, %dma_start3A, %select_n3A_258, %mul3A_276, %dma_start3A_280] : memref<2x1x160x192x224xf32, #tpu.memory_space<hbm>> -> memref<1x1x1x48x224xf32, #tpu.memory_space<hbm>>
    %dma_start3A_282 = tpu.memref_squeeze %dma_start3A_281 : memref<1x1x1x48x224xf32, #tpu.memory_space<hbm>> -> memref<48x224xf32, #tpu.memory_space<hbm>>
    tpu.enqueue_dma source(%dma_start3A_282 : memref<48x224xf32, #tpu.memory_space<hbm>>) target(%arg9 : memref<48x224xf32, #tpu.memory_space<vmem>>) target_semaphore(%arg17 : memref<!tpu.dma_semaphore, #tpu.memory_space<semaphore_mem>>)
    %add3A_283 = arith.constant 1 : i32
    %add3A_284 = arith.addi %mul3A_2, %add3A_283 : i32
    %jit3A_285 = arith.constant 640 : i32
    %div3A_286 = arith.divsi %add3A_284, %jit3A_285 : i32
    %sign3A_287 = arith.constant 0 : i32
    %sign3A_288 = arith.cmpi sgt, %add3A_284, %sign3A_287 : i32
    %sign3A_289 = arith.extui %sign3A_288 : i1 to i32
    %sign3A_290 = arith.constant 0 : i32
    %sign3A_291 = arith.cmpi slt, %add3A_284, %sign3A_290 : i32
    %sign3A_292 = arith.extui %sign3A_291 : i1 to i32
    %sign3A_293 = arith.subi %sign3A_289, %sign3A_292 : i32
    %sign3A_294 = arith.constant 0 : i32
    %sign3A_295 = arith.cmpi sgt, %jit3A_285, %sign3A_294 : i32
    %sign3A_296 = arith.extui %sign3A_295 : i1 to i32
    %sign3A_297 = arith.constant 0 : i32
    %sign3A_298 = arith.cmpi slt, %jit3A_285, %sign3A_297 : i32
    %sign3A_299 = arith.extui %sign3A_298 : i1 to i32
    %sign3A_300 = arith.subi %sign3A_296, %sign3A_299 : i32
    %ne3A_301 = arith.cmpi ne, %sign3A_293, %sign3A_300 : i32
    %rem3A_302 = arith.remsi %add3A_284, %jit3A_285 : i32
    %ne3A_303 = arith.constant 0 : i32
    %ne3A_304 = arith.cmpi ne, %rem3A_302, %ne3A_303 : i32
    %and3A_305 = arith.andi %ne3A_301, %ne3A_304 : i1
    %sub3A_306 = arith.constant 1 : i32
    %sub3A_307 = arith.subi %div3A_286, %sub3A_306 : i32
    %select_n3A_308 = arith.select %and3A_305, %sub3A_307, %div3A_286 : i32
    %jit3A_309 = arith.constant 640 : i32
    %eq3A_310 = arith.constant 0 : i32
    %eq3A_311 = arith.cmpi eq, %jit3A_309, %eq3A_310 : i32
    %jit3A_312 = arith.constant 1 : i32
    %select_n3A_313 = arith.select %eq3A_311, %jit3A_312, %jit3A_309 : i32
    %rem3A_314 = arith.remsi %add3A_284, %select_n3A_313 : i32
    %ne3A_315 = arith.constant 0 : i32
    %ne3A_316 = arith.cmpi ne, %rem3A_314, %ne3A_315 : i32
    %lt3A_317 = arith.constant 0 : i32
    %lt3A_318 = arith.cmpi slt, %rem3A_314, %lt3A_317 : i32
    %lt3A_319 = arith.constant 0 : i32
    %lt3A_320 = arith.cmpi slt, %select_n3A_313, %lt3A_319 : i32
    %ne3A_321 = arith.xori %lt3A_318, %lt3A_320 : i1
    %and3A_322 = arith.andi %ne3A_321, %ne3A_316 : i1
    %add3A_323 = arith.addi %rem3A_314, %select_n3A_313 : i32
    %select_n3A_324 = arith.select %and3A_322, %add3A_323, %rem3A_314 : i32
    %jit3A_325 = arith.constant 4 : i32
    %div3A_326 = arith.divsi %select_n3A_324, %jit3A_325 : i32
    %sign3A_327 = arith.constant 0 : i32
    %sign3A_328 = arith.cmpi sgt, %select_n3A_324, %sign3A_327 : i32
    %sign3A_329 = arith.extui %sign3A_328 : i1 to i32
    %sign3A_330 = arith.constant 0 : i32
    %sign3A_331 = arith.cmpi slt, %select_n3A_324, %sign3A_330 : i32
    %sign3A_332 = arith.extui %sign3A_331 : i1 to i32
    %sign3A_333 = arith.subi %sign3A_329, %sign3A_332 : i32
    %sign3A_334 = arith.constant 0 : i32
    %sign3A_335 = arith.cmpi sgt, %jit3A_325, %sign3A_334 : i32
    %sign3A_336 = arith.extui %sign3A_335 : i1 to i32
    %sign3A_337 = arith.constant 0 : i32
    %sign3A_338 = arith.cmpi slt, %jit3A_325, %sign3A_337 : i32
    %sign3A_339 = arith.extui %sign3A_338 : i1 to i32
    %sign3A_340 = arith.subi %sign3A_336, %sign3A_339 : i32
    %ne3A_341 = arith.cmpi ne, %sign3A_333, %sign3A_340 : i32
    %rem3A_342 = arith.remsi %select_n3A_324, %jit3A_325 : i32
    %ne3A_343 = arith.constant 0 : i32
    %ne3A_344 = arith.cmpi ne, %rem3A_342, %ne3A_343 : i32
    %and3A_345 = arith.andi %ne3A_341, %ne3A_344 : i1
    %sub3A_346 = arith.constant 1 : i32
    %sub3A_347 = arith.subi %div3A_326, %sub3A_346 : i32
    %select_n3A_348 = arith.select %and3A_345, %sub3A_347, %div3A_326 : i32
    %jit3A_349 = arith.constant 4 : i32
    %eq3A_350 = arith.constant 0 : i32
    %eq3A_351 = arith.cmpi eq, %jit3A_349, %eq3A_350 : i32
    %jit3A_352 = arith.constant 1 : i32
    %select_n3A_353 = arith.select %eq3A_351, %jit3A_352, %jit3A_349 : i32
    %rem3A_354 = arith.remsi %select_n3A_324, %select_n3A_353 : i32
    %ne3A_355 = arith.constant 0 : i32
    %ne3A_356 = arith.cmpi ne, %rem3A_354, %ne3A_355 : i32
    %lt3A_357 = arith.constant 0 : i32
    %lt3A_358 = arith.cmpi slt, %rem3A_354, %lt3A_357 : i32
    %lt3A_359 = arith.constant 0 : i32
    %lt3A_360 = arith.cmpi slt, %select_n3A_353, %lt3A_359 : i32
    %ne3A_361 = arith.xori %lt3A_358, %lt3A_360 : i1
    %and3A_362 = arith.andi %ne3A_361, %ne3A_356 : i1
    %add3A_363 = arith.addi %rem3A_354, %select_n3A_353 : i32
    %select_n3A_364 = arith.select %and3A_362, %add3A_363, %rem3A_354 : i32
    %mul3A_365 = arith.constant 48 : i32
    %mul3A_366 = arith.muli %select_n3A_364, %mul3A_365 : i32
    %dma_start3A_367 = arith.constant 0 : i32
    %dma_start3A_368 = arith.constant 0 : i32
    %dma_start3A_369 = tpu.memref_slice %arg2[%select_n3A_308, %dma_start3A_367, %select_n3A_348, %mul3A_366, %dma_start3A_368] : memref<2x1x160x192x224xf32, #tpu.memory_space<hbm>> -> memref<1x1x1x48x224xf32, #tpu.memory_space<hbm>>
    %dma_start3A_370 = tpu.memref_squeeze %dma_start3A_369 : memref<1x1x1x48x224xf32, #tpu.memory_space<hbm>> -> memref<48x224xf32, #tpu.memory_space<hbm>>
    %dma_start3A_371 = arith.constant 0 : i32
    %dma_start3A_372 = tpu.memref_slice %arg2[%select_n3A_308, %dma_start3A_367, %select_n3A_348, %mul3A_366, %dma_start3A_371] : memref<2x1x160x192x224xf32, #tpu.memory_space<hbm>> -> memref<1x1x1x48x224xf32, #tpu.memory_space<hbm>>
    %dma_start3A_373 = tpu.memref_squeeze %dma_start3A_372 : memref<1x1x1x48x224xf32, #tpu.memory_space<hbm>> -> memref<48x224xf32, #tpu.memory_space<hbm>>
    tpu.enqueue_dma source(%dma_start3A_373 : memref<48x224xf32, #tpu.memory_space<hbm>>) target(%arg10 : memref<48x224xf32, #tpu.memory_space<vmem>>) target_semaphore(%arg18 : memref<!tpu.dma_semaphore, #tpu.memory_space<semaphore_mem>>)
    %add3A_374 = arith.constant 2 : i32
    %add3A_375 = arith.addi %mul3A_2, %add3A_374 : i32
    %jit3A_376 = arith.constant 640 : i32
    %div3A_377 = arith.divsi %add3A_375, %jit3A_376 : i32
    %sign3A_378 = arith.constant 0 : i32
    %sign3A_379 = arith.cmpi sgt, %add3A_375, %sign3A_378 : i32
    %sign3A_380 = arith.extui %sign3A_379 : i1 to i32
    %sign3A_381 = arith.constant 0 : i32
    %sign3A_382 = arith.cmpi slt, %add3A_375, %sign3A_381 : i32
    %sign3A_383 = arith.extui %sign3A_382 : i1 to i32
    %sign3A_384 = arith.subi %sign3A_380, %sign3A_383 : i32
    %sign3A_385 = arith.constant 0 : i32
    %sign3A_386 = arith.cmpi sgt, %jit3A_376, %sign3A_385 : i32
    %sign3A_387 = arith.extui %sign3A_386 : i1 to i32
    %sign3A_388 = arith.constant 0 : i32
    %sign3A_389 = arith.cmpi slt, %jit3A_376, %sign3A_388 : i32
    %sign3A_390 = arith.extui %sign3A_389 : i1 to i32
    %sign3A_391 = arith.subi %sign3A_387, %sign3A_390 : i32
    %ne3A_392 = arith.cmpi ne, %sign3A_384, %sign3A_391 : i32
    %rem3A_393 = arith.remsi %add3A_375, %jit3A_376 : i32
    %ne3A_394 = arith.constant 0 : i32
    %ne3A_395 = arith.cmpi ne, %rem3A_393, %ne3A_394 : i32
    %and3A_396 = arith.andi %ne3A_392, %ne3A_395 : i1
    %sub3A_397 = arith.constant 1 : i32
    %sub3A_398 = arith.subi %div3A_377, %sub3A_397 : i32
    %select_n3A_399 = arith.select %and3A_396, %sub3A_398, %div3A_377 : i32
    %jit3A_400 = arith.constant 640 : i32
    %eq3A_401 = arith.constant 0 : i32
    %eq3A_402 = arith.cmpi eq, %jit3A_400, %eq3A_401 : i32
    %jit3A_403 = arith.constant 1 : i32
    %select_n3A_404 = arith.select %eq3A_402, %jit3A_403, %jit3A_400 : i32
    %rem3A_405 = arith.remsi %add3A_375, %select_n3A_404 : i32
    %ne3A_406 = arith.constant 0 : i32
    %ne3A_407 = arith.cmpi ne, %rem3A_405, %ne3A_406 : i32
    %lt3A_408 = arith.constant 0 : i32
    %lt3A_409 = arith.cmpi slt, %rem3A_405, %lt3A_408 : i32
    %lt3A_410 = arith.constant 0 : i32
    %lt3A_411 = arith.cmpi slt, %select_n3A_404, %lt3A_410 : i32
    %ne3A_412 = arith.xori %lt3A_409, %lt3A_411 : i1
    %and3A_413 = arith.andi %ne3A_412, %ne3A_407 : i1
    %add3A_414 = arith.addi %rem3A_405, %select_n3A_404 : i32
    %select_n3A_415 = arith.select %and3A_413, %add3A_414, %rem3A_405 : i32
    %jit3A_416 = arith.constant 4 : i32
    %div3A_417 = arith.divsi %select_n3A_415, %jit3A_416 : i32
    %sign3A_418 = arith.constant 0 : i32
    %sign3A_419 = arith.cmpi sgt, %select_n3A_415, %sign3A_418 : i32
    %sign3A_420 = arith.extui %sign3A_419 : i1 to i32
    %sign3A_421 = arith.constant 0 : i32
    %sign3A_422 = arith.cmpi slt, %select_n3A_415, %sign3A_421 : i32
    %sign3A_423 = arith.extui %sign3A_422 : i1 to i32
    %sign3A_424 = arith.subi %sign3A_420, %sign3A_423 : i32
    %sign3A_425 = arith.constant 0 : i32
    %sign3A_426 = arith.cmpi sgt, %jit3A_416, %sign3A_425 : i32
    %sign3A_427 = arith.extui %sign3A_426 : i1 to i32
    %sign3A_428 = arith.constant 0 : i32
    %sign3A_429 = arith.cmpi slt, %jit3A_416, %sign3A_428 : i32
    %sign3A_430 = arith.extui %sign3A_429 : i1 to i32
    %sign3A_431 = arith.subi %sign3A_427, %sign3A_430 : i32
    %ne3A_432 = arith.cmpi ne, %sign3A_424, %sign3A_431 : i32
    %rem3A_433 = arith.remsi %select_n3A_415, %jit3A_416 : i32
    %ne3A_434 = arith.constant 0 : i32
    %ne3A_435 = arith.cmpi ne, %rem3A_433, %ne3A_434 : i32
    %and3A_436 = arith.andi %ne3A_432, %ne3A_435 : i1
    %sub3A_437 = arith.constant 1 : i32
    %sub3A_438 = arith.subi %div3A_417, %sub3A_437 : i32
    %select_n3A_439 = arith.select %and3A_436, %sub3A_438, %div3A_417 : i32
    %jit3A_440 = arith.constant 4 : i32
    %eq3A_441 = arith.constant 0 : i32
    %eq3A_442 = arith.cmpi eq, %jit3A_440, %eq3A_441 : i32
    %jit3A_443 = arith.constant 1 : i32
    %select_n3A_444 = arith.select %eq3A_442, %jit3A_443, %jit3A_440 : i32
    %rem3A_445 = arith.remsi %select_n3A_415, %select_n3A_444 : i32
    %ne3A_446 = arith.constant 0 : i32
    %ne3A_447 = arith.cmpi ne, %rem3A_445, %ne3A_446 : i32
    %lt3A_448 = arith.constant 0 : i32
    %lt3A_449 = arith.cmpi slt, %rem3A_445, %lt3A_448 : i32
    %lt3A_450 = arith.constant 0 : i32
    %lt3A_451 = arith.cmpi slt, %select_n3A_444, %lt3A_450 : i32
    %ne3A_452 = arith.xori %lt3A_449, %lt3A_451 : i1
    %and3A_453 = arith.andi %ne3A_452, %ne3A_447 : i1
    %add3A_454 = arith.addi %rem3A_445, %select_n3A_444 : i32
    %select_n3A_455 = arith.select %and3A_453, %add3A_454, %rem3A_445 : i32
    %mul3A_456 = arith.constant 48 : i32
    %mul3A_457 = arith.muli %select_n3A_455, %mul3A_456 : i32
    %dma_start3A_458 = arith.constant 0 : i32
    %dma_start3A_459 = arith.constant 0 : i32
    %dma_start3A_460 = tpu.memref_slice %arg2[%select_n3A_399, %dma_start3A_458, %select_n3A_439, %mul3A_457, %dma_start3A_459] : memref<2x1x160x192x224xf32, #tpu.memory_space<hbm>> -> memref<1x1x1x48x224xf32, #tpu.memory_space<hbm>>
    %dma_start3A_461 = tpu.memref_squeeze %dma_start3A_460 : memref<1x1x1x48x224xf32, #tpu.memory_space<hbm>> -> memref<48x224xf32, #tpu.memory_space<hbm>>
    %dma_start3A_462 = arith.constant 0 : i32
    %dma_start3A_463 = tpu.memref_slice %arg2[%select_n3A_399, %dma_start3A_458, %select_n3A_439, %mul3A_457, %dma_start3A_462] : memref<2x1x160x192x224xf32, #tpu.memory_space<hbm>> -> memref<1x1x1x48x224xf32, #tpu.memory_space<hbm>>
    %dma_start3A_464 = tpu.memref_squeeze %dma_start3A_463 : memref<1x1x1x48x224xf32, #tpu.memory_space<hbm>> -> memref<48x224xf32, #tpu.memory_space<hbm>>
    tpu.enqueue_dma source(%dma_start3A_464 : memref<48x224xf32, #tpu.memory_space<hbm>>) target(%arg11 : memref<48x224xf32, #tpu.memory_space<vmem>>) target_semaphore(%arg19 : memref<!tpu.dma_semaphore, #tpu.memory_space<semaphore_mem>>)
    %add3A_465 = arith.constant 3 : i32
    %add3A_466 = arith.addi %mul3A_2, %add3A_465 : i32
    %jit3A_467 = arith.constant 640 : i32
    %div3A_468 = arith.divsi %add3A_466, %jit3A_467 : i32
    %sign3A_469 = arith.constant 0 : i32
    %sign3A_470 = arith.cmpi sgt, %add3A_466, %sign3A_469 : i32
    %sign3A_471 = arith.extui %sign3A_470 : i1 to i32
    %sign3A_472 = arith.constant 0 : i32
    %sign3A_473 = arith.cmpi slt, %add3A_466, %sign3A_472 : i32
    %sign3A_474 = arith.extui %sign3A_473 : i1 to i32
    %sign3A_475 = arith.subi %sign3A_471, %sign3A_474 : i32
    %sign3A_476 = arith.constant 0 : i32
    %sign3A_477 = arith.cmpi sgt, %jit3A_467, %sign3A_476 : i32
    %sign3A_478 = arith.extui %sign3A_477 : i1 to i32
    %sign3A_479 = arith.constant 0 : i32
    %sign3A_480 = arith.cmpi slt, %jit3A_467, %sign3A_479 : i32
    %sign3A_481 = arith.extui %sign3A_480 : i1 to i32
    %sign3A_482 = arith.subi %sign3A_478, %sign3A_481 : i32
    %ne3A_483 = arith.cmpi ne, %sign3A_475, %sign3A_482 : i32
    %rem3A_484 = arith.remsi %add3A_466, %jit3A_467 : i32
    %ne3A_485 = arith.constant 0 : i32
    %ne3A_486 = arith.cmpi ne, %rem3A_484, %ne3A_485 : i32
    %and3A_487 = arith.andi %ne3A_483, %ne3A_486 : i1
    %sub3A_488 = arith.constant 1 : i32
    %sub3A_489 = arith.subi %div3A_468, %sub3A_488 : i32
    %select_n3A_490 = arith.select %and3A_487, %sub3A_489, %div3A_468 : i32
    %jit3A_491 = arith.constant 640 : i32
    %eq3A_492 = arith.constant 0 : i32
    %eq3A_493 = arith.cmpi eq, %jit3A_491, %eq3A_492 : i32
    %jit3A_494 = arith.constant 1 : i32
    %select_n3A_495 = arith.select %eq3A_493, %jit3A_494, %jit3A_491 : i32
    %rem3A_496 = arith.remsi %add3A_466, %select_n3A_495 : i32
    %ne3A_497 = arith.constant 0 : i32
    %ne3A_498 = arith.cmpi ne, %rem3A_496, %ne3A_497 : i32
    %lt3A_499 = arith.constant 0 : i32
    %lt3A_500 = arith.cmpi slt, %rem3A_496, %lt3A_499 : i32
    %lt3A_501 = arith.constant 0 : i32
    %lt3A_502 = arith.cmpi slt, %select_n3A_495, %lt3A_501 : i32
    %ne3A_503 = arith.xori %lt3A_500, %lt3A_502 : i1
    %and3A_504 = arith.andi %ne3A_503, %ne3A_498 : i1
    %add3A_505 = arith.addi %rem3A_496, %select_n3A_495 : i32
    %select_n3A_506 = arith.select %and3A_504, %add3A_505, %rem3A_496 : i32
    %jit3A_507 = arith.constant 4 : i32
    %div3A_508 = arith.divsi %select_n3A_506, %jit3A_507 : i32
    %sign3A_509 = arith.constant 0 : i32
    %sign3A_510 = arith.cmpi sgt, %select_n3A_506, %sign3A_509 : i32
    %sign3A_511 = arith.extui %sign3A_510 : i1 to i32
    %sign3A_512 = arith.constant 0 : i32
    %sign3A_513 = arith.cmpi slt, %select_n3A_506, %sign3A_512 : i32
    %sign3A_514 = arith.extui %sign3A_513 : i1 to i32
    %sign3A_515 = arith.subi %sign3A_511, %sign3A_514 : i32
    %sign3A_516 = arith.constant 0 : i32
    %sign3A_517 = arith.cmpi sgt, %jit3A_507, %sign3A_516 : i32
    %sign3A_518 = arith.extui %sign3A_517 : i1 to i32
    %sign3A_519 = arith.constant 0 : i32
    %sign3A_520 = arith.cmpi slt, %jit3A_507, %sign3A_519 : i32
    %sign3A_521 = arith.extui %sign3A_520 : i1 to i32
    %sign3A_522 = arith.subi %sign3A_518, %sign3A_521 : i32
    %ne3A_523 = arith.cmpi ne, %sign3A_515, %sign3A_522 : i32
    %rem3A_524 = arith.remsi %select_n3A_506, %jit3A_507 : i32
    %ne3A_525 = arith.constant 0 : i32
    %ne3A_526 = arith.cmpi ne, %rem3A_524, %ne3A_525 : i32
    %and3A_527 = arith.andi %ne3A_523, %ne3A_526 : i1
    %sub3A_528 = arith.constant 1 : i32
    %sub3A_529 = arith.subi %div3A_508, %sub3A_528 : i32
    %select_n3A_530 = arith.select %and3A_527, %sub3A_529, %div3A_508 : i32
    %jit3A_531 = arith.constant 4 : i32
    %eq3A_532 = arith.constant 0 : i32
    %eq3A_533 = arith.cmpi eq, %jit3A_531, %eq3A_532 : i32
    %jit3A_534 = arith.constant 1 : i32
    %select_n3A_535 = arith.select %eq3A_533, %jit3A_534, %jit3A_531 : i32
    %rem3A_536 = arith.remsi %select_n3A_506, %select_n3A_535 : i32
    %ne3A_537 = arith.constant 0 : i32
    %ne3A_538 = arith.cmpi ne, %rem3A_536, %ne3A_537 : i32
    %lt3A_539 = arith.constant 0 : i32
    %lt3A_540 = arith.cmpi slt, %rem3A_536, %lt3A_539 : i32
    %lt3A_541 = arith.constant 0 : i32
    %lt3A_542 = arith.cmpi slt, %select_n3A_535, %lt3A_541 : i32
    %ne3A_543 = arith.xori %lt3A_540, %lt3A_542 : i1
    %and3A_544 = arith.andi %ne3A_543, %ne3A_538 : i1
    %add3A_545 = arith.addi %rem3A_536, %select_n3A_535 : i32
    %select_n3A_546 = arith.select %and3A_544, %add3A_545, %rem3A_536 : i32
    %mul3A_547 = arith.constant 48 : i32
    %mul3A_548 = arith.muli %select_n3A_546, %mul3A_547 : i32
    %dma_start3A_549 = arith.constant 0 : i32
    %dma_start3A_550 = arith.constant 0 : i32
    %dma_start3A_551 = tpu.memref_slice %arg2[%select_n3A_490, %dma_start3A_549, %select_n3A_530, %mul3A_548, %dma_start3A_550] : memref<2x1x160x192x224xf32, #tpu.memory_space<hbm>> -> memref<1x1x1x48x224xf32, #tpu.memory_space<hbm>>
    %dma_start3A_552 = tpu.memref_squeeze %dma_start3A_551 : memref<1x1x1x48x224xf32, #tpu.memory_space<hbm>> -> memref<48x224xf32, #tpu.memory_space<hbm>>
    %dma_start3A_553 = arith.constant 0 : i32
    %dma_start3A_554 = tpu.memref_slice %arg2[%select_n3A_490, %dma_start3A_549, %select_n3A_530, %mul3A_548, %dma_start3A_553] : memref<2x1x160x192x224xf32, #tpu.memory_space<hbm>> -> memref<1x1x1x48x224xf32, #tpu.memory_space<hbm>>
    %dma_start3A_555 = tpu.memref_squeeze %dma_start3A_554 : memref<1x1x1x48x224xf32, #tpu.memory_space<hbm>> -> memref<48x224xf32, #tpu.memory_space<hbm>>
    tpu.enqueue_dma source(%dma_start3A_555 : memref<48x224xf32, #tpu.memory_space<hbm>>) target(%arg12 : memref<48x224xf32, #tpu.memory_space<vmem>>) target_semaphore(%arg20 : memref<!tpu.dma_semaphore, #tpu.memory_space<semaphore_mem>>)
    %scan3A = arith.constant 0 : i32
    %scan3A_556 = arith.constant 10 : i32
    %scan3A_557 = arith.addi %scan3A, %scan3A_556 : i32
    %scan3A_558 = arith.constant 1 : i32
    scf.for %scan3A_939 = %scan3A to %scan3A_557 step %scan3A_558  : i32 {
      %mul3A_940 = arith.constant 4 : i32
      %mul3A_941 = arith.muli %scan3A_939, %mul3A_940 : i32
      %add3A_942 = arith.constant 0 : i32
      %add3A_943 = arith.addi %add3A_942, %mul3A_941 : i32
      %add3A_944 = arith.constant 0 : i32
      %add3A_945 = arith.addi %add3A_943, %add3A_944 : i32
      %add3A_946 = arith.addi %mul3A_2, %add3A_945 : i32
      %jit3A_947 = arith.constant 640 : i32
      %div3A_948 = arith.divsi %add3A_946, %jit3A_947 : i32
      %sign3A_949 = arith.constant 0 : i32
      %sign3A_950 = arith.cmpi sgt, %add3A_946, %sign3A_949 : i32
      %sign3A_951 = arith.extui %sign3A_950 : i1 to i32
      %sign3A_952 = arith.constant 0 : i32
      %sign3A_953 = arith.cmpi slt, %add3A_946, %sign3A_952 : i32
      %sign3A_954 = arith.extui %sign3A_953 : i1 to i32
      %sign3A_955 = arith.subi %sign3A_951, %sign3A_954 : i32
      %sign3A_956 = arith.constant 0 : i32
      %sign3A_957 = arith.cmpi sgt, %jit3A_947, %sign3A_956 : i32
      %sign3A_958 = arith.extui %sign3A_957 : i1 to i32
      %sign3A_959 = arith.constant 0 : i32
      %sign3A_960 = arith.cmpi slt, %jit3A_947, %sign3A_959 : i32
      %sign3A_961 = arith.extui %sign3A_960 : i1 to i32
      %sign3A_962 = arith.subi %sign3A_958, %sign3A_961 : i32
      %ne3A_963 = arith.cmpi ne, %sign3A_955, %sign3A_962 : i32
      %rem3A_964 = arith.remsi %add3A_946, %jit3A_947 : i32
      %ne3A_965 = arith.constant 0 : i32
      %ne3A_966 = arith.cmpi ne, %rem3A_964, %ne3A_965 : i32
      %and3A_967 = arith.andi %ne3A_963, %ne3A_966 : i1
      %sub3A_968 = arith.constant 1 : i32
      %sub3A_969 = arith.subi %div3A_948, %sub3A_968 : i32
      %select_n3A_970 = arith.select %and3A_967, %sub3A_969, %div3A_948 : i32
      %jit3A_971 = arith.constant 640 : i32
      %eq3A_972 = arith.constant 0 : i32
      %eq3A_973 = arith.cmpi eq, %jit3A_971, %eq3A_972 : i32
      %jit3A_974 = arith.constant 1 : i32
      %select_n3A_975 = arith.select %eq3A_973, %jit3A_974, %jit3A_971 : i32
      %rem3A_976 = arith.remsi %add3A_946, %select_n3A_975 : i32
      %ne3A_977 = arith.constant 0 : i32
      %ne3A_978 = arith.cmpi ne, %rem3A_976, %ne3A_977 : i32
      %lt3A_979 = arith.constant 0 : i32
      %lt3A_980 = arith.cmpi slt, %rem3A_976, %lt3A_979 : i32
      %lt3A_981 = arith.constant 0 : i32
      %lt3A_982 = arith.cmpi slt, %select_n3A_975, %lt3A_981 : i32
      %ne3A_983 = arith.xori %lt3A_980, %lt3A_982 : i1
      %and3A_984 = arith.andi %ne3A_983, %ne3A_978 : i1
      %add3A_985 = arith.addi %rem3A_976, %select_n3A_975 : i32
      %select_n3A_986 = arith.select %and3A_984, %add3A_985, %rem3A_976 : i32
      %jit3A_987 = arith.constant 4 : i32
      %div3A_988 = arith.divsi %select_n3A_986, %jit3A_987 : i32
      %sign3A_989 = arith.constant 0 : i32
      %sign3A_990 = arith.cmpi sgt, %select_n3A_986, %sign3A_989 : i32
      %sign3A_991 = arith.extui %sign3A_990 : i1 to i32
      %sign3A_992 = arith.constant 0 : i32
      %sign3A_993 = arith.cmpi slt, %select_n3A_986, %sign3A_992 : i32
      %sign3A_994 = arith.extui %sign3A_993 : i1 to i32
      %sign3A_995 = arith.subi %sign3A_991, %sign3A_994 : i32
      %sign3A_996 = arith.constant 0 : i32
      %sign3A_997 = arith.cmpi sgt, %jit3A_987, %sign3A_996 : i32
      %sign3A_998 = arith.extui %sign3A_997 : i1 to i32
      %sign3A_999 = arith.constant 0 : i32
      %sign3A_1000 = arith.cmpi slt, %jit3A_987, %sign3A_999 : i32
      %sign3A_1001 = arith.extui %sign3A_1000 : i1 to i32
      %sign3A_1002 = arith.subi %sign3A_998, %sign3A_1001 : i32
      %ne3A_1003 = arith.cmpi ne, %sign3A_995, %sign3A_1002 : i32
      %rem3A_1004 = arith.remsi %select_n3A_986, %jit3A_987 : i32
      %ne3A_1005 = arith.constant 0 : i32
      %ne3A_1006 = arith.cmpi ne, %rem3A_1004, %ne3A_1005 : i32
      %and3A_1007 = arith.andi %ne3A_1003, %ne3A_1006 : i1
      %sub3A_1008 = arith.constant 1 : i32
      %sub3A_1009 = arith.subi %div3A_988, %sub3A_1008 : i32
      %select_n3A_1010 = arith.select %and3A_1007, %sub3A_1009, %div3A_988 : i32
      %jit3A_1011 = arith.constant 4 : i32
      %eq3A_1012 = arith.constant 0 : i32
      %eq3A_1013 = arith.cmpi eq, %jit3A_1011, %eq3A_1012 : i32
      %jit3A_1014 = arith.constant 1 : i32
      %select_n3A_1015 = arith.select %eq3A_1013, %jit3A_1014, %jit3A_1011 : i32
      %rem3A_1016 = arith.remsi %select_n3A_986, %select_n3A_1015 : i32
      %ne3A_1017 = arith.constant 0 : i32
      %ne3A_1018 = arith.cmpi ne, %rem3A_1016, %ne3A_1017 : i32
      %lt3A_1019 = arith.constant 0 : i32
      %lt3A_1020 = arith.cmpi slt, %rem3A_1016, %lt3A_1019 : i32
      %lt3A_1021 = arith.constant 0 : i32
      %lt3A_1022 = arith.cmpi slt, %select_n3A_1015, %lt3A_1021 : i32
      %ne3A_1023 = arith.xori %lt3A_1020, %lt3A_1022 : i1
      %and3A_1024 = arith.andi %ne3A_1023, %ne3A_1018 : i1
      %add3A_1025 = arith.addi %rem3A_1016, %select_n3A_1015 : i32
      %select_n3A_1026 = arith.select %and3A_1024, %add3A_1025, %rem3A_1016 : i32
      %mul3A_1027 = arith.constant 48 : i32
      %mul3A_1028 = arith.muli %select_n3A_1026, %mul3A_1027 : i32
      %dma_wait3A_1029 = arith.constant 0 : i32
      %dma_wait3A_1030 = arith.constant 0 : i32
      %dma_wait3A_1031 = tpu.memref_slice %arg2[%select_n3A_970, %dma_wait3A_1029, %select_n3A_1010, %mul3A_1028, %dma_wait3A_1030] : memref<2x1x160x192x224xf32, #tpu.memory_space<hbm>> -> memref<1x1x1x48x224xf32, #tpu.memory_space<hbm>>
      %dma_wait3A_1032 = tpu.memref_squeeze %dma_wait3A_1031 : memref<1x1x1x48x224xf32, #tpu.memory_space<hbm>> -> memref<48x224xf32, #tpu.memory_space<hbm>>
      %dma_wait3A_1033 = arith.constant 0 : i32
      %dma_wait3A_1034 = tpu.memref_slice %arg2[%select_n3A_970, %dma_wait3A_1029, %select_n3A_1010, %mul3A_1028, %dma_wait3A_1033] : memref<2x1x160x192x224xf32, #tpu.memory_space<hbm>> -> memref<1x1x1x48x224xf32, #tpu.memory_space<hbm>>
      %dma_wait3A_1035 = tpu.memref_squeeze %dma_wait3A_1034 : memref<1x1x1x48x224xf32, #tpu.memory_space<hbm>> -> memref<48x224xf32, #tpu.memory_space<hbm>>
      tpu.wait_dma2 semaphore(%arg17 : memref<!tpu.dma_semaphore, #tpu.memory_space<semaphore_mem>>) src(%dma_wait3A_1035 : memref<48x224xf32, #tpu.memory_space<hbm>>) dst(%arg9 : memref<48x224xf32, #tpu.memory_space<vmem>>)
      %ge3A = arith.constant 4 : i32
      %ge3A_1036 = arith.cmpi sge, %add3A_945, %ge3A : i32
      %convert_element_type3A_1037 = arith.extui %ge3A_1036 : i1 to i32
      %cond3A = arith.constant 0 : i32
      %cond3A_1038 = arith.cmpi ne, %convert_element_type3A_1037, %cond3A : i32
      scf.if %cond3A_1038 {
        %jit3A_1725 = arith.constant 640 : i32
        %div3A_1726 = arith.divsi %add3A_946, %jit3A_1725 : i32
        %sign3A_1727 = arith.constant 0 : i32
        %sign3A_1728 = arith.cmpi sgt, %add3A_946, %sign3A_1727 : i32
        %sign3A_1729 = arith.extui %sign3A_1728 : i1 to i32
        %sign3A_1730 = arith.constant 0 : i32
        %sign3A_1731 = arith.cmpi slt, %add3A_946, %sign3A_1730 : i32
        %sign3A_1732 = arith.extui %sign3A_1731 : i1 to i32
        %sign3A_1733 = arith.subi %sign3A_1729, %sign3A_1732 : i32
        %sign3A_1734 = arith.constant 0 : i32
        %sign3A_1735 = arith.cmpi sgt, %jit3A_1725, %sign3A_1734 : i32
        %sign3A_1736 = arith.extui %sign3A_1735 : i1 to i32
        %sign3A_1737 = arith.constant 0 : i32
        %sign3A_1738 = arith.cmpi slt, %jit3A_1725, %sign3A_1737 : i32
        %sign3A_1739 = arith.extui %sign3A_1738 : i1 to i32
        %sign3A_1740 = arith.subi %sign3A_1736, %sign3A_1739 : i32
        %ne3A_1741 = arith.cmpi ne, %sign3A_1733, %sign3A_1740 : i32
        %rem3A_1742 = arith.remsi %add3A_946, %jit3A_1725 : i32
        %ne3A_1743 = arith.constant 0 : i32
        %ne3A_1744 = arith.cmpi ne, %rem3A_1742, %ne3A_1743 : i32
        %and3A_1745 = arith.andi %ne3A_1741, %ne3A_1744 : i1
        %sub3A_1746 = arith.constant 1 : i32
        %sub3A_1747 = arith.subi %div3A_1726, %sub3A_1746 : i32
        %select_n3A_1748 = arith.select %and3A_1745, %sub3A_1747, %div3A_1726 : i32
        %jit3A_1749 = arith.constant 640 : i32
        %eq3A_1750 = arith.constant 0 : i32
        %eq3A_1751 = arith.cmpi eq, %jit3A_1749, %eq3A_1750 : i32
        %jit3A_1752 = arith.constant 1 : i32
        %select_n3A_1753 = arith.select %eq3A_1751, %jit3A_1752, %jit3A_1749 : i32
        %rem3A_1754 = arith.remsi %add3A_946, %select_n3A_1753 : i32
        %ne3A_1755 = arith.constant 0 : i32
        %ne3A_1756 = arith.cmpi ne, %rem3A_1754, %ne3A_1755 : i32
        %lt3A_1757 = arith.constant 0 : i32
        %lt3A_1758 = arith.cmpi slt, %rem3A_1754, %lt3A_1757 : i32
        %lt3A_1759 = arith.constant 0 : i32
        %lt3A_1760 = arith.cmpi slt, %select_n3A_1753, %lt3A_1759 : i32
        %ne3A_1761 = arith.xori %lt3A_1758, %lt3A_1760 : i1
        %and3A_1762 = arith.andi %ne3A_1761, %ne3A_1756 : i1
        %add3A_1763 = arith.addi %rem3A_1754, %select_n3A_1753 : i32
        %select_n3A_1764 = arith.select %and3A_1762, %add3A_1763, %rem3A_1754 : i32
        %jit3A_1765 = arith.constant 4 : i32
        %div3A_1766 = arith.divsi %select_n3A_1764, %jit3A_1765 : i32
        %sign3A_1767 = arith.constant 0 : i32
        %sign3A_1768 = arith.cmpi sgt, %select_n3A_1764, %sign3A_1767 : i32
        %sign3A_1769 = arith.extui %sign3A_1768 : i1 to i32
        %sign3A_1770 = arith.constant 0 : i32
        %sign3A_1771 = arith.cmpi slt, %select_n3A_1764, %sign3A_1770 : i32
        %sign3A_1772 = arith.extui %sign3A_1771 : i1 to i32
        %sign3A_1773 = arith.subi %sign3A_1769, %sign3A_1772 : i32
        %sign3A_1774 = arith.constant 0 : i32
        %sign3A_1775 = arith.cmpi sgt, %jit3A_1765, %sign3A_1774 : i32
        %sign3A_1776 = arith.extui %sign3A_1775 : i1 to i32
        %sign3A_1777 = arith.constant 0 : i32
        %sign3A_1778 = arith.cmpi slt, %jit3A_1765, %sign3A_1777 : i32
        %sign3A_1779 = arith.extui %sign3A_1778 : i1 to i32
        %sign3A_1780 = arith.subi %sign3A_1776, %sign3A_1779 : i32
        %ne3A_1781 = arith.cmpi ne, %sign3A_1773, %sign3A_1780 : i32
        %rem3A_1782 = arith.remsi %select_n3A_1764, %jit3A_1765 : i32
        %ne3A_1783 = arith.constant 0 : i32
        %ne3A_1784 = arith.cmpi ne, %rem3A_1782, %ne3A_1783 : i32
        %and3A_1785 = arith.andi %ne3A_1781, %ne3A_1784 : i1
        %sub3A_1786 = arith.constant 1 : i32
        %sub3A_1787 = arith.subi %div3A_1766, %sub3A_1786 : i32
        %select_n3A_1788 = arith.select %and3A_1785, %sub3A_1787, %div3A_1766 : i32
        %jit3A_1789 = arith.constant 4 : i32
        %eq3A_1790 = arith.constant 0 : i32
        %eq3A_1791 = arith.cmpi eq, %jit3A_1789, %eq3A_1790 : i32
        %jit3A_1792 = arith.constant 1 : i32
        %select_n3A_1793 = arith.select %eq3A_1791, %jit3A_1792, %jit3A_1789 : i32
        %rem3A_1794 = arith.remsi %select_n3A_1764, %select_n3A_1793 : i32
        %ne3A_1795 = arith.constant 0 : i32
        %ne3A_1796 = arith.cmpi ne, %rem3A_1794, %ne3A_1795 : i32
        %lt3A_1797 = arith.constant 0 : i32
        %lt3A_1798 = arith.cmpi slt, %rem3A_1794, %lt3A_1797 : i32
        %lt3A_1799 = arith.constant 0 : i32
        %lt3A_1800 = arith.cmpi slt, %select_n3A_1793, %lt3A_1799 : i32
        %ne3A_1801 = arith.xori %lt3A_1798, %lt3A_1800 : i1
        %and3A_1802 = arith.andi %ne3A_1801, %ne3A_1796 : i1
        %add3A_1803 = arith.addi %rem3A_1794, %select_n3A_1793 : i32
        %select_n3A_1804 = arith.select %and3A_1802, %add3A_1803, %rem3A_1794 : i32
        %mul3A_1805 = arith.constant 48 : i32
        %mul3A_1806 = arith.muli %select_n3A_1804, %mul3A_1805 : i32
        %dma_wait3A_1807 = arith.constant 0 : i32
        %dma_wait3A_1808 = arith.constant 0 : i32
        %dma_wait3A_1809 = tpu.memref_slice %arg5[%select_n3A_1748, %dma_wait3A_1807, %select_n3A_1788, %mul3A_1806, %dma_wait3A_1808] : memref<2x1x160x192x224xf32, #tpu.memory_space<hbm>> -> memref<1x1x1x48x224xf32, #tpu.memory_space<hbm>>
        %dma_wait3A_1810 = tpu.memref_squeeze %dma_wait3A_1809 : memref<1x1x1x48x224xf32, #tpu.memory_space<hbm>> -> memref<48x224xf32, #tpu.memory_space<hbm>>
        %dma_wait3A_1811 = arith.constant 0 : i32
        %dma_wait3A_1812 = tpu.memref_slice %arg5[%select_n3A_1748, %dma_wait3A_1807, %select_n3A_1788, %mul3A_1806, %dma_wait3A_1811] : memref<2x1x160x192x224xf32, #tpu.memory_space<hbm>> -> memref<1x1x1x48x224xf32, #tpu.memory_space<hbm>>
        %dma_wait3A_1813 = tpu.memref_squeeze %dma_wait3A_1812 : memref<1x1x1x48x224xf32, #tpu.memory_space<hbm>> -> memref<48x224xf32, #tpu.memory_space<hbm>>
        tpu.wait_dma2 semaphore(%arg21 : memref<!tpu.dma_semaphore, #tpu.memory_space<semaphore_mem>>) src(%arg13 : memref<48x224xf32, #tpu.memory_space<vmem>>) dst(%dma_wait3A_1813 : memref<48x224xf32, #tpu.memory_space<hbm>>)
      } else {
      }
      %parallel_loop3A = arith.constant 0 : i32
      %parallel_loop3A_1039 = arith.constant 48 : i32
      %parallel_loop3A_1040 = arith.constant 1 : i32
      scf.for %parallel_loop3A_1725 = %parallel_loop3A to %parallel_loop3A_1039 step %parallel_loop3A_1040  : i32 {
        %parallel_loop3A_1726 = arith.index_cast %parallel_loop3A_1725 : i32 to index
        %parallel_loop3A_1727 = arith.constant 0 : index
        %parallel_loop3A_1728 = tpu.vector_load %arg9[%parallel_loop3A_1726, %parallel_loop3A_1727] {strides = array<i32>} : memref<48x224xf32, #tpu.memory_space<vmem>>, vector<16xf32>,
        %parallel_loop3A_1729 = arith.fptosi %parallel_loop3A_1728 : vector<16xf32> to vector<16xi32>
        %parallel_loop3A_1730 = tpu.vector_load_idx %arg6[%parallel_loop3A_1729, %iota3A] : memref<32x16xf32, #tpu.memory_space<vmem>>[vector<16xi32>, vector<16xi32>], vector<16xf32>,
        %parallel_loop3A_1731 = arith.index_cast %parallel_loop3A_1725 : i32 to index
        %parallel_loop3A_1732 = arith.constant 0 : index
        %parallel_loop3A_1733 = tpu.vector_load %arg13[%parallel_loop3A_1731, %parallel_loop3A_1732] {strides = array<i32>} : memref<48x224xf32, #tpu.memory_space<vmem>>, vector<16xf32>,
        tpu.vector_store %arg13[%parallel_loop3A_1731, %parallel_loop3A_1732], %parallel_loop3A_1730 {strides = array<i32>} : memref<48x224xf32, #tpu.memory_space<vmem>>, vector<16xf32>,
        %parallel_loop3A_1734 = arith.index_cast %parallel_loop3A_1725 : i32 to index
        %parallel_loop3A_1735 = arith.constant 16 : index
        %parallel_loop3A_1736 = tpu.vector_load %arg9[%parallel_loop3A_1734, %parallel_loop3A_1735] {strides = array<i32>} : memref<48x224xf32, #tpu.memory_space<vmem>>, vector<16xf32>,
        %parallel_loop3A_1737 = arith.fptosi %parallel_loop3A_1736 : vector<16xf32> to vector<16xi32>
        %parallel_loop3A_1738 = tpu.vector_load_idx %arg6[%parallel_loop3A_1737, %iota3A] : memref<32x16xf32, #tpu.memory_space<vmem>>[vector<16xi32>, vector<16xi32>], vector<16xf32>,
        %parallel_loop3A_1739 = arith.index_cast %parallel_loop3A_1725 : i32 to index
        %parallel_loop3A_1740 = arith.constant 16 : index
        %parallel_loop3A_1741 = tpu.vector_load %arg13[%parallel_loop3A_1739, %parallel_loop3A_1740] {strides = array<i32>} : memref<48x224xf32, #tpu.memory_space<vmem>>, vector<16xf32>,
        tpu.vector_store %arg13[%parallel_loop3A_1739, %parallel_loop3A_1740], %parallel_loop3A_1738 {strides = array<i32>} : memref<48x224xf32, #tpu.memory_space<vmem>>, vector<16xf32>,
        %parallel_loop3A_1742 = arith.index_cast %parallel_loop3A_1725 : i32 to index
        %parallel_loop3A_1743 = arith.constant 32 : index
        %parallel_loop3A_1744 = tpu.vector_load %arg9[%parallel_loop3A_1742, %parallel_loop3A_1743] {strides = array<i32>} : memref<48x224xf32, #tpu.memory_space<vmem>>, vector<16xf32>,
        %parallel_loop3A_1745 = arith.fptosi %parallel_loop3A_1744 : vector<16xf32> to vector<16xi32>
        %parallel_loop3A_1746 = tpu.vector_load_idx %arg6[%parallel_loop3A_1745, %iota3A] : memref<32x16xf32, #tpu.memory_space<vmem>>[vector<16xi32>, vector<16xi32>], vector<16xf32>,
        %parallel_loop3A_1747 = arith.index_cast %parallel_loop3A_1725 : i32 to index
        %parallel_loop3A_1748 = arith.constant 32 : index
        %parallel_loop3A_1749 = tpu.vector_load %arg13[%parallel_loop3A_1747, %parallel_loop3A_1748] {strides = array<i32>} : memref<48x224xf32, #tpu.memory_space<vmem>>, vector<16xf32>,
        tpu.vector_store %arg13[%parallel_loop3A_1747, %parallel_loop3A_1748], %parallel_loop3A_1746 {strides = array<i32>} : memref<48x224xf32, #tpu.memory_space<vmem>>, vector<16xf32>,
        %parallel_loop3A_1750 = arith.index_cast %parallel_loop3A_1725 : i32 to index
        %parallel_loop3A_1751 = arith.constant 48 : index
        %parallel_loop3A_1752 = tpu.vector_load %arg9[%parallel_loop3A_1750, %parallel_loop3A_1751] {strides = array<i32>} : memref<48x224xf32, #tpu.memory_space<vmem>>, vector<16xf32>,
        %parallel_loop3A_1753 = arith.fptosi %parallel_loop3A_1752 : vector<16xf32> to vector<16xi32>
        %parallel_loop3A_1754 = tpu.vector_load_idx %arg6[%parallel_loop3A_1753, %iota3A] : memref<32x16xf32, #tpu.memory_space<vmem>>[vector<16xi32>, vector<16xi32>], vector<16xf32>,
        %parallel_loop3A_1755 = arith.index_cast %parallel_loop3A_1725 : i32 to index
        %parallel_loop3A_1756 = arith.constant 48 : index
        %parallel_loop3A_1757 = tpu.vector_load %arg13[%parallel_loop3A_1755, %parallel_loop3A_1756] {strides = array<i32>} : memref<48x224xf32, #tpu.memory_space<vmem>>, vector<16xf32>,
        tpu.vector_store %arg13[%parallel_loop3A_1755, %parallel_loop3A_1756], %parallel_loop3A_1754 {strides = array<i32>} : memref<48x224xf32, #tpu.memory_space<vmem>>, vector<16xf32>,
        %parallel_loop3A_1758 = arith.index_cast %parallel_loop3A_1725 : i32 to index
        %parallel_loop3A_1759 = arith.constant 64 : index
        %parallel_loop3A_1760 = tpu.vector_load %arg9[%parallel_loop3A_1758, %parallel_loop3A_1759] {strides = array<i32>} : memref<48x224xf32, #tpu.memory_space<vmem>>, vector<16xf32>,
        %parallel_loop3A_1761 = arith.fptosi %parallel_loop3A_1760 : vector<16xf32> to vector<16xi32>
        %parallel_loop3A_1762 = tpu.vector_load_idx %arg6[%parallel_loop3A_1761, %iota3A] : memref<32x16xf32, #tpu.memory_space<vmem>>[vector<16xi32>, vector<16xi32>], vector<16xf32>,
        %parallel_loop3A_1763 = arith.index_cast %parallel_loop3A_1725 : i32 to index
        %parallel_loop3A_1764 = arith.constant 64 : index
        %parallel_loop3A_1765 = tpu.vector_load %arg13[%parallel_loop3A_1763, %parallel_loop3A_1764] {strides = array<i32>} : memref<48x224xf32, #tpu.memory_space<vmem>>, vector<16xf32>,
        tpu.vector_store %arg13[%parallel_loop3A_1763, %parallel_loop3A_1764], %parallel_loop3A_1762 {strides = array<i32>} : memref<48x224xf32, #tpu.memory_space<vmem>>, vector<16xf32>,
        %parallel_loop3A_1766 = arith.index_cast %parallel_loop3A_1725 : i32 to index
        %parallel_loop3A_1767 = arith.constant 80 : index
        %parallel_loop3A_1768 = tpu.vector_load %arg9[%parallel_loop3A_1766, %parallel_loop3A_1767] {strides = array<i32>} : memref<48x224xf32, #tpu.memory_space<vmem>>, vector<16xf32>,
        %parallel_loop3A_1769 = arith.fptosi %parallel_loop3A_1768 : vector<16xf32> to vector<16xi32>
        %parallel_loop3A_1770 = tpu.vector_load_idx %arg6[%parallel_loop3A_1769, %iota3A] : memref<32x16xf32, #tpu.memory_space<vmem>>[vector<16xi32>, vector<16xi32>], vector<16xf32>,
        %parallel_loop3A_1771 = arith.index_cast %parallel_loop3A_1725 : i32 to index
        %parallel_loop3A_1772 = arith.constant 80 : index
        %parallel_loop3A_1773 = tpu.vector_load %arg13[%parallel_loop3A_1771, %parallel_loop3A_1772] {strides = array<i32>} : memref<48x224xf32, #tpu.memory_space<vmem>>, vector<16xf32>,
        tpu.vector_store %arg13[%parallel_loop3A_1771, %parallel_loop3A_1772], %parallel_loop3A_1770 {strides = array<i32>} : memref<48x224xf32, #tpu.memory_space<vmem>>, vector<16xf32>,
        %parallel_loop3A_1774 = arith.index_cast %parallel_loop3A_1725 : i32 to index
        %parallel_loop3A_1775 = arith.constant 96 : index
        %parallel_loop3A_1776 = tpu.vector_load %arg9[%parallel_loop3A_1774, %parallel_loop3A_1775] {strides = array<i32>} : memref<48x224xf32, #tpu.memory_space<vmem>>, vector<16xf32>,
        %parallel_loop3A_1777 = arith.fptosi %parallel_loop3A_1776 : vector<16xf32> to vector<16xi32>
        %parallel_loop3A_1778 = tpu.vector_load_idx %arg6[%parallel_loop3A_1777, %iota3A] : memref<32x16xf32, #tpu.memory_space<vmem>>[vector<16xi32>, vector<16xi32>], vector<16xf32>,
        %parallel_loop3A_1779 = arith.index_cast %parallel_loop3A_1725 : i32 to index
        %parallel_loop3A_1780 = arith.constant 96 : index
        %parallel_loop3A_1781 = tpu.vector_load %arg13[%parallel_loop3A_1779, %parallel_loop3A_1780] {strides = array<i32>} : memref<48x224xf32, #tpu.memory_space<vmem>>, vector<16xf32>,
        tpu.vector_store %arg13[%parallel_loop3A_1779, %parallel_loop3A_1780], %parallel_loop3A_1778 {strides = array<i32>} : memref<48x224xf32, #tpu.memory_space<vmem>>, vector<16xf32>,
        %parallel_loop3A_1782 = arith.index_cast %parallel_loop3A_1725 : i32 to index
        %parallel_loop3A_1783 = arith.constant 112 : index
        %parallel_loop3A_1784 = tpu.vector_load %arg9[%parallel_loop3A_1782, %parallel_loop3A_1783] {strides = array<i32>} : memref<48x224xf32, #tpu.memory_space<vmem>>, vector<16xf32>,
        %parallel_loop3A_1785 = arith.fptosi %parallel_loop3A_1784 : vector<16xf32> to vector<16xi32>
        %parallel_loop3A_1786 = tpu.vector_load_idx %arg6[%parallel_loop3A_1785, %iota3A] : memref<32x16xf32, #tpu.memory_space<vmem>>[vector<16xi32>, vector<16xi32>], vector<16xf32>,
        %parallel_loop3A_1787 = arith.index_cast %parallel_loop3A_1725 : i32 to index
        %parallel_loop3A_1788 = arith.constant 112 : index
        %parallel_loop3A_1789 = tpu.vector_load %arg13[%parallel_loop3A_1787, %parallel_loop3A_1788] {strides = array<i32>} : memref<48x224xf32, #tpu.memory_space<vmem>>, vector<16xf32>,
        tpu.vector_store %arg13[%parallel_loop3A_1787, %parallel_loop3A_1788], %parallel_loop3A_1786 {strides = array<i32>} : memref<48x224xf32, #tpu.memory_space<vmem>>, vector<16xf32>,
        %parallel_loop3A_1790 = arith.index_cast %parallel_loop3A_1725 : i32 to index
        %parallel_loop3A_1791 = arith.constant 128 : index
        %parallel_loop3A_1792 = tpu.vector_load %arg9[%parallel_loop3A_1790, %parallel_loop3A_1791] {strides = array<i32>} : memref<48x224xf32, #tpu.memory_space<vmem>>, vector<16xf32>,
        %parallel_loop3A_1793 = arith.fptosi %parallel_loop3A_1792 : vector<16xf32> to vector<16xi32>
        %parallel_loop3A_1794 = tpu.vector_load_idx %arg6[%parallel_loop3A_1793, %iota3A] : memref<32x16xf32, #tpu.memory_space<vmem>>[vector<16xi32>, vector<16xi32>], vector<16xf32>,
        %parallel_loop3A_1795 = arith.index_cast %parallel_loop3A_1725 : i32 to index
        %parallel_loop3A_1796 = arith.constant 128 : index
        %parallel_loop3A_1797 = tpu.vector_load %arg13[%parallel_loop3A_1795, %parallel_loop3A_1796] {strides = array<i32>} : memref<48x224xf32, #tpu.memory_space<vmem>>, vector<16xf32>,
        tpu.vector_store %arg13[%parallel_loop3A_1795, %parallel_loop3A_1796], %parallel_loop3A_1794 {strides = array<i32>} : memref<48x224xf32, #tpu.memory_space<vmem>>, vector<16xf32>,
        %parallel_loop3A_1798 = arith.index_cast %parallel_loop3A_1725 : i32 to index
        %parallel_loop3A_1799 = arith.constant 144 : index
        %parallel_loop3A_1800 = tpu.vector_load %arg9[%parallel_loop3A_1798, %parallel_loop3A_1799] {strides = array<i32>} : memref<48x224xf32, #tpu.memory_space<vmem>>, vector<16xf32>,
        %parallel_loop3A_1801 = arith.fptosi %parallel_loop3A_1800 : vector<16xf32> to vector<16xi32>
        %parallel_loop3A_1802 = tpu.vector_load_idx %arg6[%parallel_loop3A_1801, %iota3A] : memref<32x16xf32, #tpu.memory_space<vmem>>[vector<16xi32>, vector<16xi32>], vector<16xf32>,
        %parallel_loop3A_1803 = arith.index_cast %parallel_loop3A_1725 : i32 to index
        %parallel_loop3A_1804 = arith.constant 144 : index
        %parallel_loop3A_1805 = tpu.vector_load %arg13[%parallel_loop3A_1803, %parallel_loop3A_1804] {strides = array<i32>} : memref<48x224xf32, #tpu.memory_space<vmem>>, vector<16xf32>,
        tpu.vector_store %arg13[%parallel_loop3A_1803, %parallel_loop3A_1804], %parallel_loop3A_1802 {strides = array<i32>} : memref<48x224xf32, #tpu.memory_space<vmem>>, vector<16xf32>,
        %parallel_loop3A_1806 = arith.index_cast %parallel_loop3A_1725 : i32 to index
        %parallel_loop3A_1807 = arith.constant 160 : index
        %parallel_loop3A_1808 = tpu.vector_load %arg9[%parallel_loop3A_1806, %parallel_loop3A_1807] {strides = array<i32>} : memref<48x224xf32, #tpu.memory_space<vmem>>, vector<16xf32>,
        %parallel_loop3A_1809 = arith.fptosi %parallel_loop3A_1808 : vector<16xf32> to vector<16xi32>
        %parallel_loop3A_1810 = tpu.vector_load_idx %arg6[%parallel_loop3A_1809, %iota3A] : memref<32x16xf32, #tpu.memory_space<vmem>>[vector<16xi32>, vector<16xi32>], vector<16xf32>,
        %parallel_loop3A_1811 = arith.index_cast %parallel_loop3A_1725 : i32 to index
        %parallel_loop3A_1812 = arith.constant 160 : index
        %parallel_loop3A_1813 = tpu.vector_load %arg13[%parallel_loop3A_1811, %parallel_loop3A_1812] {strides = array<i32>} : memref<48x224xf32, #tpu.memory_space<vmem>>, vector<16xf32>,
        tpu.vector_store %arg13[%parallel_loop3A_1811, %parallel_loop3A_1812], %parallel_loop3A_1810 {strides = array<i32>} : memref<48x224xf32, #tpu.memory_space<vmem>>, vector<16xf32>,
        %parallel_loop3A_1814 = arith.index_cast %parallel_loop3A_1725 : i32 to index
        %parallel_loop3A_1815 = arith.constant 176 : index
        %parallel_loop3A_1816 = tpu.vector_load %arg9[%parallel_loop3A_1814, %parallel_loop3A_1815] {strides = array<i32>} : memref<48x224xf32, #tpu.memory_space<vmem>>, vector<16xf32>,
        %parallel_loop3A_1817 = arith.fptosi %parallel_loop3A_1816 : vector<16xf32> to vector<16xi32>
        %parallel_loop3A_1818 = tpu.vector_load_idx %arg6[%parallel_loop3A_1817, %iota3A] : memref<32x16xf32, #tpu.memory_space<vmem>>[vector<16xi32>, vector<16xi32>], vector<16xf32>,
        %parallel_loop3A_1819 = arith.index_cast %parallel_loop3A_1725 : i32 to index
        %parallel_loop3A_1820 = arith.constant 176 : index
        %parallel_loop3A_1821 = tpu.vector_load %arg13[%parallel_loop3A_1819, %parallel_loop3A_1820] {strides = array<i32>} : memref<48x224xf32, #tpu.memory_space<vmem>>, vector<16xf32>,
        tpu.vector_store %arg13[%parallel_loop3A_1819, %parallel_loop3A_1820], %parallel_loop3A_1818 {strides = array<i32>} : memref<48x224xf32, #tpu.memory_space<vmem>>, vector<16xf32>,
        %parallel_loop3A_1822 = arith.index_cast %parallel_loop3A_1725 : i32 to index
        %parallel_loop3A_1823 = arith.constant 192 : index
        %parallel_loop3A_1824 = tpu.vector_load %arg9[%parallel_loop3A_1822, %parallel_loop3A_1823] {strides = array<i32>} : memref<48x224xf32, #tpu.memory_space<vmem>>, vector<16xf32>,
        %parallel_loop3A_1825 = arith.fptosi %parallel_loop3A_1824 : vector<16xf32> to vector<16xi32>
        %parallel_loop3A_1826 = tpu.vector_load_idx %arg6[%parallel_loop3A_1825, %iota3A] : memref<32x16xf32, #tpu.memory_space<vmem>>[vector<16xi32>, vector<16xi32>], vector<16xf32>,
        %parallel_loop3A_1827 = arith.index_cast %parallel_loop3A_1725 : i32 to index
        %parallel_loop3A_1828 = arith.constant 192 : index
        %parallel_loop3A_1829 = tpu.vector_load %arg13[%parallel_loop3A_1827, %parallel_loop3A_1828] {strides = array<i32>} : memref<48x224xf32, #tpu.memory_space<vmem>>, vector<16xf32>,
        tpu.vector_store %arg13[%parallel_loop3A_1827, %parallel_loop3A_1828], %parallel_loop3A_1826 {strides = array<i32>} : memref<48x224xf32, #tpu.memory_space<vmem>>, vector<16xf32>,
        %parallel_loop3A_1830 = arith.index_cast %parallel_loop3A_1725 : i32 to index
        %parallel_loop3A_1831 = arith.constant 208 : index
        %parallel_loop3A_1832 = tpu.vector_load %arg9[%parallel_loop3A_1830, %parallel_loop3A_1831] {strides = array<i32>} : memref<48x224xf32, #tpu.memory_space<vmem>>, vector<16xf32>,
        %parallel_loop3A_1833 = arith.fptosi %parallel_loop3A_1832 : vector<16xf32> to vector<16xi32>
        %parallel_loop3A_1834 = tpu.vector_load_idx %arg6[%parallel_loop3A_1833, %iota3A] : memref<32x16xf32, #tpu.memory_space<vmem>>[vector<16xi32>, vector<16xi32>], vector<16xf32>,
        %parallel_loop3A_1835 = arith.index_cast %parallel_loop3A_1725 : i32 to index
        %parallel_loop3A_1836 = arith.constant 208 : index
        %parallel_loop3A_1837 = tpu.vector_load %arg13[%parallel_loop3A_1835, %parallel_loop3A_1836] {strides = array<i32>} : memref<48x224xf32, #tpu.memory_space<vmem>>, vector<16xf32>,
        tpu.vector_store %arg13[%parallel_loop3A_1835, %parallel_loop3A_1836], %parallel_loop3A_1834 {strides = array<i32>} : memref<48x224xf32, #tpu.memory_space<vmem>>, vector<16xf32>,
      } {sc.loop_unroll_factor = 3 : i64, sc.parallel_access}
      %jit3A_1041 = arith.constant 640 : i32
      %div3A_1042 = arith.divsi %add3A_946, %jit3A_1041 : i32
      %sign3A_1043 = arith.constant 0 : i32
      %sign3A_1044 = arith.cmpi sgt, %add3A_946, %sign3A_1043 : i32
      %sign3A_1045 = arith.extui %sign3A_1044 : i1 to i32
      %sign3A_1046 = arith.constant 0 : i32
      %sign3A_1047 = arith.cmpi slt, %add3A_946, %sign3A_1046 : i32
      %sign3A_1048 = arith.extui %sign3A_1047 : i1 to i32
      %sign3A_1049 = arith.subi %sign3A_1045, %sign3A_1048 : i32
      %sign3A_1050 = arith.constant 0 : i32
      %sign3A_1051 = arith.cmpi sgt, %jit3A_1041, %sign3A_1050 : i32
      %sign3A_1052 = arith.extui %sign3A_1051 : i1 to i32
      %sign3A_1053 = arith.constant 0 : i32
      %sign3A_1054 = arith.cmpi slt, %jit3A_1041, %sign3A_1053 : i32
      %sign3A_1055 = arith.extui %sign3A_1054 : i1 to i32
      %sign3A_1056 = arith.subi %sign3A_1052, %sign3A_1055 : i32
      %ne3A_1057 = arith.cmpi ne, %sign3A_1049, %sign3A_1056 : i32
      %rem3A_1058 = arith.remsi %add3A_946, %jit3A_1041 : i32
      %ne3A_1059 = arith.constant 0 : i32
      %ne3A_1060 = arith.cmpi ne, %rem3A_1058, %ne3A_1059 : i32
      %and3A_1061 = arith.andi %ne3A_1057, %ne3A_1060 : i1
      %sub3A_1062 = arith.constant 1 : i32
      %sub3A_1063 = arith.subi %div3A_1042, %sub3A_1062 : i32
      %select_n3A_1064 = arith.select %and3A_1061, %sub3A_1063, %div3A_1042 : i32
      %jit3A_1065 = arith.constant 640 : i32
      %eq3A_1066 = arith.constant 0 : i32
      %eq3A_1067 = arith.cmpi eq, %jit3A_1065, %eq3A_1066 : i32
      %jit3A_1068 = arith.constant 1 : i32
      %select_n3A_1069 = arith.select %eq3A_1067, %jit3A_1068, %jit3A_1065 : i32
      %rem3A_1070 = arith.remsi %add3A_946, %select_n3A_1069 : i32
      %ne3A_1071 = arith.constant 0 : i32
      %ne3A_1072 = arith.cmpi ne, %rem3A_1070, %ne3A_1071 : i32
      %lt3A_1073 = arith.constant 0 : i32
      %lt3A_1074 = arith.cmpi slt, %rem3A_1070, %lt3A_1073 : i32
      %lt3A_1075 = arith.constant 0 : i32
      %lt3A_1076 = arith.cmpi slt, %select_n3A_1069, %lt3A_1075 : i32
      %ne3A_1077 = arith.xori %lt3A_1074, %lt3A_1076 : i1
      %and3A_1078 = arith.andi %ne3A_1077, %ne3A_1072 : i1
      %add3A_1079 = arith.addi %rem3A_1070, %select_n3A_1069 : i32
      %select_n3A_1080 = arith.select %and3A_1078, %add3A_1079, %rem3A_1070 : i32
      %jit3A_1081 = arith.constant 4 : i32
      %div3A_1082 = arith.divsi %select_n3A_1080, %jit3A_1081 : i32
      %sign3A_1083 = arith.constant 0 : i32
      %sign3A_1084 = arith.cmpi sgt, %select_n3A_1080, %sign3A_1083 : i32
      %sign3A_1085 = arith.extui %sign3A_1084 : i1 to i32
      %sign3A_1086 = arith.constant 0 : i32
      %sign3A_1087 = arith.cmpi slt, %select_n3A_1080, %sign3A_1086 : i32
      %sign3A_1088 = arith.extui %sign3A_1087 : i1 to i32
      %sign3A_1089 = arith.subi %sign3A_1085, %sign3A_1088 : i32
      %sign3A_1090 = arith.constant 0 : i32
      %sign3A_1091 = arith.cmpi sgt, %jit3A_1081, %sign3A_1090 : i32
      %sign3A_1092 = arith.extui %sign3A_1091 : i1 to i32
      %sign3A_1093 = arith.constant 0 : i32
      %sign3A_1094 = arith.cmpi slt, %jit3A_1081, %sign3A_1093 : i32
      %sign3A_1095 = arith.extui %sign3A_1094 : i1 to i32
      %sign3A_1096 = arith.subi %sign3A_1092, %sign3A_1095 : i32
      %ne3A_1097 = arith.cmpi ne, %sign3A_1089, %sign3A_1096 : i32
      %rem3A_1098 = arith.remsi %select_n3A_1080, %jit3A_1081 : i32
      %ne3A_1099 = arith.constant 0 : i32
      %ne3A_1100 = arith.cmpi ne, %rem3A_1098, %ne3A_1099 : i32
      %and3A_1101 = arith.andi %ne3A_1097, %ne3A_1100 : i1
      %sub3A_1102 = arith.constant 1 : i32
      %sub3A_1103 = arith.subi %div3A_1082, %sub3A_1102 : i32
      %select_n3A_1104 = arith.select %and3A_1101, %sub3A_1103, %div3A_1082 : i32
      %jit3A_1105 = arith.constant 4 : i32
      %eq3A_1106 = arith.constant 0 : i32
      %eq3A_1107 = arith.cmpi eq, %jit3A_1105, %eq3A_1106 : i32
      %jit3A_1108 = arith.constant 1 : i32
      %select_n3A_1109 = arith.select %eq3A_1107, %jit3A_1108, %jit3A_1105 : i32
      %rem3A_1110 = arith.remsi %select_n3A_1080, %select_n3A_1109 : i32
      %ne3A_1111 = arith.constant 0 : i32
      %ne3A_1112 = arith.cmpi ne, %rem3A_1110, %ne3A_1111 : i32
      %lt3A_1113 = arith.constant 0 : i32
      %lt3A_1114 = arith.cmpi slt, %rem3A_1110, %lt3A_1113 : i32
      %lt3A_1115 = arith.constant 0 : i32
      %lt3A_1116 = arith.cmpi slt, %select_n3A_1109, %lt3A_1115 : i32
      %ne3A_1117 = arith.xori %lt3A_1114, %lt3A_1116 : i1
      %and3A_1118 = arith.andi %ne3A_1117, %ne3A_1112 : i1
      %add3A_1119 = arith.addi %rem3A_1110, %select_n3A_1109 : i32
      %select_n3A_1120 = arith.select %and3A_1118, %add3A_1119, %rem3A_1110 : i32
      %mul3A_1121 = arith.constant 48 : i32
      %mul3A_1122 = arith.muli %select_n3A_1120, %mul3A_1121 : i32
      %dma_start3A_1123 = arith.constant 0 : i32
      %dma_start3A_1124 = arith.constant 0 : i32
      %dma_start3A_1125 = tpu.memref_slice %arg5[%select_n3A_1064, %dma_start3A_1123, %select_n3A_1104, %mul3A_1122, %dma_start3A_1124] : memref<2x1x160x192x224xf32, #tpu.memory_space<hbm>> -> memref<1x1x1x48x224xf32, #tpu.memory_space<hbm>>
      %dma_start3A_1126 = tpu.memref_squeeze %dma_start3A_1125 : memref<1x1x1x48x224xf32, #tpu.memory_space<hbm>> -> memref<48x224xf32, #tpu.memory_space<hbm>>
      %dma_start3A_1127 = arith.constant 0 : i32
      %dma_start3A_1128 = tpu.memref_slice %arg5[%select_n3A_1064, %dma_start3A_1123, %select_n3A_1104, %mul3A_1122, %dma_start3A_1127] : memref<2x1x160x192x224xf32, #tpu.memory_space<hbm>> -> memref<1x1x1x48x224xf32, #tpu.memory_space<hbm>>
      %dma_start3A_1129 = tpu.memref_squeeze %dma_start3A_1128 : memref<1x1x1x48x224xf32, #tpu.memory_space<hbm>> -> memref<48x224xf32, #tpu.memory_space<hbm>>
      tpu.enqueue_dma source(%arg13 : memref<48x224xf32, #tpu.memory_space<vmem>>) target(%dma_start3A_1129 : memref<48x224xf32, #tpu.memory_space<hbm>>) target_semaphore(%arg21 : memref<!tpu.dma_semaphore, #tpu.memory_space<semaphore_mem>>)
      %add3A_1130 = arith.constant 4 : i32
      %add3A_1131 = arith.addi %add3A_945, %add3A_1130 : i32
      %lt3A_1132 = arith.constant 40 : i32
      %lt3A_1133 = arith.cmpi slt, %add3A_1131, %lt3A_1132 : i32
      %convert_element_type3A_1134 = arith.extui %lt3A_1133 : i1 to i32
      %cond3A_1135 = arith.constant 0 : i32
      %cond3A_1136 = arith.cmpi ne, %convert_element_type3A_1134, %cond3A_1135 : i32
      scf.if %cond3A_1136 {
        %add3A_1725 = arith.constant 4 : i32
        %add3A_1726 = arith.addi %add3A_946, %add3A_1725 : i32
        %jit3A_1727 = arith.constant 640 : i32
        %div3A_1728 = arith.divsi %add3A_1726, %jit3A_1727 : i32
        %sign3A_1729 = arith.constant 0 : i32
        %sign3A_1730 = arith.cmpi sgt, %add3A_1726, %sign3A_1729 : i32
        %sign3A_1731 = arith.extui %sign3A_1730 : i1 to i32
        %sign3A_1732 = arith.constant 0 : i32
        %sign3A_1733 = arith.cmpi slt, %add3A_1726, %sign3A_1732 : i32
        %sign3A_1734 = arith.extui %sign3A_1733 : i1 to i32
        %sign3A_1735 = arith.subi %sign3A_1731, %sign3A_1734 : i32
        %sign3A_1736 = arith.constant 0 : i32
        %sign3A_1737 = arith.cmpi sgt, %jit3A_1727, %sign3A_1736 : i32
        %sign3A_1738 = arith.extui %sign3A_1737 : i1 to i32
        %sign3A_1739 = arith.constant 0 : i32
        %sign3A_1740 = arith.cmpi slt, %jit3A_1727, %sign3A_1739 : i32
        %sign3A_1741 = arith.extui %sign3A_1740 : i1 to i32
        %sign3A_1742 = arith.subi %sign3A_1738, %sign3A_1741 : i32
        %ne3A_1743 = arith.cmpi ne, %sign3A_1735, %sign3A_1742 : i32
        %rem3A_1744 = arith.remsi %add3A_1726, %jit3A_1727 : i32
        %ne3A_1745 = arith.constant 0 : i32
        %ne3A_1746 = arith.cmpi ne, %rem3A_1744, %ne3A_1745 : i32
        %and3A_1747 = arith.andi %ne3A_1743, %ne3A_1746 : i1
        %sub3A_1748 = arith.constant 1 : i32
        %sub3A_1749 = arith.subi %div3A_1728, %sub3A_1748 : i32
        %select_n3A_1750 = arith.select %and3A_1747, %sub3A_1749, %div3A_1728 : i32
        %jit3A_1751 = arith.constant 640 : i32
        %eq3A_1752 = arith.constant 0 : i32
        %eq3A_1753 = arith.cmpi eq, %jit3A_1751, %eq3A_1752 : i32
        %jit3A_1754 = arith.constant 1 : i32
        %select_n3A_1755 = arith.select %eq3A_1753, %jit3A_1754, %jit3A_1751 : i32
        %rem3A_1756 = arith.remsi %add3A_1726, %select_n3A_1755 : i32
        %ne3A_1757 = arith.constant 0 : i32
        %ne3A_1758 = arith.cmpi ne, %rem3A_1756, %ne3A_1757 : i32
        %lt3A_1759 = arith.constant 0 : i32
        %lt3A_1760 = arith.cmpi slt, %rem3A_1756, %lt3A_1759 : i32
        %lt3A_1761 = arith.constant 0 : i32
        %lt3A_1762 = arith.cmpi slt, %select_n3A_1755, %lt3A_1761 : i32
        %ne3A_1763 = arith.xori %lt3A_1760, %lt3A_1762 : i1
        %and3A_1764 = arith.andi %ne3A_1763, %ne3A_1758 : i1
        %add3A_1765 = arith.addi %rem3A_1756, %select_n3A_1755 : i32
        %select_n3A_1766 = arith.select %and3A_1764, %add3A_1765, %rem3A_1756 : i32
        %jit3A_1767 = arith.constant 4 : i32
        %div3A_1768 = arith.divsi %select_n3A_1766, %jit3A_1767 : i32
        %sign3A_1769 = arith.constant 0 : i32
        %sign3A_1770 = arith.cmpi sgt, %select_n3A_1766, %sign3A_1769 : i32
        %sign3A_1771 = arith.extui %sign3A_1770 : i1 to i32
        %sign3A_1772 = arith.constant 0 : i32
        %sign3A_1773 = arith.cmpi slt, %select_n3A_1766, %sign3A_1772 : i32
        %sign3A_1774 = arith.extui %sign3A_1773 : i1 to i32
        %sign3A_1775 = arith.subi %sign3A_1771, %sign3A_1774 : i32
        %sign3A_1776 = arith.constant 0 : i32
        %sign3A_1777 = arith.cmpi sgt, %jit3A_1767, %sign3A_1776 : i32
        %sign3A_1778 = arith.extui %sign3A_1777 : i1 to i32
        %sign3A_1779 = arith.constant 0 : i32
        %sign3A_1780 = arith.cmpi slt, %jit3A_1767, %sign3A_1779 : i32
        %sign3A_1781 = arith.extui %sign3A_1780 : i1 to i32
        %sign3A_1782 = arith.subi %sign3A_1778, %sign3A_1781 : i32
        %ne3A_1783 = arith.cmpi ne, %sign3A_1775, %sign3A_1782 : i32
        %rem3A_1784 = arith.remsi %select_n3A_1766, %jit3A_1767 : i32
        %ne3A_1785 = arith.constant 0 : i32
        %ne3A_1786 = arith.cmpi ne, %rem3A_1784, %ne3A_1785 : i32
        %and3A_1787 = arith.andi %ne3A_1783, %ne3A_1786 : i1
        %sub3A_1788 = arith.constant 1 : i32
        %sub3A_1789 = arith.subi %div3A_1768, %sub3A_1788 : i32
        %select_n3A_1790 = arith.select %and3A_1787, %sub3A_1789, %div3A_1768 : i32
        %jit3A_1791 = arith.constant 4 : i32
        %eq3A_1792 = arith.constant 0 : i32
        %eq3A_1793 = arith.cmpi eq, %jit3A_1791, %eq3A_1792 : i32
        %jit3A_1794 = arith.constant 1 : i32
        %select_n3A_1795 = arith.select %eq3A_1793, %jit3A_1794, %jit3A_1791 : i32
        %rem3A_1796 = arith.remsi %select_n3A_1766, %select_n3A_1795 : i32
        %ne3A_1797 = arith.constant 0 : i32
        %ne3A_1798 = arith.cmpi ne, %rem3A_1796, %ne3A_1797 : i32
        %lt3A_1799 = arith.constant 0 : i32
        %lt3A_1800 = arith.cmpi slt, %rem3A_1796, %lt3A_1799 : i32
        %lt3A_1801 = arith.constant 0 : i32
        %lt3A_1802 = arith.cmpi slt, %select_n3A_1795, %lt3A_1801 : i32
        %ne3A_1803 = arith.xori %lt3A_1800, %lt3A_1802 : i1
        %and3A_1804 = arith.andi %ne3A_1803, %ne3A_1798 : i1
        %add3A_1805 = arith.addi %rem3A_1796, %select_n3A_1795 : i32
        %select_n3A_1806 = arith.select %and3A_1804, %add3A_1805, %rem3A_1796 : i32
        %mul3A_1807 = arith.constant 48 : i32
        %mul3A_1808 = arith.muli %select_n3A_1806, %mul3A_1807 : i32
        %dma_start3A_1809 = arith.constant 0 : i32
        %dma_start3A_1810 = arith.constant 0 : i32
        %dma_start3A_1811 = tpu.memref_slice %arg2[%select_n3A_1750, %dma_start3A_1809, %select_n3A_1790, %mul3A_1808, %dma_start3A_1810] : memref<2x1x160x192x224xf32, #tpu.memory_space<hbm>> -> memref<1x1x1x48x224xf32, #tpu.memory_space<hbm>>
        %dma_start3A_1812 = tpu.memref_squeeze %dma_start3A_1811 : memref<1x1x1x48x224xf32, #tpu.memory_space<hbm>> -> memref<48x224xf32, #tpu.memory_space<hbm>>
        %dma_start3A_1813 = arith.constant 0 : i32
        %dma_start3A_1814 = tpu.memref_slice %arg2[%select_n3A_1750, %dma_start3A_1809, %select_n3A_1790, %mul3A_1808, %dma_start3A_1813] : memref<2x1x160x192x224xf32, #tpu.memory_space<hbm>> -> memref<1x1x1x48x224xf32, #tpu.memory_space<hbm>>
        %dma_start3A_1815 = tpu.memref_squeeze %dma_start3A_1814 : memref<1x1x1x48x224xf32, #tpu.memory_space<hbm>> -> memref<48x224xf32, #tpu.memory_space<hbm>>
        tpu.enqueue_dma source(%dma_start3A_1815 : memref<48x224xf32, #tpu.memory_space<hbm>>) target(%arg9 : memref<48x224xf32, #tpu.memory_space<vmem>>) target_semaphore(%arg17 : memref<!tpu.dma_semaphore, #tpu.memory_space<semaphore_mem>>)
      } else {
      }
      %add3A_1137 = arith.constant 1 : i32
      %add3A_1138 = arith.addi %add3A_943, %add3A_1137 : i32
      %add3A_1139 = arith.addi %mul3A_2, %add3A_1138 : i32
      %jit3A_1140 = arith.constant 640 : i32
      %div3A_1141 = arith.divsi %add3A_1139, %jit3A_1140 : i32
      %sign3A_1142 = arith.constant 0 : i32
      %sign3A_1143 = arith.cmpi sgt, %add3A_1139, %sign3A_1142 : i32
      %sign3A_1144 = arith.extui %sign3A_1143 : i1 to i32
      %sign3A_1145 = arith.constant 0 : i32
      %sign3A_1146 = arith.cmpi slt, %add3A_1139, %sign3A_1145 : i32
      %sign3A_1147 = arith.extui %sign3A_1146 : i1 to i32
      %sign3A_1148 = arith.subi %sign3A_1144, %sign3A_1147 : i32
      %sign3A_1149 = arith.constant 0 : i32
      %sign3A_1150 = arith.cmpi sgt, %jit3A_1140, %sign3A_1149 : i32
      %sign3A_1151 = arith.extui %sign3A_1150 : i1 to i32
      %sign3A_1152 = arith.constant 0 : i32
      %sign3A_1153 = arith.cmpi slt, %jit3A_1140, %sign3A_1152 : i32
      %sign3A_1154 = arith.extui %sign3A_1153 : i1 to i32
      %sign3A_1155 = arith.subi %sign3A_1151, %sign3A_1154 : i32
      %ne3A_1156 = arith.cmpi ne, %sign3A_1148, %sign3A_1155 : i32
      %rem3A_1157 = arith.remsi %add3A_1139, %jit3A_1140 : i32
      %ne3A_1158 = arith.constant 0 : i32
      %ne3A_1159 = arith.cmpi ne, %rem3A_1157, %ne3A_1158 : i32
      %and3A_1160 = arith.andi %ne3A_1156, %ne3A_1159 : i1
      %sub3A_1161 = arith.constant 1 : i32
      %sub3A_1162 = arith.subi %div3A_1141, %sub3A_1161 : i32
      %select_n3A_1163 = arith.select %and3A_1160, %sub3A_1162, %div3A_1141 : i32
      %jit3A_1164 = arith.constant 640 : i32
      %eq3A_1165 = arith.constant 0 : i32
      %eq3A_1166 = arith.cmpi eq, %jit3A_1164, %eq3A_1165 : i32
      %jit3A_1167 = arith.constant 1 : i32
      %select_n3A_1168 = arith.select %eq3A_1166, %jit3A_1167, %jit3A_1164 : i32
      %rem3A_1169 = arith.remsi %add3A_1139, %select_n3A_1168 : i32
      %ne3A_1170 = arith.constant 0 : i32
      %ne3A_1171 = arith.cmpi ne, %rem3A_1169, %ne3A_1170 : i32
      %lt3A_1172 = arith.constant 0 : i32
      %lt3A_1173 = arith.cmpi slt, %rem3A_1169, %lt3A_1172 : i32
      %lt3A_1174 = arith.constant 0 : i32
      %lt3A_1175 = arith.cmpi slt, %select_n3A_1168, %lt3A_1174 : i32
      %ne3A_1176 = arith.xori %lt3A_1173, %lt3A_1175 : i1
      %and3A_1177 = arith.andi %ne3A_1176, %ne3A_1171 : i1
      %add3A_1178 = arith.addi %rem3A_1169, %select_n3A_1168 : i32
      %select_n3A_1179 = arith.select %and3A_1177, %add3A_1178, %rem3A_1169 : i32
      %jit3A_1180 = arith.constant 4 : i32
      %div3A_1181 = arith.divsi %select_n3A_1179, %jit3A_1180 : i32
      %sign3A_1182 = arith.constant 0 : i32
      %sign3A_1183 = arith.cmpi sgt, %select_n3A_1179, %sign3A_1182 : i32
      %sign3A_1184 = arith.extui %sign3A_1183 : i1 to i32
      %sign3A_1185 = arith.constant 0 : i32
      %sign3A_1186 = arith.cmpi slt, %select_n3A_1179, %sign3A_1185 : i32
      %sign3A_1187 = arith.extui %sign3A_1186 : i1 to i32
      %sign3A_1188 = arith.subi %sign3A_1184, %sign3A_1187 : i32
      %sign3A_1189 = arith.constant 0 : i32
      %sign3A_1190 = arith.cmpi sgt, %jit3A_1180, %sign3A_1189 : i32
      %sign3A_1191 = arith.extui %sign3A_1190 : i1 to i32
      %sign3A_1192 = arith.constant 0 : i32
      %sign3A_1193 = arith.cmpi slt, %jit3A_1180, %sign3A_1192 : i32
      %sign3A_1194 = arith.extui %sign3A_1193 : i1 to i32
      %sign3A_1195 = arith.subi %sign3A_1191, %sign3A_1194 : i32
      %ne3A_1196 = arith.cmpi ne, %sign3A_1188, %sign3A_1195 : i32
      %rem3A_1197 = arith.remsi %select_n3A_1179, %jit3A_1180 : i32
      %ne3A_1198 = arith.constant 0 : i32
      %ne3A_1199 = arith.cmpi ne, %rem3A_1197, %ne3A_1198 : i32
      %and3A_1200 = arith.andi %ne3A_1196, %ne3A_1199 : i1
      %sub3A_1201 = arith.constant 1 : i32
      %sub3A_1202 = arith.subi %div3A_1181, %sub3A_1201 : i32
      %select_n3A_1203 = arith.select %and3A_1200, %sub3A_1202, %div3A_1181 : i32
      %jit3A_1204 = arith.constant 4 : i32
      %eq3A_1205 = arith.constant 0 : i32
      %eq3A_1206 = arith.cmpi eq, %jit3A_1204, %eq3A_1205 : i32
      %jit3A_1207 = arith.constant 1 : i32
      %select_n3A_1208 = arith.select %eq3A_1206, %jit3A_1207, %jit3A_1204 : i32
      %rem3A_1209 = arith.remsi %select_n3A_1179, %select_n3A_1208 : i32
      %ne3A_1210 = arith.constant 0 : i32
      %ne3A_1211 = arith.cmpi ne, %rem3A_1209, %ne3A_1210 : i32
      %lt3A_1212 = arith.constant 0 : i32
      %lt3A_1213 = arith.cmpi slt, %rem3A_1209, %lt3A_1212 : i32
      %lt3A_1214 = arith.constant 0 : i32
      %lt3A_1215 = arith.cmpi slt, %select_n3A_1208, %lt3A_1214 : i32
      %ne3A_1216 = arith.xori %lt3A_1213, %lt3A_1215 : i1
      %and3A_1217 = arith.andi %ne3A_1216, %ne3A_1211 : i1
      %add3A_1218 = arith.addi %rem3A_1209, %select_n3A_1208 : i32
      %select_n3A_1219 = arith.select %and3A_1217, %add3A_1218, %rem3A_1209 : i32
      %mul3A_1220 = arith.constant 48 : i32
      %mul3A_1221 = arith.muli %select_n3A_1219, %mul3A_1220 : i32
      %dma_wait3A_1222 = arith.constant 0 : i32
      %dma_wait3A_1223 = arith.constant 0 : i32
      %dma_wait3A_1224 = tpu.memref_slice %arg2[%select_n3A_1163, %dma_wait3A_1222, %select_n3A_1203, %mul3A_1221, %dma_wait3A_1223] : memref<2x1x160x192x224xf32, #tpu.memory_space<hbm>> -> memref<1x1x1x48x224xf32, #tpu.memory_space<hbm>>
      %dma_wait3A_1225 = tpu.memref_squeeze %dma_wait3A_1224 : memref<1x1x1x48x224xf32, #tpu.memory_space<hbm>> -> memref<48x224xf32, #tpu.memory_space<hbm>>
      %dma_wait3A_1226 = arith.constant 0 : i32
      %dma_wait3A_1227 = tpu.memref_slice %arg2[%select_n3A_1163, %dma_wait3A_1222, %select_n3A_1203, %mul3A_1221, %dma_wait3A_1226] : memref<2x1x160x192x224xf32, #tpu.memory_space<hbm>> -> memref<1x1x1x48x224xf32, #tpu.memory_space<hbm>>
      %dma_wait3A_1228 = tpu.memref_squeeze %dma_wait3A_1227 : memref<1x1x1x48x224xf32, #tpu.memory_space<hbm>> -> memref<48x224xf32, #tpu.memory_space<hbm>>
      tpu.wait_dma2 semaphore(%arg18 : memref<!tpu.dma_semaphore, #tpu.memory_space<semaphore_mem>>) src(%dma_wait3A_1228 : memref<48x224xf32, #tpu.memory_space<hbm>>) dst(%arg10 : memref<48x224xf32, #tpu.memory_space<vmem>>)
      %ge3A_1229 = arith.constant 4 : i32
      %ge3A_1230 = arith.cmpi sge, %add3A_1138, %ge3A_1229 : i32
      %convert_element_type3A_1231 = arith.extui %ge3A_1230 : i1 to i32
      %cond3A_1232 = arith.constant 0 : i32
      %cond3A_1233 = arith.cmpi ne, %convert_element_type3A_1231, %cond3A_1232 : i32
      scf.if %cond3A_1233 {
        %jit3A_1725 = arith.constant 640 : i32
        %div3A_1726 = arith.divsi %add3A_1139, %jit3A_1725 : i32
        %sign3A_1727 = arith.constant 0 : i32
        %sign3A_1728 = arith.cmpi sgt, %add3A_1139, %sign3A_1727 : i32
        %sign3A_1729 = arith.extui %sign3A_1728 : i1 to i32
        %sign3A_1730 = arith.constant 0 : i32
        %sign3A_1731 = arith.cmpi slt, %add3A_1139, %sign3A_1730 : i32
        %sign3A_1732 = arith.extui %sign3A_1731 : i1 to i32
        %sign3A_1733 = arith.subi %sign3A_1729, %sign3A_1732 : i32
        %sign3A_1734 = arith.constant 0 : i32
        %sign3A_1735 = arith.cmpi sgt, %jit3A_1725, %sign3A_1734 : i32
        %sign3A_1736 = arith.extui %sign3A_1735 : i1 to i32
        %sign3A_1737 = arith.constant 0 : i32
        %sign3A_1738 = arith.cmpi slt, %jit3A_1725, %sign3A_1737 : i32
        %sign3A_1739 = arith.extui %sign3A_1738 : i1 to i32
        %sign3A_1740 = arith.subi %sign3A_1736, %sign3A_1739 : i32
        %ne3A_1741 = arith.cmpi ne, %sign3A_1733, %sign3A_1740 : i32
        %rem3A_1742 = arith.remsi %add3A_1139, %jit3A_1725 : i32
        %ne3A_1743 = arith.constant 0 : i32
        %ne3A_1744 = arith.cmpi ne, %rem3A_1742, %ne3A_1743 : i32
        %and3A_1745 = arith.andi %ne3A_1741, %ne3A_1744 : i1
        %sub3A_1746 = arith.constant 1 : i32
        %sub3A_1747 = arith.subi %div3A_1726, %sub3A_1746 : i32
        %select_n3A_1748 = arith.select %and3A_1745, %sub3A_1747, %div3A_1726 : i32
        %jit3A_1749 = arith.constant 640 : i32
        %eq3A_1750 = arith.constant 0 : i32
        %eq3A_1751 = arith.cmpi eq, %jit3A_1749, %eq3A_1750 : i32
        %jit3A_1752 = arith.constant 1 : i32
        %select_n3A_1753 = arith.select %eq3A_1751, %jit3A_1752, %jit3A_1749 : i32
        %rem3A_1754 = arith.remsi %add3A_1139, %select_n3A_1753 : i32
        %ne3A_1755 = arith.constant 0 : i32
        %ne3A_1756 = arith.cmpi ne, %rem3A_1754, %ne3A_1755 : i32
        %lt3A_1757 = arith.constant 0 : i32
        %lt3A_1758 = arith.cmpi slt, %rem3A_1754, %lt3A_1757 : i32
        %lt3A_1759 = arith.constant 0 : i32
        %lt3A_1760 = arith.cmpi slt, %select_n3A_1753, %lt3A_1759 : i32
        %ne3A_1761 = arith.xori %lt3A_1758, %lt3A_1760 : i1
        %and3A_1762 = arith.andi %ne3A_1761, %ne3A_1756 : i1
        %add3A_1763 = arith.addi %rem3A_1754, %select_n3A_1753 : i32
        %select_n3A_1764 = arith.select %and3A_1762, %add3A_1763, %rem3A_1754 : i32
        %jit3A_1765 = arith.constant 4 : i32
        %div3A_1766 = arith.divsi %select_n3A_1764, %jit3A_1765 : i32
        %sign3A_1767 = arith.constant 0 : i32
        %sign3A_1768 = arith.cmpi sgt, %select_n3A_1764, %sign3A_1767 : i32
        %sign3A_1769 = arith.extui %sign3A_1768 : i1 to i32
        %sign3A_1770 = arith.constant 0 : i32
        %sign3A_1771 = arith.cmpi slt, %select_n3A_1764, %sign3A_1770 : i32
        %sign3A_1772 = arith.extui %sign3A_1771 : i1 to i32
        %sign3A_1773 = arith.subi %sign3A_1769, %sign3A_1772 : i32
        %sign3A_1774 = arith.constant 0 : i32
        %sign3A_1775 = arith.cmpi sgt, %jit3A_1765, %sign3A_1774 : i32
        %sign3A_1776 = arith.extui %sign3A_1775 : i1 to i32
        %sign3A_1777 = arith.constant 0 : i32
        %sign3A_1778 = arith.cmpi slt, %jit3A_1765, %sign3A_1777 : i32
        %sign3A_1779 = arith.extui %sign3A_1778 : i1 to i32
        %sign3A_1780 = arith.subi %sign3A_1776, %sign3A_1779 : i32
        %ne3A_1781 = arith.cmpi ne, %sign3A_1773, %sign3A_1780 : i32
        %rem3A_1782 = arith.remsi %select_n3A_1764, %jit3A_1765 : i32
        %ne3A_1783 = arith.constant 0 : i32
        %ne3A_1784 = arith.cmpi ne, %rem3A_1782, %ne3A_1783 : i32
        %and3A_1785 = arith.andi %ne3A_1781, %ne3A_1784 : i1
        %sub3A_1786 = arith.constant 1 : i32
        %sub3A_1787 = arith.subi %div3A_1766, %sub3A_1786 : i32
        %select_n3A_1788 = arith.select %and3A_1785, %sub3A_1787, %div3A_1766 : i32
        %jit3A_1789 = arith.constant 4 : i32
        %eq3A_1790 = arith.constant 0 : i32
        %eq3A_1791 = arith.cmpi eq, %jit3A_1789, %eq3A_1790 : i32
        %jit3A_1792 = arith.constant 1 : i32
        %select_n3A_1793 = arith.select %eq3A_1791, %jit3A_1792, %jit3A_1789 : i32
        %rem3A_1794 = arith.remsi %select_n3A_1764, %select_n3A_1793 : i32
        %ne3A_1795 = arith.constant 0 : i32
        %ne3A_1796 = arith.cmpi ne, %rem3A_1794, %ne3A_1795 : i32
        %lt3A_1797 = arith.constant 0 : i32
        %lt3A_1798 = arith.cmpi slt, %rem3A_1794, %lt3A_1797 : i32
        %lt3A_1799 = arith.constant 0 : i32
        %lt3A_1800 = arith.cmpi slt, %select_n3A_1793, %lt3A_1799 : i32
        %ne3A_1801 = arith.xori %lt3A_1798, %lt3A_1800 : i1
        %and3A_1802 = arith.andi %ne3A_1801, %ne3A_1796 : i1
        %add3A_1803 = arith.addi %rem3A_1794, %select_n3A_1793 : i32
        %select_n3A_1804 = arith.select %and3A_1802, %add3A_1803, %rem3A_1794 : i32
        %mul3A_1805 = arith.constant 48 : i32
        %mul3A_1806 = arith.muli %select_n3A_1804, %mul3A_1805 : i32
        %dma_wait3A_1807 = arith.constant 0 : i32
        %dma_wait3A_1808 = arith.constant 0 : i32
        %dma_wait3A_1809 = tpu.memref_slice %arg5[%select_n3A_1748, %dma_wait3A_1807, %select_n3A_1788, %mul3A_1806, %dma_wait3A_1808] : memref<2x1x160x192x224xf32, #tpu.memory_space<hbm>> -> memref<1x1x1x48x224xf32, #tpu.memory_space<hbm>>
        %dma_wait3A_1810 = tpu.memref_squeeze %dma_wait3A_1809 : memref<1x1x1x48x224xf32, #tpu.memory_space<hbm>> -> memref<48x224xf32, #tpu.memory_space<hbm>>
        %dma_wait3A_1811 = arith.constant 0 : i32
        %dma_wait3A_1812 = tpu.memref_slice %arg5[%select_n3A_1748, %dma_wait3A_1807, %select_n3A_1788, %mul3A_1806, %dma_wait3A_1811] : memref<2x1x160x192x224xf32, #tpu.memory_space<hbm>> -> memref<1x1x1x48x224xf32, #tpu.memory_space<hbm>>
        %dma_wait3A_1813 = tpu.memref_squeeze %dma_wait3A_1812 : memref<1x1x1x48x224xf32, #tpu.memory_space<hbm>> -> memref<48x224xf32, #tpu.memory_space<hbm>>
        tpu.wait_dma2 semaphore(%arg22 : memref<!tpu.dma_semaphore, #tpu.memory_space<semaphore_mem>>) src(%arg14 : memref<48x224xf32, #tpu.memory_space<vmem>>) dst(%dma_wait3A_1813 : memref<48x224xf32, #tpu.memory_space<hbm>>)
      } else {
      }
      %parallel_loop3A_1234 = arith.constant 0 : i32
      %parallel_loop3A_1235 = arith.constant 48 : i32
      %parallel_loop3A_1236 = arith.constant 1 : i32
      scf.for %parallel_loop3A_1725 = %parallel_loop3A_1234 to %parallel_loop3A_1235 step %parallel_loop3A_1236  : i32 {
        %parallel_loop3A_1726 = arith.index_cast %parallel_loop3A_1725 : i32 to index
        %parallel_loop3A_1727 = arith.constant 0 : index
        %parallel_loop3A_1728 = tpu.vector_load %arg10[%parallel_loop3A_1726, %parallel_loop3A_1727] {strides = array<i32>} : memref<48x224xf32, #tpu.memory_space<vmem>>, vector<16xf32>,
        %parallel_loop3A_1729 = arith.fptosi %parallel_loop3A_1728 : vector<16xf32> to vector<16xi32>
        %parallel_loop3A_1730 = tpu.vector_load_idx %arg6[%parallel_loop3A_1729, %iota3A] : memref<32x16xf32, #tpu.memory_space<vmem>>[vector<16xi32>, vector<16xi32>], vector<16xf32>,
        %parallel_loop3A_1731 = arith.index_cast %parallel_loop3A_1725 : i32 to index
        %parallel_loop3A_1732 = arith.constant 0 : index
        %parallel_loop3A_1733 = tpu.vector_load %arg14[%parallel_loop3A_1731, %parallel_loop3A_1732] {strides = array<i32>} : memref<48x224xf32, #tpu.memory_space<vmem>>, vector<16xf32>,
        tpu.vector_store %arg14[%parallel_loop3A_1731, %parallel_loop3A_1732], %parallel_loop3A_1730 {strides = array<i32>} : memref<48x224xf32, #tpu.memory_space<vmem>>, vector<16xf32>,
        %parallel_loop3A_1734 = arith.index_cast %parallel_loop3A_1725 : i32 to index
        %parallel_loop3A_1735 = arith.constant 16 : index
        %parallel_loop3A_1736 = tpu.vector_load %arg10[%parallel_loop3A_1734, %parallel_loop3A_1735] {strides = array<i32>} : memref<48x224xf32, #tpu.memory_space<vmem>>, vector<16xf32>,
        %parallel_loop3A_1737 = arith.fptosi %parallel_loop3A_1736 : vector<16xf32> to vector<16xi32>
        %parallel_loop3A_1738 = tpu.vector_load_idx %arg6[%parallel_loop3A_1737, %iota3A] : memref<32x16xf32, #tpu.memory_space<vmem>>[vector<16xi32>, vector<16xi32>], vector<16xf32>,
        %parallel_loop3A_1739 = arith.index_cast %parallel_loop3A_1725 : i32 to index
        %parallel_loop3A_1740 = arith.constant 16 : index
        %parallel_loop3A_1741 = tpu.vector_load %arg14[%parallel_loop3A_1739, %parallel_loop3A_1740] {strides = array<i32>} : memref<48x224xf32, #tpu.memory_space<vmem>>, vector<16xf32>,
        tpu.vector_store %arg14[%parallel_loop3A_1739, %parallel_loop3A_1740], %parallel_loop3A_1738 {strides = array<i32>} : memref<48x224xf32, #tpu.memory_space<vmem>>, vector<16xf32>,
        %parallel_loop3A_1742 = arith.index_cast %parallel_loop3A_1725 : i32 to index
        %parallel_loop3A_1743 = arith.constant 32 : index
        %parallel_loop3A_1744 = tpu.vector_load %arg10[%parallel_loop3A_1742, %parallel_loop3A_1743] {strides = array<i32>} : memref<48x224xf32, #tpu.memory_space<vmem>>, vector<16xf32>,
        %parallel_loop3A_1745 = arith.fptosi %parallel_loop3A_1744 : vector<16xf32> to vector<16xi32>
        %parallel_loop3A_1746 = tpu.vector_load_idx %arg6[%parallel_loop3A_1745, %iota3A] : memref<32x16xf32, #tpu.memory_space<vmem>>[vector<16xi32>, vector<16xi32>], vector<16xf32>,
        %parallel_loop3A_1747 = arith.index_cast %parallel_loop3A_1725 : i32 to index
        %parallel_loop3A_1748 = arith.constant 32 : index
        %parallel_loop3A_1749 = tpu.vector_load %arg14[%parallel_loop3A_1747, %parallel_loop3A_1748] {strides = array<i32>} : memref<48x224xf32, #tpu.memory_space<vmem>>, vector<16xf32>,
        tpu.vector_store %arg14[%parallel_loop3A_1747, %parallel_loop3A_1748], %parallel_loop3A_1746 {strides = array<i32>} : memref<48x224xf32, #tpu.memory_space<vmem>>, vector<16xf32>,
        %parallel_loop3A_1750 = arith.index_cast %parallel_loop3A_1725 : i32 to index
        %parallel_loop3A_1751 = arith.constant 48 : index
        %parallel_loop3A_1752 = tpu.vector_load %arg10[%parallel_loop3A_1750, %parallel_loop3A_1751] {strides = array<i32>} : memref<48x224xf32, #tpu.memory_space<vmem>>, vector<16xf32>,
        %parallel_loop3A_1753 = arith.fptosi %parallel_loop3A_1752 : vector<16xf32> to vector<16xi32>
        %parallel_loop3A_1754 = tpu.vector_load_idx %arg6[%parallel_loop3A_1753, %iota3A] : memref<32x16xf32, #tpu.memory_space<vmem>>[vector<16xi32>, vector<16xi32>], vector<16xf32>,
        %parallel_loop3A_1755 = arith.index_cast %parallel_loop3A_1725 : i32 to index
        %parallel_loop3A_1756 = arith.constant 48 : index
        %parallel_loop3A_1757 = tpu.vector_load %arg14[%parallel_loop3A_1755, %parallel_loop3A_1756] {strides = array<i32>} : memref<48x224xf32, #tpu.memory_space<vmem>>, vector<16xf32>,
        tpu.vector_store %arg14[%parallel_loop3A_1755, %parallel_loop3A_1756], %parallel_loop3A_1754 {strides = array<i32>} : memref<48x224xf32, #tpu.memory_space<vmem>>, vector<16xf32>,
        %parallel_loop3A_1758 = arith.index_cast %parallel_loop3A_1725 : i32 to index
        %parallel_loop3A_1759 = arith.constant 64 : index
        %parallel_loop3A_1760 = tpu.vector_load %arg10[%parallel_loop3A_1758, %parallel_loop3A_1759] {strides = array<i32>} : memref<48x224xf32, #tpu.memory_space<vmem>>, vector<16xf32>,
        %parallel_loop3A_1761 = arith.fptosi %parallel_loop3A_1760 : vector<16xf32> to vector<16xi32>
        %parallel_loop3A_1762 = tpu.vector_load_idx %arg6[%parallel_loop3A_1761, %iota3A] : memref<32x16xf32, #tpu.memory_space<vmem>>[vector<16xi32>, vector<16xi32>], vector<16xf32>,
        %parallel_loop3A_1763 = arith.index_cast %parallel_loop3A_1725 : i32 to index
        %parallel_loop3A_1764 = arith.constant 64 : index
        %parallel_loop3A_1765 = tpu.vector_load %arg14[%parallel_loop3A_1763, %parallel_loop3A_1764] {strides = array<i32>} : memref<48x224xf32, #tpu.memory_space<vmem>>, vector<16xf32>,
        tpu.vector_store %arg14[%parallel_loop3A_1763, %parallel_loop3A_1764], %parallel_loop3A_1762 {strides = array<i32>} : memref<48x224xf32, #tpu.memory_space<vmem>>, vector<16xf32>,
        %parallel_loop3A_1766 = arith.index_cast %parallel_loop3A_1725 : i32 to index
        %parallel_loop3A_1767 = arith.constant 80 : index
        %parallel_loop3A_1768 = tpu.vector_load %arg10[%parallel_loop3A_1766, %parallel_loop3A_1767] {strides = array<i32>} : memref<48x224xf32, #tpu.memory_space<vmem>>, vector<16xf32>,
        %parallel_loop3A_1769 = arith.fptosi %parallel_loop3A_1768 : vector<16xf32> to vector<16xi32>
        %parallel_loop3A_1770 = tpu.vector_load_idx %arg6[%parallel_loop3A_1769, %iota3A] : memref<32x16xf32, #tpu.memory_space<vmem>>[vector<16xi32>, vector<16xi32>], vector<16xf32>,
        %parallel_loop3A_1771 = arith.index_cast %parallel_loop3A_1725 : i32 to index
        %parallel_loop3A_1772 = arith.constant 80 : index
        %parallel_loop3A_1773 = tpu.vector_load %arg14[%parallel_loop3A_1771, %parallel_loop3A_1772] {strides = array<i32>} : memref<48x224xf32, #tpu.memory_space<vmem>>, vector<16xf32>,
        tpu.vector_store %arg14[%parallel_loop3A_1771, %parallel_loop3A_1772], %parallel_loop3A_1770 {strides = array<i32>} : memref<48x224xf32, #tpu.memory_space<vmem>>, vector<16xf32>,
        %parallel_loop3A_1774 = arith.index_cast %parallel_loop3A_1725 : i32 to index
        %parallel_loop3A_1775 = arith.constant 96 : index
        %parallel_loop3A_1776 = tpu.vector_load %arg10[%parallel_loop3A_1774, %parallel_loop3A_1775] {strides = array<i32>} : memref<48x224xf32, #tpu.memory_space<vmem>>, vector<16xf32>,
        %parallel_loop3A_1777 = arith.fptosi %parallel_loop3A_1776 : vector<16xf32> to vector<16xi32>
        %parallel_loop3A_1778 = tpu.vector_load_idx %arg6[%parallel_loop3A_1777, %iota3A] : memref<32x16xf32, #tpu.memory_space<vmem>>[vector<16xi32>, vector<16xi32>], vector<16xf32>,
        %parallel_loop3A_1779 = arith.index_cast %parallel_loop3A_1725 : i32 to index
        %parallel_loop3A_1780 = arith.constant 96 : index
        %parallel_loop3A_1781 = tpu.vector_load %arg14[%parallel_loop3A_1779, %parallel_loop3A_1780] {strides = array<i32>} : memref<48x224xf32, #tpu.memory_space<vmem>>, vector<16xf32>,
        tpu.vector_store %arg14[%parallel_loop3A_1779, %parallel_loop3A_1780], %parallel_loop3A_1778 {strides = array<i32>} : memref<48x224xf32, #tpu.memory_space<vmem>>, vector<16xf32>,
        %parallel_loop3A_1782 = arith.index_cast %parallel_loop3A_1725 : i32 to index
        %parallel_loop3A_1783 = arith.constant 112 : index
        %parallel_loop3A_1784 = tpu.vector_load %arg10[%parallel_loop3A_1782, %parallel_loop3A_1783] {strides = array<i32>} : memref<48x224xf32, #tpu.memory_space<vmem>>, vector<16xf32>,
        %parallel_loop3A_1785 = arith.fptosi %parallel_loop3A_1784 : vector<16xf32> to vector<16xi32>
        %parallel_loop3A_1786 = tpu.vector_load_idx %arg6[%parallel_loop3A_1785, %iota3A] : memref<32x16xf32, #tpu.memory_space<vmem>>[vector<16xi32>, vector<16xi32>], vector<16xf32>,
        %parallel_loop3A_1787 = arith.index_cast %parallel_loop3A_1725 : i32 to index
        %parallel_loop3A_1788 = arith.constant 112 : index
        %parallel_loop3A_1789 = tpu.vector_load %arg14[%parallel_loop3A_1787, %parallel_loop3A_1788] {strides = array<i32>} : memref<48x224xf32, #tpu.memory_space<vmem>>, vector<16xf32>,
        tpu.vector_store %arg14[%parallel_loop3A_1787, %parallel_loop3A_1788], %parallel_loop3A_1786 {strides = array<i32>} : memref<48x224xf32, #tpu.memory_space<vmem>>, vector<16xf32>,
        %parallel_loop3A_1790 = arith.index_cast %parallel_loop3A_1725 : i32 to index
        %parallel_loop3A_1791 = arith.constant 128 : index
        %parallel_loop3A_1792 = tpu.vector_load %arg10[%parallel_loop3A_1790, %parallel_loop3A_1791] {strides = array<i32>} : memref<48x224xf32, #tpu.memory_space<vmem>>, vector<16xf32>,
        %parallel_loop3A_1793 = arith.fptosi %parallel_loop3A_1792 : vector<16xf32> to vector<16xi32>
        %parallel_loop3A_1794 = tpu.vector_load_idx %arg6[%parallel_loop3A_1793, %iota3A] : memref<32x16xf32, #tpu.memory_space<vmem>>[vector<16xi32>, vector<16xi32>], vector<16xf32>,
        %parallel_loop3A_1795 = arith.index_cast %parallel_loop3A_1725 : i32 to index
        %parallel_loop3A_1796 = arith.constant 128 : index
        %parallel_loop3A_1797 = tpu.vector_load %arg14[%parallel_loop3A_1795, %parallel_loop3A_1796] {strides = array<i32>} : memref<48x224xf32, #tpu.memory_space<vmem>>, vector<16xf32>,
        tpu.vector_store %arg14[%parallel_loop3A_1795, %parallel_loop3A_1796], %parallel_loop3A_1794 {strides = array<i32>} : memref<48x224xf32, #tpu.memory_space<vmem>>, vector<16xf32>,
        %parallel_loop3A_1798 = arith.index_cast %parallel_loop3A_1725 : i32 to index
        %parallel_loop3A_1799 = arith.constant 144 : index
        %parallel_loop3A_1800 = tpu.vector_load %arg10[%parallel_loop3A_1798, %parallel_loop3A_1799] {strides = array<i32>} : memref<48x224xf32, #tpu.memory_space<vmem>>, vector<16xf32>,
        %parallel_loop3A_1801 = arith.fptosi %parallel_loop3A_1800 : vector<16xf32> to vector<16xi32>
        %parallel_loop3A_1802 = tpu.vector_load_idx %arg6[%parallel_loop3A_1801, %iota3A] : memref<32x16xf32, #tpu.memory_space<vmem>>[vector<16xi32>, vector<16xi32>], vector<16xf32>,
        %parallel_loop3A_1803 = arith.index_cast %parallel_loop3A_1725 : i32 to index
        %parallel_loop3A_1804 = arith.constant 144 : index
        %parallel_loop3A_1805 = tpu.vector_load %arg14[%parallel_loop3A_1803, %parallel_loop3A_1804] {strides = array<i32>} : memref<48x224xf32, #tpu.memory_space<vmem>>, vector<16xf32>,
        tpu.vector_store %arg14[%parallel_loop3A_1803, %parallel_loop3A_1804], %parallel_loop3A_1802 {strides = array<i32>} : memref<48x224xf32, #tpu.memory_space<vmem>>, vector<16xf32>,
        %parallel_loop3A_1806 = arith.index_cast %parallel_loop3A_1725 : i32 to index
        %parallel_loop3A_1807 = arith.constant 160 : index
        %parallel_loop3A_1808 = tpu.vector_load %arg10[%parallel_loop3A_1806, %parallel_loop3A_1807] {strides = array<i32>} : memref<48x224xf32, #tpu.memory_space<vmem>>, vector<16xf32>,
        %parallel_loop3A_1809 = arith.fptosi %parallel_loop3A_1808 : vector<16xf32> to vector<16xi32>
        %parallel_loop3A_1810 = tpu.vector_load_idx %arg6[%parallel_loop3A_1809, %iota3A] : memref<32x16xf32, #tpu.memory_space<vmem>>[vector<16xi32>, vector<16xi32>], vector<16xf32>,
        %parallel_loop3A_1811 = arith.index_cast %parallel_loop3A_1725 : i32 to index
        %parallel_loop3A_1812 = arith.constant 160 : index
        %parallel_loop3A_1813 = tpu.vector_load %arg14[%parallel_loop3A_1811, %parallel_loop3A_1812] {strides = array<i32>} : memref<48x224xf32, #tpu.memory_space<vmem>>, vector<16xf32>,
        tpu.vector_store %arg14[%parallel_loop3A_1811, %parallel_loop3A_1812], %parallel_loop3A_1810 {strides = array<i32>} : memref<48x224xf32, #tpu.memory_space<vmem>>, vector<16xf32>,
        %parallel_loop3A_1814 = arith.index_cast %parallel_loop3A_1725 : i32 to index
        %parallel_loop3A_1815 = arith.constant 176 : index
        %parallel_loop3A_1816 = tpu.vector_load %arg10[%parallel_loop3A_1814, %parallel_loop3A_1815] {strides = array<i32>} : memref<48x224xf32, #tpu.memory_space<vmem>>, vector<16xf32>,
        %parallel_loop3A_1817 = arith.fptosi %parallel_loop3A_1816 : vector<16xf32> to vector<16xi32>
        %parallel_loop3A_1818 = tpu.vector_load_idx %arg6[%parallel_loop3A_1817, %iota3A] : memref<32x16xf32, #tpu.memory_space<vmem>>[vector<16xi32>, vector<16xi32>], vector<16xf32>,
        %parallel_loop3A_1819 = arith.index_cast %parallel_loop3A_1725 : i32 to index
        %parallel_loop3A_1820 = arith.constant 176 : index
        %parallel_loop3A_1821 = tpu.vector_load %arg14[%parallel_loop3A_1819, %parallel_loop3A_1820] {strides = array<i32>} : memref<48x224xf32, #tpu.memory_space<vmem>>, vector<16xf32>,
        tpu.vector_store %arg14[%parallel_loop3A_1819, %parallel_loop3A_1820], %parallel_loop3A_1818 {strides = array<i32>} : memref<48x224xf32, #tpu.memory_space<vmem>>, vector<16xf32>,
        %parallel_loop3A_1822 = arith.index_cast %parallel_loop3A_1725 : i32 to index
        %parallel_loop3A_1823 = arith.constant 192 : index
        %parallel_loop3A_1824 = tpu.vector_load %arg10[%parallel_loop3A_1822, %parallel_loop3A_1823] {strides = array<i32>} : memref<48x224xf32, #tpu.memory_space<vmem>>, vector<16xf32>,
        %parallel_loop3A_1825 = arith.fptosi %parallel_loop3A_1824 : vector<16xf32> to vector<16xi32>
        %parallel_loop3A_1826 = tpu.vector_load_idx %arg6[%parallel_loop3A_1825, %iota3A] : memref<32x16xf32, #tpu.memory_space<vmem>>[vector<16xi32>, vector<16xi32>], vector<16xf32>,
        %parallel_loop3A_1827 = arith.index_cast %parallel_loop3A_1725 : i32 to index
        %parallel_loop3A_1828 = arith.constant 192 : index
        %parallel_loop3A_1829 = tpu.vector_load %arg14[%parallel_loop3A_1827, %parallel_loop3A_1828] {strides = array<i32>} : memref<48x224xf32, #tpu.memory_space<vmem>>, vector<16xf32>,
        tpu.vector_store %arg14[%parallel_loop3A_1827, %parallel_loop3A_1828], %parallel_loop3A_1826 {strides = array<i32>} : memref<48x224xf32, #tpu.memory_space<vmem>>, vector<16xf32>,
        %parallel_loop3A_1830 = arith.index_cast %parallel_loop3A_1725 : i32 to index
        %parallel_loop3A_1831 = arith.constant 208 : index
        %parallel_loop3A_1832 = tpu.vector_load %arg10[%parallel_loop3A_1830, %parallel_loop3A_1831] {strides = array<i32>} : memref<48x224xf32, #tpu.memory_space<vmem>>, vector<16xf32>,
        %parallel_loop3A_1833 = arith.fptosi %parallel_loop3A_1832 : vector<16xf32> to vector<16xi32>
        %parallel_loop3A_1834 = tpu.vector_load_idx %arg6[%parallel_loop3A_1833, %iota3A] : memref<32x16xf32, #tpu.memory_space<vmem>>[vector<16xi32>, vector<16xi32>], vector<16xf32>,
        %parallel_loop3A_1835 = arith.index_cast %parallel_loop3A_1725 : i32 to index
        %parallel_loop3A_1836 = arith.constant 208 : index
        %parallel_loop3A_1837 = tpu.vector_load %arg14[%parallel_loop3A_1835, %parallel_loop3A_1836] {strides = array<i32>} : memref<48x224xf32, #tpu.memory_space<vmem>>, vector<16xf32>,
        tpu.vector_store %arg14[%parallel_loop3A_1835, %parallel_loop3A_1836], %parallel_loop3A_1834 {strides = array<i32>} : memref<48x224xf32, #tpu.memory_space<vmem>>, vector<16xf32>,
      } {sc.loop_unroll_factor = 3 : i64, sc.parallel_access}
      %jit3A_1237 = arith.constant 640 : i32
      %div3A_1238 = arith.divsi %add3A_1139, %jit3A_1237 : i32
      %sign3A_1239 = arith.constant 0 : i32
      %sign3A_1240 = arith.cmpi sgt, %add3A_1139, %sign3A_1239 : i32
      %sign3A_1241 = arith.extui %sign3A_1240 : i1 to i32
      %sign3A_1242 = arith.constant 0 : i32
      %sign3A_1243 = arith.cmpi slt, %add3A_1139, %sign3A_1242 : i32
      %sign3A_1244 = arith.extui %sign3A_1243 : i1 to i32
      %sign3A_1245 = arith.subi %sign3A_1241, %sign3A_1244 : i32
      %sign3A_1246 = arith.constant 0 : i32
      %sign3A_1247 = arith.cmpi sgt, %jit3A_1237, %sign3A_1246 : i32
      %sign3A_1248 = arith.extui %sign3A_1247 : i1 to i32
      %sign3A_1249 = arith.constant 0 : i32
      %sign3A_1250 = arith.cmpi slt, %jit3A_1237, %sign3A_1249 : i32
      %sign3A_1251 = arith.extui %sign3A_1250 : i1 to i32
      %sign3A_1252 = arith.subi %sign3A_1248, %sign3A_1251 : i32
      %ne3A_1253 = arith.cmpi ne, %sign3A_1245, %sign3A_1252 : i32
      %rem3A_1254 = arith.remsi %add3A_1139, %jit3A_1237 : i32
      %ne3A_1255 = arith.constant 0 : i32
      %ne3A_1256 = arith.cmpi ne, %rem3A_1254, %ne3A_1255 : i32
      %and3A_1257 = arith.andi %ne3A_1253, %ne3A_1256 : i1
      %sub3A_1258 = arith.constant 1 : i32
      %sub3A_1259 = arith.subi %div3A_1238, %sub3A_1258 : i32
      %select_n3A_1260 = arith.select %and3A_1257, %sub3A_1259, %div3A_1238 : i32
      %jit3A_1261 = arith.constant 640 : i32
      %eq3A_1262 = arith.constant 0 : i32
      %eq3A_1263 = arith.cmpi eq, %jit3A_1261, %eq3A_1262 : i32
      %jit3A_1264 = arith.constant 1 : i32
      %select_n3A_1265 = arith.select %eq3A_1263, %jit3A_1264, %jit3A_1261 : i32
      %rem3A_1266 = arith.remsi %add3A_1139, %select_n3A_1265 : i32
      %ne3A_1267 = arith.constant 0 : i32
      %ne3A_1268 = arith.cmpi ne, %rem3A_1266, %ne3A_1267 : i32
      %lt3A_1269 = arith.constant 0 : i32
      %lt3A_1270 = arith.cmpi slt, %rem3A_1266, %lt3A_1269 : i32
      %lt3A_1271 = arith.constant 0 : i32
      %lt3A_1272 = arith.cmpi slt, %select_n3A_1265, %lt3A_1271 : i32
      %ne3A_1273 = arith.xori %lt3A_1270, %lt3A_1272 : i1
      %and3A_1274 = arith.andi %ne3A_1273, %ne3A_1268 : i1
      %add3A_1275 = arith.addi %rem3A_1266, %select_n3A_1265 : i32
      %select_n3A_1276 = arith.select %and3A_1274, %add3A_1275, %rem3A_1266 : i32
      %jit3A_1277 = arith.constant 4 : i32
      %div3A_1278 = arith.divsi %select_n3A_1276, %jit3A_1277 : i32
      %sign3A_1279 = arith.constant 0 : i32
      %sign3A_1280 = arith.cmpi sgt, %select_n3A_1276, %sign3A_1279 : i32
      %sign3A_1281 = arith.extui %sign3A_1280 : i1 to i32
      %sign3A_1282 = arith.constant 0 : i32
      %sign3A_1283 = arith.cmpi slt, %select_n3A_1276, %sign3A_1282 : i32
      %sign3A_1284 = arith.extui %sign3A_1283 : i1 to i32
      %sign3A_1285 = arith.subi %sign3A_1281, %sign3A_1284 : i32
      %sign3A_1286 = arith.constant 0 : i32
      %sign3A_1287 = arith.cmpi sgt, %jit3A_1277, %sign3A_1286 : i32
      %sign3A_1288 = arith.extui %sign3A_1287 : i1 to i32
      %sign3A_1289 = arith.constant 0 : i32
      %sign3A_1290 = arith.cmpi slt, %jit3A_1277, %sign3A_1289 : i32
      %sign3A_1291 = arith.extui %sign3A_1290 : i1 to i32
      %sign3A_1292 = arith.subi %sign3A_1288, %sign3A_1291 : i32
      %ne3A_1293 = arith.cmpi ne, %sign3A_1285, %sign3A_1292 : i32
      %rem3A_1294 = arith.remsi %select_n3A_1276, %jit3A_1277 : i32
      %ne3A_1295 = arith.constant 0 : i32
      %ne3A_1296 = arith.cmpi ne, %rem3A_1294, %ne3A_1295 : i32
      %and3A_1297 = arith.andi %ne3A_1293, %ne3A_1296 : i1
      %sub3A_1298 = arith.constant 1 : i32
      %sub3A_1299 = arith.subi %div3A_1278, %sub3A_1298 : i32
      %select_n3A_1300 = arith.select %and3A_1297, %sub3A_1299, %div3A_1278 : i32
      %jit3A_1301 = arith.constant 4 : i32
      %eq3A_1302 = arith.constant 0 : i32
      %eq3A_1303 = arith.cmpi eq, %jit3A_1301, %eq3A_1302 : i32
      %jit3A_1304 = arith.constant 1 : i32
      %select_n3A_1305 = arith.select %eq3A_1303, %jit3A_1304, %jit3A_1301 : i32
      %rem3A_1306 = arith.remsi %select_n3A_1276, %select_n3A_1305 : i32
      %ne3A_1307 = arith.constant 0 : i32
      %ne3A_1308 = arith.cmpi ne, %rem3A_1306, %ne3A_1307 : i32
      %lt3A_1309 = arith.constant 0 : i32
      %lt3A_1310 = arith.cmpi slt, %rem3A_1306, %lt3A_1309 : i32
      %lt3A_1311 = arith.constant 0 : i32
      %lt3A_1312 = arith.cmpi slt, %select_n3A_1305, %lt3A_1311 : i32
      %ne3A_1313 = arith.xori %lt3A_1310, %lt3A_1312 : i1
      %and3A_1314 = arith.andi %ne3A_1313, %ne3A_1308 : i1
      %add3A_1315 = arith.addi %rem3A_1306, %select_n3A_1305 : i32
      %select_n3A_1316 = arith.select %and3A_1314, %add3A_1315, %rem3A_1306 : i32
      %mul3A_1317 = arith.constant 48 : i32
      %mul3A_1318 = arith.muli %select_n3A_1316, %mul3A_1317 : i32
      %dma_start3A_1319 = arith.constant 0 : i32
      %dma_start3A_1320 = arith.constant 0 : i32
      %dma_start3A_1321 = tpu.memref_slice %arg5[%select_n3A_1260, %dma_start3A_1319, %select_n3A_1300, %mul3A_1318, %dma_start3A_1320] : memref<2x1x160x192x224xf32, #tpu.memory_space<hbm>> -> memref<1x1x1x48x224xf32, #tpu.memory_space<hbm>>
      %dma_start3A_1322 = tpu.memref_squeeze %dma_start3A_1321 : memref<1x1x1x48x224xf32, #tpu.memory_space<hbm>> -> memref<48x224xf32, #tpu.memory_space<hbm>>
      %dma_start3A_1323 = arith.constant 0 : i32
      %dma_start3A_1324 = tpu.memref_slice %arg5[%select_n3A_1260, %dma_start3A_1319, %select_n3A_1300, %mul3A_1318, %dma_start3A_1323] : memref<2x1x160x192x224xf32, #tpu.memory_space<hbm>> -> memref<1x1x1x48x224xf32, #tpu.memory_space<hbm>>
      %dma_start3A_1325 = tpu.memref_squeeze %dma_start3A_1324 : memref<1x1x1x48x224xf32, #tpu.memory_space<hbm>> -> memref<48x224xf32, #tpu.memory_space<hbm>>
      tpu.enqueue_dma source(%arg14 : memref<48x224xf32, #tpu.memory_space<vmem>>) target(%dma_start3A_1325 : memref<48x224xf32, #tpu.memory_space<hbm>>) target_semaphore(%arg22 : memref<!tpu.dma_semaphore, #tpu.memory_space<semaphore_mem>>)
      %add3A_1326 = arith.constant 4 : i32
      %add3A_1327 = arith.addi %add3A_1138, %add3A_1326 : i32
      %lt3A_1328 = arith.constant 40 : i32
      %lt3A_1329 = arith.cmpi slt, %add3A_1327, %lt3A_1328 : i32
      %convert_element_type3A_1330 = arith.extui %lt3A_1329 : i1 to i32
      %cond3A_1331 = arith.constant 0 : i32
      %cond3A_1332 = arith.cmpi ne, %convert_element_type3A_1330, %cond3A_1331 : i32
      scf.if %cond3A_1332 {
        %add3A_1725 = arith.constant 4 : i32
        %add3A_1726 = arith.addi %add3A_1139, %add3A_1725 : i32
        %jit3A_1727 = arith.constant 640 : i32
        %div3A_1728 = arith.divsi %add3A_1726, %jit3A_1727 : i32
        %sign3A_1729 = arith.constant 0 : i32
        %sign3A_1730 = arith.cmpi sgt, %add3A_1726, %sign3A_1729 : i32
        %sign3A_1731 = arith.extui %sign3A_1730 : i1 to i32
        %sign3A_1732 = arith.constant 0 : i32
        %sign3A_1733 = arith.cmpi slt, %add3A_1726, %sign3A_1732 : i32
        %sign3A_1734 = arith.extui %sign3A_1733 : i1 to i32
        %sign3A_1735 = arith.subi %sign3A_1731, %sign3A_1734 : i32
        %sign3A_1736 = arith.constant 0 : i32
        %sign3A_1737 = arith.cmpi sgt, %jit3A_1727, %sign3A_1736 : i32
        %sign3A_1738 = arith.extui %sign3A_1737 : i1 to i32
        %sign3A_1739 = arith.constant 0 : i32
        %sign3A_1740 = arith.cmpi slt, %jit3A_1727, %sign3A_1739 : i32
        %sign3A_1741 = arith.extui %sign3A_1740 : i1 to i32
        %sign3A_1742 = arith.subi %sign3A_1738, %sign3A_1741 : i32
        %ne3A_1743 = arith.cmpi ne, %sign3A_1735, %sign3A_1742 : i32
        %rem3A_1744 = arith.remsi %add3A_1726, %jit3A_1727 : i32
        %ne3A_1745 = arith.constant 0 : i32
        %ne3A_1746 = arith.cmpi ne, %rem3A_1744, %ne3A_1745 : i32
        %and3A_1747 = arith.andi %ne3A_1743, %ne3A_1746 : i1
        %sub3A_1748 = arith.constant 1 : i32
        %sub3A_1749 = arith.subi %div3A_1728, %sub3A_1748 : i32
        %select_n3A_1750 = arith.select %and3A_1747, %sub3A_1749, %div3A_1728 : i32
        %jit3A_1751 = arith.constant 640 : i32
        %eq3A_1752 = arith.constant 0 : i32
        %eq3A_1753 = arith.cmpi eq, %jit3A_1751, %eq3A_1752 : i32
        %jit3A_1754 = arith.constant 1 : i32
        %select_n3A_1755 = arith.select %eq3A_1753, %jit3A_1754, %jit3A_1751 : i32
        %rem3A_1756 = arith.remsi %add3A_1726, %select_n3A_1755 : i32
        %ne3A_1757 = arith.constant 0 : i32
        %ne3A_1758 = arith.cmpi ne, %rem3A_1756, %ne3A_1757 : i32
        %lt3A_1759 = arith.constant 0 : i32
        %lt3A_1760 = arith.cmpi slt, %rem3A_1756, %lt3A_1759 : i32
        %lt3A_1761 = arith.constant 0 : i32
        %lt3A_1762 = arith.cmpi slt, %select_n3A_1755, %lt3A_1761 : i32
        %ne3A_1763 = arith.xori %lt3A_1760, %lt3A_1762 : i1
        %and3A_1764 = arith.andi %ne3A_1763, %ne3A_1758 : i1
        %add3A_1765 = arith.addi %rem3A_1756, %select_n3A_1755 : i32
        %select_n3A_1766 = arith.select %and3A_1764, %add3A_1765, %rem3A_1756 : i32
        %jit3A_1767 = arith.constant 4 : i32
        %div3A_1768 = arith.divsi %select_n3A_1766, %jit3A_1767 : i32
        %sign3A_1769 = arith.constant 0 : i32
        %sign3A_1770 = arith.cmpi sgt, %select_n3A_1766, %sign3A_1769 : i32
        %sign3A_1771 = arith.extui %sign3A_1770 : i1 to i32
        %sign3A_1772 = arith.constant 0 : i32
        %sign3A_1773 = arith.cmpi slt, %select_n3A_1766, %sign3A_1772 : i32
        %sign3A_1774 = arith.extui %sign3A_1773 : i1 to i32
        %sign3A_1775 = arith.subi %sign3A_1771, %sign3A_1774 : i32
        %sign3A_1776 = arith.constant 0 : i32
        %sign3A_1777 = arith.cmpi sgt, %jit3A_1767, %sign3A_1776 : i32
        %sign3A_1778 = arith.extui %sign3A_1777 : i1 to i32
        %sign3A_1779 = arith.constant 0 : i32
        %sign3A_1780 = arith.cmpi slt, %jit3A_1767, %sign3A_1779 : i32
        %sign3A_1781 = arith.extui %sign3A_1780 : i1 to i32
        %sign3A_1782 = arith.subi %sign3A_1778, %sign3A_1781 : i32
        %ne3A_1783 = arith.cmpi ne, %sign3A_1775, %sign3A_1782 : i32
        %rem3A_1784 = arith.remsi %select_n3A_1766, %jit3A_1767 : i32
        %ne3A_1785 = arith.constant 0 : i32
        %ne3A_1786 = arith.cmpi ne, %rem3A_1784, %ne3A_1785 : i32
        %and3A_1787 = arith.andi %ne3A_1783, %ne3A_1786 : i1
        %sub3A_1788 = arith.constant 1 : i32
        %sub3A_1789 = arith.subi %div3A_1768, %sub3A_1788 : i32
        %select_n3A_1790 = arith.select %and3A_1787, %sub3A_1789, %div3A_1768 : i32
        %jit3A_1791 = arith.constant 4 : i32
        %eq3A_1792 = arith.constant 0 : i32
        %eq3A_1793 = arith.cmpi eq, %jit3A_1791, %eq3A_1792 : i32
        %jit3A_1794 = arith.constant 1 : i32
        %select_n3A_1795 = arith.select %eq3A_1793, %jit3A_1794, %jit3A_1791 : i32
        %rem3A_1796 = arith.remsi %select_n3A_1766, %select_n3A_1795 : i32
        %ne3A_1797 = arith.constant 0 : i32
        %ne3A_1798 = arith.cmpi ne, %rem3A_1796, %ne3A_1797 : i32
        %lt3A_1799 = arith.constant 0 : i32
        %lt3A_1800 = arith.cmpi slt, %rem3A_1796, %lt3A_1799 : i32
        %lt3A_1801 = arith.constant 0 : i32
        %lt3A_1802 = arith.cmpi slt, %select_n3A_1795, %lt3A_1801 : i32
        %ne3A_1803 = arith.xori %lt3A_1800, %lt3A_1802 : i1
        %and3A_1804 = arith.andi %ne3A_1803, %ne3A_1798 : i1
        %add3A_1805 = arith.addi %rem3A_1796, %select_n3A_1795 : i32
        %select_n3A_1806 = arith.select %and3A_1804, %add3A_1805, %rem3A_1796 : i32
        %mul3A_1807 = arith.constant 48 : i32
        %mul3A_1808 = arith.muli %select_n3A_1806, %mul3A_1807 : i32
        %dma_start3A_1809 = arith.constant 0 : i32
        %dma_start3A_1810 = arith.constant 0 : i32
        %dma_start3A_1811 = tpu.memref_slice %arg2[%select_n3A_1750, %dma_start3A_1809, %select_n3A_1790, %mul3A_1808, %dma_start3A_1810] : memref<2x1x160x192x224xf32, #tpu.memory_space<hbm>> -> memref<1x1x1x48x224xf32, #tpu.memory_space<hbm>>
        %dma_start3A_1812 = tpu.memref_squeeze %dma_start3A_1811 : memref<1x1x1x48x224xf32, #tpu.memory_space<hbm>> -> memref<48x224xf32, #tpu.memory_space<hbm>>
        %dma_start3A_1813 = arith.constant 0 : i32
        %dma_start3A_1814 = tpu.memref_slice %arg2[%select_n3A_1750, %dma_start3A_1809, %select_n3A_1790, %mul3A_1808, %dma_start3A_1813] : memref<2x1x160x192x224xf32, #tpu.memory_space<hbm>> -> memref<1x1x1x48x224xf32, #tpu.memory_space<hbm>>
        %dma_start3A_1815 = tpu.memref_squeeze %dma_start3A_1814 : memref<1x1x1x48x224xf32, #tpu.memory_space<hbm>> -> memref<48x224xf32, #tpu.memory_space<hbm>>
        tpu.enqueue_dma source(%dma_start3A_1815 : memref<48x224xf32, #tpu.memory_space<hbm>>) target(%arg10 : memref<48x224xf32, #tpu.memory_space<vmem>>) target_semaphore(%arg18 : memref<!tpu.dma_semaphore, #tpu.memory_space<semaphore_mem>>)
      } else {
      }
      %add3A_1333 = arith.constant 2 : i32
      %add3A_1334 = arith.addi %add3A_943, %add3A_1333 : i32
      %add3A_1335 = arith.addi %mul3A_2, %add3A_1334 : i32
      %jit3A_1336 = arith.constant 640 : i32
      %div3A_1337 = arith.divsi %add3A_1335, %jit3A_1336 : i32
      %sign3A_1338 = arith.constant 0 : i32
      %sign3A_1339 = arith.cmpi sgt, %add3A_1335, %sign3A_1338 : i32
      %sign3A_1340 = arith.extui %sign3A_1339 : i1 to i32
      %sign3A_1341 = arith.constant 0 : i32
      %sign3A_1342 = arith.cmpi slt, %add3A_1335, %sign3A_1341 : i32
      %sign3A_1343 = arith.extui %sign3A_1342 : i1 to i32
      %sign3A_1344 = arith.subi %sign3A_1340, %sign3A_1343 : i32
      %sign3A_1345 = arith.constant 0 : i32
      %sign3A_1346 = arith.cmpi sgt, %jit3A_1336, %sign3A_1345 : i32
      %sign3A_1347 = arith.extui %sign3A_1346 : i1 to i32
      %sign3A_1348 = arith.constant 0 : i32
      %sign3A_1349 = arith.cmpi slt, %jit3A_1336, %sign3A_1348 : i32
      %sign3A_1350 = arith.extui %sign3A_1349 : i1 to i32
      %sign3A_1351 = arith.subi %sign3A_1347, %sign3A_1350 : i32
      %ne3A_1352 = arith.cmpi ne, %sign3A_1344, %sign3A_1351 : i32
      %rem3A_1353 = arith.remsi %add3A_1335, %jit3A_1336 : i32
      %ne3A_1354 = arith.constant 0 : i32
      %ne3A_1355 = arith.cmpi ne, %rem3A_1353, %ne3A_1354 : i32
      %and3A_1356 = arith.andi %ne3A_1352, %ne3A_1355 : i1
      %sub3A_1357 = arith.constant 1 : i32
      %sub3A_1358 = arith.subi %div3A_1337, %sub3A_1357 : i32
      %select_n3A_1359 = arith.select %and3A_1356, %sub3A_1358, %div3A_1337 : i32
      %jit3A_1360 = arith.constant 640 : i32
      %eq3A_1361 = arith.constant 0 : i32
      %eq3A_1362 = arith.cmpi eq, %jit3A_1360, %eq3A_1361 : i32
      %jit3A_1363 = arith.constant 1 : i32
      %select_n3A_1364 = arith.select %eq3A_1362, %jit3A_1363, %jit3A_1360 : i32
      %rem3A_1365 = arith.remsi %add3A_1335, %select_n3A_1364 : i32
      %ne3A_1366 = arith.constant 0 : i32
      %ne3A_1367 = arith.cmpi ne, %rem3A_1365, %ne3A_1366 : i32
      %lt3A_1368 = arith.constant 0 : i32
      %lt3A_1369 = arith.cmpi slt, %rem3A_1365, %lt3A_1368 : i32
      %lt3A_1370 = arith.constant 0 : i32
      %lt3A_1371 = arith.cmpi slt, %select_n3A_1364, %lt3A_1370 : i32
      %ne3A_1372 = arith.xori %lt3A_1369, %lt3A_1371 : i1
      %and3A_1373 = arith.andi %ne3A_1372, %ne3A_1367 : i1
      %add3A_1374 = arith.addi %rem3A_1365, %select_n3A_1364 : i32
      %select_n3A_1375 = arith.select %and3A_1373, %add3A_1374, %rem3A_1365 : i32
      %jit3A_1376 = arith.constant 4 : i32
      %div3A_1377 = arith.divsi %select_n3A_1375, %jit3A_1376 : i32
      %sign3A_1378 = arith.constant 0 : i32
      %sign3A_1379 = arith.cmpi sgt, %select_n3A_1375, %sign3A_1378 : i32
      %sign3A_1380 = arith.extui %sign3A_1379 : i1 to i32
      %sign3A_1381 = arith.constant 0 : i32
      %sign3A_1382 = arith.cmpi slt, %select_n3A_1375, %sign3A_1381 : i32
      %sign3A_1383 = arith.extui %sign3A_1382 : i1 to i32
      %sign3A_1384 = arith.subi %sign3A_1380, %sign3A_1383 : i32
      %sign3A_1385 = arith.constant 0 : i32
      %sign3A_1386 = arith.cmpi sgt, %jit3A_1376, %sign3A_1385 : i32
      %sign3A_1387 = arith.extui %sign3A_1386 : i1 to i32
      %sign3A_1388 = arith.constant 0 : i32
      %sign3A_1389 = arith.cmpi slt, %jit3A_1376, %sign3A_1388 : i32
      %sign3A_1390 = arith.extui %sign3A_1389 : i1 to i32
      %sign3A_1391 = arith.subi %sign3A_1387, %sign3A_1390 : i32
      %ne3A_1392 = arith.cmpi ne, %sign3A_1384, %sign3A_1391 : i32
      %rem3A_1393 = arith.remsi %select_n3A_1375, %jit3A_1376 : i32
      %ne3A_1394 = arith.constant 0 : i32
      %ne3A_1395 = arith.cmpi ne, %rem3A_1393, %ne3A_1394 : i32
      %and3A_1396 = arith.andi %ne3A_1392, %ne3A_1395 : i1
      %sub3A_1397 = arith.constant 1 : i32
      %sub3A_1398 = arith.subi %div3A_1377, %sub3A_1397 : i32
      %select_n3A_1399 = arith.select %and3A_1396, %sub3A_1398, %div3A_1377 : i32
      %jit3A_1400 = arith.constant 4 : i32
      %eq3A_1401 = arith.constant 0 : i32
      %eq3A_1402 = arith.cmpi eq, %jit3A_1400, %eq3A_1401 : i32
      %jit3A_1403 = arith.constant 1 : i32
      %select_n3A_1404 = arith.select %eq3A_1402, %jit3A_1403, %jit3A_1400 : i32
      %rem3A_1405 = arith.remsi %select_n3A_1375, %select_n3A_1404 : i32
      %ne3A_1406 = arith.constant 0 : i32
      %ne3A_1407 = arith.cmpi ne, %rem3A_1405, %ne3A_1406 : i32
      %lt3A_1408 = arith.constant 0 : i32
      %lt3A_1409 = arith.cmpi slt, %rem3A_1405, %lt3A_1408 : i32
      %lt3A_1410 = arith.constant 0 : i32
      %lt3A_1411 = arith.cmpi slt, %select_n3A_1404, %lt3A_1410 : i32
      %ne3A_1412 = arith.xori %lt3A_1409, %lt3A_1411 : i1
      %and3A_1413 = arith.andi %ne3A_1412, %ne3A_1407 : i1
      %add3A_1414 = arith.addi %rem3A_1405, %select_n3A_1404 : i32
      %select_n3A_1415 = arith.select %and3A_1413, %add3A_1414, %rem3A_1405 : i32
      %mul3A_1416 = arith.constant 48 : i32
      %mul3A_1417 = arith.muli %select_n3A_1415, %mul3A_1416 : i32
      %dma_wait3A_1418 = arith.constant 0 : i32
      %dma_wait3A_1419 = arith.constant 0 : i32
      %dma_wait3A_1420 = tpu.memref_slice %arg2[%select_n3A_1359, %dma_wait3A_1418, %select_n3A_1399, %mul3A_1417, %dma_wait3A_1419] : memref<2x1x160x192x224xf32, #tpu.memory_space<hbm>> -> memref<1x1x1x48x224xf32, #tpu.memory_space<hbm>>
      %dma_wait3A_1421 = tpu.memref_squeeze %dma_wait3A_1420 : memref<1x1x1x48x224xf32, #tpu.memory_space<hbm>> -> memref<48x224xf32, #tpu.memory_space<hbm>>
      %dma_wait3A_1422 = arith.constant 0 : i32
      %dma_wait3A_1423 = tpu.memref_slice %arg2[%select_n3A_1359, %dma_wait3A_1418, %select_n3A_1399, %mul3A_1417, %dma_wait3A_1422] : memref<2x1x160x192x224xf32, #tpu.memory_space<hbm>> -> memref<1x1x1x48x224xf32, #tpu.memory_space<hbm>>
      %dma_wait3A_1424 = tpu.memref_squeeze %dma_wait3A_1423 : memref<1x1x1x48x224xf32, #tpu.memory_space<hbm>> -> memref<48x224xf32, #tpu.memory_space<hbm>>
      tpu.wait_dma2 semaphore(%arg19 : memref<!tpu.dma_semaphore, #tpu.memory_space<semaphore_mem>>) src(%dma_wait3A_1424 : memref<48x224xf32, #tpu.memory_space<hbm>>) dst(%arg11 : memref<48x224xf32, #tpu.memory_space<vmem>>)
      %ge3A_1425 = arith.constant 4 : i32
      %ge3A_1426 = arith.cmpi sge, %add3A_1334, %ge3A_1425 : i32
      %convert_element_type3A_1427 = arith.extui %ge3A_1426 : i1 to i32
      %cond3A_1428 = arith.constant 0 : i32
      %cond3A_1429 = arith.cmpi ne, %convert_element_type3A_1427, %cond3A_1428 : i32
      scf.if %cond3A_1429 {
        %jit3A_1725 = arith.constant 640 : i32
        %div3A_1726 = arith.divsi %add3A_1335, %jit3A_1725 : i32
        %sign3A_1727 = arith.constant 0 : i32
        %sign3A_1728 = arith.cmpi sgt, %add3A_1335, %sign3A_1727 : i32
        %sign3A_1729 = arith.extui %sign3A_1728 : i1 to i32
        %sign3A_1730 = arith.constant 0 : i32
        %sign3A_1731 = arith.cmpi slt, %add3A_1335, %sign3A_1730 : i32
        %sign3A_1732 = arith.extui %sign3A_1731 : i1 to i32
        %sign3A_1733 = arith.subi %sign3A_1729, %sign3A_1732 : i32
        %sign3A_1734 = arith.constant 0 : i32
        %sign3A_1735 = arith.cmpi sgt, %jit3A_1725, %sign3A_1734 : i32
        %sign3A_1736 = arith.extui %sign3A_1735 : i1 to i32
        %sign3A_1737 = arith.constant 0 : i32
        %sign3A_1738 = arith.cmpi slt, %jit3A_1725, %sign3A_1737 : i32
        %sign3A_1739 = arith.extui %sign3A_1738 : i1 to i32
        %sign3A_1740 = arith.subi %sign3A_1736, %sign3A_1739 : i32
        %ne3A_1741 = arith.cmpi ne, %sign3A_1733, %sign3A_1740 : i32
        %rem3A_1742 = arith.remsi %add3A_1335, %jit3A_1725 : i32
        %ne3A_1743 = arith.constant 0 : i32
        %ne3A_1744 = arith.cmpi ne, %rem3A_1742, %ne3A_1743 : i32
        %and3A_1745 = arith.andi %ne3A_1741, %ne3A_1744 : i1
        %sub3A_1746 = arith.constant 1 : i32
        %sub3A_1747 = arith.subi %div3A_1726, %sub3A_1746 : i32
        %select_n3A_1748 = arith.select %and3A_1745, %sub3A_1747, %div3A_1726 : i32
        %jit3A_1749 = arith.constant 640 : i32
        %eq3A_1750 = arith.constant 0 : i32
        %eq3A_1751 = arith.cmpi eq, %jit3A_1749, %eq3A_1750 : i32
        %jit3A_1752 = arith.constant 1 : i32
        %select_n3A_1753 = arith.select %eq3A_1751, %jit3A_1752, %jit3A_1749 : i32
        %rem3A_1754 = arith.remsi %add3A_1335, %select_n3A_1753 : i32
        %ne3A_1755 = arith.constant 0 : i32
        %ne3A_1756 = arith.cmpi ne, %rem3A_1754, %ne3A_1755 : i32
        %lt3A_1757 = arith.constant 0 : i32
        %lt3A_1758 = arith.cmpi slt, %rem3A_1754, %lt3A_1757 : i32
        %lt3A_1759 = arith.constant 0 : i32
        %lt3A_1760 = arith.cmpi slt, %select_n3A_1753, %lt3A_1759 : i32
        %ne3A_1761 = arith.xori %lt3A_1758, %lt3A_1760 : i1
        %and3A_1762 = arith.andi %ne3A_1761, %ne3A_1756 : i1
        %add3A_1763 = arith.addi %rem3A_1754, %select_n3A_1753 : i32
        %select_n3A_1764 = arith.select %and3A_1762, %add3A_1763, %rem3A_1754 : i32
        %jit3A_1765 = arith.constant 4 : i32
        %div3A_1766 = arith.divsi %select_n3A_1764, %jit3A_1765 : i32
        %sign3A_1767 = arith.constant 0 : i32
        %sign3A_1768 = arith.cmpi sgt, %select_n3A_1764, %sign3A_1767 : i32
        %sign3A_1769 = arith.extui %sign3A_1768 : i1 to i32
        %sign3A_1770 = arith.constant 0 : i32
        %sign3A_1771 = arith.cmpi slt, %select_n3A_1764, %sign3A_1770 : i32
        %sign3A_1772 = arith.extui %sign3A_1771 : i1 to i32
        %sign3A_1773 = arith.subi %sign3A_1769, %sign3A_1772 : i32
        %sign3A_1774 = arith.constant 0 : i32
        %sign3A_1775 = arith.cmpi sgt, %jit3A_1765, %sign3A_1774 : i32
        %sign3A_1776 = arith.extui %sign3A_1775 : i1 to i32
        %sign3A_1777 = arith.constant 0 : i32
        %sign3A_1778 = arith.cmpi slt, %jit3A_1765, %sign3A_1777 : i32
        %sign3A_1779 = arith.extui %sign3A_1778 : i1 to i32
        %sign3A_1780 = arith.subi %sign3A_1776, %sign3A_1779 : i32
        %ne3A_1781 = arith.cmpi ne, %sign3A_1773, %sign3A_1780 : i32
        %rem3A_1782 = arith.remsi %select_n3A_1764, %jit3A_1765 : i32
        %ne3A_1783 = arith.constant 0 : i32
        %ne3A_1784 = arith.cmpi ne, %rem3A_1782, %ne3A_1783 : i32
        %and3A_1785 = arith.andi %ne3A_1781, %ne3A_1784 : i1
        %sub3A_1786 = arith.constant 1 : i32
        %sub3A_1787 = arith.subi %div3A_1766, %sub3A_1786 : i32
        %select_n3A_1788 = arith.select %and3A_1785, %sub3A_1787, %div3A_1766 : i32
        %jit3A_1789 = arith.constant 4 : i32
        %eq3A_1790 = arith.constant 0 : i32
        %eq3A_1791 = arith.cmpi eq, %jit3A_1789, %eq3A_1790 : i32
        %jit3A_1792 = arith.constant 1 : i32
        %select_n3A_1793 = arith.select %eq3A_1791, %jit3A_1792, %jit3A_1789 : i32
        %rem3A_1794 = arith.remsi %select_n3A_1764, %select_n3A_1793 : i32
        %ne3A_1795 = arith.constant 0 : i32
        %ne3A_1796 = arith.cmpi ne, %rem3A_1794, %ne3A_1795 : i32
        %lt3A_1797 = arith.constant 0 : i32
        %lt3A_1798 = arith.cmpi slt, %rem3A_1794, %lt3A_1797 : i32
        %lt3A_1799 = arith.constant 0 : i32
        %lt3A_1800 = arith.cmpi slt, %select_n3A_1793, %lt3A_1799 : i32
        %ne3A_1801 = arith.xori %lt3A_1798, %lt3A_1800 : i1
        %and3A_1802 = arith.andi %ne3A_1801, %ne3A_1796 : i1
        %add3A_1803 = arith.addi %rem3A_1794, %select_n3A_1793 : i32
        %select_n3A_1804 = arith.select %and3A_1802, %add3A_1803, %rem3A_1794 : i32
        %mul3A_1805 = arith.constant 48 : i32
        %mul3A_1806 = arith.muli %select_n3A_1804, %mul3A_1805 : i32
        %dma_wait3A_1807 = arith.constant 0 : i32
        %dma_wait3A_1808 = arith.constant 0 : i32
        %dma_wait3A_1809 = tpu.memref_slice %arg5[%select_n3A_1748, %dma_wait3A_1807, %select_n3A_1788, %mul3A_1806, %dma_wait3A_1808] : memref<2x1x160x192x224xf32, #tpu.memory_space<hbm>> -> memref<1x1x1x48x224xf32, #tpu.memory_space<hbm>>
        %dma_wait3A_1810 = tpu.memref_squeeze %dma_wait3A_1809 : memref<1x1x1x48x224xf32, #tpu.memory_space<hbm>> -> memref<48x224xf32, #tpu.memory_space<hbm>>
        %dma_wait3A_1811 = arith.constant 0 : i32
        %dma_wait3A_1812 = tpu.memref_slice %arg5[%select_n3A_1748, %dma_wait3A_1807, %select_n3A_1788, %mul3A_1806, %dma_wait3A_1811] : memref<2x1x160x192x224xf32, #tpu.memory_space<hbm>> -> memref<1x1x1x48x224xf32, #tpu.memory_space<hbm>>
        %dma_wait3A_1813 = tpu.memref_squeeze %dma_wait3A_1812 : memref<1x1x1x48x224xf32, #tpu.memory_space<hbm>> -> memref<48x224xf32, #tpu.memory_space<hbm>>
        tpu.wait_dma2 semaphore(%arg23 : memref<!tpu.dma_semaphore, #tpu.memory_space<semaphore_mem>>) src(%arg15 : memref<48x224xf32, #tpu.memory_space<vmem>>) dst(%dma_wait3A_1813 : memref<48x224xf32, #tpu.memory_space<hbm>>)
      } else {
      }
      %parallel_loop3A_1430 = arith.constant 0 : i32
      %parallel_loop3A_1431 = arith.constant 48 : i32
      %parallel_loop3A_1432 = arith.constant 1 : i32
      scf.for %parallel_loop3A_1725 = %parallel_loop3A_1430 to %parallel_loop3A_1431 step %parallel_loop3A_1432  : i32 {
        %parallel_loop3A_1726 = arith.index_cast %parallel_loop3A_1725 : i32 to index
        %parallel_loop3A_1727 = arith.constant 0 : index
        %parallel_loop3A_1728 = tpu.vector_load %arg11[%parallel_loop3A_1726, %parallel_loop3A_1727] {strides = array<i32>} : memref<48x224xf32, #tpu.memory_space<vmem>>, vector<16xf32>,
        %parallel_loop3A_1729 = arith.fptosi %parallel_loop3A_1728 : vector<16xf32> to vector<16xi32>
        %parallel_loop3A_1730 = tpu.vector_load_idx %arg6[%parallel_loop3A_1729, %iota3A] : memref<32x16xf32, #tpu.memory_space<vmem>>[vector<16xi32>, vector<16xi32>], vector<16xf32>,
        %parallel_loop3A_1731 = arith.index_cast %parallel_loop3A_1725 : i32 to index
        %parallel_loop3A_1732 = arith.constant 0 : index
        %parallel_loop3A_1733 = tpu.vector_load %arg15[%parallel_loop3A_1731, %parallel_loop3A_1732] {strides = array<i32>} : memref<48x224xf32, #tpu.memory_space<vmem>>, vector<16xf32>,
        tpu.vector_store %arg15[%parallel_loop3A_1731, %parallel_loop3A_1732], %parallel_loop3A_1730 {strides = array<i32>} : memref<48x224xf32, #tpu.memory_space<vmem>>, vector<16xf32>,
        %parallel_loop3A_1734 = arith.index_cast %parallel_loop3A_1725 : i32 to index
        %parallel_loop3A_1735 = arith.constant 16 : index
        %parallel_loop3A_1736 = tpu.vector_load %arg11[%parallel_loop3A_1734, %parallel_loop3A_1735] {strides = array<i32>} : memref<48x224xf32, #tpu.memory_space<vmem>>, vector<16xf32>,
        %parallel_loop3A_1737 = arith.fptosi %parallel_loop3A_1736 : vector<16xf32> to vector<16xi32>
        %parallel_loop3A_1738 = tpu.vector_load_idx %arg6[%parallel_loop3A_1737, %iota3A] : memref<32x16xf32, #tpu.memory_space<vmem>>[vector<16xi32>, vector<16xi32>], vector<16xf32>,
        %parallel_loop3A_1739 = arith.index_cast %parallel_loop3A_1725 : i32 to index
        %parallel_loop3A_1740 = arith.constant 16 : index
        %parallel_loop3A_1741 = tpu.vector_load %arg15[%parallel_loop3A_1739, %parallel_loop3A_1740] {strides = array<i32>} : memref<48x224xf32, #tpu.memory_space<vmem>>, vector<16xf32>,
        tpu.vector_store %arg15[%parallel_loop3A_1739, %parallel_loop3A_1740], %parallel_loop3A_1738 {strides = array<i32>} : memref<48x224xf32, #tpu.memory_space<vmem>>, vector<16xf32>,
        %parallel_loop3A_1742 = arith.index_cast %parallel_loop3A_1725 : i32 to index
        %parallel_loop3A_1743 = arith.constant 32 : index
        %parallel_loop3A_1744 = tpu.vector_load %arg11[%parallel_loop3A_1742, %parallel_loop3A_1743] {strides = array<i32>} : memref<48x224xf32, #tpu.memory_space<vmem>>, vector<16xf32>,
        %parallel_loop3A_1745 = arith.fptosi %parallel_loop3A_1744 : vector<16xf32> to vector<16xi32>
        %parallel_loop3A_1746 = tpu.vector_load_idx %arg6[%parallel_loop3A_1745, %iota3A] : memref<32x16xf32, #tpu.memory_space<vmem>>[vector<16xi32>, vector<16xi32>], vector<16xf32>,
        %parallel_loop3A_1747 = arith.index_cast %parallel_loop3A_1725 : i32 to index
        %parallel_loop3A_1748 = arith.constant 32 : index
        %parallel_loop3A_1749 = tpu.vector_load %arg15[%parallel_loop3A_1747, %parallel_loop3A_1748] {strides = array<i32>} : memref<48x224xf32, #tpu.memory_space<vmem>>, vector<16xf32>,
        tpu.vector_store %arg15[%parallel_loop3A_1747, %parallel_loop3A_1748], %parallel_loop3A_1746 {strides = array<i32>} : memref<48x224xf32, #tpu.memory_space<vmem>>, vector<16xf32>,
        %parallel_loop3A_1750 = arith.index_cast %parallel_loop3A_1725 : i32 to index
        %parallel_loop3A_1751 = arith.constant 48 : index
        %parallel_loop3A_1752 = tpu.vector_load %arg11[%parallel_loop3A_1750, %parallel_loop3A_1751] {strides = array<i32>} : memref<48x224xf32, #tpu.memory_space<vmem>>, vector<16xf32>,
        %parallel_loop3A_1753 = arith.fptosi %parallel_loop3A_1752 : vector<16xf32> to vector<16xi32>
        %parallel_loop3A_1754 = tpu.vector_load_idx %arg6[%parallel_loop3A_1753, %iota3A] : memref<32x16xf32, #tpu.memory_space<vmem>>[vector<16xi32>, vector<16xi32>], vector<16xf32>,
        %parallel_loop3A_1755 = arith.index_cast %parallel_loop3A_1725 : i32 to index
        %parallel_loop3A_1756 = arith.constant 48 : index
        %parallel_loop3A_1757 = tpu.vector_load %arg15[%parallel_loop3A_1755, %parallel_loop3A_1756] {strides = array<i32>} : memref<48x224xf32, #tpu.memory_space<vmem>>, vector<16xf32>,
        tpu.vector_store %arg15[%parallel_loop3A_1755, %parallel_loop3A_1756], %parallel_loop3A_1754 {strides = array<i32>} : memref<48x224xf32, #tpu.memory_space<vmem>>, vector<16xf32>,
        %parallel_loop3A_1758 = arith.index_cast %parallel_loop3A_1725 : i32 to index
        %parallel_loop3A_1759 = arith.constant 64 : index
        %parallel_loop3A_1760 = tpu.vector_load %arg11[%parallel_loop3A_1758, %parallel_loop3A_1759] {strides = array<i32>} : memref<48x224xf32, #tpu.memory_space<vmem>>, vector<16xf32>,
        %parallel_loop3A_1761 = arith.fptosi %parallel_loop3A_1760 : vector<16xf32> to vector<16xi32>
        %parallel_loop3A_1762 = tpu.vector_load_idx %arg6[%parallel_loop3A_1761, %iota3A] : memref<32x16xf32, #tpu.memory_space<vmem>>[vector<16xi32>, vector<16xi32>], vector<16xf32>,
        %parallel_loop3A_1763 = arith.index_cast %parallel_loop3A_1725 : i32 to index
        %parallel_loop3A_1764 = arith.constant 64 : index
        %parallel_loop3A_1765 = tpu.vector_load %arg15[%parallel_loop3A_1763, %parallel_loop3A_1764] {strides = array<i32>} : memref<48x224xf32, #tpu.memory_space<vmem>>, vector<16xf32>,
        tpu.vector_store %arg15[%parallel_loop3A_1763, %parallel_loop3A_1764], %parallel_loop3A_1762 {strides = array<i32>} : memref<48x224xf32, #tpu.memory_space<vmem>>, vector<16xf32>,
        %parallel_loop3A_1766 = arith.index_cast %parallel_loop3A_1725 : i32 to index
        %parallel_loop3A_1767 = arith.constant 80 : index
        %parallel_loop3A_1768 = tpu.vector_load %arg11[%parallel_loop3A_1766, %parallel_loop3A_1767] {strides = array<i32>} : memref<48x224xf32, #tpu.memory_space<vmem>>, vector<16xf32>,
        %parallel_loop3A_1769 = arith.fptosi %parallel_loop3A_1768 : vector<16xf32> to vector<16xi32>
        %parallel_loop3A_1770 = tpu.vector_load_idx %arg6[%parallel_loop3A_1769, %iota3A] : memref<32x16xf32, #tpu.memory_space<vmem>>[vector<16xi32>, vector<16xi32>], vector<16xf32>,
        %parallel_loop3A_1771 = arith.index_cast %parallel_loop3A_1725 : i32 to index
        %parallel_loop3A_1772 = arith.constant 80 : index
        %parallel_loop3A_1773 = tpu.vector_load %arg15[%parallel_loop3A_1771, %parallel_loop3A_1772] {strides = array<i32>} : memref<48x224xf32, #tpu.memory_space<vmem>>, vector<16xf32>,
        tpu.vector_store %arg15[%parallel_loop3A_1771, %parallel_loop3A_1772], %parallel_loop3A_1770 {strides = array<i32>} : memref<48x224xf32, #tpu.memory_space<vmem>>, vector<16xf32>,
        %parallel_loop3A_1774 = arith.index_cast %parallel_loop3A_1725 : i32 to index
        %parallel_loop3A_1775 = arith.constant 96 : index
        %parallel_loop3A_1776 = tpu.vector_load %arg11[%parallel_loop3A_1774, %parallel_loop3A_1775] {strides = array<i32>} : memref<48x224xf32, #tpu.memory_space<vmem>>, vector<16xf32>,
        %parallel_loop3A_1777 = arith.fptosi %parallel_loop3A_1776 : vector<16xf32> to vector<16xi32>
        %parallel_loop3A_1778 = tpu.vector_load_idx %arg6[%parallel_loop3A_1777, %iota3A] : memref<32x16xf32, #tpu.memory_space<vmem>>[vector<16xi32>, vector<16xi32>], vector<16xf32>,
        %parallel_loop3A_1779 = arith.index_cast %parallel_loop3A_1725 : i32 to index
        %parallel_loop3A_1780 = arith.constant 96 : index
        %parallel_loop3A_1781 = tpu.vector_load %arg15[%parallel_loop3A_1779, %parallel_loop3A_1780] {strides = array<i32>} : memref<48x224xf32, #tpu.memory_space<vmem>>, vector<16xf32>,
        tpu.vector_store %arg15[%parallel_loop3A_1779, %parallel_loop3A_1780], %parallel_loop3A_1778 {strides = array<i32>} : memref<48x224xf32, #tpu.memory_space<vmem>>, vector<16xf32>,
        %parallel_loop3A_1782 = arith.index_cast %parallel_loop3A_1725 : i32 to index
        %parallel_loop3A_1783 = arith.constant 112 : index
        %parallel_loop3A_1784 = tpu.vector_load %arg11[%parallel_loop3A_1782, %parallel_loop3A_1783] {strides = array<i32>} : memref<48x224xf32, #tpu.memory_space<vmem>>, vector<16xf32>,
        %parallel_loop3A_1785 = arith.fptosi %parallel_loop3A_1784 : vector<16xf32> to vector<16xi32>
        %parallel_loop3A_1786 = tpu.vector_load_idx %arg6[%parallel_loop3A_1785, %iota3A] : memref<32x16xf32, #tpu.memory_space<vmem>>[vector<16xi32>, vector<16xi32>], vector<16xf32>,
        %parallel_loop3A_1787 = arith.index_cast %parallel_loop3A_1725 : i32 to index
        %parallel_loop3A_1788 = arith.constant 112 : index
        %parallel_loop3A_1789 = tpu.vector_load %arg15[%parallel_loop3A_1787, %parallel_loop3A_1788] {strides = array<i32>} : memref<48x224xf32, #tpu.memory_space<vmem>>, vector<16xf32>,
        tpu.vector_store %arg15[%parallel_loop3A_1787, %parallel_loop3A_1788], %parallel_loop3A_1786 {strides = array<i32>} : memref<48x224xf32, #tpu.memory_space<vmem>>, vector<16xf32>,
        %parallel_loop3A_1790 = arith.index_cast %parallel_loop3A_1725 : i32 to index
        %parallel_loop3A_1791 = arith.constant 128 : index
        %parallel_loop3A_1792 = tpu.vector_load %arg11[%parallel_loop3A_1790, %parallel_loop3A_1791] {strides = array<i32>} : memref<48x224xf32, #tpu.memory_space<vmem>>, vector<16xf32>,
        %parallel_loop3A_1793 = arith.fptosi %parallel_loop3A_1792 : vector<16xf32> to vector<16xi32>
        %parallel_loop3A_1794 = tpu.vector_load_idx %arg6[%parallel_loop3A_1793, %iota3A] : memref<32x16xf32, #tpu.memory_space<vmem>>[vector<16xi32>, vector<16xi32>], vector<16xf32>,
        %parallel_loop3A_1795 = arith.index_cast %parallel_loop3A_1725 : i32 to index
        %parallel_loop3A_1796 = arith.constant 128 : index
        %parallel_loop3A_1797 = tpu.vector_load %arg15[%parallel_loop3A_1795, %parallel_loop3A_1796] {strides = array<i32>} : memref<48x224xf32, #tpu.memory_space<vmem>>, vector<16xf32>,
        tpu.vector_store %arg15[%parallel_loop3A_1795, %parallel_loop3A_1796], %parallel_loop3A_1794 {strides = array<i32>} : memref<48x224xf32, #tpu.memory_space<vmem>>, vector<16xf32>,
        %parallel_loop3A_1798 = arith.index_cast %parallel_loop3A_1725 : i32 to index
        %parallel_loop3A_1799 = arith.constant 144 : index
        %parallel_loop3A_1800 = tpu.vector_load %arg11[%parallel_loop3A_1798, %parallel_loop3A_1799] {strides = array<i32>} : memref<48x224xf32, #tpu.memory_space<vmem>>, vector<16xf32>,
        %parallel_loop3A_1801 = arith.fptosi %parallel_loop3A_1800 : vector<16xf32> to vector<16xi32>
        %parallel_loop3A_1802 = tpu.vector_load_idx %arg6[%parallel_loop3A_1801, %iota3A] : memref<32x16xf32, #tpu.memory_space<vmem>>[vector<16xi32>, vector<16xi32>], vector<16xf32>,
        %parallel_loop3A_1803 = arith.index_cast %parallel_loop3A_1725 : i32 to index
        %parallel_loop3A_1804 = arith.constant 144 : index
        %parallel_loop3A_1805 = tpu.vector_load %arg15[%parallel_loop3A_1803, %parallel_loop3A_1804] {strides = array<i32>} : memref<48x224xf32, #tpu.memory_space<vmem>>, vector<16xf32>,
        tpu.vector_store %arg15[%parallel_loop3A_1803, %parallel_loop3A_1804], %parallel_loop3A_1802 {strides = array<i32>} : memref<48x224xf32, #tpu.memory_space<vmem>>, vector<16xf32>,
        %parallel_loop3A_1806 = arith.index_cast %parallel_loop3A_1725 : i32 to index
        %parallel_loop3A_1807 = arith.constant 160 : index
        %parallel_loop3A_1808 = tpu.vector_load %arg11[%parallel_loop3A_1806, %parallel_loop3A_1807] {strides = array<i32>} : memref<48x224xf32, #tpu.memory_space<vmem>>, vector<16xf32>,
        %parallel_loop3A_1809 = arith.fptosi %parallel_loop3A_1808 : vector<16xf32> to vector<16xi32>
        %parallel_loop3A_1810 = tpu.vector_load_idx %arg6[%parallel_loop3A_1809, %iota3A] : memref<32x16xf32, #tpu.memory_space<vmem>>[vector<16xi32>, vector<16xi32>], vector<16xf32>,
        %parallel_loop3A_1811 = arith.index_cast %parallel_loop3A_1725 : i32 to index
        %parallel_loop3A_1812 = arith.constant 160 : index
        %parallel_loop3A_1813 = tpu.vector_load %arg15[%parallel_loop3A_1811, %parallel_loop3A_1812] {strides = array<i32>} : memref<48x224xf32, #tpu.memory_space<vmem>>, vector<16xf32>,
        tpu.vector_store %arg15[%parallel_loop3A_1811, %parallel_loop3A_1812], %parallel_loop3A_1810 {strides = array<i32>} : memref<48x224xf32, #tpu.memory_space<vmem>>, vector<16xf32>,
        %parallel_loop3A_1814 = arith.index_cast %parallel_loop3A_1725 : i32 to index
        %parallel_loop3A_1815 = arith.constant 176 : index
        %parallel_loop3A_1816 = tpu.vector_load %arg11[%parallel_loop3A_1814, %parallel_loop3A_1815] {strides = array<i32>} : memref<48x224xf32, #tpu.memory_space<vmem>>, vector<16xf32>,
        %parallel_loop3A_1817 = arith.fptosi %parallel_loop3A_1816 : vector<16xf32> to vector<16xi32>
        %parallel_loop3A_1818 = tpu.vector_load_idx %arg6[%parallel_loop3A_1817, %iota3A] : memref<32x16xf32, #tpu.memory_space<vmem>>[vector<16xi32>, vector<16xi32>], vector<16xf32>,
        %parallel_loop3A_1819 = arith.index_cast %parallel_loop3A_1725 : i32 to index
        %parallel_loop3A_1820 = arith.constant 176 : index
        %parallel_loop3A_1821 = tpu.vector_load %arg15[%parallel_loop3A_1819, %parallel_loop3A_1820] {strides = array<i32>} : memref<48x224xf32, #tpu.memory_space<vmem>>, vector<16xf32>,
        tpu.vector_store %arg15[%parallel_loop3A_1819, %parallel_loop3A_1820], %parallel_loop3A_1818 {strides = array<i32>} : memref<48x224xf32, #tpu.memory_space<vmem>>, vector<16xf32>,
        %parallel_loop3A_1822 = arith.index_cast %parallel_loop3A_1725 : i32 to index
        %parallel_loop3A_1823 = arith.constant 192 : index
        %parallel_loop3A_1824 = tpu.vector_load %arg11[%parallel_loop3A_1822, %parallel_loop3A_1823] {strides = array<i32>} : memref<48x224xf32, #tpu.memory_space<vmem>>, vector<16xf32>,
        %parallel_loop3A_1825 = arith.fptosi %parallel_loop3A_1824 : vector<16xf32> to vector<16xi32>
        %parallel_loop3A_1826 = tpu.vector_load_idx %arg6[%parallel_loop3A_1825, %iota3A] : memref<32x16xf32, #tpu.memory_space<vmem>>[vector<16xi32>, vector<16xi32>], vector<16xf32>,
        %parallel_loop3A_1827 = arith.index_cast %parallel_loop3A_1725 : i32 to index
        %parallel_loop3A_1828 = arith.constant 192 : index
        %parallel_loop3A_1829 = tpu.vector_load %arg15[%parallel_loop3A_1827, %parallel_loop3A_1828] {strides = array<i32>} : memref<48x224xf32, #tpu.memory_space<vmem>>, vector<16xf32>,
        tpu.vector_store %arg15[%parallel_loop3A_1827, %parallel_loop3A_1828], %parallel_loop3A_1826 {strides = array<i32>} : memref<48x224xf32, #tpu.memory_space<vmem>>, vector<16xf32>,
        %parallel_loop3A_1830 = arith.index_cast %parallel_loop3A_1725 : i32 to index
        %parallel_loop3A_1831 = arith.constant 208 : index
        %parallel_loop3A_1832 = tpu.vector_load %arg11[%parallel_loop3A_1830, %parallel_loop3A_1831] {strides = array<i32>} : memref<48x224xf32, #tpu.memory_space<vmem>>, vector<16xf32>,
        %parallel_loop3A_1833 = arith.fptosi %parallel_loop3A_1832 : vector<16xf32> to vector<16xi32>
        %parallel_loop3A_1834 = tpu.vector_load_idx %arg6[%parallel_loop3A_1833, %iota3A] : memref<32x16xf32, #tpu.memory_space<vmem>>[vector<16xi32>, vector<16xi32>], vector<16xf32>,
        %parallel_loop3A_1835 = arith.index_cast %parallel_loop3A_1725 : i32 to index
        %parallel_loop3A_1836 = arith.constant 208 : index
        %parallel_loop3A_1837 = tpu.vector_load %arg15[%parallel_loop3A_1835, %parallel_loop3A_1836] {strides = array<i32>} : memref<48x224xf32, #tpu.memory_space<vmem>>, vector<16xf32>,
        tpu.vector_store %arg15[%parallel_loop3A_1835, %parallel_loop3A_1836], %parallel_loop3A_1834 {strides = array<i32>} : memref<48x224xf32, #tpu.memory_space<vmem>>, vector<16xf32>,
      } {sc.loop_unroll_factor = 3 : i64, sc.parallel_access}
      %jit3A_1433 = arith.constant 640 : i32
      %div3A_1434 = arith.divsi %add3A_1335, %jit3A_1433 : i32
      %sign3A_1435 = arith.constant 0 : i32
      %sign3A_1436 = arith.cmpi sgt, %add3A_1335, %sign3A_1435 : i32
      %sign3A_1437 = arith.extui %sign3A_1436 : i1 to i32
      %sign3A_1438 = arith.constant 0 : i32
      %sign3A_1439 = arith.cmpi slt, %add3A_1335, %sign3A_1438 : i32
      %sign3A_1440 = arith.extui %sign3A_1439 : i1 to i32
      %sign3A_1441 = arith.subi %sign3A_1437, %sign3A_1440 : i32
      %sign3A_1442 = arith.constant 0 : i32
      %sign3A_1443 = arith.cmpi sgt, %jit3A_1433, %sign3A_1442 : i32
      %sign3A_1444 = arith.extui %sign3A_1443 : i1 to i32
      %sign3A_1445 = arith.constant 0 : i32
      %sign3A_1446 = arith.cmpi slt, %jit3A_1433, %sign3A_1445 : i32
      %sign3A_1447 = arith.extui %sign3A_1446 : i1 to i32
      %sign3A_1448 = arith.subi %sign3A_1444, %sign3A_1447 : i32
      %ne3A_1449 = arith.cmpi ne, %sign3A_1441, %sign3A_1448 : i32
      %rem3A_1450 = arith.remsi %add3A_1335, %jit3A_1433 : i32
      %ne3A_1451 = arith.constant 0 : i32
      %ne3A_1452 = arith.cmpi ne, %rem3A_1450, %ne3A_1451 : i32
      %and3A_1453 = arith.andi %ne3A_1449, %ne3A_1452 : i1
      %sub3A_1454 = arith.constant 1 : i32
      %sub3A_1455 = arith.subi %div3A_1434, %sub3A_1454 : i32
      %select_n3A_1456 = arith.select %and3A_1453, %sub3A_1455, %div3A_1434 : i32
      %jit3A_1457 = arith.constant 640 : i32
      %eq3A_1458 = arith.constant 0 : i32
      %eq3A_1459 = arith.cmpi eq, %jit3A_1457, %eq3A_1458 : i32
      %jit3A_1460 = arith.constant 1 : i32
      %select_n3A_1461 = arith.select %eq3A_1459, %jit3A_1460, %jit3A_1457 : i32
      %rem3A_1462 = arith.remsi %add3A_1335, %select_n3A_1461 : i32
      %ne3A_1463 = arith.constant 0 : i32
      %ne3A_1464 = arith.cmpi ne, %rem3A_1462, %ne3A_1463 : i32
      %lt3A_1465 = arith.constant 0 : i32
      %lt3A_1466 = arith.cmpi slt, %rem3A_1462, %lt3A_1465 : i32
      %lt3A_1467 = arith.constant 0 : i32
      %lt3A_1468 = arith.cmpi slt, %select_n3A_1461, %lt3A_1467 : i32
      %ne3A_1469 = arith.xori %lt3A_1466, %lt3A_1468 : i1
      %and3A_1470 = arith.andi %ne3A_1469, %ne3A_1464 : i1
      %add3A_1471 = arith.addi %rem3A_1462, %select_n3A_1461 : i32
      %select_n3A_1472 = arith.select %and3A_1470, %add3A_1471, %rem3A_1462 : i32
      %jit3A_1473 = arith.constant 4 : i32
      %div3A_1474 = arith.divsi %select_n3A_1472, %jit3A_1473 : i32
      %sign3A_1475 = arith.constant 0 : i32
      %sign3A_1476 = arith.cmpi sgt, %select_n3A_1472, %sign3A_1475 : i32
      %sign3A_1477 = arith.extui %sign3A_1476 : i1 to i32
      %sign3A_1478 = arith.constant 0 : i32
      %sign3A_1479 = arith.cmpi slt, %select_n3A_1472, %sign3A_1478 : i32
      %sign3A_1480 = arith.extui %sign3A_1479 : i1 to i32
      %sign3A_1481 = arith.subi %sign3A_1477, %sign3A_1480 : i32
      %sign3A_1482 = arith.constant 0 : i32
      %sign3A_1483 = arith.cmpi sgt, %jit3A_1473, %sign3A_1482 : i32
      %sign3A_1484 = arith.extui %sign3A_1483 : i1 to i32
      %sign3A_1485 = arith.constant 0 : i32
      %sign3A_1486 = arith.cmpi slt, %jit3A_1473, %sign3A_1485 : i32
      %sign3A_1487 = arith.extui %sign3A_1486 : i1 to i32
      %sign3A_1488 = arith.subi %sign3A_1484, %sign3A_1487 : i32
      %ne3A_1489 = arith.cmpi ne, %sign3A_1481, %sign3A_1488 : i32
      %rem3A_1490 = arith.remsi %select_n3A_1472, %jit3A_1473 : i32
      %ne3A_1491 = arith.constant 0 : i32
      %ne3A_1492 = arith.cmpi ne, %rem3A_1490, %ne3A_1491 : i32
      %and3A_1493 = arith.andi %ne3A_1489, %ne3A_1492 : i1
      %sub3A_1494 = arith.constant 1 : i32
      %sub3A_1495 = arith.subi %div3A_1474, %sub3A_1494 : i32
      %select_n3A_1496 = arith.select %and3A_1493, %sub3A_1495, %div3A_1474 : i32
      %jit3A_1497 = arith.constant 4 : i32
      %eq3A_1498 = arith.constant 0 : i32
      %eq3A_1499 = arith.cmpi eq, %jit3A_1497, %eq3A_1498 : i32
      %jit3A_1500 = arith.constant 1 : i32
      %select_n3A_1501 = arith.select %eq3A_1499, %jit3A_1500, %jit3A_1497 : i32
      %rem3A_1502 = arith.remsi %select_n3A_1472, %select_n3A_1501 : i32
      %ne3A_1503 = arith.constant 0 : i32
      %ne3A_1504 = arith.cmpi ne, %rem3A_1502, %ne3A_1503 : i32
      %lt3A_1505 = arith.constant 0 : i32
      %lt3A_1506 = arith.cmpi slt, %rem3A_1502, %lt3A_1505 : i32
      %lt3A_1507 = arith.constant 0 : i32
      %lt3A_1508 = arith.cmpi slt, %select_n3A_1501, %lt3A_1507 : i32
      %ne3A_1509 = arith.xori %lt3A_1506, %lt3A_1508 : i1
      %and3A_1510 = arith.andi %ne3A_1509, %ne3A_1504 : i1
      %add3A_1511 = arith.addi %rem3A_1502, %select_n3A_1501 : i32
      %select_n3A_1512 = arith.select %and3A_1510, %add3A_1511, %rem3A_1502 : i32
      %mul3A_1513 = arith.constant 48 : i32
      %mul3A_1514 = arith.muli %select_n3A_1512, %mul3A_1513 : i32
      %dma_start3A_1515 = arith.constant 0 : i32
      %dma_start3A_1516 = arith.constant 0 : i32
      %dma_start3A_1517 = tpu.memref_slice %arg5[%select_n3A_1456, %dma_start3A_1515, %select_n3A_1496, %mul3A_1514, %dma_start3A_1516] : memref<2x1x160x192x224xf32, #tpu.memory_space<hbm>> -> memref<1x1x1x48x224xf32, #tpu.memory_space<hbm>>
      %dma_start3A_1518 = tpu.memref_squeeze %dma_start3A_1517 : memref<1x1x1x48x224xf32, #tpu.memory_space<hbm>> -> memref<48x224xf32, #tpu.memory_space<hbm>>
      %dma_start3A_1519 = arith.constant 0 : i32
      %dma_start3A_1520 = tpu.memref_slice %arg5[%select_n3A_1456, %dma_start3A_1515, %select_n3A_1496, %mul3A_1514, %dma_start3A_1519] : memref<2x1x160x192x224xf32, #tpu.memory_space<hbm>> -> memref<1x1x1x48x224xf32, #tpu.memory_space<hbm>>
      %dma_start3A_1521 = tpu.memref_squeeze %dma_start3A_1520 : memref<1x1x1x48x224xf32, #tpu.memory_space<hbm>> -> memref<48x224xf32, #tpu.memory_space<hbm>>
      tpu.enqueue_dma source(%arg15 : memref<48x224xf32, #tpu.memory_space<vmem>>) target(%dma_start3A_1521 : memref<48x224xf32, #tpu.memory_space<hbm>>) target_semaphore(%arg23 : memref<!tpu.dma_semaphore, #tpu.memory_space<semaphore_mem>>)
      %add3A_1522 = arith.constant 4 : i32
      %add3A_1523 = arith.addi %add3A_1334, %add3A_1522 : i32
      %lt3A_1524 = arith.constant 40 : i32
      %lt3A_1525 = arith.cmpi slt, %add3A_1523, %lt3A_1524 : i32
      %convert_element_type3A_1526 = arith.extui %lt3A_1525 : i1 to i32
      %cond3A_1527 = arith.constant 0 : i32
      %cond3A_1528 = arith.cmpi ne, %convert_element_type3A_1526, %cond3A_1527 : i32
      scf.if %cond3A_1528 {
        %add3A_1725 = arith.constant 4 : i32
        %add3A_1726 = arith.addi %add3A_1335, %add3A_1725 : i32
        %jit3A_1727 = arith.constant 640 : i32
        %div3A_1728 = arith.divsi %add3A_1726, %jit3A_1727 : i32
        %sign3A_1729 = arith.constant 0 : i32
        %sign3A_1730 = arith.cmpi sgt, %add3A_1726, %sign3A_1729 : i32
        %sign3A_1731 = arith.extui %sign3A_1730 : i1 to i32
        %sign3A_1732 = arith.constant 0 : i32
        %sign3A_1733 = arith.cmpi slt, %add3A_1726, %sign3A_1732 : i32
        %sign3A_1734 = arith.extui %sign3A_1733 : i1 to i32
        %sign3A_1735 = arith.subi %sign3A_1731, %sign3A_1734 : i32
        %sign3A_1736 = arith.constant 0 : i32
        %sign3A_1737 = arith.cmpi sgt, %jit3A_1727, %sign3A_1736 : i32
        %sign3A_1738 = arith.extui %sign3A_1737 : i1 to i32
        %sign3A_1739 = arith.constant 0 : i32
        %sign3A_1740 = arith.cmpi slt, %jit3A_1727, %sign3A_1739 : i32
        %sign3A_1741 = arith.extui %sign3A_1740 : i1 to i32
        %sign3A_1742 = arith.subi %sign3A_1738, %sign3A_1741 : i32
        %ne3A_1743 = arith.cmpi ne, %sign3A_1735, %sign3A_1742 : i32
        %rem3A_1744 = arith.remsi %add3A_1726, %jit3A_1727 : i32
        %ne3A_1745 = arith.constant 0 : i32
        %ne3A_1746 = arith.cmpi ne, %rem3A_1744, %ne3A_1745 : i32
        %and3A_1747 = arith.andi %ne3A_1743, %ne3A_1746 : i1
        %sub3A_1748 = arith.constant 1 : i32
        %sub3A_1749 = arith.subi %div3A_1728, %sub3A_1748 : i32
        %select_n3A_1750 = arith.select %and3A_1747, %sub3A_1749, %div3A_1728 : i32
        %jit3A_1751 = arith.constant 640 : i32
        %eq3A_1752 = arith.constant 0 : i32
        %eq3A_1753 = arith.cmpi eq, %jit3A_1751, %eq3A_1752 : i32
        %jit3A_1754 = arith.constant 1 : i32
        %select_n3A_1755 = arith.select %eq3A_1753, %jit3A_1754, %jit3A_1751 : i32
        %rem3A_1756 = arith.remsi %add3A_1726, %select_n3A_1755 : i32
        %ne3A_1757 = arith.constant 0 : i32
        %ne3A_1758 = arith.cmpi ne, %rem3A_1756, %ne3A_1757 : i32
        %lt3A_1759 = arith.constant 0 : i32
        %lt3A_1760 = arith.cmpi slt, %rem3A_1756, %lt3A_1759 : i32
        %lt3A_1761 = arith.constant 0 : i32
        %lt3A_1762 = arith.cmpi slt, %select_n3A_1755, %lt3A_1761 : i32
        %ne3A_1763 = arith.xori %lt3A_1760, %lt3A_1762 : i1
        %and3A_1764 = arith.andi %ne3A_1763, %ne3A_1758 : i1
        %add3A_1765 = arith.addi %rem3A_1756, %select_n3A_1755 : i32
        %select_n3A_1766 = arith.select %and3A_1764, %add3A_1765, %rem3A_1756 : i32
        %jit3A_1767 = arith.constant 4 : i32
        %div3A_1768 = arith.divsi %select_n3A_1766, %jit3A_1767 : i32
        %sign3A_1769 = arith.constant 0 : i32
        %sign3A_1770 = arith.cmpi sgt, %select_n3A_1766, %sign3A_1769 : i32
        %sign3A_1771 = arith.extui %sign3A_1770 : i1 to i32
        %sign3A_1772 = arith.constant 0 : i32
        %sign3A_1773 = arith.cmpi slt, %select_n3A_1766, %sign3A_1772 : i32
        %sign3A_1774 = arith.extui %sign3A_1773 : i1 to i32
        %sign3A_1775 = arith.subi %sign3A_1771, %sign3A_1774 : i32
        %sign3A_1776 = arith.constant 0 : i32
        %sign3A_1777 = arith.cmpi sgt, %jit3A_1767, %sign3A_1776 : i32
        %sign3A_1778 = arith.extui %sign3A_1777 : i1 to i32
        %sign3A_1779 = arith.constant 0 : i32
        %sign3A_1780 = arith.cmpi slt, %jit3A_1767, %sign3A_1779 : i32
        %sign3A_1781 = arith.extui %sign3A_1780 : i1 to i32
        %sign3A_1782 = arith.subi %sign3A_1778, %sign3A_1781 : i32
        %ne3A_1783 = arith.cmpi ne, %sign3A_1775, %sign3A_1782 : i32
        %rem3A_1784 = arith.remsi %select_n3A_1766, %jit3A_1767 : i32
        %ne3A_1785 = arith.constant 0 : i32
        %ne3A_1786 = arith.cmpi ne, %rem3A_1784, %ne3A_1785 : i32
        %and3A_1787 = arith.andi %ne3A_1783, %ne3A_1786 : i1
        %sub3A_1788 = arith.constant 1 : i32
        %sub3A_1789 = arith.subi %div3A_1768, %sub3A_1788 : i32
        %select_n3A_1790 = arith.select %and3A_1787, %sub3A_1789, %div3A_1768 : i32
        %jit3A_1791 = arith.constant 4 : i32
        %eq3A_1792 = arith.constant 0 : i32
        %eq3A_1793 = arith.cmpi eq, %jit3A_1791, %eq3A_1792 : i32
        %jit3A_1794 = arith.constant 1 : i32
        %select_n3A_1795 = arith.select %eq3A_1793, %jit3A_1794, %jit3A_1791 : i32
        %rem3A_1796 = arith.remsi %select_n3A_1766, %select_n3A_1795 : i32
        %ne3A_1797 = arith.constant 0 : i32
        %ne3A_1798 = arith.cmpi ne, %rem3A_1796, %ne3A_1797 : i32
        %lt3A_1799 = arith.constant 0 : i32
        %lt3A_1800 = arith.cmpi slt, %rem3A_1796, %lt3A_1799 : i32
        %lt3A_1801 = arith.constant 0 : i32
        %lt3A_1802 = arith.cmpi slt, %select_n3A_1795, %lt3A_1801 : i32
        %ne3A_1803 = arith.xori %lt3A_1800, %lt3A_1802 : i1
        %and3A_1804 = arith.andi %ne3A_1803, %ne3A_1798 : i1
        %add3A_1805 = arith.addi %rem3A_1796, %select_n3A_1795 : i32
        %select_n3A_1806 = arith.select %and3A_1804, %add3A_1805, %rem3A_1796 : i32
        %mul3A_1807 = arith.constant 48 : i32
        %mul3A_1808 = arith.muli %select_n3A_1806, %mul3A_1807 : i32
        %dma_start3A_1809 = arith.constant 0 : i32
        %dma_start3A_1810 = arith.constant 0 : i32
        %dma_start3A_1811 = tpu.memref_slice %arg2[%select_n3A_1750, %dma_start3A_1809, %select_n3A_1790, %mul3A_1808, %dma_start3A_1810] : memref<2x1x160x192x224xf32, #tpu.memory_space<hbm>> -> memref<1x1x1x48x224xf32, #tpu.memory_space<hbm>>
        %dma_start3A_1812 = tpu.memref_squeeze %dma_start3A_1811 : memref<1x1x1x48x224xf32, #tpu.memory_space<hbm>> -> memref<48x224xf32, #tpu.memory_space<hbm>>
        %dma_start3A_1813 = arith.constant 0 : i32
        %dma_start3A_1814 = tpu.memref_slice %arg2[%select_n3A_1750, %dma_start3A_1809, %select_n3A_1790, %mul3A_1808, %dma_start3A_1813] : memref<2x1x160x192x224xf32, #tpu.memory_space<hbm>> -> memref<1x1x1x48x224xf32, #tpu.memory_space<hbm>>
        %dma_start3A_1815 = tpu.memref_squeeze %dma_start3A_1814 : memref<1x1x1x48x224xf32, #tpu.memory_space<hbm>> -> memref<48x224xf32, #tpu.memory_space<hbm>>
        tpu.enqueue_dma source(%dma_start3A_1815 : memref<48x224xf32, #tpu.memory_space<hbm>>) target(%arg11 : memref<48x224xf32, #tpu.memory_space<vmem>>) target_semaphore(%arg19 : memref<!tpu.dma_semaphore, #tpu.memory_space<semaphore_mem>>)
      } else {
      }
      %add3A_1529 = arith.constant 3 : i32
      %add3A_1530 = arith.addi %add3A_943, %add3A_1529 : i32
      %add3A_1531 = arith.addi %mul3A_2, %add3A_1530 : i32
      %jit3A_1532 = arith.constant 640 : i32
      %div3A_1533 = arith.divsi %add3A_1531, %jit3A_1532 : i32
      %sign3A_1534 = arith.constant 0 : i32
      %sign3A_1535 = arith.cmpi sgt, %add3A_1531, %sign3A_1534 : i32
      %sign3A_1536 = arith.extui %sign3A_1535 : i1 to i32
      %sign3A_1537 = arith.constant 0 : i32
      %sign3A_1538 = arith.cmpi slt, %add3A_1531, %sign3A_1537 : i32
      %sign3A_1539 = arith.extui %sign3A_1538 : i1 to i32
      %sign3A_1540 = arith.subi %sign3A_1536, %sign3A_1539 : i32
      %sign3A_1541 = arith.constant 0 : i32
      %sign3A_1542 = arith.cmpi sgt, %jit3A_1532, %sign3A_1541 : i32
      %sign3A_1543 = arith.extui %sign3A_1542 : i1 to i32
      %sign3A_1544 = arith.constant 0 : i32
      %sign3A_1545 = arith.cmpi slt, %jit3A_1532, %sign3A_1544 : i32
      %sign3A_1546 = arith.extui %sign3A_1545 : i1 to i32
      %sign3A_1547 = arith.subi %sign3A_1543, %sign3A_1546 : i32
      %ne3A_1548 = arith.cmpi ne, %sign3A_1540, %sign3A_1547 : i32
      %rem3A_1549 = arith.remsi %add3A_1531, %jit3A_1532 : i32
      %ne3A_1550 = arith.constant 0 : i32
      %ne3A_1551 = arith.cmpi ne, %rem3A_1549, %ne3A_1550 : i32
      %and3A_1552 = arith.andi %ne3A_1548, %ne3A_1551 : i1
      %sub3A_1553 = arith.constant 1 : i32
      %sub3A_1554 = arith.subi %div3A_1533, %sub3A_1553 : i32
      %select_n3A_1555 = arith.select %and3A_1552, %sub3A_1554, %div3A_1533 : i32
      %jit3A_1556 = arith.constant 640 : i32
      %eq3A_1557 = arith.constant 0 : i32
      %eq3A_1558 = arith.cmpi eq, %jit3A_1556, %eq3A_1557 : i32
      %jit3A_1559 = arith.constant 1 : i32
      %select_n3A_1560 = arith.select %eq3A_1558, %jit3A_1559, %jit3A_1556 : i32
      %rem3A_1561 = arith.remsi %add3A_1531, %select_n3A_1560 : i32
      %ne3A_1562 = arith.constant 0 : i32
      %ne3A_1563 = arith.cmpi ne, %rem3A_1561, %ne3A_1562 : i32
      %lt3A_1564 = arith.constant 0 : i32
      %lt3A_1565 = arith.cmpi slt, %rem3A_1561, %lt3A_1564 : i32
      %lt3A_1566 = arith.constant 0 : i32
      %lt3A_1567 = arith.cmpi slt, %select_n3A_1560, %lt3A_1566 : i32
      %ne3A_1568 = arith.xori %lt3A_1565, %lt3A_1567 : i1
      %and3A_1569 = arith.andi %ne3A_1568, %ne3A_1563 : i1
      %add3A_1570 = arith.addi %rem3A_1561, %select_n3A_1560 : i32
      %select_n3A_1571 = arith.select %and3A_1569, %add3A_1570, %rem3A_1561 : i32
      %jit3A_1572 = arith.constant 4 : i32
      %div3A_1573 = arith.divsi %select_n3A_1571, %jit3A_1572 : i32
      %sign3A_1574 = arith.constant 0 : i32
      %sign3A_1575 = arith.cmpi sgt, %select_n3A_1571, %sign3A_1574 : i32
      %sign3A_1576 = arith.extui %sign3A_1575 : i1 to i32
      %sign3A_1577 = arith.constant 0 : i32
      %sign3A_1578 = arith.cmpi slt, %select_n3A_1571, %sign3A_1577 : i32
      %sign3A_1579 = arith.extui %sign3A_1578 : i1 to i32
      %sign3A_1580 = arith.subi %sign3A_1576, %sign3A_1579 : i32
      %sign3A_1581 = arith.constant 0 : i32
      %sign3A_1582 = arith.cmpi sgt, %jit3A_1572, %sign3A_1581 : i32
      %sign3A_1583 = arith.extui %sign3A_1582 : i1 to i32
      %sign3A_1584 = arith.constant 0 : i32
      %sign3A_1585 = arith.cmpi slt, %jit3A_1572, %sign3A_1584 : i32
      %sign3A_1586 = arith.extui %sign3A_1585 : i1 to i32
      %sign3A_1587 = arith.subi %sign3A_1583, %sign3A_1586 : i32
      %ne3A_1588 = arith.cmpi ne, %sign3A_1580, %sign3A_1587 : i32
      %rem3A_1589 = arith.remsi %select_n3A_1571, %jit3A_1572 : i32
      %ne3A_1590 = arith.constant 0 : i32
      %ne3A_1591 = arith.cmpi ne, %rem3A_1589, %ne3A_1590 : i32
      %and3A_1592 = arith.andi %ne3A_1588, %ne3A_1591 : i1
      %sub3A_1593 = arith.constant 1 : i32
      %sub3A_1594 = arith.subi %div3A_1573, %sub3A_1593 : i32
      %select_n3A_1595 = arith.select %and3A_1592, %sub3A_1594, %div3A_1573 : i32
      %jit3A_1596 = arith.constant 4 : i32
      %eq3A_1597 = arith.constant 0 : i32
      %eq3A_1598 = arith.cmpi eq, %jit3A_1596, %eq3A_1597 : i32
      %jit3A_1599 = arith.constant 1 : i32
      %select_n3A_1600 = arith.select %eq3A_1598, %jit3A_1599, %jit3A_1596 : i32
      %rem3A_1601 = arith.remsi %select_n3A_1571, %select_n3A_1600 : i32
      %ne3A_1602 = arith.constant 0 : i32
      %ne3A_1603 = arith.cmpi ne, %rem3A_1601, %ne3A_1602 : i32
      %lt3A_1604 = arith.constant 0 : i32
      %lt3A_1605 = arith.cmpi slt, %rem3A_1601, %lt3A_1604 : i32
      %lt3A_1606 = arith.constant 0 : i32
      %lt3A_1607 = arith.cmpi slt, %select_n3A_1600, %lt3A_1606 : i32
      %ne3A_1608 = arith.xori %lt3A_1605, %lt3A_1607 : i1
      %and3A_1609 = arith.andi %ne3A_1608, %ne3A_1603 : i1
      %add3A_1610 = arith.addi %rem3A_1601, %select_n3A_1600 : i32
      %select_n3A_1611 = arith.select %and3A_1609, %add3A_1610, %rem3A_1601 : i32
      %mul3A_1612 = arith.constant 48 : i32
      %mul3A_1613 = arith.muli %select_n3A_1611, %mul3A_1612 : i32
      %dma_wait3A_1614 = arith.constant 0 : i32
      %dma_wait3A_1615 = arith.constant 0 : i32
      %dma_wait3A_1616 = tpu.memref_slice %arg2[%select_n3A_1555, %dma_wait3A_1614, %select_n3A_1595, %mul3A_1613, %dma_wait3A_1615] : memref<2x1x160x192x224xf32, #tpu.memory_space<hbm>> -> memref<1x1x1x48x224xf32, #tpu.memory_space<hbm>>
      %dma_wait3A_1617 = tpu.memref_squeeze %dma_wait3A_1616 : memref<1x1x1x48x224xf32, #tpu.memory_space<hbm>> -> memref<48x224xf32, #tpu.memory_space<hbm>>
      %dma_wait3A_1618 = arith.constant 0 : i32
      %dma_wait3A_1619 = tpu.memref_slice %arg2[%select_n3A_1555, %dma_wait3A_1614, %select_n3A_1595, %mul3A_1613, %dma_wait3A_1618] : memref<2x1x160x192x224xf32, #tpu.memory_space<hbm>> -> memref<1x1x1x48x224xf32, #tpu.memory_space<hbm>>
      %dma_wait3A_1620 = tpu.memref_squeeze %dma_wait3A_1619 : memref<1x1x1x48x224xf32, #tpu.memory_space<hbm>> -> memref<48x224xf32, #tpu.memory_space<hbm>>
      tpu.wait_dma2 semaphore(%arg20 : memref<!tpu.dma_semaphore, #tpu.memory_space<semaphore_mem>>) src(%dma_wait3A_1620 : memref<48x224xf32, #tpu.memory_space<hbm>>) dst(%arg12 : memref<48x224xf32, #tpu.memory_space<vmem>>)
      %ge3A_1621 = arith.constant 4 : i32
      %ge3A_1622 = arith.cmpi sge, %add3A_1530, %ge3A_1621 : i32
      %convert_element_type3A_1623 = arith.extui %ge3A_1622 : i1 to i32
      %cond3A_1624 = arith.constant 0 : i32
      %cond3A_1625 = arith.cmpi ne, %convert_element_type3A_1623, %cond3A_1624 : i32
      scf.if %cond3A_1625 {
        %jit3A_1725 = arith.constant 640 : i32
        %div3A_1726 = arith.divsi %add3A_1531, %jit3A_1725 : i32
        %sign3A_1727 = arith.constant 0 : i32
        %sign3A_1728 = arith.cmpi sgt, %add3A_1531, %sign3A_1727 : i32
        %sign3A_1729 = arith.extui %sign3A_1728 : i1 to i32
        %sign3A_1730 = arith.constant 0 : i32
        %sign3A_1731 = arith.cmpi slt, %add3A_1531, %sign3A_1730 : i32
        %sign3A_1732 = arith.extui %sign3A_1731 : i1 to i32
        %sign3A_1733 = arith.subi %sign3A_1729, %sign3A_1732 : i32
        %sign3A_1734 = arith.constant 0 : i32
        %sign3A_1735 = arith.cmpi sgt, %jit3A_1725, %sign3A_1734 : i32
        %sign3A_1736 = arith.extui %sign3A_1735 : i1 to i32
        %sign3A_1737 = arith.constant 0 : i32
        %sign3A_1738 = arith.cmpi slt, %jit3A_1725, %sign3A_1737 : i32
        %sign3A_1739 = arith.extui %sign3A_1738 : i1 to i32
        %sign3A_1740 = arith.subi %sign3A_1736, %sign3A_1739 : i32
        %ne3A_1741 = arith.cmpi ne, %sign3A_1733, %sign3A_1740 : i32
        %rem3A_1742 = arith.remsi %add3A_1531, %jit3A_1725 : i32
        %ne3A_1743 = arith.constant 0 : i32
        %ne3A_1744 = arith.cmpi ne, %rem3A_1742, %ne3A_1743 : i32
        %and3A_1745 = arith.andi %ne3A_1741, %ne3A_1744 : i1
        %sub3A_1746 = arith.constant 1 : i32
        %sub3A_1747 = arith.subi %div3A_1726, %sub3A_1746 : i32
        %select_n3A_1748 = arith.select %and3A_1745, %sub3A_1747, %div3A_1726 : i32
        %jit3A_1749 = arith.constant 640 : i32
        %eq3A_1750 = arith.constant 0 : i32
        %eq3A_1751 = arith.cmpi eq, %jit3A_1749, %eq3A_1750 : i32
        %jit3A_1752 = arith.constant 1 : i32
        %select_n3A_1753 = arith.select %eq3A_1751, %jit3A_1752, %jit3A_1749 : i32
        %rem3A_1754 = arith.remsi %add3A_1531, %select_n3A_1753 : i32
        %ne3A_1755 = arith.constant 0 : i32
        %ne3A_1756 = arith.cmpi ne, %rem3A_1754, %ne3A_1755 : i32
        %lt3A_1757 = arith.constant 0 : i32
        %lt3A_1758 = arith.cmpi slt, %rem3A_1754, %lt3A_1757 : i32
        %lt3A_1759 = arith.constant 0 : i32
        %lt3A_1760 = arith.cmpi slt, %select_n3A_1753, %lt3A_1759 : i32
        %ne3A_1761 = arith.xori %lt3A_1758, %lt3A_1760 : i1
        %and3A_1762 = arith.andi %ne3A_1761, %ne3A_1756 : i1
        %add3A_1763 = arith.addi %rem3A_1754, %select_n3A_1753 : i32
        %select_n3A_1764 = arith.select %and3A_1762, %add3A_1763, %rem3A_1754 : i32
        %jit3A_1765 = arith.constant 4 : i32
        %div3A_1766 = arith.divsi %select_n3A_1764, %jit3A_1765 : i32
        %sign3A_1767 = arith.constant 0 : i32
        %sign3A_1768 = arith.cmpi sgt, %select_n3A_1764, %sign3A_1767 : i32
        %sign3A_1769 = arith.extui %sign3A_1768 : i1 to i32
        %sign3A_1770 = arith.constant 0 : i32
        %sign3A_1771 = arith.cmpi slt, %select_n3A_1764, %sign3A_1770 : i32
        %sign3A_1772 = arith.extui %sign3A_1771 : i1 to i32
        %sign3A_1773 = arith.subi %sign3A_1769, %sign3A_1772 : i32
        %sign3A_1774 = arith.constant 0 : i32
        %sign3A_1775 = arith.cmpi sgt, %jit3A_1765, %sign3A_1774 : i32
        %sign3A_1776 = arith.extui %sign3A_1775 : i1 to i32
        %sign3A_1777 = arith.constant 0 : i32
        %sign3A_1778 = arith.cmpi slt, %jit3A_1765, %sign3A_1777 : i32
        %sign3A_1779 = arith.extui %sign3A_1778 : i1 to i32
        %sign3A_1780 = arith.subi %sign3A_1776, %sign3A_1779 : i32
        %ne3A_1781 = arith.cmpi ne, %sign3A_1773, %sign3A_1780 : i32
        %rem3A_1782 = arith.remsi %select_n3A_1764, %jit3A_1765 : i32
        %ne3A_1783 = arith.constant 0 : i32
        %ne3A_1784 = arith.cmpi ne, %rem3A_1782, %ne3A_1783 : i32
        %and3A_1785 = arith.andi %ne3A_1781, %ne3A_1784 : i1
        %sub3A_1786 = arith.constant 1 : i32
        %sub3A_1787 = arith.subi %div3A_1766, %sub3A_1786 : i32
        %select_n3A_1788 = arith.select %and3A_1785, %sub3A_1787, %div3A_1766 : i32
        %jit3A_1789 = arith.constant 4 : i32
        %eq3A_1790 = arith.constant 0 : i32
        %eq3A_1791 = arith.cmpi eq, %jit3A_1789, %eq3A_1790 : i32
        %jit3A_1792 = arith.constant 1 : i32
        %select_n3A_1793 = arith.select %eq3A_1791, %jit3A_1792, %jit3A_1789 : i32
        %rem3A_1794 = arith.remsi %select_n3A_1764, %select_n3A_1793 : i32
        %ne3A_1795 = arith.constant 0 : i32
        %ne3A_1796 = arith.cmpi ne, %rem3A_1794, %ne3A_1795 : i32
        %lt3A_1797 = arith.constant 0 : i32
        %lt3A_1798 = arith.cmpi slt, %rem3A_1794, %lt3A_1797 : i32
        %lt3A_1799 = arith.constant 0 : i32
        %lt3A_1800 = arith.cmpi slt, %select_n3A_1793, %lt3A_1799 : i32
        %ne3A_1801 = arith.xori %lt3A_1798, %lt3A_1800 : i1
        %and3A_1802 = arith.andi %ne3A_1801, %ne3A_1796 : i1
        %add3A_1803 = arith.addi %rem3A_1794, %select_n3A_1793 : i32
        %select_n3A_1804 = arith.select %and3A_1802, %add3A_1803, %rem3A_1794 : i32
        %mul3A_1805 = arith.constant 48 : i32
        %mul3A_1806 = arith.muli %select_n3A_1804, %mul3A_1805 : i32
        %dma_wait3A_1807 = arith.constant 0 : i32
        %dma_wait3A_1808 = arith.constant 0 : i32
        %dma_wait3A_1809 = tpu.memref_slice %arg5[%select_n3A_1748, %dma_wait3A_1807, %select_n3A_1788, %mul3A_1806, %dma_wait3A_1808] : memref<2x1x160x192x224xf32, #tpu.memory_space<hbm>> -> memref<1x1x1x48x224xf32, #tpu.memory_space<hbm>>
        %dma_wait3A_1810 = tpu.memref_squeeze %dma_wait3A_1809 : memref<1x1x1x48x224xf32, #tpu.memory_space<hbm>> -> memref<48x224xf32, #tpu.memory_space<hbm>>
        %dma_wait3A_1811 = arith.constant 0 : i32
        %dma_wait3A_1812 = tpu.memref_slice %arg5[%select_n3A_1748, %dma_wait3A_1807, %select_n3A_1788, %mul3A_1806, %dma_wait3A_1811] : memref<2x1x160x192x224xf32, #tpu.memory_space<hbm>> -> memref<1x1x1x48x224xf32, #tpu.memory_space<hbm>>
        %dma_wait3A_1813 = tpu.memref_squeeze %dma_wait3A_1812 : memref<1x1x1x48x224xf32, #tpu.memory_space<hbm>> -> memref<48x224xf32, #tpu.memory_space<hbm>>
        tpu.wait_dma2 semaphore(%arg24 : memref<!tpu.dma_semaphore, #tpu.memory_space<semaphore_mem>>) src(%arg16 : memref<48x224xf32, #tpu.memory_space<vmem>>) dst(%dma_wait3A_1813 : memref<48x224xf32, #tpu.memory_space<hbm>>)
      } else {
      }
      %parallel_loop3A_1626 = arith.constant 0 : i32
      %parallel_loop3A_1627 = arith.constant 48 : i32
      %parallel_loop3A_1628 = arith.constant 1 : i32
      scf.for %parallel_loop3A_1725 = %parallel_loop3A_1626 to %parallel_loop3A_1627 step %parallel_loop3A_1628  : i32 {
        %parallel_loop3A_1726 = arith.index_cast %parallel_loop3A_1725 : i32 to index
        %parallel_loop3A_1727 = arith.constant 0 : index
        %parallel_loop3A_1728 = tpu.vector_load %arg12[%parallel_loop3A_1726, %parallel_loop3A_1727] {strides = array<i32>} : memref<48x224xf32, #tpu.memory_space<vmem>>, vector<16xf32>,
        %parallel_loop3A_1729 = arith.fptosi %parallel_loop3A_1728 : vector<16xf32> to vector<16xi32>
        %parallel_loop3A_1730 = tpu.vector_load_idx %arg6[%parallel_loop3A_1729, %iota3A] : memref<32x16xf32, #tpu.memory_space<vmem>>[vector<16xi32>, vector<16xi32>], vector<16xf32>,
        %parallel_loop3A_1731 = arith.index_cast %parallel_loop3A_1725 : i32 to index
        %parallel_loop3A_1732 = arith.constant 0 : index
        %parallel_loop3A_1733 = tpu.vector_load %arg16[%parallel_loop3A_1731, %parallel_loop3A_1732] {strides = array<i32>} : memref<48x224xf32, #tpu.memory_space<vmem>>, vector<16xf32>,
        tpu.vector_store %arg16[%parallel_loop3A_1731, %parallel_loop3A_1732], %parallel_loop3A_1730 {strides = array<i32>} : memref<48x224xf32, #tpu.memory_space<vmem>>, vector<16xf32>,
        %parallel_loop3A_1734 = arith.index_cast %parallel_loop3A_1725 : i32 to index
        %parallel_loop3A_1735 = arith.constant 16 : index
        %parallel_loop3A_1736 = tpu.vector_load %arg12[%parallel_loop3A_1734, %parallel_loop3A_1735] {strides = array<i32>} : memref<48x224xf32, #tpu.memory_space<vmem>>, vector<16xf32>,
        %parallel_loop3A_1737 = arith.fptosi %parallel_loop3A_1736 : vector<16xf32> to vector<16xi32>
        %parallel_loop3A_1738 = tpu.vector_load_idx %arg6[%parallel_loop3A_1737, %iota3A] : memref<32x16xf32, #tpu.memory_space<vmem>>[vector<16xi32>, vector<16xi32>], vector<16xf32>,
        %parallel_loop3A_1739 = arith.index_cast %parallel_loop3A_1725 : i32 to index
        %parallel_loop3A_1740 = arith.constant 16 : index
        %parallel_loop3A_1741 = tpu.vector_load %arg16[%parallel_loop3A_1739, %parallel_loop3A_1740] {strides = array<i32>} : memref<48x224xf32, #tpu.memory_space<vmem>>, vector<16xf32>,
        tpu.vector_store %arg16[%parallel_loop3A_1739, %parallel_loop3A_1740], %parallel_loop3A_1738 {strides = array<i32>} : memref<48x224xf32, #tpu.memory_space<vmem>>, vector<16xf32>,
        %parallel_loop3A_1742 = arith.index_cast %parallel_loop3A_1725 : i32 to index
        %parallel_loop3A_1743 = arith.constant 32 : index
        %parallel_loop3A_1744 = tpu.vector_load %arg12[%parallel_loop3A_1742, %parallel_loop3A_1743] {strides = array<i32>} : memref<48x224xf32, #tpu.memory_space<vmem>>, vector<16xf32>,
        %parallel_loop3A_1745 = arith.fptosi %parallel_loop3A_1744 : vector<16xf32> to vector<16xi32>
        %parallel_loop3A_1746 = tpu.vector_load_idx %arg6[%parallel_loop3A_1745, %iota3A] : memref<32x16xf32, #tpu.memory_space<vmem>>[vector<16xi32>, vector<16xi32>], vector<16xf32>,
        %parallel_loop3A_1747 = arith.index_cast %parallel_loop3A_1725 : i32 to index
        %parallel_loop3A_1748 = arith.constant 32 : index
        %parallel_loop3A_1749 = tpu.vector_load %arg16[%parallel_loop3A_1747, %parallel_loop3A_1748] {strides = array<i32>} : memref<48x224xf32, #tpu.memory_space<vmem>>, vector<16xf32>,
        tpu.vector_store %arg16[%parallel_loop3A_1747, %parallel_loop3A_1748], %parallel_loop3A_1746 {strides = array<i32>} : memref<48x224xf32, #tpu.memory_space<vmem>>, vector<16xf32>,
        %parallel_loop3A_1750 = arith.index_cast %parallel_loop3A_1725 : i32 to index
        %parallel_loop3A_1751 = arith.constant 48 : index
        %parallel_loop3A_1752 = tpu.vector_load %arg12[%parallel_loop3A_1750, %parallel_loop3A_1751] {strides = array<i32>} : memref<48x224xf32, #tpu.memory_space<vmem>>, vector<16xf32>,
        %parallel_loop3A_1753 = arith.fptosi %parallel_loop3A_1752 : vector<16xf32> to vector<16xi32>
        %parallel_loop3A_1754 = tpu.vector_load_idx %arg6[%parallel_loop3A_1753, %iota3A] : memref<32x16xf32, #tpu.memory_space<vmem>>[vector<16xi32>, vector<16xi32>], vector<16xf32>,
        %parallel_loop3A_1755 = arith.index_cast %parallel_loop3A_1725 : i32 to index
        %parallel_loop3A_1756 = arith.constant 48 : index
        %parallel_loop3A_1757 = tpu.vector_load %arg16[%parallel_loop3A_1755, %parallel_loop3A_1756] {strides = array<i32>} : memref<48x224xf32, #tpu.memory_space<vmem>>, vector<16xf32>,
        tpu.vector_store %arg16[%parallel_loop3A_1755, %parallel_loop3A_1756], %parallel_loop3A_1754 {strides = array<i32>} : memref<48x224xf32, #tpu.memory_space<vmem>>, vector<16xf32>,
        %parallel_loop3A_1758 = arith.index_cast %parallel_loop3A_1725 : i32 to index
        %parallel_loop3A_1759 = arith.constant 64 : index
        %parallel_loop3A_1760 = tpu.vector_load %arg12[%parallel_loop3A_1758, %parallel_loop3A_1759] {strides = array<i32>} : memref<48x224xf32, #tpu.memory_space<vmem>>, vector<16xf32>,
        %parallel_loop3A_1761 = arith.fptosi %parallel_loop3A_1760 : vector<16xf32> to vector<16xi32>
        %parallel_loop3A_1762 = tpu.vector_load_idx %arg6[%parallel_loop3A_1761, %iota3A] : memref<32x16xf32, #tpu.memory_space<vmem>>[vector<16xi32>, vector<16xi32>], vector<16xf32>,
        %parallel_loop3A_1763 = arith.index_cast %parallel_loop3A_1725 : i32 to index
        %parallel_loop3A_1764 = arith.constant 64 : index
        %parallel_loop3A_1765 = tpu.vector_load %arg16[%parallel_loop3A_1763, %parallel_loop3A_1764] {strides = array<i32>} : memref<48x224xf32, #tpu.memory_space<vmem>>, vector<16xf32>,
        tpu.vector_store %arg16[%parallel_loop3A_1763, %parallel_loop3A_1764], %parallel_loop3A_1762 {strides = array<i32>} : memref<48x224xf32, #tpu.memory_space<vmem>>, vector<16xf32>,
        %parallel_loop3A_1766 = arith.index_cast %parallel_loop3A_1725 : i32 to index
        %parallel_loop3A_1767 = arith.constant 80 : index
        %parallel_loop3A_1768 = tpu.vector_load %arg12[%parallel_loop3A_1766, %parallel_loop3A_1767] {strides = array<i32>} : memref<48x224xf32, #tpu.memory_space<vmem>>, vector<16xf32>,
        %parallel_loop3A_1769 = arith.fptosi %parallel_loop3A_1768 : vector<16xf32> to vector<16xi32>
        %parallel_loop3A_1770 = tpu.vector_load_idx %arg6[%parallel_loop3A_1769, %iota3A] : memref<32x16xf32, #tpu.memory_space<vmem>>[vector<16xi32>, vector<16xi32>], vector<16xf32>,
        %parallel_loop3A_1771 = arith.index_cast %parallel_loop3A_1725 : i32 to index
        %parallel_loop3A_1772 = arith.constant 80 : index
        %parallel_loop3A_1773 = tpu.vector_load %arg16[%parallel_loop3A_1771, %parallel_loop3A_1772] {strides = array<i32>} : memref<48x224xf32, #tpu.memory_space<vmem>>, vector<16xf32>,
        tpu.vector_store %arg16[%parallel_loop3A_1771, %parallel_loop3A_1772], %parallel_loop3A_1770 {strides = array<i32>} : memref<48x224xf32, #tpu.memory_space<vmem>>, vector<16xf32>,
        %parallel_loop3A_1774 = arith.index_cast %parallel_loop3A_1725 : i32 to index
        %parallel_loop3A_1775 = arith.constant 96 : index
        %parallel_loop3A_1776 = tpu.vector_load %arg12[%parallel_loop3A_1774, %parallel_loop3A_1775] {strides = array<i32>} : memref<48x224xf32, #tpu.memory_space<vmem>>, vector<16xf32>,
        %parallel_loop3A_1777 = arith.fptosi %parallel_loop3A_1776 : vector<16xf32> to vector<16xi32>
        %parallel_loop3A_1778 = tpu.vector_load_idx %arg6[%parallel_loop3A_1777, %iota3A] : memref<32x16xf32, #tpu.memory_space<vmem>>[vector<16xi32>, vector<16xi32>], vector<16xf32>,
        %parallel_loop3A_1779 = arith.index_cast %parallel_loop3A_1725 : i32 to index
        %parallel_loop3A_1780 = arith.constant 96 : index
        %parallel_loop3A_1781 = tpu.vector_load %arg16[%parallel_loop3A_1779, %parallel_loop3A_1780] {strides = array<i32>} : memref<48x224xf32, #tpu.memory_space<vmem>>, vector<16xf32>,
        tpu.vector_store %arg16[%parallel_loop3A_1779, %parallel_loop3A_1780], %parallel_loop3A_1778 {strides = array<i32>} : memref<48x224xf32, #tpu.memory_space<vmem>>, vector<16xf32>,
        %parallel_loop3A_1782 = arith.index_cast %parallel_loop3A_1725 : i32 to index
        %parallel_loop3A_1783 = arith.constant 112 : index
        %parallel_loop3A_1784 = tpu.vector_load %arg12[%parallel_loop3A_1782, %parallel_loop3A_1783] {strides = array<i32>} : memref<48x224xf32, #tpu.memory_space<vmem>>, vector<16xf32>,
        %parallel_loop3A_1785 = arith.fptosi %parallel_loop3A_1784 : vector<16xf32> to vector<16xi32>
        %parallel_loop3A_1786 = tpu.vector_load_idx %arg6[%parallel_loop3A_1785, %iota3A] : memref<32x16xf32, #tpu.memory_space<vmem>>[vector<16xi32>, vector<16xi32>], vector<16xf32>,
        %parallel_loop3A_1787 = arith.index_cast %parallel_loop3A_1725 : i32 to index
        %parallel_loop3A_1788 = arith.constant 112 : index
        %parallel_loop3A_1789 = tpu.vector_load %arg16[%parallel_loop3A_1787, %parallel_loop3A_1788] {strides = array<i32>} : memref<48x224xf32, #tpu.memory_space<vmem>>, vector<16xf32>,
        tpu.vector_store %arg16[%parallel_loop3A_1787, %parallel_loop3A_1788], %parallel_loop3A_1786 {strides = array<i32>} : memref<48x224xf32, #tpu.memory_space<vmem>>, vector<16xf32>,
        %parallel_loop3A_1790 = arith.index_cast %parallel_loop3A_1725 : i32 to index
        %parallel_loop3A_1791 = arith.constant 128 : index
        %parallel_loop3A_1792 = tpu.vector_load %arg12[%parallel_loop3A_1790, %parallel_loop3A_1791] {strides = array<i32>} : memref<48x224xf32, #tpu.memory_space<vmem>>, vector<16xf32>,
        %parallel_loop3A_1793 = arith.fptosi %parallel_loop3A_1792 : vector<16xf32> to vector<16xi32>
        %parallel_loop3A_1794 = tpu.vector_load_idx %arg6[%parallel_loop3A_1793, %iota3A] : memref<32x16xf32, #tpu.memory_space<vmem>>[vector<16xi32>, vector<16xi32>], vector<16xf32>,
        %parallel_loop3A_1795 = arith.index_cast %parallel_loop3A_1725 : i32 to index
        %parallel_loop3A_1796 = arith.constant 128 : index
        %parallel_loop3A_1797 = tpu.vector_load %arg16[%parallel_loop3A_1795, %parallel_loop3A_1796] {strides = array<i32>} : memref<48x224xf32, #tpu.memory_space<vmem>>, vector<16xf32>,
        tpu.vector_store %arg16[%parallel_loop3A_1795, %parallel_loop3A_1796], %parallel_loop3A_1794 {strides = array<i32>} : memref<48x224xf32, #tpu.memory_space<vmem>>, vector<16xf32>,
        %parallel_loop3A_1798 = arith.index_cast %parallel_loop3A_1725 : i32 to index
        %parallel_loop3A_1799 = arith.constant 144 : index
        %parallel_loop3A_1800 = tpu.vector_load %arg12[%parallel_loop3A_1798, %parallel_loop3A_1799] {strides = array<i32>} : memref<48x224xf32, #tpu.memory_space<vmem>>, vector<16xf32>,
        %parallel_loop3A_1801 = arith.fptosi %parallel_loop3A_1800 : vector<16xf32> to vector<16xi32>
        %parallel_loop3A_1802 = tpu.vector_load_idx %arg6[%parallel_loop3A_1801, %iota3A] : memref<32x16xf32, #tpu.memory_space<vmem>>[vector<16xi32>, vector<16xi32>], vector<16xf32>,
        %parallel_loop3A_1803 = arith.index_cast %parallel_loop3A_1725 : i32 to index
        %parallel_loop3A_1804 = arith.constant 144 : index
        %parallel_loop3A_1805 = tpu.vector_load %arg16[%parallel_loop3A_1803, %parallel_loop3A_1804] {strides = array<i32>} : memref<48x224xf32, #tpu.memory_space<vmem>>, vector<16xf32>,
        tpu.vector_store %arg16[%parallel_loop3A_1803, %parallel_loop3A_1804], %parallel_loop3A_1802 {strides = array<i32>} : memref<48x224xf32, #tpu.memory_space<vmem>>, vector<16xf32>,
        %parallel_loop3A_1806 = arith.index_cast %parallel_loop3A_1725 : i32 to index
        %parallel_loop3A_1807 = arith.constant 160 : index
        %parallel_loop3A_1808 = tpu.vector_load %arg12[%parallel_loop3A_1806, %parallel_loop3A_1807] {strides = array<i32>} : memref<48x224xf32, #tpu.memory_space<vmem>>, vector<16xf32>,
        %parallel_loop3A_1809 = arith.fptosi %parallel_loop3A_1808 : vector<16xf32> to vector<16xi32>
        %parallel_loop3A_1810 = tpu.vector_load_idx %arg6[%parallel_loop3A_1809, %iota3A] : memref<32x16xf32, #tpu.memory_space<vmem>>[vector<16xi32>, vector<16xi32>], vector<16xf32>,
        %parallel_loop3A_1811 = arith.index_cast %parallel_loop3A_1725 : i32 to index
        %parallel_loop3A_1812 = arith.constant 160 : index
        %parallel_loop3A_1813 = tpu.vector_load %arg16[%parallel_loop3A_1811, %parallel_loop3A_1812] {strides = array<i32>} : memref<48x224xf32, #tpu.memory_space<vmem>>, vector<16xf32>,
        tpu.vector_store %arg16[%parallel_loop3A_1811, %parallel_loop3A_1812], %parallel_loop3A_1810 {strides = array<i32>} : memref<48x224xf32, #tpu.memory_space<vmem>>, vector<16xf32>,
        %parallel_loop3A_1814 = arith.index_cast %parallel_loop3A_1725 : i32 to index
        %parallel_loop3A_1815 = arith.constant 176 : index
        %parallel_loop3A_1816 = tpu.vector_load %arg12[%parallel_loop3A_1814, %parallel_loop3A_1815] {strides = array<i32>} : memref<48x224xf32, #tpu.memory_space<vmem>>, vector<16xf32>,
        %parallel_loop3A_1817 = arith.fptosi %parallel_loop3A_1816 : vector<16xf32> to vector<16xi32>
        %parallel_loop3A_1818 = tpu.vector_load_idx %arg6[%parallel_loop3A_1817, %iota3A] : memref<32x16xf32, #tpu.memory_space<vmem>>[vector<16xi32>, vector<16xi32>], vector<16xf32>,
        %parallel_loop3A_1819 = arith.index_cast %parallel_loop3A_1725 : i32 to index
        %parallel_loop3A_1820 = arith.constant 176 : index
        %parallel_loop3A_1821 = tpu.vector_load %arg16[%parallel_loop3A_1819, %parallel_loop3A_1820] {strides = array<i32>} : memref<48x224xf32, #tpu.memory_space<vmem>>, vector<16xf32>,
        tpu.vector_store %arg16[%parallel_loop3A_1819, %parallel_loop3A_1820], %parallel_loop3A_1818 {strides = array<i32>} : memref<48x224xf32, #tpu.memory_space<vmem>>, vector<16xf32>,
        %parallel_loop3A_1822 = arith.index_cast %parallel_loop3A_1725 : i32 to index
        %parallel_loop3A_1823 = arith.constant 192 : index
        %parallel_loop3A_1824 = tpu.vector_load %arg12[%parallel_loop3A_1822, %parallel_loop3A_1823] {strides = array<i32>} : memref<48x224xf32, #tpu.memory_space<vmem>>, vector<16xf32>,
        %parallel_loop3A_1825 = arith.fptosi %parallel_loop3A_1824 : vector<16xf32> to vector<16xi32>
        %parallel_loop3A_1826 = tpu.vector_load_idx %arg6[%parallel_loop3A_1825, %iota3A] : memref<32x16xf32, #tpu.memory_space<vmem>>[vector<16xi32>, vector<16xi32>], vector<16xf32>,
        %parallel_loop3A_1827 = arith.index_cast %parallel_loop3A_1725 : i32 to index
        %parallel_loop3A_1828 = arith.constant 192 : index
        %parallel_loop3A_1829 = tpu.vector_load %arg16[%parallel_loop3A_1827, %parallel_loop3A_1828] {strides = array<i32>} : memref<48x224xf32, #tpu.memory_space<vmem>>, vector<16xf32>,
        tpu.vector_store %arg16[%parallel_loop3A_1827, %parallel_loop3A_1828], %parallel_loop3A_1826 {strides = array<i32>} : memref<48x224xf32, #tpu.memory_space<vmem>>, vector<16xf32>,
        %parallel_loop3A_1830 = arith.index_cast %parallel_loop3A_1725 : i32 to index
        %parallel_loop3A_1831 = arith.constant 208 : index
        %parallel_loop3A_1832 = tpu.vector_load %arg12[%parallel_loop3A_1830, %parallel_loop3A_1831] {strides = array<i32>} : memref<48x224xf32, #tpu.memory_space<vmem>>, vector<16xf32>,
        %parallel_loop3A_1833 = arith.fptosi %parallel_loop3A_1832 : vector<16xf32> to vector<16xi32>
        %parallel_loop3A_1834 = tpu.vector_load_idx %arg6[%parallel_loop3A_1833, %iota3A] : memref<32x16xf32, #tpu.memory_space<vmem>>[vector<16xi32>, vector<16xi32>], vector<16xf32>,
        %parallel_loop3A_1835 = arith.index_cast %parallel_loop3A_1725 : i32 to index
        %parallel_loop3A_1836 = arith.constant 208 : index
        %parallel_loop3A_1837 = tpu.vector_load %arg16[%parallel_loop3A_1835, %parallel_loop3A_1836] {strides = array<i32>} : memref<48x224xf32, #tpu.memory_space<vmem>>, vector<16xf32>,
        tpu.vector_store %arg16[%parallel_loop3A_1835, %parallel_loop3A_1836], %parallel_loop3A_1834 {strides = array<i32>} : memref<48x224xf32, #tpu.memory_space<vmem>>, vector<16xf32>,
      } {sc.loop_unroll_factor = 3 : i64, sc.parallel_access}
      %jit3A_1629 = arith.constant 640 : i32
      %div3A_1630 = arith.divsi %add3A_1531, %jit3A_1629 : i32
      %sign3A_1631 = arith.constant 0 : i32
      %sign3A_1632 = arith.cmpi sgt, %add3A_1531, %sign3A_1631 : i32
      %sign3A_1633 = arith.extui %sign3A_1632 : i1 to i32
      %sign3A_1634 = arith.constant 0 : i32
      %sign3A_1635 = arith.cmpi slt, %add3A_1531, %sign3A_1634 : i32
      %sign3A_1636 = arith.extui %sign3A_1635 : i1 to i32
      %sign3A_1637 = arith.subi %sign3A_1633, %sign3A_1636 : i32
      %sign3A_1638 = arith.constant 0 : i32
      %sign3A_1639 = arith.cmpi sgt, %jit3A_1629, %sign3A_1638 : i32
      %sign3A_1640 = arith.extui %sign3A_1639 : i1 to i32
      %sign3A_1641 = arith.constant 0 : i32
      %sign3A_1642 = arith.cmpi slt, %jit3A_1629, %sign3A_1641 : i32
      %sign3A_1643 = arith.extui %sign3A_1642 : i1 to i32
      %sign3A_1644 = arith.subi %sign3A_1640, %sign3A_1643 : i32
      %ne3A_1645 = arith.cmpi ne, %sign3A_1637, %sign3A_1644 : i32
      %rem3A_1646 = arith.remsi %add3A_1531, %jit3A_1629 : i32
      %ne3A_1647 = arith.constant 0 : i32
      %ne3A_1648 = arith.cmpi ne, %rem3A_1646, %ne3A_1647 : i32
      %and3A_1649 = arith.andi %ne3A_1645, %ne3A_1648 : i1
      %sub3A_1650 = arith.constant 1 : i32
      %sub3A_1651 = arith.subi %div3A_1630, %sub3A_1650 : i32
      %select_n3A_1652 = arith.select %and3A_1649, %sub3A_1651, %div3A_1630 : i32
      %jit3A_1653 = arith.constant 640 : i32
      %eq3A_1654 = arith.constant 0 : i32
      %eq3A_1655 = arith.cmpi eq, %jit3A_1653, %eq3A_1654 : i32
      %jit3A_1656 = arith.constant 1 : i32
      %select_n3A_1657 = arith.select %eq3A_1655, %jit3A_1656, %jit3A_1653 : i32
      %rem3A_1658 = arith.remsi %add3A_1531, %select_n3A_1657 : i32
      %ne3A_1659 = arith.constant 0 : i32
      %ne3A_1660 = arith.cmpi ne, %rem3A_1658, %ne3A_1659 : i32
      %lt3A_1661 = arith.constant 0 : i32
      %lt3A_1662 = arith.cmpi slt, %rem3A_1658, %lt3A_1661 : i32
      %lt3A_1663 = arith.constant 0 : i32
      %lt3A_1664 = arith.cmpi slt, %select_n3A_1657, %lt3A_1663 : i32
      %ne3A_1665 = arith.xori %lt3A_1662, %lt3A_1664 : i1
      %and3A_1666 = arith.andi %ne3A_1665, %ne3A_1660 : i1
      %add3A_1667 = arith.addi %rem3A_1658, %select_n3A_1657 : i32
      %select_n3A_1668 = arith.select %and3A_1666, %add3A_1667, %rem3A_1658 : i32
      %jit3A_1669 = arith.constant 4 : i32
      %div3A_1670 = arith.divsi %select_n3A_1668, %jit3A_1669 : i32
      %sign3A_1671 = arith.constant 0 : i32
      %sign3A_1672 = arith.cmpi sgt, %select_n3A_1668, %sign3A_1671 : i32
      %sign3A_1673 = arith.extui %sign3A_1672 : i1 to i32
      %sign3A_1674 = arith.constant 0 : i32
      %sign3A_1675 = arith.cmpi slt, %select_n3A_1668, %sign3A_1674 : i32
      %sign3A_1676 = arith.extui %sign3A_1675 : i1 to i32
      %sign3A_1677 = arith.subi %sign3A_1673, %sign3A_1676 : i32
      %sign3A_1678 = arith.constant 0 : i32
      %sign3A_1679 = arith.cmpi sgt, %jit3A_1669, %sign3A_1678 : i32
      %sign3A_1680 = arith.extui %sign3A_1679 : i1 to i32
      %sign3A_1681 = arith.constant 0 : i32
      %sign3A_1682 = arith.cmpi slt, %jit3A_1669, %sign3A_1681 : i32
      %sign3A_1683 = arith.extui %sign3A_1682 : i1 to i32
      %sign3A_1684 = arith.subi %sign3A_1680, %sign3A_1683 : i32
      %ne3A_1685 = arith.cmpi ne, %sign3A_1677, %sign3A_1684 : i32
      %rem3A_1686 = arith.remsi %select_n3A_1668, %jit3A_1669 : i32
      %ne3A_1687 = arith.constant 0 : i32
      %ne3A_1688 = arith.cmpi ne, %rem3A_1686, %ne3A_1687 : i32
      %and3A_1689 = arith.andi %ne3A_1685, %ne3A_1688 : i1
      %sub3A_1690 = arith.constant 1 : i32
      %sub3A_1691 = arith.subi %div3A_1670, %sub3A_1690 : i32
      %select_n3A_1692 = arith.select %and3A_1689, %sub3A_1691, %div3A_1670 : i32
      %jit3A_1693 = arith.constant 4 : i32
      %eq3A_1694 = arith.constant 0 : i32
      %eq3A_1695 = arith.cmpi eq, %jit3A_1693, %eq3A_1694 : i32
      %jit3A_1696 = arith.constant 1 : i32
      %select_n3A_1697 = arith.select %eq3A_1695, %jit3A_1696, %jit3A_1693 : i32
      %rem3A_1698 = arith.remsi %select_n3A_1668, %select_n3A_1697 : i32
      %ne3A_1699 = arith.constant 0 : i32
      %ne3A_1700 = arith.cmpi ne, %rem3A_1698, %ne3A_1699 : i32
      %lt3A_1701 = arith.constant 0 : i32
      %lt3A_1702 = arith.cmpi slt, %rem3A_1698, %lt3A_1701 : i32
      %lt3A_1703 = arith.constant 0 : i32
      %lt3A_1704 = arith.cmpi slt, %select_n3A_1697, %lt3A_1703 : i32
      %ne3A_1705 = arith.xori %lt3A_1702, %lt3A_1704 : i1
      %and3A_1706 = arith.andi %ne3A_1705, %ne3A_1700 : i1
      %add3A_1707 = arith.addi %rem3A_1698, %select_n3A_1697 : i32
      %select_n3A_1708 = arith.select %and3A_1706, %add3A_1707, %rem3A_1698 : i32
      %mul3A_1709 = arith.constant 48 : i32
      %mul3A_1710 = arith.muli %select_n3A_1708, %mul3A_1709 : i32
      %dma_start3A_1711 = arith.constant 0 : i32
      %dma_start3A_1712 = arith.constant 0 : i32
      %dma_start3A_1713 = tpu.memref_slice %arg5[%select_n3A_1652, %dma_start3A_1711, %select_n3A_1692, %mul3A_1710, %dma_start3A_1712] : memref<2x1x160x192x224xf32, #tpu.memory_space<hbm>> -> memref<1x1x1x48x224xf32, #tpu.memory_space<hbm>>
      %dma_start3A_1714 = tpu.memref_squeeze %dma_start3A_1713 : memref<1x1x1x48x224xf32, #tpu.memory_space<hbm>> -> memref<48x224xf32, #tpu.memory_space<hbm>>
      %dma_start3A_1715 = arith.constant 0 : i32
      %dma_start3A_1716 = tpu.memref_slice %arg5[%select_n3A_1652, %dma_start3A_1711, %select_n3A_1692, %mul3A_1710, %dma_start3A_1715] : memref<2x1x160x192x224xf32, #tpu.memory_space<hbm>> -> memref<1x1x1x48x224xf32, #tpu.memory_space<hbm>>
      %dma_start3A_1717 = tpu.memref_squeeze %dma_start3A_1716 : memref<1x1x1x48x224xf32, #tpu.memory_space<hbm>> -> memref<48x224xf32, #tpu.memory_space<hbm>>
      tpu.enqueue_dma source(%arg16 : memref<48x224xf32, #tpu.memory_space<vmem>>) target(%dma_start3A_1717 : memref<48x224xf32, #tpu.memory_space<hbm>>) target_semaphore(%arg24 : memref<!tpu.dma_semaphore, #tpu.memory_space<semaphore_mem>>)
      %add3A_1718 = arith.constant 4 : i32
      %add3A_1719 = arith.addi %add3A_1530, %add3A_1718 : i32
      %lt3A_1720 = arith.constant 40 : i32
      %lt3A_1721 = arith.cmpi slt, %add3A_1719, %lt3A_1720 : i32
      %convert_element_type3A_1722 = arith.extui %lt3A_1721 : i1 to i32
      %cond3A_1723 = arith.constant 0 : i32
      %cond3A_1724 = arith.cmpi ne, %convert_element_type3A_1722, %cond3A_1723 : i32
      scf.if %cond3A_1724 {
        %add3A_1725 = arith.constant 4 : i32
        %add3A_1726 = arith.addi %add3A_1531, %add3A_1725 : i32
        %jit3A_1727 = arith.constant 640 : i32
        %div3A_1728 = arith.divsi %add3A_1726, %jit3A_1727 : i32
        %sign3A_1729 = arith.constant 0 : i32
        %sign3A_1730 = arith.cmpi sgt, %add3A_1726, %sign3A_1729 : i32
        %sign3A_1731 = arith.extui %sign3A_1730 : i1 to i32
        %sign3A_1732 = arith.constant 0 : i32
        %sign3A_1733 = arith.cmpi slt, %add3A_1726, %sign3A_1732 : i32
        %sign3A_1734 = arith.extui %sign3A_1733 : i1 to i32
        %sign3A_1735 = arith.subi %sign3A_1731, %sign3A_1734 : i32
        %sign3A_1736 = arith.constant 0 : i32
        %sign3A_1737 = arith.cmpi sgt, %jit3A_1727, %sign3A_1736 : i32
        %sign3A_1738 = arith.extui %sign3A_1737 : i1 to i32
        %sign3A_1739 = arith.constant 0 : i32
        %sign3A_1740 = arith.cmpi slt, %jit3A_1727, %sign3A_1739 : i32
        %sign3A_1741 = arith.extui %sign3A_1740 : i1 to i32
        %sign3A_1742 = arith.subi %sign3A_1738, %sign3A_1741 : i32
        %ne3A_1743 = arith.cmpi ne, %sign3A_1735, %sign3A_1742 : i32
        %rem3A_1744 = arith.remsi %add3A_1726, %jit3A_1727 : i32
        %ne3A_1745 = arith.constant 0 : i32
        %ne3A_1746 = arith.cmpi ne, %rem3A_1744, %ne3A_1745 : i32
        %and3A_1747 = arith.andi %ne3A_1743, %ne3A_1746 : i1
        %sub3A_1748 = arith.constant 1 : i32
        %sub3A_1749 = arith.subi %div3A_1728, %sub3A_1748 : i32
        %select_n3A_1750 = arith.select %and3A_1747, %sub3A_1749, %div3A_1728 : i32
        %jit3A_1751 = arith.constant 640 : i32
        %eq3A_1752 = arith.constant 0 : i32
        %eq3A_1753 = arith.cmpi eq, %jit3A_1751, %eq3A_1752 : i32
        %jit3A_1754 = arith.constant 1 : i32
        %select_n3A_1755 = arith.select %eq3A_1753, %jit3A_1754, %jit3A_1751 : i32
        %rem3A_1756 = arith.remsi %add3A_1726, %select_n3A_1755 : i32
        %ne3A_1757 = arith.constant 0 : i32
        %ne3A_1758 = arith.cmpi ne, %rem3A_1756, %ne3A_1757 : i32
        %lt3A_1759 = arith.constant 0 : i32
        %lt3A_1760 = arith.cmpi slt, %rem3A_1756, %lt3A_1759 : i32
        %lt3A_1761 = arith.constant 0 : i32
        %lt3A_1762 = arith.cmpi slt, %select_n3A_1755, %lt3A_1761 : i32
        %ne3A_1763 = arith.xori %lt3A_1760, %lt3A_1762 : i1
        %and3A_1764 = arith.andi %ne3A_1763, %ne3A_1758 : i1
        %add3A_1765 = arith.addi %rem3A_1756, %select_n3A_1755 : i32
        %select_n3A_1766 = arith.select %and3A_1764, %add3A_1765, %rem3A_1756 : i32
        %jit3A_1767 = arith.constant 4 : i32
        %div3A_1768 = arith.divsi %select_n3A_1766, %jit3A_1767 : i32
        %sign3A_1769 = arith.constant 0 : i32
        %sign3A_1770 = arith.cmpi sgt, %select_n3A_1766, %sign3A_1769 : i32
        %sign3A_1771 = arith.extui %sign3A_1770 : i1 to i32
        %sign3A_1772 = arith.constant 0 : i32
        %sign3A_1773 = arith.cmpi slt, %select_n3A_1766, %sign3A_1772 : i32
        %sign3A_1774 = arith.extui %sign3A_1773 : i1 to i32
        %sign3A_1775 = arith.subi %sign3A_1771, %sign3A_1774 : i32
        %sign3A_1776 = arith.constant 0 : i32
        %sign3A_1777 = arith.cmpi sgt, %jit3A_1767, %sign3A_1776 : i32
        %sign3A_1778 = arith.extui %sign3A_1777 : i1 to i32
        %sign3A_1779 = arith.constant 0 : i32
        %sign3A_1780 = arith.cmpi slt, %jit3A_1767, %sign3A_1779 : i32
        %sign3A_1781 = arith.extui %sign3A_1780 : i1 to i32
        %sign3A_1782 = arith.subi %sign3A_1778, %sign3A_1781 : i32
        %ne3A_1783 = arith.cmpi ne, %sign3A_1775, %sign3A_1782 : i32
        %rem3A_1784 = arith.remsi %select_n3A_1766, %jit3A_1767 : i32
        %ne3A_1785 = arith.constant 0 : i32
        %ne3A_1786 = arith.cmpi ne, %rem3A_1784, %ne3A_1785 : i32
        %and3A_1787 = arith.andi %ne3A_1783, %ne3A_1786 : i1
        %sub3A_1788 = arith.constant 1 : i32
        %sub3A_1789 = arith.subi %div3A_1768, %sub3A_1788 : i32
        %select_n3A_1790 = arith.select %and3A_1787, %sub3A_1789, %div3A_1768 : i32
        %jit3A_1791 = arith.constant 4 : i32
        %eq3A_1792 = arith.constant 0 : i32
        %eq3A_1793 = arith.cmpi eq, %jit3A_1791, %eq3A_1792 : i32
        %jit3A_1794 = arith.constant 1 : i32
        %select_n3A_1795 = arith.select %eq3A_1793, %jit3A_1794, %jit3A_1791 : i32
        %rem3A_1796 = arith.remsi %select_n3A_1766, %select_n3A_1795 : i32
        %ne3A_1797 = arith.constant 0 : i32
        %ne3A_1798 = arith.cmpi ne, %rem3A_1796, %ne3A_1797 : i32
        %lt3A_1799 = arith.constant 0 : i32
        %lt3A_1800 = arith.cmpi slt, %rem3A_1796, %lt3A_1799 : i32
        %lt3A_1801 = arith.constant 0 : i32
        %lt3A_1802 = arith.cmpi slt, %select_n3A_1795, %lt3A_1801 : i32
        %ne3A_1803 = arith.xori %lt3A_1800, %lt3A_1802 : i1
        %and3A_1804 = arith.andi %ne3A_1803, %ne3A_1798 : i1
        %add3A_1805 = arith.addi %rem3A_1796, %select_n3A_1795 : i32
        %select_n3A_1806 = arith.select %and3A_1804, %add3A_1805, %rem3A_1796 : i32
        %mul3A_1807 = arith.constant 48 : i32
        %mul3A_1808 = arith.muli %select_n3A_1806, %mul3A_1807 : i32
        %dma_start3A_1809 = arith.constant 0 : i32
        %dma_start3A_1810 = arith.constant 0 : i32
        %dma_start3A_1811 = tpu.memref_slice %arg2[%select_n3A_1750, %dma_start3A_1809, %select_n3A_1790, %mul3A_1808, %dma_start3A_1810] : memref<2x1x160x192x224xf32, #tpu.memory_space<hbm>> -> memref<1x1x1x48x224xf32, #tpu.memory_space<hbm>>
        %dma_start3A_1812 = tpu.memref_squeeze %dma_start3A_1811 : memref<1x1x1x48x224xf32, #tpu.memory_space<hbm>> -> memref<48x224xf32, #tpu.memory_space<hbm>>
        %dma_start3A_1813 = arith.constant 0 : i32
        %dma_start3A_1814 = tpu.memref_slice %arg2[%select_n3A_1750, %dma_start3A_1809, %select_n3A_1790, %mul3A_1808, %dma_start3A_1813] : memref<2x1x160x192x224xf32, #tpu.memory_space<hbm>> -> memref<1x1x1x48x224xf32, #tpu.memory_space<hbm>>
        %dma_start3A_1815 = tpu.memref_squeeze %dma_start3A_1814 : memref<1x1x1x48x224xf32, #tpu.memory_space<hbm>> -> memref<48x224xf32, #tpu.memory_space<hbm>>
        tpu.enqueue_dma source(%dma_start3A_1815 : memref<48x224xf32, #tpu.memory_space<hbm>>) target(%arg12 : memref<48x224xf32, #tpu.memory_space<vmem>>) target_semaphore(%arg20 : memref<!tpu.dma_semaphore, #tpu.memory_space<semaphore_mem>>)
      } else {
      }
    }
    %scan3A_559 = arith.constant 10 : i32
    %add3A_560 = arith.constant 40 : i32
    %add3A_561 = arith.addi %mul3A_2, %add3A_560 : i32
    %sub3A_562 = arith.constant 4 : i32
    %sub3A_563 = arith.subi %add3A_561, %sub3A_562 : i32
    %add3A_564 = arith.constant 0 : i32
    %add3A_565 = arith.addi %sub3A_563, %add3A_564 : i32
    %jit3A_566 = arith.constant 640 : i32
    %div3A_567 = arith.divsi %add3A_565, %jit3A_566 : i32
    %sign3A_568 = arith.constant 0 : i32
    %sign3A_569 = arith.cmpi sgt, %add3A_565, %sign3A_568 : i32
    %sign3A_570 = arith.extui %sign3A_569 : i1 to i32
    %sign3A_571 = arith.constant 0 : i32
    %sign3A_572 = arith.cmpi slt, %add3A_565, %sign3A_571 : i32
    %sign3A_573 = arith.extui %sign3A_572 : i1 to i32
    %sign3A_574 = arith.subi %sign3A_570, %sign3A_573 : i32
    %sign3A_575 = arith.constant 0 : i32
    %sign3A_576 = arith.cmpi sgt, %jit3A_566, %sign3A_575 : i32
    %sign3A_577 = arith.extui %sign3A_576 : i1 to i32
    %sign3A_578 = arith.constant 0 : i32
    %sign3A_579 = arith.cmpi slt, %jit3A_566, %sign3A_578 : i32
    %sign3A_580 = arith.extui %sign3A_579 : i1 to i32
    %sign3A_581 = arith.subi %sign3A_577, %sign3A_580 : i32
    %ne3A_582 = arith.cmpi ne, %sign3A_574, %sign3A_581 : i32
    %rem3A_583 = arith.remsi %add3A_565, %jit3A_566 : i32
    %ne3A_584 = arith.constant 0 : i32
    %ne3A_585 = arith.cmpi ne, %rem3A_583, %ne3A_584 : i32
    %and3A_586 = arith.andi %ne3A_582, %ne3A_585 : i1
    %sub3A_587 = arith.constant 1 : i32
    %sub3A_588 = arith.subi %div3A_567, %sub3A_587 : i32
    %select_n3A_589 = arith.select %and3A_586, %sub3A_588, %div3A_567 : i32
    %jit3A_590 = arith.constant 640 : i32
    %eq3A_591 = arith.constant 0 : i32
    %eq3A_592 = arith.cmpi eq, %jit3A_590, %eq3A_591 : i32
    %jit3A_593 = arith.constant 1 : i32
    %select_n3A_594 = arith.select %eq3A_592, %jit3A_593, %jit3A_590 : i32
    %rem3A_595 = arith.remsi %add3A_565, %select_n3A_594 : i32
    %ne3A_596 = arith.constant 0 : i32
    %ne3A_597 = arith.cmpi ne, %rem3A_595, %ne3A_596 : i32
    %lt3A_598 = arith.constant 0 : i32
    %lt3A_599 = arith.cmpi slt, %rem3A_595, %lt3A_598 : i32
    %lt3A_600 = arith.constant 0 : i32
    %lt3A_601 = arith.cmpi slt, %select_n3A_594, %lt3A_600 : i32
    %ne3A_602 = arith.xori %lt3A_599, %lt3A_601 : i1
    %and3A_603 = arith.andi %ne3A_602, %ne3A_597 : i1
    %add3A_604 = arith.addi %rem3A_595, %select_n3A_594 : i32
    %select_n3A_605 = arith.select %and3A_603, %add3A_604, %rem3A_595 : i32
    %jit3A_606 = arith.constant 4 : i32
    %div3A_607 = arith.divsi %select_n3A_605, %jit3A_606 : i32
    %sign3A_608 = arith.constant 0 : i32
    %sign3A_609 = arith.cmpi sgt, %select_n3A_605, %sign3A_608 : i32
    %sign3A_610 = arith.extui %sign3A_609 : i1 to i32
    %sign3A_611 = arith.constant 0 : i32
    %sign3A_612 = arith.cmpi slt, %select_n3A_605, %sign3A_611 : i32
    %sign3A_613 = arith.extui %sign3A_612 : i1 to i32
    %sign3A_614 = arith.subi %sign3A_610, %sign3A_613 : i32
    %sign3A_615 = arith.constant 0 : i32
    %sign3A_616 = arith.cmpi sgt, %jit3A_606, %sign3A_615 : i32
    %sign3A_617 = arith.extui %sign3A_616 : i1 to i32
    %sign3A_618 = arith.constant 0 : i32
    %sign3A_619 = arith.cmpi slt, %jit3A_606, %sign3A_618 : i32
    %sign3A_620 = arith.extui %sign3A_619 : i1 to i32
    %sign3A_621 = arith.subi %sign3A_617, %sign3A_620 : i32
    %ne3A_622 = arith.cmpi ne, %sign3A_614, %sign3A_621 : i32
    %rem3A_623 = arith.remsi %select_n3A_605, %jit3A_606 : i32
    %ne3A_624 = arith.constant 0 : i32
    %ne3A_625 = arith.cmpi ne, %rem3A_623, %ne3A_624 : i32
    %and3A_626 = arith.andi %ne3A_622, %ne3A_625 : i1
    %sub3A_627 = arith.constant 1 : i32
    %sub3A_628 = arith.subi %div3A_607, %sub3A_627 : i32
    %select_n3A_629 = arith.select %and3A_626, %sub3A_628, %div3A_607 : i32
    %jit3A_630 = arith.constant 4 : i32
    %eq3A_631 = arith.constant 0 : i32
    %eq3A_632 = arith.cmpi eq, %jit3A_630, %eq3A_631 : i32
    %jit3A_633 = arith.constant 1 : i32
    %select_n3A_634 = arith.select %eq3A_632, %jit3A_633, %jit3A_630 : i32
    %rem3A_635 = arith.remsi %select_n3A_605, %select_n3A_634 : i32
    %ne3A_636 = arith.constant 0 : i32
    %ne3A_637 = arith.cmpi ne, %rem3A_635, %ne3A_636 : i32
    %lt3A_638 = arith.constant 0 : i32
    %lt3A_639 = arith.cmpi slt, %rem3A_635, %lt3A_638 : i32
    %lt3A_640 = arith.constant 0 : i32
    %lt3A_641 = arith.cmpi slt, %select_n3A_634, %lt3A_640 : i32
    %ne3A_642 = arith.xori %lt3A_639, %lt3A_641 : i1
    %and3A_643 = arith.andi %ne3A_642, %ne3A_637 : i1
    %add3A_644 = arith.addi %rem3A_635, %select_n3A_634 : i32
    %select_n3A_645 = arith.select %and3A_643, %add3A_644, %rem3A_635 : i32
    %mul3A_646 = arith.constant 48 : i32
    %mul3A_647 = arith.muli %select_n3A_645, %mul3A_646 : i32
    %dma_wait3A = arith.constant 0 : i32
    %dma_wait3A_648 = arith.constant 0 : i32
    %dma_wait3A_649 = tpu.memref_slice %arg5[%select_n3A_589, %dma_wait3A, %select_n3A_629, %mul3A_647, %dma_wait3A_648] : memref<2x1x160x192x224xf32, #tpu.memory_space<hbm>> -> memref<1x1x1x48x224xf32, #tpu.memory_space<hbm>>
    %dma_wait3A_650 = tpu.memref_squeeze %dma_wait3A_649 : memref<1x1x1x48x224xf32, #tpu.memory_space<hbm>> -> memref<48x224xf32, #tpu.memory_space<hbm>>
    %dma_wait3A_651 = arith.constant 0 : i32
    %dma_wait3A_652 = tpu.memref_slice %arg5[%select_n3A_589, %dma_wait3A, %select_n3A_629, %mul3A_647, %dma_wait3A_651] : memref<2x1x160x192x224xf32, #tpu.memory_space<hbm>> -> memref<1x1x1x48x224xf32, #tpu.memory_space<hbm>>
    %dma_wait3A_653 = tpu.memref_squeeze %dma_wait3A_652 : memref<1x1x1x48x224xf32, #tpu.memory_space<hbm>> -> memref<48x224xf32, #tpu.memory_space<hbm>>
    tpu.wait_dma2 semaphore(%arg21 : memref<!tpu.dma_semaphore, #tpu.memory_space<semaphore_mem>>) src(%arg13 : memref<48x224xf32, #tpu.memory_space<vmem>>) dst(%dma_wait3A_653 : memref<48x224xf32, #tpu.memory_space<hbm>>)
    %add3A_654 = arith.constant 40 : i32
    %add3A_655 = arith.addi %mul3A_2, %add3A_654 : i32
    %sub3A_656 = arith.constant 4 : i32
    %sub3A_657 = arith.subi %add3A_655, %sub3A_656 : i32
    %add3A_658 = arith.constant 1 : i32
    %add3A_659 = arith.addi %sub3A_657, %add3A_658 : i32
    %jit3A_660 = arith.constant 640 : i32
    %div3A_661 = arith.divsi %add3A_659, %jit3A_660 : i32
    %sign3A_662 = arith.constant 0 : i32
    %sign3A_663 = arith.cmpi sgt, %add3A_659, %sign3A_662 : i32
    %sign3A_664 = arith.extui %sign3A_663 : i1 to i32
    %sign3A_665 = arith.constant 0 : i32
    %sign3A_666 = arith.cmpi slt, %add3A_659, %sign3A_665 : i32
    %sign3A_667 = arith.extui %sign3A_666 : i1 to i32
    %sign3A_668 = arith.subi %sign3A_664, %sign3A_667 : i32
    %sign3A_669 = arith.constant 0 : i32
    %sign3A_670 = arith.cmpi sgt, %jit3A_660, %sign3A_669 : i32
    %sign3A_671 = arith.extui %sign3A_670 : i1 to i32
    %sign3A_672 = arith.constant 0 : i32
    %sign3A_673 = arith.cmpi slt, %jit3A_660, %sign3A_672 : i32
    %sign3A_674 = arith.extui %sign3A_673 : i1 to i32
    %sign3A_675 = arith.subi %sign3A_671, %sign3A_674 : i32
    %ne3A_676 = arith.cmpi ne, %sign3A_668, %sign3A_675 : i32
    %rem3A_677 = arith.remsi %add3A_659, %jit3A_660 : i32
    %ne3A_678 = arith.constant 0 : i32
    %ne3A_679 = arith.cmpi ne, %rem3A_677, %ne3A_678 : i32
    %and3A_680 = arith.andi %ne3A_676, %ne3A_679 : i1
    %sub3A_681 = arith.constant 1 : i32
    %sub3A_682 = arith.subi %div3A_661, %sub3A_681 : i32
    %select_n3A_683 = arith.select %and3A_680, %sub3A_682, %div3A_661 : i32
    %jit3A_684 = arith.constant 640 : i32
    %eq3A_685 = arith.constant 0 : i32
    %eq3A_686 = arith.cmpi eq, %jit3A_684, %eq3A_685 : i32
    %jit3A_687 = arith.constant 1 : i32
    %select_n3A_688 = arith.select %eq3A_686, %jit3A_687, %jit3A_684 : i32
    %rem3A_689 = arith.remsi %add3A_659, %select_n3A_688 : i32
    %ne3A_690 = arith.constant 0 : i32
    %ne3A_691 = arith.cmpi ne, %rem3A_689, %ne3A_690 : i32
    %lt3A_692 = arith.constant 0 : i32
    %lt3A_693 = arith.cmpi slt, %rem3A_689, %lt3A_692 : i32
    %lt3A_694 = arith.constant 0 : i32
    %lt3A_695 = arith.cmpi slt, %select_n3A_688, %lt3A_694 : i32
    %ne3A_696 = arith.xori %lt3A_693, %lt3A_695 : i1
    %and3A_697 = arith.andi %ne3A_696, %ne3A_691 : i1
    %add3A_698 = arith.addi %rem3A_689, %select_n3A_688 : i32
    %select_n3A_699 = arith.select %and3A_697, %add3A_698, %rem3A_689 : i32
    %jit3A_700 = arith.constant 4 : i32
    %div3A_701 = arith.divsi %select_n3A_699, %jit3A_700 : i32
    %sign3A_702 = arith.constant 0 : i32
    %sign3A_703 = arith.cmpi sgt, %select_n3A_699, %sign3A_702 : i32
    %sign3A_704 = arith.extui %sign3A_703 : i1 to i32
    %sign3A_705 = arith.constant 0 : i32
    %sign3A_706 = arith.cmpi slt, %select_n3A_699, %sign3A_705 : i32
    %sign3A_707 = arith.extui %sign3A_706 : i1 to i32
    %sign3A_708 = arith.subi %sign3A_704, %sign3A_707 : i32
    %sign3A_709 = arith.constant 0 : i32
    %sign3A_710 = arith.cmpi sgt, %jit3A_700, %sign3A_709 : i32
    %sign3A_711 = arith.extui %sign3A_710 : i1 to i32
    %sign3A_712 = arith.constant 0 : i32
    %sign3A_713 = arith.cmpi slt, %jit3A_700, %sign3A_712 : i32
    %sign3A_714 = arith.extui %sign3A_713 : i1 to i32
    %sign3A_715 = arith.subi %sign3A_711, %sign3A_714 : i32
    %ne3A_716 = arith.cmpi ne, %sign3A_708, %sign3A_715 : i32
    %rem3A_717 = arith.remsi %select_n3A_699, %jit3A_700 : i32
    %ne3A_718 = arith.constant 0 : i32
    %ne3A_719 = arith.cmpi ne, %rem3A_717, %ne3A_718 : i32
    %and3A_720 = arith.andi %ne3A_716, %ne3A_719 : i1
    %sub3A_721 = arith.constant 1 : i32
    %sub3A_722 = arith.subi %div3A_701, %sub3A_721 : i32
    %select_n3A_723 = arith.select %and3A_720, %sub3A_722, %div3A_701 : i32
    %jit3A_724 = arith.constant 4 : i32
    %eq3A_725 = arith.constant 0 : i32
    %eq3A_726 = arith.cmpi eq, %jit3A_724, %eq3A_725 : i32
    %jit3A_727 = arith.constant 1 : i32
    %select_n3A_728 = arith.select %eq3A_726, %jit3A_727, %jit3A_724 : i32
    %rem3A_729 = arith.remsi %select_n3A_699, %select_n3A_728 : i32
    %ne3A_730 = arith.constant 0 : i32
    %ne3A_731 = arith.cmpi ne, %rem3A_729, %ne3A_730 : i32
    %lt3A_732 = arith.constant 0 : i32
    %lt3A_733 = arith.cmpi slt, %rem3A_729, %lt3A_732 : i32
    %lt3A_734 = arith.constant 0 : i32
    %lt3A_735 = arith.cmpi slt, %select_n3A_728, %lt3A_734 : i32
    %ne3A_736 = arith.xori %lt3A_733, %lt3A_735 : i1
    %and3A_737 = arith.andi %ne3A_736, %ne3A_731 : i1
    %add3A_738 = arith.addi %rem3A_729, %select_n3A_728 : i32
    %select_n3A_739 = arith.select %and3A_737, %add3A_738, %rem3A_729 : i32
    %mul3A_740 = arith.constant 48 : i32
    %mul3A_741 = arith.muli %select_n3A_739, %mul3A_740 : i32
    %dma_wait3A_742 = arith.constant 0 : i32
    %dma_wait3A_743 = arith.constant 0 : i32
    %dma_wait3A_744 = tpu.memref_slice %arg5[%select_n3A_683, %dma_wait3A_742, %select_n3A_723, %mul3A_741, %dma_wait3A_743] : memref<2x1x160x192x224xf32, #tpu.memory_space<hbm>> -> memref<1x1x1x48x224xf32, #tpu.memory_space<hbm>>
    %dma_wait3A_745 = tpu.memref_squeeze %dma_wait3A_744 : memref<1x1x1x48x224xf32, #tpu.memory_space<hbm>> -> memref<48x224xf32, #tpu.memory_space<hbm>>
    %dma_wait3A_746 = arith.constant 0 : i32
    %dma_wait3A_747 = tpu.memref_slice %arg5[%select_n3A_683, %dma_wait3A_742, %select_n3A_723, %mul3A_741, %dma_wait3A_746] : memref<2x1x160x192x224xf32, #tpu.memory_space<hbm>> -> memref<1x1x1x48x224xf32, #tpu.memory_space<hbm>>
    %dma_wait3A_748 = tpu.memref_squeeze %dma_wait3A_747 : memref<1x1x1x48x224xf32, #tpu.memory_space<hbm>> -> memref<48x224xf32, #tpu.memory_space<hbm>>
    tpu.wait_dma2 semaphore(%arg22 : memref<!tpu.dma_semaphore, #tpu.memory_space<semaphore_mem>>) src(%arg14 : memref<48x224xf32, #tpu.memory_space<vmem>>) dst(%dma_wait3A_748 : memref<48x224xf32, #tpu.memory_space<hbm>>)
    %add3A_749 = arith.constant 40 : i32
    %add3A_750 = arith.addi %mul3A_2, %add3A_749 : i32
    %sub3A_751 = arith.constant 4 : i32
    %sub3A_752 = arith.subi %add3A_750, %sub3A_751 : i32
    %add3A_753 = arith.constant 2 : i32
    %add3A_754 = arith.addi %sub3A_752, %add3A_753 : i32
    %jit3A_755 = arith.constant 640 : i32
    %div3A_756 = arith.divsi %add3A_754, %jit3A_755 : i32
    %sign3A_757 = arith.constant 0 : i32
    %sign3A_758 = arith.cmpi sgt, %add3A_754, %sign3A_757 : i32
    %sign3A_759 = arith.extui %sign3A_758 : i1 to i32
    %sign3A_760 = arith.constant 0 : i32
    %sign3A_761 = arith.cmpi slt, %add3A_754, %sign3A_760 : i32
    %sign3A_762 = arith.extui %sign3A_761 : i1 to i32
    %sign3A_763 = arith.subi %sign3A_759, %sign3A_762 : i32
    %sign3A_764 = arith.constant 0 : i32
    %sign3A_765 = arith.cmpi sgt, %jit3A_755, %sign3A_764 : i32
    %sign3A_766 = arith.extui %sign3A_765 : i1 to i32
    %sign3A_767 = arith.constant 0 : i32
    %sign3A_768 = arith.cmpi slt, %jit3A_755, %sign3A_767 : i32
    %sign3A_769 = arith.extui %sign3A_768 : i1 to i32
    %sign3A_770 = arith.subi %sign3A_766, %sign3A_769 : i32
    %ne3A_771 = arith.cmpi ne, %sign3A_763, %sign3A_770 : i32
    %rem3A_772 = arith.remsi %add3A_754, %jit3A_755 : i32
    %ne3A_773 = arith.constant 0 : i32
    %ne3A_774 = arith.cmpi ne, %rem3A_772, %ne3A_773 : i32
    %and3A_775 = arith.andi %ne3A_771, %ne3A_774 : i1
    %sub3A_776 = arith.constant 1 : i32
    %sub3A_777 = arith.subi %div3A_756, %sub3A_776 : i32
    %select_n3A_778 = arith.select %and3A_775, %sub3A_777, %div3A_756 : i32
    %jit3A_779 = arith.constant 640 : i32
    %eq3A_780 = arith.constant 0 : i32
    %eq3A_781 = arith.cmpi eq, %jit3A_779, %eq3A_780 : i32
    %jit3A_782 = arith.constant 1 : i32
    %select_n3A_783 = arith.select %eq3A_781, %jit3A_782, %jit3A_779 : i32
    %rem3A_784 = arith.remsi %add3A_754, %select_n3A_783 : i32
    %ne3A_785 = arith.constant 0 : i32
    %ne3A_786 = arith.cmpi ne, %rem3A_784, %ne3A_785 : i32
    %lt3A_787 = arith.constant 0 : i32
    %lt3A_788 = arith.cmpi slt, %rem3A_784, %lt3A_787 : i32
    %lt3A_789 = arith.constant 0 : i32
    %lt3A_790 = arith.cmpi slt, %select_n3A_783, %lt3A_789 : i32
    %ne3A_791 = arith.xori %lt3A_788, %lt3A_790 : i1
    %and3A_792 = arith.andi %ne3A_791, %ne3A_786 : i1
    %add3A_793 = arith.addi %rem3A_784, %select_n3A_783 : i32
    %select_n3A_794 = arith.select %and3A_792, %add3A_793, %rem3A_784 : i32
    %jit3A_795 = arith.constant 4 : i32
    %div3A_796 = arith.divsi %select_n3A_794, %jit3A_795 : i32
    %sign3A_797 = arith.constant 0 : i32
    %sign3A_798 = arith.cmpi sgt, %select_n3A_794, %sign3A_797 : i32
    %sign3A_799 = arith.extui %sign3A_798 : i1 to i32
    %sign3A_800 = arith.constant 0 : i32
    %sign3A_801 = arith.cmpi slt, %select_n3A_794, %sign3A_800 : i32
    %sign3A_802 = arith.extui %sign3A_801 : i1 to i32
    %sign3A_803 = arith.subi %sign3A_799, %sign3A_802 : i32
    %sign3A_804 = arith.constant 0 : i32
    %sign3A_805 = arith.cmpi sgt, %jit3A_795, %sign3A_804 : i32
    %sign3A_806 = arith.extui %sign3A_805 : i1 to i32
    %sign3A_807 = arith.constant 0 : i32
    %sign3A_808 = arith.cmpi slt, %jit3A_795, %sign3A_807 : i32
    %sign3A_809 = arith.extui %sign3A_808 : i1 to i32
    %sign3A_810 = arith.subi %sign3A_806, %sign3A_809 : i32
    %ne3A_811 = arith.cmpi ne, %sign3A_803, %sign3A_810 : i32
    %rem3A_812 = arith.remsi %select_n3A_794, %jit3A_795 : i32
    %ne3A_813 = arith.constant 0 : i32
    %ne3A_814 = arith.cmpi ne, %rem3A_812, %ne3A_813 : i32
    %and3A_815 = arith.andi %ne3A_811, %ne3A_814 : i1
    %sub3A_816 = arith.constant 1 : i32
    %sub3A_817 = arith.subi %div3A_796, %sub3A_816 : i32
    %select_n3A_818 = arith.select %and3A_815, %sub3A_817, %div3A_796 : i32
    %jit3A_819 = arith.constant 4 : i32
    %eq3A_820 = arith.constant 0 : i32
    %eq3A_821 = arith.cmpi eq, %jit3A_819, %eq3A_820 : i32
    %jit3A_822 = arith.constant 1 : i32
    %select_n3A_823 = arith.select %eq3A_821, %jit3A_822, %jit3A_819 : i32
    %rem3A_824 = arith.remsi %select_n3A_794, %select_n3A_823 : i32
    %ne3A_825 = arith.constant 0 : i32
    %ne3A_826 = arith.cmpi ne, %rem3A_824, %ne3A_825 : i32
    %lt3A_827 = arith.constant 0 : i32
    %lt3A_828 = arith.cmpi slt, %rem3A_824, %lt3A_827 : i32
    %lt3A_829 = arith.constant 0 : i32
    %lt3A_830 = arith.cmpi slt, %select_n3A_823, %lt3A_829 : i32
    %ne3A_831 = arith.xori %lt3A_828, %lt3A_830 : i1
    %and3A_832 = arith.andi %ne3A_831, %ne3A_826 : i1
    %add3A_833 = arith.addi %rem3A_824, %select_n3A_823 : i32
    %select_n3A_834 = arith.select %and3A_832, %add3A_833, %rem3A_824 : i32
    %mul3A_835 = arith.constant 48 : i32
    %mul3A_836 = arith.muli %select_n3A_834, %mul3A_835 : i32
    %dma_wait3A_837 = arith.constant 0 : i32
    %dma_wait3A_838 = arith.constant 0 : i32
    %dma_wait3A_839 = tpu.memref_slice %arg5[%select_n3A_778, %dma_wait3A_837, %select_n3A_818, %mul3A_836, %dma_wait3A_838] : memref<2x1x160x192x224xf32, #tpu.memory_space<hbm>> -> memref<1x1x1x48x224xf32, #tpu.memory_space<hbm>>
    %dma_wait3A_840 = tpu.memref_squeeze %dma_wait3A_839 : memref<1x1x1x48x224xf32, #tpu.memory_space<hbm>> -> memref<48x224xf32, #tpu.memory_space<hbm>>
    %dma_wait3A_841 = arith.constant 0 : i32
    %dma_wait3A_842 = tpu.memref_slice %arg5[%select_n3A_778, %dma_wait3A_837, %select_n3A_818, %mul3A_836, %dma_wait3A_841] : memref<2x1x160x192x224xf32, #tpu.memory_space<hbm>> -> memref<1x1x1x48x224xf32, #tpu.memory_space<hbm>>
    %dma_wait3A_843 = tpu.memref_squeeze %dma_wait3A_842 : memref<1x1x1x48x224xf32, #tpu.memory_space<hbm>> -> memref<48x224xf32, #tpu.memory_space<hbm>>
    tpu.wait_dma2 semaphore(%arg23 : memref<!tpu.dma_semaphore, #tpu.memory_space<semaphore_mem>>) src(%arg15 : memref<48x224xf32, #tpu.memory_space<vmem>>) dst(%dma_wait3A_843 : memref<48x224xf32, #tpu.memory_space<hbm>>)
    %add3A_844 = arith.constant 40 : i32
    %add3A_845 = arith.addi %mul3A_2, %add3A_844 : i32
    %sub3A_846 = arith.constant 4 : i32
    %sub3A_847 = arith.subi %add3A_845, %sub3A_846 : i32
    %add3A_848 = arith.constant 3 : i32
    %add3A_849 = arith.addi %sub3A_847, %add3A_848 : i32
    %jit3A_850 = arith.constant 640 : i32
    %div3A_851 = arith.divsi %add3A_849, %jit3A_850 : i32
    %sign3A_852 = arith.constant 0 : i32
    %sign3A_853 = arith.cmpi sgt, %add3A_849, %sign3A_852 : i32
    %sign3A_854 = arith.extui %sign3A_853 : i1 to i32
    %sign3A_855 = arith.constant 0 : i32
    %sign3A_856 = arith.cmpi slt, %add3A_849, %sign3A_855 : i32
    %sign3A_857 = arith.extui %sign3A_856 : i1 to i32
    %sign3A_858 = arith.subi %sign3A_854, %sign3A_857 : i32
    %sign3A_859 = arith.constant 0 : i32
    %sign3A_860 = arith.cmpi sgt, %jit3A_850, %sign3A_859 : i32
    %sign3A_861 = arith.extui %sign3A_860 : i1 to i32
    %sign3A_862 = arith.constant 0 : i32
    %sign3A_863 = arith.cmpi slt, %jit3A_850, %sign3A_862 : i32
    %sign3A_864 = arith.extui %sign3A_863 : i1 to i32
    %sign3A_865 = arith.subi %sign3A_861, %sign3A_864 : i32
    %ne3A_866 = arith.cmpi ne, %sign3A_858, %sign3A_865 : i32
    %rem3A_867 = arith.remsi %add3A_849, %jit3A_850 : i32
    %ne3A_868 = arith.constant 0 : i32
    %ne3A_869 = arith.cmpi ne, %rem3A_867, %ne3A_868 : i32
    %and3A_870 = arith.andi %ne3A_866, %ne3A_869 : i1
    %sub3A_871 = arith.constant 1 : i32
    %sub3A_872 = arith.subi %div3A_851, %sub3A_871 : i32
    %select_n3A_873 = arith.select %and3A_870, %sub3A_872, %div3A_851 : i32
    %jit3A_874 = arith.constant 640 : i32
    %eq3A_875 = arith.constant 0 : i32
    %eq3A_876 = arith.cmpi eq, %jit3A_874, %eq3A_875 : i32
    %jit3A_877 = arith.constant 1 : i32
    %select_n3A_878 = arith.select %eq3A_876, %jit3A_877, %jit3A_874 : i32
    %rem3A_879 = arith.remsi %add3A_849, %select_n3A_878 : i32
    %ne3A_880 = arith.constant 0 : i32
    %ne3A_881 = arith.cmpi ne, %rem3A_879, %ne3A_880 : i32
    %lt3A_882 = arith.constant 0 : i32
    %lt3A_883 = arith.cmpi slt, %rem3A_879, %lt3A_882 : i32
    %lt3A_884 = arith.constant 0 : i32
    %lt3A_885 = arith.cmpi slt, %select_n3A_878, %lt3A_884 : i32
    %ne3A_886 = arith.xori %lt3A_883, %lt3A_885 : i1
    %and3A_887 = arith.andi %ne3A_886, %ne3A_881 : i1
    %add3A_888 = arith.addi %rem3A_879, %select_n3A_878 : i32
    %select_n3A_889 = arith.select %and3A_887, %add3A_888, %rem3A_879 : i32
    %jit3A_890 = arith.constant 4 : i32
    %div3A_891 = arith.divsi %select_n3A_889, %jit3A_890 : i32
    %sign3A_892 = arith.constant 0 : i32
    %sign3A_893 = arith.cmpi sgt, %select_n3A_889, %sign3A_892 : i32
    %sign3A_894 = arith.extui %sign3A_893 : i1 to i32
    %sign3A_895 = arith.constant 0 : i32
    %sign3A_896 = arith.cmpi slt, %select_n3A_889, %sign3A_895 : i32
    %sign3A_897 = arith.extui %sign3A_896 : i1 to i32
    %sign3A_898 = arith.subi %sign3A_894, %sign3A_897 : i32
    %sign3A_899 = arith.constant 0 : i32
    %sign3A_900 = arith.cmpi sgt, %jit3A_890, %sign3A_899 : i32
    %sign3A_901 = arith.extui %sign3A_900 : i1 to i32
    %sign3A_902 = arith.constant 0 : i32
    %sign3A_903 = arith.cmpi slt, %jit3A_890, %sign3A_902 : i32
    %sign3A_904 = arith.extui %sign3A_903 : i1 to i32
    %sign3A_905 = arith.subi %sign3A_901, %sign3A_904 : i32
    %ne3A_906 = arith.cmpi ne, %sign3A_898, %sign3A_905 : i32
    %rem3A_907 = arith.remsi %select_n3A_889, %jit3A_890 : i32
    %ne3A_908 = arith.constant 0 : i32
    %ne3A_909 = arith.cmpi ne, %rem3A_907, %ne3A_908 : i32
    %and3A_910 = arith.andi %ne3A_906, %ne3A_909 : i1
    %sub3A_911 = arith.constant 1 : i32
    %sub3A_912 = arith.subi %div3A_891, %sub3A_911 : i32
    %select_n3A_913 = arith.select %and3A_910, %sub3A_912, %div3A_891 : i32
    %jit3A_914 = arith.constant 4 : i32
    %eq3A_915 = arith.constant 0 : i32
    %eq3A_916 = arith.cmpi eq, %jit3A_914, %eq3A_915 : i32
    %jit3A_917 = arith.constant 1 : i32
    %select_n3A_918 = arith.select %eq3A_916, %jit3A_917, %jit3A_914 : i32
    %rem3A_919 = arith.remsi %select_n3A_889, %select_n3A_918 : i32
    %ne3A_920 = arith.constant 0 : i32
    %ne3A_921 = arith.cmpi ne, %rem3A_919, %ne3A_920 : i32
    %lt3A_922 = arith.constant 0 : i32
    %lt3A_923 = arith.cmpi slt, %rem3A_919, %lt3A_922 : i32
    %lt3A_924 = arith.constant 0 : i32
    %lt3A_925 = arith.cmpi slt, %select_n3A_918, %lt3A_924 : i32
    %ne3A_926 = arith.xori %lt3A_923, %lt3A_925 : i1
    %and3A_927 = arith.andi %ne3A_926, %ne3A_921 : i1
    %add3A_928 = arith.addi %rem3A_919, %select_n3A_918 : i32
    %select_n3A_929 = arith.select %and3A_927, %add3A_928, %rem3A_919 : i32
    %mul3A_930 = arith.constant 48 : i32
    %mul3A_931 = arith.muli %select_n3A_929, %mul3A_930 : i32
    %dma_wait3A_932 = arith.constant 0 : i32
    %dma_wait3A_933 = arith.constant 0 : i32
    %dma_wait3A_934 = tpu.memref_slice %arg5[%select_n3A_873, %dma_wait3A_932, %select_n3A_913, %mul3A_931, %dma_wait3A_933] : memref<2x1x160x192x224xf32, #tpu.memory_space<hbm>> -> memref<1x1x1x48x224xf32, #tpu.memory_space<hbm>>
    %dma_wait3A_935 = tpu.memref_squeeze %dma_wait3A_934 : memref<1x1x1x48x224xf32, #tpu.memory_space<hbm>> -> memref<48x224xf32, #tpu.memory_space<hbm>>
    %dma_wait3A_936 = arith.constant 0 : i32
    %dma_wait3A_937 = tpu.memref_slice %arg5[%select_n3A_873, %dma_wait3A_932, %select_n3A_913, %mul3A_931, %dma_wait3A_936] : memref<2x1x160x192x224xf32, #tpu.memory_space<hbm>> -> memref<1x1x1x48x224xf32, #tpu.memory_space<hbm>>
    %dma_wait3A_938 = tpu.memref_squeeze %dma_wait3A_937 : memref<1x1x1x48x224xf32, #tpu.memory_space<hbm>> -> memref<48x224xf32, #tpu.memory_space<hbm>>
    tpu.wait_dma2 semaphore(%arg24 : memref<!tpu.dma_semaphore, #tpu.memory_space<semaphore_mem>>) src(%arg16 : memref<48x224xf32, #tpu.memory_space<vmem>>) dst(%dma_wait3A_938 : memref<48x224xf32, #tpu.memory_space<hbm>>)
    return
  }
}

</mosaic_0001>

<sc_bundles>
// kernel: kernel.3.cloned.1.call-start
scs
__scs_entry_jumppad:
0x0: {  	(pc) =	sbr.rel $0x88, $3  }
0x1: {  	(tag) =	ssettag $0x0;
	lr =	simm.s32 $0x1  }
0x2: {  	[smem:$0x3F9E] =	sst lr;
	_ =	strace $0xD0000000  }
0x3: {  	_ = 	snop  }
0x4: {  	_ = 	snop  }
0x5: {  	_ = 	snop  }
0x6: {  	_ = 	snop  }
0x7: {  	_ = 	snop  }
__scs_overlays_trampoline_lowered:
0x8: {  	[smem:$0x3FAD] =	sst s0  }
0x9: {  	[smem:$0x3FAE] =	sst s1  }
0xa: {  	[smem:$0x3FAF] =	sst s2  }
0xb: {  	[smem:$0x3FB0] =	sst s3  }
0xc: {  	[smem:$0x3FB1] =	sst s4  }
0xd: {  	[smem:$0x3FB2] =	sst s5  }
0xe: {  	[smem:$0x3FB3] =	sst s6  }
0xf: {  	[smem:$0x3FB4] =	sst s7  }
0x10: {  	[smem:$0x3FB5] =	sst s8  }
0x11: {  	[smem:$0x3FB6] =	sst s9;
	s0 =	simm.s32 @!p0 $0x0  }
0x12: {  	s1 =	sld [smem:$0x3F9C];
	s0 =	simm.s32 @p0 $0x1  }
0x13: {  	[smem:$0x3FB7] =	sst s0;
	s0 =	simm.s32 @!p1 $0x0  }
0x14: {  	s2 =	sld [smem:$0x3F9B];
	s0 =	simm.s32 @p1 $0x1  }
0x15: {  	[smem:$0x3FB8] =	sst s0;
	s0 =	simm.s32 @!p2 $0x0  }
0x16: {  	s3 =	sld [smem:$0x3FDB];
	s0 =	simm.s32 @p2 $0x1  }
0x17: {  	s4 =	simm.s32 $0x1BF5;
	[smem:$0x3FBA] =	sst s0  }
0x18: {  	s0 =	sld [smem:$0x3F9D];
	_ =	swait.ge [sflag:s4], $0x0  }
0x19: {  	s7 =	sld [smem:$0x3F9E]  }
0x1a: {  	s8 =	sadd.s32 $0xFFFFE003, lr  }
0x1b: {  	s9 =	sadd.s32 $0xFFFFFEF7, lr;
	s5 =	simm.s32 $0xFFFFFFFF;
	p2 =	slt.u32 s8, $0xFFFFF086  }
0x1c: {  	p1 =	slt.u32 s9, $0xF7A;
	s5 =	simm.s32 @!p2 $0x0  }
0x1d: {  	s5 =	simm.s32 @p1 $0x1;
	p0 =	seq.s32 s7, s2  }
0x1e: {  	s7 =	smul.u32 @!p0 $0xF7A, s2;
	p2 =	seq.s32 @!p0 s5, $0x0  }
0x1f: {  	s9 =	smul.u32 $0xF7A, s1;
	s8 =	simm.s32 @!p0 $0x1BF5;
	p2 =	por !p2, p0  }
0x20: {  	[sflag:s8] =	ssyncset.s32 @!p0 $0xFFFFF086;
	s6 =	sadd.s32 @!p0 s3, s7;
	s7 =	simm.s32 @!p0 $0x108  }
0x21: {  	s3 =	sadd.s32 s3, s9;
	s6 =	sadd.s32 @!p0 $0x88, s6;
	s7 =	simm.s32 @p2 $0x1082  }
0x22: {  	[simem:s7], [sflag:s8] =	dma.local @!p0 [hbm:s6], $0xF7A  }
0x23: {  	s9 =	sor.u32 $0xD0000000, s2;
	s6 =	simm.s32 $0x108;
	_ =	swait.ge @!p0 [sflag:s8], $0x0  }
0x24: {  	s3 =	sadd.s32 $0x88, s3;
	s6 =	simm.s32 @!p1 $0x1082;
	[sflag:s4] =	ssyncset.s32 $0xFFFFF086  }
0x25: {  	[simem:s6], [sflag:s4] =	dma.local [hbm:s3], $0xF7A  }
0x26: {  	[smem:$0x3F9E] =	sst s1;
	(tag) =	ssettag s2;
	_ =	strace s9  }
0x27: {  	s1 =	sld [smem:$0x3FAE]  }
0x28: {  	s2 =	sld [smem:$0x3FAF]  }
0x29: {  	s4 =	sld [smem:$0x3FB1]  }
0x2a: {  	p0 =	seq.s32 s5, $0x0;
	s5 =	sld [smem:$0x3FB2]  }
0x2b: {  	s6 =	sld [smem:$0x3FB3]  }
0x2c: {  	s7 =	sld [smem:$0x3FB4]  }
0x2d: {  	s3 =	simm.s32 $0x108;
	s8 =	sld [smem:$0x3FB5]  }
0x2e: {  	s3 =	simm.s32 @!p0 $0x1082;
	s9 =	sld [smem:$0x3FB6]  }
0x2f: {  	lr =	sadd.s32 s0, s3;
	s0 =	sld [smem:$0x3FAD]  }
0x30: {  	s3 =	sld [smem:$0x3FB0]  }
0x31: {  	[smem:$0x3FB9] =	sst s10  }
0x32: {  	s10 =	sld [smem:$0x3FB7];
	_ =	sdelay $0x3  }
0x33: {  	p0 =	seq.s32 s10, $0x1;
	s10 =	sld [smem:$0x3FB9];
	_ =	sdelay $0x3  }
0x34: {  	[smem:$0x3FB9] =	sst s10  }
0x35: {  	s10 =	sld [smem:$0x3FB8];
	_ =	sdelay $0x3  }
0x36: {  	p1 =	seq.s32 s10, $0x1;
	s10 =	sld [smem:$0x3FB9];
	_ =	sdelay $0x3  }
0x37: {  	[smem:$0x3FB9] =	sst s10  }
0x38: {  	s10 =	sld [smem:$0x3FBA]  }
0x39: {  	_ = 	snop;
	(pc) =	sbr.ind lr, $3  }
0x3a: {  	_ = 	snop  }
0x3b: {  	_ = 	snop  }
0x3c: {  	p2 =	seq.s32 s10, $0x1;
	s10 =	sld [smem:$0x3FB9]  }
0x3d: {  	_ =	shalt  }
0x3e: {  	_ =	shalt  }
0x3f: {  	_ =	shalt  }
0x40: {  	_ =	shalt  }
0x41: {  	_ =	shalt  }
0x42: {  	_ =	shalt  }
0x43: {  	_ =	shalt  }
0x44: {  	_ =	shalt  }
0x45: {  	_ =	shalt  }
0x46: {  	_ =	shalt  }
0x47: {  	_ =	shalt  }
0x48: {  	_ =	shalt  }
0x49: {  	_ =	shalt  }
0x4a: {  	_ =	shalt  }
0x4b: {  	_ =	shalt  }
0x4c: {  	_ =	shalt  }
0x4d: {  	_ =	shalt  }
0x4e: {  	_ =	shalt  }
0x4f: {  	_ =	shalt  }
0x50: {  	_ =	shalt  }
0x51: {  	_ =	shalt  }
0x52: {  	_ =	shalt  }
0x53: {  	_ =	shalt  }
0x54: {  	_ =	shalt  }
0x55: {  	_ =	shalt  }
0x56: {  	_ =	shalt  }
0x57: {  	_ =	shalt  }
0x58: {  	_ =	shalt  }
0x59: {  	_ =	shalt  }
0x5a: {  	_ =	shalt  }
0x5b: {  	_ =	shalt  }
0x5c: {  	_ =	shalt  }
0x5d: {  	_ =	shalt  }
0x5e: {  	_ =	shalt  }
0x5f: {  	_ =	shalt  }
0x60: {  	_ =	shalt  }
0x61: {  	_ =	shalt  }
0x62: {  	_ =	shalt  }
0x63: {  	_ =	shalt  }
0x64: {  	_ =	shalt  }
0x65: {  	_ =	shalt  }
0x66: {  	_ =	shalt  }
0x67: {  	_ =	shalt  }
0x68: {  	_ =	shalt  }
0x69: {  	_ =	shalt  }
0x6a: {  	_ =	shalt  }
0x6b: {  	_ =	shalt  }
0x6c: {  	_ =	shalt  }
0x6d: {  	_ =	shalt  }
0x6e: {  	_ =	shalt  }
0x6f: {  	_ =	shalt  }
0x70: {  	_ =	shalt  }
0x71: {  	_ =	shalt  }
0x72: {  	_ =	shalt  }
0x73: {  	_ =	shalt  }
0x74: {  	_ =	shalt  }
0x75: {  	_ =	shalt  }
0x76: {  	_ =	shalt  }
0x77: {  	_ =	shalt  }
0x78: {  	_ =	shalt  }
0x79: {  	_ =	shalt  }
0x7a: {  	_ =	shalt  }
0x7b: {  	_ =	shalt  }
0x7c: {  	_ =	shalt  }
0x7d: {  	_ =	shalt  }
0x7e: {  	_ =	shalt  }
0x7f: {  	_ =	shalt  }
0x80: {  	_ =	shalt  }
0x81: {  	_ =	shalt  }
0x82: {  	_ =	shalt  }
0x83: {  	_ =	shalt  }
0x84: {  	_ =	shalt  }
0x85: {  	_ =	shalt  }
0x86: {  	_ =	shalt  }
0x87: {  	_ =	shalt  }
.Lfunc_end0:
.L_simem_size_0:
called_computation_lowered:
.L_overlay_start_0:
0x88: {  	s2 =	sld [smem:$0x3FD9]  }
0x89: {  	s3 =	sld [smem:$0x3FFE];
	_ =	sdelay $0x1  }
0x8a: {  	s1 =	srdreg.scid  }
0x8b: {  	s0 =	sand.u32 $0x1, s1  }
0x8c: {  	s18 =	sshll.u32 s0, $0xA;
	s2 =	sadd.s32 s3, s2  }
0x8d: {  	s2 =	sadd.s32 s2, s18  }
0x8e: {  	[smem:$0x3FC5] =	sst s2  }
0x8f: {  	_ = 	snop  }
0x90: {  	s2 =	sld [smem:$0x3FC9]  }
0x91: {  	s19 =	sld [smem:$0x3FC8]  }
0x92: {  	s4 =	sld [smem:$0x3FC7]  }
0x93: {  	s5 =	sld [smem:$0x3FD0];
	(tm) =	ssettm $0x1  }
0x94: {  	s6 =	sld [smem:$0x3FFB];
	_ =	sdelay $0x3  }
0x95: {  	_ =	strace s6  }
0x96: {  	s6 =	sld [smem:$0x3FFC];
	_ =	sdelay $0x3  }
0x97: {  	_ =	strace s6  }
0x98: {  	s6 =	sld [smem:$0x3FFD];
	_ =	sdelay $0x3  }
0x99: {  	_ =	strace s6  }
0x9a: {  	_ =	strace $0x8FFFFFFF  }
0x9b: {  	s20 =	sld [smem:$0x3FDB];
	_ =	sdelay $0x1  }
0x9c: {  	s7 =	simm.s32 $_scs_section_size  }
0x9d: {  	s8 =	simm.s32 $_size__tile_overlayer_lowered;
	s9 =	simm.s32 $_tile_overlayer_lowered  }
0x9e: {  	s23 =	simm.s32 $0x1BFF;
	s22 =	sshll.u32 s9, $0x1;
	s6 =	sadd.s32 s7, s20  }
0x9f: {  	s10 =	simm.s32 $0x0;
	s21 =	sshll.u32 s8, $0x1;
	s8 =	sadd.s32 s22, s6  }
0xa0: {  	[timem:s10], [sflag:s23] =	dma.local [hbm:s8], s21  }
0xa1: {  	_ =	swait.ge [sflag:s23], s21  }
0xa2: {  	s7 =	ssub.s32 $0x0, s21;
	[sflag:s23] =	ssyncset.done $0x0  }
0xa3: {  	[sflag:s23] =	ssyncadd.s32 s7;
	_ =	sdelay $0x1  }
0xa4: {  	s24 =	simm.s32 $0x1B8B  }
0xa5: {  	_ =	swait.ge [sflag:s24], $0x1  }
0xa6: {  	[sflag:s24] =	ssyncset.done $0x0  }
0xa7: {  	s25 =	simm.s32 $0x1B8E;
	[sflag:s24] =	ssyncadd.s32 $0xFFFFFFFF  }
0xa8: {  	s26 =	simm.s32 $execute0_lowered;
	[smem:$0x3FD2] =	sst s25  }
0xa9: {  	s7 =	sshll.u32 s26, $0x1;
	_ =	strace $0x80000046;
	[dreg:$0x1] =	wrdreg $0xFFFFFFFF  }
0xaa: {  	s28 =	simm.s32 $_size_execute0_lowered;
	s6 =	sadd.s32 s6, s7;
	[dreg:$0x0] =	wrdreg $0x0  }
0xab: {  	s7 =	sshll.u32 s28, $0x1;
	[dreg:$0x2] =	wrdreg s6  }
0xac: {  	[dreg:$0x3] =	wrdreg s7  }
0xad: {  	[dreg:$0x4] =	wrdreg $0xC0  }
0xae: {  	_ =	task [dreg:s10], $0x5FFFF  }
0xaf: {  	[dreg:$0x1] =	wrdreg $0xFFFFFFFF  }
0xb0: {  	[dreg:$0x0] =	wrdreg $0x60  }
0xb1: {  	[dreg:$0x2] =	wrdreg s2  }
0xb2: {  	[dreg:$0x3] =	wrdreg s19  }
0xb3: {  	[dreg:$0x4] =	wrdreg s4  }
0xb4: {  	[dreg:$0x5] =	wrdreg s5  }
0xb5: {  	[dreg:$0x6] =	wrdreg $0x9  }
0xb6: {  	_ =	task.clear_ibuf [dreg:s10], $0x7FFFF;
	_ =	strace $0x90000046  }
0xb7: {  	s29 =	simm.s32 $0x9;
	_ =	strace $0x80000048  }
0xb8: {  	_ =	swait.ge [sflag:s29], $0x1  }
0xb9: {  	[sflag:s29] =	ssyncadd.s32 $0xFFFFFFFF  }
0xba: {  	_ =	strace $0x90000048  }
0xbb: {  	_ =	sfence  }
0xbc: {  	s30 =	sld [smem:$0x0];
	_ =	sdelay $0x2  }
0xbd: {  	s31 =	sshll.u32 s1, $0xD;
	s1 =	sshrl.u32 s1, $0x2  }
0xbe: {  	s3 =	sand.u32 $0x4000, s31;
	s1 =	sadd.s32 s1, s30  }
0xbf: {  	s0 =	sor.u32 s3, s0;
	s1 =	sshll.u32 s1, $0x11  }
0xc0: {  	s0 =	sor.u32 s1, s0  }
0xc1: {  	s0 =	sadd.s32 $0x8F2B, s0  }
0xc2: {  	[sflag:s0] =	ssyncadd.remote.s32 $0x1  }
0xc3: {  	_ =	sfence.sel $0xFFFF  }
0xc4: {  	[dreg:$0x0] =	wrdreg $0xFFFFFFFF;
	(pc) =	sbr.abs _section_cstart, $3  }
0xc5: {  	[dreg:$0x1] =	wrdreg $0xFFFFFFFF  }
0xc6: {  	_ =	task.clear_ibuf [dreg:s10], $0x2FFFF;
	_ =	strace $0x9FFFFFFF  }
0xc7: {  	(tm) =	ssettm $0x7FFFFFFF  }
tec
execute0_lowered:
.L_overlay_start_1:
0x0: {  	(tag) =	ssettag $0x1  }
0x1: {  	s0 =	srdreg.scid;
	s4 =	stileid.u32  }
0x2: {  	s0 =	sand.u32 $0x1, s0;
	s1 =	sshll.u32 s4, $0x1  }
0x3: {  	s1 =	sor.u32 s0, s1  }
0x4: {  	s2 =	rddreg [dreg:$0x0];
	s1 =	smul.u32 $0x28, s1  }
0x5: {  	s6 =	rddreg [dreg:$0x3];
	s7 =	simm.s32 $0x0;
	s22 =	simm.s32 $0x1  }
0x6: {  	s24 =	simm.s32 $0x2;
	s25 =	simm.s32 $0x10100;
	s3 =	sadd.s32 $0xFFFFFD80, s1  }
0x7: {  	s28 =	simm.s32 $0x13100;
	s4 =	sshrl.u32 s4, $0x3;
	s3 =	smin.u32 s1, s3  }
0x8: {  	s4 =	smul.u32 $0x780000, s4;
	s0 =	ssub.s32 $0x2, s0;
	s3 =	sshrl.u32 s3, $0x2  }
0x9: {  	s29 =	simm.s32 $0x4;
	s5 =	sshrl.u32 s0, $0x1;
	s3 =	smul.u32 $0xC000, s3  }
0xa: {  	s30 =	simm.s32 $0x16100;
	[smem:$0x7FF] =	sst s7;
	s0 =	ssub.s32 s0, s5  }
0xb: {  	s9 =	sadd.s32 $0x600, s2;
	s0 =	smax.u32 s0, $0x1;
	s3 =	sadd.s32 s4, s3  }
0xc: {  	_ =	strace $0x80000047;
	[dreg:$0x9] =	wrdreg s0;
	s4 =	sshrl.u32 s3, $0x3  }
.Ltmp0:
0xd: {  	s3 =	sadd.s32 $0x9000, s3;
	s26 =	sadd.s32 s2, s4;
	(pc) =	sbr.rel .LBB2_1-.Ltmp0, $4  }
0xe: {  	s31 =	sadd.s32 s4, s9;
	s4 =	sor.u32 $0xC00, s4;
	[dreg:$0x5] =	wrdreg s26  }
0xf: {  	s3 =	sshrl.u32 s3, $0x3;
	[dreg:$0x6] =	wrdreg s31;
	s4 =	sadd.s32 s2, s4  }
0x10: {  	s13 =	sadd.s32 $0x600, s6;
	s3 =	sadd.s32 s2, s3;
	[dreg:$0x7] =	wrdreg s4  }
0x11: {  	v0 =	vimm.f32 $0.0e+00;
	v1 =	vlaneseq.u32;
	s26 =	simm.s32 $0x3;
	[dreg:$0x8] =	wrdreg s3;
	s4 =	simm.s32 $0x0  }
.LBB2_12:
0x12: {  	s0 =	simm.s32 $0x5  }
0x13: {  	_ =	swait.ge [sflag:s0], $0x3000  }
0x14: {  	[sflag:s0] =	ssyncset.done $0x0  }
0x15: {  	s21 =	simm.s32 $0x6;
	[sflag:s0] =	ssyncadd.s32 $0xFFFFD000  }
0x16: {  	_ =	swait.ge [sflag:s21], $0x3000  }
0x17: {  	[sflag:s21] =	ssyncset.done $0x0  }
0x18: {  	s23 =	simm.s32 $0x7;
	[sflag:s21] =	ssyncadd.s32 $0xFFFFD000  }
0x19: {  	_ =	swait.ge [sflag:s23], $0x3000  }
0x1a: {  	[sflag:s23] =	ssyncset.done $0x0  }
0x1b: {  	s3 =	simm.s32 $0x8;
	[sflag:s23] =	ssyncadd.s32 $0xFFFFD000  }
0x1c: {  	_ =	swait.ge [sflag:s3], $0x3000  }
0x1d: {  	s4 =	rddreg [dreg:$0xa]  }
0x1e: {  	s31 =	rddreg [dreg:$0x9];
	s4 =	sadd.s32 $0x1, s4  }
0x1f: {  	p0 =	sne.s32 s4, s31  }
.Ltmp1:
0x20: {  	_ = 	snop;
	(pc) =	sbr.rel @!p0 .LBB2_13-.Ltmp1, $3  }
0x21: {  	_ =	sdelay $0x1  }
0x22: {  	[sflag:s3] =	ssyncset.done $0x0  }
0x23: {  	[sflag:s3] =	ssyncadd.s32 $0xFFFFD000  }
.LBB2_1:
0x24: {  	[dreg:$0xa] =	wrdreg s4  }
0x25: {  	s0 =	rddreg [dreg:$0x1];
	s3 =	simm.s32 $0x1000;
	s12 =	simm.s32 $0x9  }
0x26: {  	[tilespmem:s3], [sflag:$0x9] =	stream.linear.gather [hbm4b:s0+s7], $0x80, $0x38;
	[tilespmem:$0x19100] =	vst v63  }
0x27: {  	_ =	swait.ge [sflag:s12], $0x80  }
0x28: {  	[sflag:s12] =	ssyncset.done $0x0  }
0x29: {  	[sflag:s12] =	ssyncadd.s32 $0xFFFFFF80  }
0x2a: {  	s15 =	simm.s32 $0x1080;
	s14 =	rddreg [dreg:$0x2]  }
0x2b: {  	[tilespmem:s15], [sflag:$0x9] =	stream.linear.gather [hbm4b:s14+s7], $0x80, $0x38;
	[tilespmem:$0x19100] =	vst v63  }
0x2c: {  	_ =	swait.ge [sflag:s12], $0x80  }
0x2d: {  	[sflag:s12] =	ssyncset.done $0x0  }
0x2e: {  	[sflag:s12] =	ssyncadd.s32 $0xFFFFFF80  }
0x2f: {  	[tilespmem:$0x0] =	vst v0  }
0x30: {  	[tilespmem:$0x80] =	vst v0  }
0x31: {  	[tilespmem:$0x100] =	vst v0  }
0x32: {  	[tilespmem:$0x180] =	vst v0  }
0x33: {  	[tilespmem:$0x200] =	vst v0  }
0x34: {  	[tilespmem:$0x280] =	vst v0  }
0x35: {  	[tilespmem:$0x300] =	vst v0  }
0x36: {  	[tilespmem:$0x380] =	vst v0  }
0x37: {  	[tilespmem:$0x400] =	vst v0  }
0x38: {  	[tilespmem:$0x480] =	vst v0  }
0x39: {  	[tilespmem:$0x500] =	vst v0  }
0x3a: {  	[tilespmem:$0x580] =	vst v0  }
0x3b: {  	[tilespmem:$0x600] =	vst v0  }
0x3c: {  	[tilespmem:$0x680] =	vst v0  }
0x3d: {  	[tilespmem:$0x700] =	vst v0  }
0x3e: {  	[tilespmem:$0x780] =	vst v0  }
0x3f: {  	[tilespmem:$0x800] =	vst v0  }
0x40: {  	[tilespmem:$0x880] =	vst v0  }
0x41: {  	[tilespmem:$0x900] =	vst v0  }
0x42: {  	[tilespmem:$0x980] =	vst v0  }
0x43: {  	[tilespmem:$0xA00] =	vst v0  }
0x44: {  	[tilespmem:$0xA80] =	vst v0  }
0x45: {  	[tilespmem:$0xB00] =	vst v0;
	v2 =	vld [tilespmem:$0x1000]  }
0x46: {  	[tilespmem:$0xB80] =	vst v0  }
0x47: {  	[tilespmem:$0xC00] =	vst v0  }
0x48: {  	[tilespmem:$0xC80] =	vst v0;
	v3 =	vld [tilespmem:$0x1080]  }
0x49: {  	[tilespmem:$0xD00] =	vst v0  }
0x4a: {  	[tilespmem:$0xD80] =	vst v0;
	v2 =	vshll.u32 v2, $0x7  }
0x4b: {  	[tilespmem:$0xE00] =	vst v0;
	v4 =	vor.u32 $0x1, v2  }
0x4c: {  	[tilespmem:$0xE80] =	vst v0;
	v5 =	vor.u32 $0x2, v2  }
0x4d: {  	[tilespmem:$0xF00] =	vst v0;
	v3 =	vcvt.s32.f32 v3;
	v6 =	vor.u32 $0x3, v2  }
0x4e: {  	[tilespmem:$0xF80] =	vst v0;
	v7 =	vor.u32 $0x4, v2  }
0x4f: {  	v8 =	vor.u32 $0x5, v2;
	[tilespmem:v2+s7+$0x0] =	vst.idx.msk $0xffff, v3  }
0x50: {  	v41 =	vor.u32 $0x6, v2;
	[tilespmem:v4+s7+$0x0] =	vst.idx.msk $0xffff, v3  }
0x51: {  	v42 =	vor.u32 $0x7, v2;
	[tilespmem:v5+s7+$0x0] =	vst.idx.msk $0xffff, v3  }
0x52: {  	v43 =	vor.u32 $0x8, v2;
	[tilespmem:v6+s7+$0x0] =	vst.idx.msk $0xffff, v3  }
0x53: {  	v44 =	vor.u32 $0x9, v2;
	[tilespmem:v7+s7+$0x0] =	vst.idx.msk $0xffff, v3  }
0x54: {  	v45 =	vor.u32 $0xA, v2;
	[tilespmem:v8+s7+$0x0] =	vst.idx.msk $0xffff, v3  }
0x55: {  	v46 =	vor.u32 $0xB, v2;
	[tilespmem:v41+s7+$0x0] =	vst.idx.msk $0xffff, v3  }
0x56: {  	v47 =	vor.u32 $0xC, v2;
	[tilespmem:v42+s7+$0x0] =	vst.idx.msk $0xffff, v3  }
0x57: {  	v48 =	vor.u32 $0xD, v2;
	[tilespmem:v43+s7+$0x0] =	vst.idx.msk $0xffff, v3  }
0x58: {  	v49 =	vor.u32 $0xE, v2;
	[tilespmem:v44+s7+$0x0] =	vst.idx.msk $0xffff, v3  }
0x59: {  	v2 =	vor.u32 $0xF, v2;
	[tilespmem:v45+s7+$0x0] =	vst.idx.msk $0xffff, v3  }
0x5a: {  	[tilespmem:v46+s7+$0x0] =	vst.idx.msk $0xffff, v3  }
0x5b: {  	[tilespmem:v47+s7+$0x0] =	vst.idx.msk $0xffff, v3  }
0x5c: {  	[tilespmem:v48+s7+$0x0] =	vst.idx.msk $0xffff, v3  }
0x5d: {  	[tilespmem:v49+s7+$0x0] =	vst.idx.msk $0xffff, v3  }
0x5e: {  	[tilespmem:v2+s7+$0x0] =	vst.idx.msk $0xffff, v3  }
0x5f: {  	v2 =	vld [tilespmem:$0x1010];
	_ =	sdelay $0x2  }
0x60: {  	v3 =	vld [tilespmem:$0x1090];
	_ =	sdelay $0x1  }
0x61: {  	v2 =	vshll.u32 v2, $0x7  }
0x62: {  	v50 =	vor.u32 $0x1, v2  }
0x63: {  	v51 =	vor.u32 $0x2, v2  }
0x64: {  	v3 =	vcvt.s32.f32 v3;
	v52 =	vor.u32 $0x3, v2  }
0x65: {  	v53 =	vor.u32 $0x4, v2  }
0x66: {  	v54 =	vor.u32 $0x5, v2;
	[tilespmem:v2+s7+$0x0] =	vst.idx.msk $0xffff, v3  }
0x67: {  	v55 =	vor.u32 $0x6, v2;
	[tilespmem:v50+s7+$0x0] =	vst.idx.msk $0xffff, v3  }
0x68: {  	v56 =	vor.u32 $0x7, v2;
	[tilespmem:v51+s7+$0x0] =	vst.idx.msk $0xffff, v3  }
0x69: {  	v57 =	vor.u32 $0x8, v2;
	[tilespmem:v52+s7+$0x0] =	vst.idx.msk $0xffff, v3  }
0x6a: {  	v58 =	vor.u32 $0x9, v2;
	[tilespmem:v53+s7+$0x0] =	vst.idx.msk $0xffff, v3  }
0x6b: {  	v59 =	vor.u32 $0xA, v2;
	[tilespmem:v54+s7+$0x0] =	vst.idx.msk $0xffff, v3  }
0x6c: {  	v60 =	vor.u32 $0xB, v2;
	[tilespmem:v55+s7+$0x0] =	vst.idx.msk $0xffff, v3  }
0x6d: {  	v61 =	vor.u32 $0xC, v2;
	[tilespmem:v56+s7+$0x0] =	vst.idx.msk $0xffff, v3  }
0x6e: {  	v62 =	vor.u32 $0xD, v2;
	[tilespmem:v57+s7+$0x0] =	vst.idx.msk $0xffff, v3  }
0x6f: {  	v63 =	vor.u32 $0xE, v2;
	[tilespmem:v58+s7+$0x0] =	vst.idx.msk $0xffff, v3  }
0x70: {  	v2 =	vor.u32 $0xF, v2;
	[tilespmem:v59+s7+$0x0] =	vst.idx.msk $0xffff, v3  }
0x71: {  	[tilespmem:v60+s7+$0x0] =	vst.idx.msk $0xffff, v3  }
0x72: {  	[tilespmem:v61+s7+$0x0] =	vst.idx.msk $0xffff, v3  }
0x73: {  	[tilespmem:v62+s7+$0x0] =	vst.idx.msk $0xffff, v3  }
0x74: {  	[tilespmem:v63+s7+$0x0] =	vst.idx.msk $0xffff, v3  }
0x75: {  	s17 =	simm.s32 $0x1100;
	s16 =	rddreg [dreg:$0x5];
	[tilespmem:v2+s7+$0x0] =	vst.idx.msk $0xffff, v3  }
0x76: {  	[tilespmem:s17], [sflag:$0x1] =	stream.linear.gather [hbm4b:s16+s7], $0x3000, $0x38;
	[tilespmem:$0x19100] =	vst v63  }
0x77: {  	s19 =	simm.s32 $0x4100;
	s18 =	rddreg [dreg:$0x6]  }
0x78: {  	[tilespmem:s19], [sflag:$0x2] =	stream.linear.gather [hbm4b:s18+s7], $0x3000, $0x38;
	[tilespmem:$0x19100] =	vst v63  }
0x79: {  	s21 =	simm.s32 $0x7100;
	s20 =	rddreg [dreg:$0x7]  }
0x7a: {  	[tilespmem:s21], [sflag:$0x3] =	stream.linear.gather [hbm4b:s20+s7], $0x3000, $0x38;
	[tilespmem:$0x19100] =	vst v63  }
0x7b: {  	s31 =	simm.s32 $0xA100;
	s15 =	simm.s32 $0x0;
	s23 =	rddreg [dreg:$0x8]  }
0x7c: {  	[tilespmem:s31], [sflag:$0x4] =	stream.linear.gather [hbm4b:s23+s7], $0x3000, $0x38;
	[tilespmem:$0x19100] =	vst v63  }
.LBB2_2:
0x7d: {  	_ =	swait.ge [sflag:s22], $0x3000;
	p1 =	seq.s32 s15, $0x0  }
0x7e: {  	s4 =	simm.s32 $0x0;
	s8 =	simm.s32 $0x100;
	[sflag:s22] =	ssyncset.done $0x0  }
0x7f: {  	s10 =	simm.s32 $0x80;
	s0 =	simm.s32 @!p1 $0x5;
	[sflag:s22] =	ssyncadd.s32 $0xFFFFD000  }
0x80: {  	s11 =	simm.s32 $0x0;
	s8 =	sand.u32 $0x7800, s8;
	_ =	swait.ge @!p1 [sflag:s0], $0x3000  }
0x81: {  	s10 =	sand.u32 $0x380, s10;
	s14 =	sand.u32 $0x3800, s11;
	[sflag:s0] =	ssyncset.done @!p1 $0x0  }
0x82: {  	s4 =	sand.u32 $0x380, s4;
	s17 =	sor.u32 s10, s8;
	[sflag:s0] =	ssyncadd.s32 @!p1 $0xFFFFD000  }
0x83: {  	s8 =	sor.u32 s4, s14;
	v2 =	vld [tilespmem:s17+$0x1100]  }
0x84: {  	v3 =	vld [tilespmem:s8+$0x1100]  }
0x85: {  	v5 =	vld [tilespmem:s17+$0x1110]  }
0x86: {  	v6 =	vld [tilespmem:s8+$0x1110]  }
0x87: {  	v8 =	vld [tilespmem:s8+$0x1120]  }
0x88: {  	v10 =	vld [tilespmem:s8+$0x1130]  }
0x89: {  	v12 =	vld [tilespmem:s17+$0x1120]  }
0x8a: {  	v13 =	vld [tilespmem:s8+$0x1140]  }
0x8b: {  	v15 =	vld [tilespmem:s17+$0x1140]  }
0x8c: {  	s12 =	simm.s32 $0x100;
	s3 =	simm.s32 $0x200;
	v16 =	vld [tilespmem:s8+$0x1160]  }
0x8d: {  	s3 =	sand.u32 $0x7800, s3;
	s0 =	sand.u32 $0x380, s12;
	v17 =	vld [tilespmem:s17+$0x1530]  }
0x8e: {  	s18 =	sor.u32 s0, s3;
	v20 =	vld [tilespmem:s17+$0x1550]  }
0x8f: {  	v4 =	vld [tilespmem:s18+$0x1100]  }
0x90: {  	v7 =	vld [tilespmem:s18+$0x1110]  }
0x91: {  	s21 =	simm.s32 $0x180;
	s23 =	simm.s32 $0x300;
	v9 =	vld [tilespmem:s18+$0x1120];
	v2 =	vtrunc.f32 v2  }
0x92: {  	s19 =	simm.s32 $0x200;
	s5 =	sand.u32 $0x3800, s23;
	s10 =	sand.u32 $0x380, s21;
	v11 =	vld [tilespmem:s18+$0x1130];
	v2 =	vcvt.f32.s32 v2  }
0x93: {  	s3 =	sand.u32 $0x380, s19;
	s19 =	sor.u32 s10, s5;
	v14 =	vld [tilespmem:s18+$0x1140];
	v3 =	vtrunc.f32 v3  }
0x94: {  	v18 =	vld [tilespmem:s19+$0x1110];
	v3 =	vcvt.f32.s32 v3;
	v4 =	vtrunc.f32 v4;
	v2 =	vshll.u32 v2, $0x7  }
0x95: {  	v23 =	vld [tilespmem:s19+$0x1130];
	v4 =	vcvt.f32.s32 v4;
	v2 =	vor.u32 v1, v2  }
0x96: {  	v51 =	vld [tilespmem:s19+$0x1140];
	v3 =	vshll.u32 v3, $0x7  }
0x97: {  	v53 =	vld [tilespmem:s19+$0x1160];
	v3 =	vor.u32 v1, v3;
	v4 =	vshll.u32 v4, $0x7  }
0x98: {  	v56 =	vld [tilespmem:s19+$0x1170];
	v5 =	vtrunc.f32 v5;
	v4 =	vor.u32 v1, v4  }
0x99: {  	v58 =	vld [tilespmem:s19+$0x1500];
	v6 =	vtrunc.f32 v6;
	v5 =	vcvt.f32.s32 v5  }
0x9a: {  	v6 =	vcvt.f32.s32 v6;
	v2 =	vld.idx.msk [tilespmem:v2+s7+$0x0], $0xffff  }
0x9b: {  	s16 =	simm.s32 $0x400;
	v28 =	vld [tilespmem:s19+$0x1510];
	v7 =	vtrunc.f32 v7;
	v5 =	vshll.u32 v5, $0x7  }
0x9c: {  	s0 =	sand.u32 $0x7800, s16;
	v7 =	vcvt.f32.s32 v7;
	v6 =	vshll.u32 v6, $0x7;
	v5 =	vor.u32 v1, v5;
	v3 =	vld.idx.msk [tilespmem:v3+s7+$0x0], $0xffff  }
0x9d: {  	s14 =	sor.u32 s3, s0;
	v6 =	vor.u32 v1, v6;
	v4 =	vld.idx.msk [tilespmem:v4+s7+$0x0], $0xffff  }
0x9e: {  	v21 =	vld [tilespmem:s14+$0x1110];
	v12 =	vtrunc.f32 v12;
	v7 =	vshll.u32 v7, $0x7  }
0x9f: {  	v8 =	vtrunc.f32 v8;
	v12 =	vcvt.f32.s32 v12;
	v7 =	vor.u32 v1, v7;
	[tilespmem:s17+$0xD100] =	vst v2;
	v2 =	vld [tilespmem:s17+$0x1130]  }
0xa0: {  	v25 =	vld [tilespmem:s14+$0x1120];
	v9 =	vtrunc.f32 v9;
	v8 =	vcvt.f32.s32 v8  }
0xa1: {  	[tilespmem:s8+$0xD100] =	vst v3;
	v3 =	vcvt.f32.s32 v9;
	v9 =	vshll.u32 v12, $0x7;
	v5 =	vld.idx.msk [tilespmem:v5+s7+$0x0], $0xffff  }
0xa2: {  	v6 =	vld.idx.msk [tilespmem:v6+s7+$0x0], $0xffff;
	[tilespmem:s18+$0xD100] =	vst v4;
	v4 =	vshll.u32 v8, $0x7;
	v8 =	vor.u32 v1, v9  }
0xa3: {  	v52 =	vld [tilespmem:s14+$0x1130]  }
0xa4: {  	v7 =	vld.idx.msk [tilespmem:v7+s7+$0x0], $0xffff;
	v3 =	vshll.u32 v3, $0x7;
	v4 =	vor.u32 v1, v4;
	v2 =	vtrunc.f32 v2  }
0xa5: {  	v54 =	vld [tilespmem:s14+$0x1140];
	v3 =	vor.u32 v1, v3;
	v2 =	vcvt.f32.s32 v2  }
0xa6: {  	v57 =	vld [tilespmem:s14+$0x1150];
	v10 =	vtrunc.f32 v10;
	[tilespmem:s17+$0xD110] =	vst v5  }
0xa7: {  	v10 =	vcvt.f32.s32 v10;
	v5 =	vtrunc.f32 v11;
	[tilespmem:s8+$0xD110] =	vst v6;
	v6 =	vld.idx.msk [tilespmem:v8+s7+$0x0], $0xffff;
	v2 =	vshll.u32 v2, $0x7  }
0xa8: {  	v60 =	vld [tilespmem:s14+$0x1160];
	v5 =	vcvt.f32.s32 v5;
	v2 =	vor.u32 v1, v2  }
0xa9: {  	v4 =	vld.idx.msk [tilespmem:v4+s7+$0x0], $0xffff;
	[tilespmem:s18+$0xD110] =	vst v7;
	v7 =	vshll.u32 v10, $0x7  }
0xaa: {  	v10 =	vtrunc.f32 v15;
	v3 =	vld.idx.msk [tilespmem:v3+s7+$0x0], $0xffff;
	v7 =	vor.u32 v1, v7;
	v5 =	vshll.u32 v5, $0x7  }
0xab: {  	v11 =	vld [tilespmem:s17+$0x1150];
	v10 =	vcvt.f32.s32 v10;
	v5 =	vor.u32 v1, v5  }
0xac: {  	v13 =	vtrunc.f32 v13;
	v9 =	vld [tilespmem:s8+$0x1150];
	[tilespmem:s17+$0xD120] =	vst v6  }
0xad: {  	v13 =	vcvt.f32.s32 v13;
	v10 =	vshll.u32 v10, $0x7;
	v6 =	vtrunc.f32 v14;
	v2 =	vld.idx.msk [tilespmem:v2+s7+$0x0], $0xffff  }
0xae: {  	v12 =	vld [tilespmem:s18+$0x1150];
	[tilespmem:s8+$0xD120] =	vst v4;
	v4 =	vor.u32 v1, v10;
	v6 =	vcvt.f32.s32 v6  }
0xaf: {  	v10 =	vshll.u32 v13, $0x7;
	v7 =	vld.idx.msk [tilespmem:v7+s7+$0x0], $0xffff;
	[tilespmem:s18+$0xD120] =	vst v3  }
0xb0: {  	v3 =	vshll.u32 v6, $0x7;
	v6 =	vor.u32 v1, v10;
	v5 =	vld.idx.msk [tilespmem:v5+s7+$0x0], $0xffff;
	v10 =	vtrunc.f32 v11  }
0xb1: {  	v11 =	vld [tilespmem:s17+$0x1160];
	v3 =	vor.u32 v1, v3;
	v10 =	vcvt.f32.s32 v10  }
0xb2: {  	v61 =	vld [tilespmem:s14+$0x1170];
	v9 =	vtrunc.f32 v9;
	[tilespmem:s17+$0xD130] =	vst v2  }
0xb3: {  	v10 =	vshll.u32 v10, $0x7;
	v2 =	vcvt.f32.s32 v9;
	v9 =	vtrunc.f32 v12;
	v4 =	vld.idx.msk [tilespmem:v4+s7+$0x0], $0xffff  }
0xb4: {  	v8 =	vld [tilespmem:s18+$0x1160];
	[tilespmem:s8+$0xD130] =	vst v7;
	v7 =	vor.u32 v1, v10;
	v9 =	vcvt.f32.s32 v9  }
0xb5: {  	v6 =	vld.idx.msk [tilespmem:v6+s7+$0x0], $0xffff;
	[tilespmem:s18+$0xD130] =	vst v5;
	v2 =	vshll.u32 v2, $0x7  }
0xb6: {  	v3 =	vld.idx.msk [tilespmem:v3+s7+$0x0], $0xffff;
	v2 =	vor.u32 v1, v2;
	v5 =	vshll.u32 v9, $0x7;
	v9 =	vtrunc.f32 v11  }
0xb7: {  	v10 =	vld [tilespmem:s17+$0x1170];
	v5 =	vor.u32 v1, v5;
	v9 =	vcvt.f32.s32 v9  }
0xb8: {  	v15 =	vld [tilespmem:s8+$0x1170];
	v11 =	vtrunc.f32 v16;
	[tilespmem:s17+$0xD140] =	vst v4  }
0xb9: {  	v8 =	vtrunc.f32 v8;
	v4 =	vcvt.f32.s32 v11;
	v9 =	vshll.u32 v9, $0x7;
	v11 =	vld.idx.msk [tilespmem:v7+s7+$0x0], $0xffff  }
0xba: {  	v14 =	vld [tilespmem:s18+$0x1170];
	v8 =	vcvt.f32.s32 v8;
	[tilespmem:s8+$0xD140] =	vst v6;
	v6 =	vor.u32 v1, v9  }
0xbb: {  	[tilespmem:s18+$0xD140] =	vst v3;
	v4 =	vshll.u32 v4, $0x7;
	v2 =	vld.idx.msk [tilespmem:v2+s7+$0x0], $0xffff  }
0xbc: {  	v3 =	vor.u32 v1, v4;
	v4 =	vshll.u32 v8, $0x7;
	v5 =	vld.idx.msk [tilespmem:v5+s7+$0x0], $0xffff;
	v8 =	vtrunc.f32 v10  }
0xbd: {  	v9 =	vld [tilespmem:s17+$0x1500];
	v4 =	vor.u32 v1, v4;
	v8 =	vcvt.f32.s32 v8  }
0xbe: {  	v13 =	vld [tilespmem:s8+$0x1500];
	v10 =	vtrunc.f32 v15;
	[tilespmem:s17+$0xD150] =	vst v11  }
0xbf: {  	v10 =	vcvt.f32.s32 v10;
	v11 =	vtrunc.f32 v14;
	v8 =	vshll.u32 v8, $0x7;
	v14 =	vld.idx.msk [tilespmem:v6+s7+$0x0], $0xffff  }
0xc0: {  	v12 =	vld [tilespmem:s18+$0x1500];
	v11 =	vcvt.f32.s32 v11;
	[tilespmem:s8+$0xD150] =	vst v2;
	v2 =	vor.u32 v1, v8  }
0xc1: {  	v8 =	vshll.u32 v10, $0x7;
	v10 =	vld.idx.msk [tilespmem:v3+s7+$0x0], $0xffff;
	[tilespmem:s18+$0xD150] =	vst v5  }
0xc2: {  	v5 =	vor.u32 v1, v8;
	v8 =	vtrunc.f32 v9;
	v3 =	vshll.u32 v11, $0x7;
	v4 =	vld.idx.msk [tilespmem:v4+s7+$0x0], $0xffff  }
0xc3: {  	v11 =	vld [tilespmem:s17+$0x1510];
	v9 =	vor.u32 v1, v3;
	v3 =	vcvt.f32.s32 v8  }
0xc4: {  	v13 =	vtrunc.f32 v13;
	v15 =	vld [tilespmem:s8+$0x1510];
	[tilespmem:s17+$0xD160] =	vst v14  }
0xc5: {  	v13 =	vcvt.f32.s32 v13;
	v12 =	vtrunc.f32 v12;
	v14 =	vshll.u32 v3, $0x7;
	v2 =	vld.idx.msk [tilespmem:v2+s7+$0x0], $0xffff  }
0xc6: {  	v16 =	vld [tilespmem:s18+$0x1510];
	v12 =	vcvt.f32.s32 v12;
	[tilespmem:s8+$0xD160] =	vst v10;
	v10 =	vor.u32 v1, v14  }
0xc7: {  	v13 =	vshll.u32 v13, $0x7;
	v5 =	vld.idx.msk [tilespmem:v5+s7+$0x0], $0xffff;
	[tilespmem:s18+$0xD160] =	vst v4  }
0xc8: {  	v12 =	vshll.u32 v12, $0x7;
	v4 =	vor.u32 v1, v13;
	v13 =	vld.idx.msk [tilespmem:v9+s7+$0x0], $0xffff;
	v9 =	vtrunc.f32 v11  }
0xc9: {  	v12 =	vor.u32 v1, v12;
	v14 =	vld [tilespmem:s17+$0x1520];
	v9 =	vcvt.f32.s32 v9  }
0xca: {  	v63 =	vld [tilespmem:s14+$0x1500];
	v15 =	vtrunc.f32 v15;
	[tilespmem:s17+$0xD170] =	vst v2  }
0xcb: {  	v2 =	vcvt.f32.s32 v15;
	v15 =	vtrunc.f32 v16;
	v16 =	vshll.u32 v9, $0x7;
	v10 =	vld.idx.msk [tilespmem:v10+s7+$0x0], $0xffff  }
0xcc: {  	v32 =	vld [tilespmem:s14+$0x1510];
	v15 =	vcvt.f32.s32 v15;
	[tilespmem:s8+$0xD170] =	vst v5;
	v5 =	vor.u32 v1, v16  }
0xcd: {  	v2 =	vshll.u32 v2, $0x7;
	v16 =	vld.idx.msk [tilespmem:v4+s7+$0x0], $0xffff;
	[tilespmem:s18+$0xD170] =	vst v13  }
0xce: {  	v14 =	vtrunc.f32 v14;
	v13 =	vor.u32 v1, v2;
	v2 =	vshll.u32 v15, $0x7;
	v12 =	vld.idx.msk [tilespmem:v12+s7+$0x0], $0xffff  }
0xcf: {  	s20 =	simm.s32 $0x280;
	s3 =	simm.s32 $0x500;
	v36 =	vld [tilespmem:s14+$0x1520];
	v15 =	vor.u32 v1, v2;
	v2 =	vcvt.f32.s32 v14  }
0xd0: {  	s11 =	sand.u32 $0x380, s20;
	s0 =	sand.u32 $0x7800, s3;
	v43 =	vld [tilespmem:s14+$0x1550];
	[tilespmem:s17+$0xD500] =	vst v10  }
0xd1: {  	s20 =	sor.u32 s11, s0;
	v10 =	vshll.u32 v2, $0x7;
	v5 =	vld.idx.msk [tilespmem:v5+s7+$0x0], $0xffff  }
0xd2: {  	v19 =	vld [tilespmem:s20+$0x1110];
	[tilespmem:s8+$0xD500] =	vst v16;
	v16 =	vor.u32 v1, v10  }
0xd3: {  	v10 =	vld.idx.msk [tilespmem:v13+s7+$0x0], $0xffff;
	[tilespmem:s18+$0xD500] =	vst v12  }
0xd4: {  	v14 =	vld.idx.msk [tilespmem:v15+s7+$0x0], $0xffff  }
0xd5: {  	v15 =	vld [tilespmem:s14+$0x1100]  }
0xd6: {  	v12 =	vtrunc.f32 v17;
	v13 =	vld [tilespmem:s17+$0x1540];
	[tilespmem:s17+$0xD510] =	vst v5  }
0xd7: {  	v5 =	vcvt.f32.s32 v12;
	v12 =	vld.idx.msk [tilespmem:v16+s7+$0x0], $0xffff  }
0xd8: {  	v16 =	vld [tilespmem:s19+$0x1100]  }
0xd9: {  	v17 =	vld [tilespmem:s20+$0x1100];
	v5 =	vshll.u32 v5, $0x7  }
0xda: {  	v22 =	vld [tilespmem:s20+$0x1120];
	v15 =	vtrunc.f32 v15;
	v5 =	vor.u32 v1, v5  }
0xdb: {  	v24 =	vld [tilespmem:s20+$0x1130];
	v15 =	vcvt.f32.s32 v15  }
0xdc: {  	v26 =	vld [tilespmem:s20+$0x1140];
	v13 =	vtrunc.f32 v13  }
0xdd: {  	v55 =	vld [tilespmem:s20+$0x1160];
	v15 =	vshll.u32 v15, $0x7;
	v16 =	vtrunc.f32 v16;
	[tilespmem:s17+$0xD520] =	vst v12;
	v12 =	vcvt.f32.s32 v13  }
0xde: {  	s12 =	simm.s32 $0x700;
	s16 =	simm.s32 $0x380;
	v27 =	vld [tilespmem:s20+$0x1170];
	v15 =	vor.u32 v1, v15;
	v13 =	vcvt.f32.s32 v16;
	v16 =	vtrunc.f32 v17  }
0xdf: {  	s3 =	sand.u32 $0x380, s16;
	s0 =	sand.u32 $0x7800, s12;
	v5 =	vld.idx.msk [tilespmem:v5+s7+$0x0], $0xffff;
	v16 =	vcvt.f32.s32 v16;
	v12 =	vshll.u32 v12, $0x7  }
0xe0: {  	v59 =	vld [tilespmem:s20+$0x1500];
	s10 =	sor.u32 s3, s0;
	v13 =	vshll.u32 v13, $0x7;
	v12 =	vor.u32 v1, v12  }
0xe1: {  	v44 =	vld [tilespmem:s10+$0x1110];
	v21 =	vtrunc.f32 v21;
	v13 =	vor.u32 v1, v13;
	v16 =	vshll.u32 v16, $0x7  }
0xe2: {  	v49 =	vld [tilespmem:s10+$0x1120];
	v21 =	vcvt.f32.s32 v21;
	v16 =	vor.u32 v1, v16  }
0xe3: {  	v20 =	vtrunc.f32 v20;
	v18 =	vtrunc.f32 v18;
	v15 =	vld.idx.msk [tilespmem:v15+s7+$0x0], $0xffff  }
0xe4: {  	v18 =	vcvt.f32.s32 v18;
	v17 =	vld [tilespmem:s19+$0x1120];
	[tilespmem:s17+$0xD530] =	vst v5;
	v5 =	vcvt.f32.s32 v20;
	v20 =	vshll.u32 v21, $0x7  }
0xe5: {  	s23 =	simm.s32 $0x300;
	s21 =	simm.s32 $0x400;
	s5 =	simm.s32 $0x800;
	v19 =	vtrunc.f32 v19;
	v12 =	vld.idx.msk [tilespmem:v12+s7+$0x0], $0xffff;
	v20 =	vor.u32 v1, v20  }
0xe6: {  	s21 =	sand.u32 $0x380, s21;
	s12 =	simm.s32 $0x600;
	s0 =	sand.u32 $0x7800, s5;
	v18 =	vshll.u32 v18, $0x7;
	v19 =	vcvt.f32.s32 v19;
	v13 =	vld.idx.msk [tilespmem:v13+s7+$0x0], $0xffff  }
0xe7: {  	s11 =	sand.u32 $0x380, s23;
	s16 =	sand.u32 $0x3800, s12;
	s12 =	sor.u32 s21, s0;
	v18 =	vor.u32 v1, v18;
	v16 =	vld.idx.msk [tilespmem:v16+s7+$0x0], $0xffff  }
0xe8: {  	s11 =	sor.u32 s11, s16;
	v40 =	vld [tilespmem:s12+$0x1100];
	v19 =	vshll.u32 v19, $0x7;
	[tilespmem:s14+$0xD100] =	vst v15;
	v15 =	vtrunc.f32 v25  }
0xe9: {  	v41 =	vld [tilespmem:s11+$0x1110];
	v19 =	vor.u32 v1, v19;
	v17 =	vtrunc.f32 v17;
	v15 =	vcvt.f32.s32 v15  }
0xea: {  	v17 =	vcvt.f32.s32 v17;
	v20 =	vld.idx.msk [tilespmem:v20+s7+$0x0], $0xffff;
	[tilespmem:s17+$0xD540] =	vst v12  }
0xeb: {  	v42 =	vld [tilespmem:s12+$0x1110];
	v15 =	vshll.u32 v15, $0x7;
	[tilespmem:s19+$0xD100] =	vst v13  }
0xec: {  	v12 =	vtrunc.f32 v22;
	v15 =	vor.u32 v1, v15;
	v13 =	vld.idx.msk [tilespmem:v18+s7+$0x0], $0xffff;
	[tilespmem:s20+$0xD100] =	vst v16;
	v16 =	vshll.u32 v17, $0x7  }
0xed: {  	v45 =	vld [tilespmem:s11+$0x1120];
	v12 =	vcvt.f32.s32 v12;
	v16 =	vor.u32 v1, v16  }
0xee: {  	v25 =	vtrunc.f32 v52;
	v17 =	vld.idx.msk [tilespmem:v19+s7+$0x0], $0xffff  }
0xef: {  	v46 =	vld [tilespmem:s12+$0x1120];
	v12 =	vshll.u32 v12, $0x7;
	[tilespmem:s14+$0xD110] =	vst v20;
	v20 =	vcvt.f32.s32 v25  }
0xf0: {  	v23 =	vtrunc.f32 v23;
	v47 =	vld [tilespmem:s11+$0x1130];
	v12 =	vor.u32 v1, v12  }
0xf1: {  	v23 =	vcvt.f32.s32 v23;
	[tilespmem:s19+$0xD110] =	vst v13;
	v13 =	vld.idx.msk [tilespmem:v15+s7+$0x0], $0xffff;
	v20 =	vshll.u32 v20, $0x7  }
0xf2: {  	v24 =	vtrunc.f32 v24;
	v16 =	vld.idx.msk [tilespmem:v16+s7+$0x0], $0xffff;
	v20 =	vor.u32 v1, v20  }
0xf3: {  	v48 =	vld [tilespmem:s12+$0x1130];
	v15 =	vcvt.f32.s32 v24;
	[tilespmem:s20+$0xD110] =	vst v17;
	v17 =	vshll.u32 v23, $0x7  }
0xf4: {  	v38 =	vtrunc.f32 v36;
	v36 =	vld [tilespmem:s11+$0x1500];
	v17 =	vor.u32 v1, v17  }
0xf5: {  	v25 =	vtrunc.f32 v54;
	v12 =	vld.idx.msk [tilespmem:v12+s7+$0x0], $0xffff;
	v15 =	vshll.u32 v15, $0x7  }
0xf6: {  	v7 =	vld [tilespmem:s18+$0x1520];
	v15 =	vor.u32 v1, v15;
	[tilespmem:s14+$0xD120] =	vst v13;
	v13 =	vcvt.f32.s32 v25  }
0xf7: {  	v21 =	vtrunc.f32 v51;
	[tilespmem:s19+$0xD120] =	vst v16;
	v16 =	vld.idx.msk [tilespmem:v20+s7+$0x0], $0xffff  }
0xf8: {  	v21 =	vcvt.f32.s32 v21;
	v18 =	vld [tilespmem:s19+$0x1150];
	v13 =	vshll.u32 v13, $0x7  }
0xf9: {  	v26 =	vtrunc.f32 v26;
	v17 =	vld.idx.msk [tilespmem:v17+s7+$0x0], $0xffff;
	v13 =	vor.u32 v1, v13  }
0xfa: {  	v19 =	vld [tilespmem:s20+$0x1150];
	v20 =	vcvt.f32.s32 v26;
	[tilespmem:s20+$0xD120] =	vst v12;
	v12 =	vshll.u32 v21, $0x7  }
0xfb: {  	v25 =	vtrunc.f32 v57;
	v15 =	vld.idx.msk [tilespmem:v15+s7+$0x0], $0xffff;
	v12 =	vor.u32 v1, v12  }
0xfc: {  	v6 =	vld [tilespmem:s18+$0x1530];
	v20 =	vshll.u32 v20, $0x7;
	[tilespmem:s14+$0xD130] =	vst v16;
	v16 =	vcvt.f32.s32 v25  }
0xfd: {  	v7 =	vtrunc.f32 v7;
	v8 =	vld [tilespmem:s8+$0x1520];
	v18 =	vtrunc.f32 v18;
	v20 =	vor.u32 v1, v20  }
0xfe: {  	v7 =	vcvt.f32.s32 v7;
	v18 =	vcvt.f32.s32 v18;
	[tilespmem:s19+$0xD130] =	vst v17;
	v17 =	vld.idx.msk [tilespmem:v13+s7+$0x0], $0xffff;
	v16 =	vshll.u32 v16, $0x7  }
0xff: {  	v34 =	vtrunc.f32 v32;
	v32 =	vld [tilespmem:s11+$0x1510];
	v19 =	vtrunc.f32 v19;
	v16 =	vor.u32 v1, v16  }
0x100: {  	v7 =	vshll.u32 v7, $0x7;
	v13 =	vcvt.f32.s32 v19;
	v12 =	vld.idx.msk [tilespmem:v12+s7+$0x0], $0xffff;
	[tilespmem:s20+$0xD130] =	vst v15;
	v15 =	vshll.u32 v18, $0x7  }
0x101: {  	v7 =	vor.u32 v1, v7;
	v3 =	vld [tilespmem:s18+$0x1540];
	v6 =	vtrunc.f32 v6;
	v15 =	vor.u32 v1, v15  }
0x102: {  	v6 =	vcvt.f32.s32 v6;
	v25 =	vtrunc.f32 v60;
	v18 =	vld.idx.msk [tilespmem:v20+s7+$0x0], $0xffff;
	v13 =	vshll.u32 v13, $0x7  }
0x103: {  	v11 =	vld [tilespmem:s8+$0x1530];
	v8 =	vtrunc.f32 v8;
	v29 =	vor.u32 v1, v13;
	[tilespmem:s14+$0xD140] =	vst v17;
	v17 =	vcvt.f32.s32 v25  }
0x104: {  	v31 =	vshll.u32 v6, $0x7;
	v22 =	vtrunc.f32 v53;
	v20 =	vcvt.f32.s32 v8;
	v16 =	vld.idx.msk [tilespmem:v16+s7+$0x0], $0xffff  }
0x105: {  	v6 =	vld [tilespmem:s20+$0x1540];
	v22 =	vcvt.f32.s32 v22;
	v23 =	vtrunc.f32 v55;
	[tilespmem:s19+$0xD140] =	vst v12;
	v17 =	vshll.u32 v17, $0x7  }
0x106: {  	v20 =	vshll.u32 v20, $0x7;
	v12 =	vcvt.f32.s32 v23;
	v15 =	vld.idx.msk [tilespmem:v15+s7+$0x0], $0xffff;
	v17 =	vor.u32 v1, v17  }
0x107: {  	v9 =	vld [tilespmem:s8+$0x1540];
	v20 =	vor.u32 v1, v20;
	[tilespmem:s20+$0xD140] =	vst v18;
	v18 =	vshll.u32 v22, $0x7  }
0x108: {  	[tilespmem:s18+$0xD510] =	vst v14;
	v25 =	vtrunc.f32 v61;
	v18 =	vor.u32 v1, v18;
	v23 =	vshll.u32 v12, $0x7;
	v62 =	vld.idx.msk [tilespmem:v29+s7+$0x0], $0xffff  }
0x109: {  	v4 =	vld [tilespmem:s8+$0x1550];
	v11 =	vtrunc.f32 v11;
	v23 =	vor.u32 v1, v23;
	[tilespmem:s14+$0xD150] =	vst v16;
	v16 =	vcvt.f32.s32 v25  }
0x10a: {  	v11 =	vcvt.f32.s32 v11;
	[tilespmem:s8+$0xD510] =	vst v10;
	v7 =	vld.idx.msk [tilespmem:v7+s7+$0x0], $0xffff;
	v24 =	vtrunc.f32 v56  }
0x10b: {  	v27 =	vtrunc.f32 v27;
	v24 =	vcvt.f32.s32 v24;
	[tilespmem:s19+$0xD150] =	vst v15;
	v15 =	vld.idx.msk [tilespmem:v17+s7+$0x0], $0xffff;
	v16 =	vshll.u32 v16, $0x7  }
0x10c: {  	v11 =	vshll.u32 v11, $0x7;
	v20 =	vld.idx.msk [tilespmem:v20+s7+$0x0], $0xffff;
	v17 =	vcvt.f32.s32 v27;
	v16 =	vor.u32 v1, v16  }
0x10d: {  	v11 =	vor.u32 v1, v11;
	v14 =	vshll.u32 v24, $0x7;
	v18 =	vld.idx.msk [tilespmem:v18+s7+$0x0], $0xffff;
	[tilespmem:s20+$0xD150] =	vst v62  }
0x10e: {  	v30 =	vor.u32 v1, v14;
	v22 =	vld.idx.msk [tilespmem:v23+s7+$0x0], $0xffff;
	v14 =	vshll.u32 v17, $0x7  }
0x10f: {  	v3 =	vtrunc.f32 v3;
	v2 =	vld [tilespmem:s18+$0x1550];
	[tilespmem:s18+$0xD520] =	vst v7;
	v25 =	vtrunc.f32 v63;
	v17 =	vor.u32 v1, v14  }
0x110: {  	v21 =	vtrunc.f32 v58;
	v19 =	vld [tilespmem:s20+$0x1510];
	[tilespmem:s14+$0xD160] =	vst v15;
	v15 =	vcvt.f32.s32 v25  }
0x111: {  	v24 =	vor.u32 v1, v31;
	v26 =	vtrunc.f32 v59;
	v21 =	vcvt.f32.s32 v21;
	[tilespmem:s8+$0xD520] =	vst v20;
	v16 =	vld.idx.msk [tilespmem:v16+s7+$0x0], $0xffff  }
0x112: {  	v9 =	vtrunc.f32 v9;
	v7 =	vld.idx.msk [tilespmem:v11+s7+$0x0], $0xffff;
	[tilespmem:s19+$0xD160] =	vst v18;
	v18 =	vcvt.f32.s32 v26;
	v15 =	vshll.u32 v15, $0x7  }
0x113: {  	v9 =	vcvt.f32.s32 v9;
	v21 =	vshll.u32 v21, $0x7;
	v23 =	vld.idx.msk [tilespmem:v30+s7+$0x0], $0xffff;
	[tilespmem:s20+$0xD160] =	vst v22;
	v15 =	vor.u32 v1, v15  }
0x114: {  	v20 =	vor.u32 v1, v21;
	v11 =	vcvt.f32.s32 v3;
	v18 =	vshll.u32 v18, $0x7;
	v17 =	vld.idx.msk [tilespmem:v17+s7+$0x0], $0xffff  }
0x115: {  	v35 =	vtrunc.f32 v28;
	v10 =	vld [tilespmem:s20+$0x1530];
	v3 =	vshll.u32 v9, $0x7;
	v9 =	vor.u32 v1, v18  }
0x116: {  	v33 =	vor.u32 v1, v3;
	v11 =	vshll.u32 v11, $0x7;
	v18 =	vld.idx.msk [tilespmem:v24+s7+$0x0], $0xffff;
	[tilespmem:s14+$0xD170] =	vst v16;
	v16 =	vcvt.f32.s32 v34  }
0x117: {  	v51 =	vld [tilespmem:s11+$0x1140];
	v19 =	vtrunc.f32 v19;
	v11 =	vor.u32 v1, v11;
	v24 =	vcvt.f32.s32 v35  }
0x118: {  	v4 =	vtrunc.f32 v4;
	[tilespmem:s19+$0xD170] =	vst v23;
	v37 =	vld.idx.msk [tilespmem:v15+s7+$0x0], $0xffff;
	v15 =	vcvt.f32.s32 v19;
	v16 =	vshll.u32 v16, $0x7  }
0x119: {  	v4 =	vcvt.f32.s32 v4;
	v19 =	vld.idx.msk [tilespmem:v20+s7+$0x0], $0xffff;
	[tilespmem:s20+$0xD170] =	vst v17;
	v17 =	vshll.u32 v24, $0x7;
	v16 =	vor.u32 v1, v16  }
0x11a: {  	[tilespmem:s8+$0xD530] =	vst v7;
	v9 =	vld.idx.msk [tilespmem:v9+s7+$0x0], $0xffff;
	v17 =	vor.u32 v1, v17;
	v20 =	vshll.u32 v15, $0x7  }
0x11b: {  	v4 =	vshll.u32 v4, $0x7;
	[tilespmem:s18+$0xD530] =	vst v18;
	v18 =	vld.idx.msk [tilespmem:v33+s7+$0x0], $0xffff;
	v20 =	vor.u32 v1, v20  }
0x11c: {  	v39 =	vor.u32 v1, v4;
	v4 =	vcvt.f32.s32 v38;
	v7 =	vld.idx.msk [tilespmem:v11+s7+$0x0], $0xffff  }
0x11d: {  	v11 =	vld [tilespmem:s14+$0x1530];
	[tilespmem:s14+$0xD500] =	vst v37  }
0x11e: {  	v4 =	vshll.u32 v4, $0x7;
	[tilespmem:s19+$0xD500] =	vst v19;
	v19 =	vld.idx.msk [tilespmem:v16+s7+$0x0], $0xffff  }
0x11f: {  	v16 =	vld.idx.msk [tilespmem:v17+s7+$0x0], $0xffff;
	[tilespmem:s20+$0xD500] =	vst v9;
	v17 =	vor.u32 v1, v4  }
0x120: {  	v5 =	vshll.u32 v5, $0x7;
	v4 =	vld.idx.msk [tilespmem:v20+s7+$0x0], $0xffff  }
0x121: {  	v5 =	vor.u32 v1, v5;
	v20 =	vld [tilespmem:s10+$0x1100]  }
0x122: {  	[tilespmem:s8+$0xD540] =	vst v18;
	v18 =	vld [tilespmem:s14+$0x1540];
	v11 =	vtrunc.f32 v11  }
0x123: {  	v11 =	vcvt.f32.s32 v11;
	[tilespmem:s14+$0xD510] =	vst v19;
	v19 =	vld [tilespmem:s11+$0x1100]  }
0x124: {  	v17 =	vld.idx.msk [tilespmem:v17+s7+$0x0], $0xffff  }
0x125: {  	v52 =	vld [tilespmem:s10+$0x1130];
	v11 =	vshll.u32 v11, $0x7  }
0x126: {  	v5 =	vld.idx.msk [tilespmem:v5+s7+$0x0], $0xffff;
	v11 =	vor.u32 v1, v11;
	v20 =	vtrunc.f32 v20  }
0x127: {  	v54 =	vld [tilespmem:s11+$0x1150];
	v20 =	vcvt.f32.s32 v20  }
0x128: {  	v56 =	vld [tilespmem:s11+$0x1160];
	v18 =	vtrunc.f32 v18;
	v19 =	vtrunc.f32 v19  }
0x129: {  	v55 =	vld [tilespmem:s12+$0x1150];
	[tilespmem:s14+$0xD520] =	vst v17;
	v17 =	vcvt.f32.s32 v18;
	v18 =	vcvt.f32.s32 v19;
	v19 =	vshll.u32 v20, $0x7  }
0x12a: {  	v31 =	vld [tilespmem:s12+$0x1170];
	v19 =	vor.u32 v1, v19  }
0x12b: {  	v57 =	vtrunc.f32 v52;
	v20 =	vtrunc.f32 v40;
	v11 =	vld.idx.msk [tilespmem:v11+s7+$0x0], $0xffff;
	v17 =	vshll.u32 v17, $0x7  }
0x12c: {  	v52 =	vld [tilespmem:s11+$0x1540];
	v20 =	vcvt.f32.s32 v20;
	v18 =	vshll.u32 v18, $0x7;
	v17 =	vor.u32 v1, v17  }
0x12d: {  	v58 =	vld [tilespmem:s10+$0x1140];
	v25 =	vtrunc.f32 v44;
	v18 =	vor.u32 v1, v18  }
0x12e: {  	v60 =	vld [tilespmem:s12+$0x1160];
	v25 =	vcvt.f32.s32 v25;
	v22 =	vtrunc.f32 v41;
	v20 =	vshll.u32 v20, $0x7  }
0x12f: {  	v22 =	vcvt.f32.s32 v22;
	v20 =	vor.u32 v1, v20;
	v19 =	vld.idx.msk [tilespmem:v19+s7+$0x0], $0xffff  }
0x130: {  	v8 =	vld [tilespmem:s20+$0x1520];
	v50 =	vshll.u32 v25, $0x7;
	[tilespmem:s14+$0xD530] =	vst v11  }
0x131: {  	v22 =	vshll.u32 v22, $0x7;
	v23 =	vtrunc.f32 v42;
	v24 =	vtrunc.f32 v43;
	v17 =	vld.idx.msk [tilespmem:v17+s7+$0x0], $0xffff  }
0x132: {  	v23 =	vcvt.f32.s32 v23;
	v11 =	vcvt.f32.s32 v24;
	v24 =	vor.u32 v1, v50;
	v18 =	vld.idx.msk [tilespmem:v18+s7+$0x0], $0xffff  }
0x133: {  	v13 =	vld [tilespmem:s19+$0x1520];
	v22 =	vor.u32 v1, v22  }
0x134: {  	v23 =	vshll.u32 v23, $0x7;
	v20 =	vld.idx.msk [tilespmem:v20+s7+$0x0], $0xffff;
	[tilespmem:s10+$0xD100] =	vst v19;
	v19 =	vtrunc.f32 v49  }
0x135: {  	v61 =	vld [tilespmem:s11+$0x1170];
	v23 =	vor.u32 v1, v23;
	v19 =	vcvt.f32.s32 v19  }
0x136: {  	v12 =	vld [tilespmem:s19+$0x1530];
	v21 =	vtrunc.f32 v45;
	[tilespmem:s14+$0xD540] =	vst v17  }
0x137: {  	v21 =	vcvt.f32.s32 v21;
	v24 =	vld.idx.msk [tilespmem:v24+s7+$0x0], $0xffff;
	v17 =	vtrunc.f32 v46;
	[tilespmem:s11+$0xD100] =	vst v18;
	v19 =	vshll.u32 v19, $0x7  }
0x138: {  	v6 =	vtrunc.f32 v6;
	v17 =	vcvt.f32.s32 v17;
	v18 =	vld.idx.msk [tilespmem:v22+s7+$0x0], $0xffff;
	v19 =	vor.u32 v1, v19  }
0x139: {  	v6 =	vcvt.f32.s32 v6;
	v2 =	vtrunc.f32 v2;
	v63 =	vld [tilespmem:s10+$0x1150];
	[tilespmem:s12+$0xD100] =	vst v20;
	v20 =	vshll.u32 v21, $0x7  }
0x13a: {  	v2 =	vcvt.f32.s32 v2;
	v53 =	vld.idx.msk [tilespmem:v23+s7+$0x0], $0xffff;
	v20 =	vor.u32 v1, v20;
	v17 =	vshll.u32 v17, $0x7  }
0x13b: {  	v28 =	vtrunc.f32 v48;
	v27 =	vtrunc.f32 v47;
	v47 =	vld [tilespmem:s11+$0x1530];
	v17 =	vor.u32 v1, v17  }
0x13c: {  	v6 =	vshll.u32 v6, $0x7;
	v2 =	vshll.u32 v2, $0x7;
	v45 =	vld [tilespmem:s10+$0x1170];
	[tilespmem:s10+$0xD110] =	vst v24;
	v24 =	vcvt.f32.s32 v57  }
0x13d: {  	v48 =	vor.u32 v1, v6;
	v2 =	vor.u32 v1, v2;
	v27 =	vcvt.f32.s32 v27;
	[tilespmem:s11+$0xD110] =	vst v18;
	v18 =	vld.idx.msk [tilespmem:v19+s7+$0x0], $0xffff  }
0x13e: {  	v10 =	vtrunc.f32 v10;
	v8 =	vtrunc.f32 v8;
	v30 =	vld [tilespmem:s12+$0x1140];
	v24 =	vshll.u32 v24, $0x7  }
0x13f: {  	v59 =	vshll.u32 v27, $0x7;
	v19 =	vcvt.f32.s32 v28;
	v20 =	vld.idx.msk [tilespmem:v20+s7+$0x0], $0xffff;
	[tilespmem:s12+$0xD110] =	vst v53;
	v24 =	vor.u32 v1, v24  }
0x140: {  	v10 =	vcvt.f32.s32 v10;
	v8 =	vcvt.f32.s32 v8;
	v21 =	vor.u32 v1, v59;
	v17 =	vld.idx.msk [tilespmem:v17+s7+$0x0], $0xffff  }
0x141: {  	v13 =	vtrunc.f32 v13;
	v29 =	vtrunc.f32 v58;
	v14 =	vld [tilespmem:s19+$0x1540];
	v19 =	vshll.u32 v19, $0x7  }
0x142: {  	v62 =	vcvt.f32.s32 v29;
	v3 =	vld [tilespmem:s19+$0x1550];
	v19 =	vor.u32 v1, v19;
	[tilespmem:s10+$0xD120] =	vst v18;
	v18 =	vtrunc.f32 v51  }
0x143: {  	v10 =	vshll.u32 v10, $0x7;
	v13 =	vcvt.f32.s32 v13;
	v42 =	vld [tilespmem:s12+$0x1510];
	v18 =	vcvt.f32.s32 v18  }
0x144: {  	v8 =	vshll.u32 v8, $0x7;
	v25 =	vshll.u32 v62, $0x7;
	v30 =	vtrunc.f32 v30;
	[tilespmem:s11+$0xD120] =	vst v20;
	v20 =	vld.idx.msk [tilespmem:v24+s7+$0x0], $0xffff  }
0x145: {  	v35 =	vcvt.f32.s32 v30;
	v21 =	vld.idx.msk [tilespmem:v21+s7+$0x0], $0xffff;
	[tilespmem:s12+$0xD120] =	vst v17;
	v17 =	vshll.u32 v18, $0x7;
	v18 =	vor.u32 v1, v25  }
0x146: {  	v10 =	vor.u32 v1, v10;
	v8 =	vor.u32 v1, v8;
	v43 =	vld [tilespmem:s11+$0x1520];
	v17 =	vor.u32 v1, v17  }
0x147: {  	v13 =	vshll.u32 v13, $0x7;
	v12 =	vtrunc.f32 v12;
	v24 =	vshll.u32 v35, $0x7;
	v19 =	vld.idx.msk [tilespmem:v19+s7+$0x0], $0xffff  }
0x148: {  	v12 =	vcvt.f32.s32 v12;
	v29 =	vtrunc.f32 v63;
	v9 =	vld.idx.msk [tilespmem:v39+s7+$0x0], $0xffff;
	v24 =	vor.u32 v1, v24  }
0x149: {  	v13 =	vor.u32 v1, v13;
	v38 =	vcvt.f32.s32 v29;
	v39 =	vld [tilespmem:s10+$0x1160];
	[tilespmem:s10+$0xD130] =	vst v20;
	v20 =	vtrunc.f32 v54  }
0x14a: {  	v12 =	vshll.u32 v12, $0x7;
	v23 =	vtrunc.f32 v55;
	[tilespmem:s11+$0xD130] =	vst v21;
	v20 =	vcvt.f32.s32 v20;
	v18 =	vld.idx.msk [tilespmem:v18+s7+$0x0], $0xffff  }
0x14b: {  	v14 =	vtrunc.f32 v14;
	v22 =	vshll.u32 v38, $0x7;
	v40 =	vcvt.f32.s32 v23;
	v17 =	vld.idx.msk [tilespmem:v17+s7+$0x0], $0xffff  }
0x14c: {  	v3 =	vtrunc.f32 v3;
	v15 =	vld [tilespmem:s20+$0x1550];
	[tilespmem:s12+$0xD130] =	vst v19;
	v19 =	vshll.u32 v20, $0x7;
	v20 =	vor.u32 v1, v22  }
0x14d: {  	v14 =	vcvt.f32.s32 v14;
	[tilespmem:s19+$0xD510] =	vst v16;
	v21 =	vshll.u32 v40, $0x7;
	v41 =	vld.idx.msk [tilespmem:v24+s7+$0x0], $0xffff;
	v19 =	vor.u32 v1, v19  }
0x14e: {  	v3 =	vcvt.f32.s32 v3;
	v29 =	vtrunc.f32 v39;
	v13 =	vld.idx.msk [tilespmem:v13+s7+$0x0], $0xffff;
	[tilespmem:s20+$0xD510] =	vst v4;
	v21 =	vor.u32 v1, v21  }
0x14f: {  	v12 =	vor.u32 v1, v12;
	v44 =	vcvt.f32.s32 v29;
	v8 =	vld.idx.msk [tilespmem:v8+s7+$0x0], $0xffff;
	[tilespmem:s10+$0xD140] =	vst v18;
	v18 =	vtrunc.f32 v56  }
0x150: {  	v14 =	vshll.u32 v14, $0x7;
	v37 =	vld [tilespmem:s12+$0x1500];
	[tilespmem:s11+$0xD140] =	vst v17;
	v17 =	vcvt.f32.s32 v18;
	v18 =	vtrunc.f32 v60  }
0x151: {  	v6 =	vtrunc.f32 v15;
	v26 =	vshll.u32 v44, $0x7;
	v20 =	vld.idx.msk [tilespmem:v20+s7+$0x0], $0xffff;
	v18 =	vcvt.f32.s32 v18  }
0x152: {  	v15 =	vtrunc.f32 v45;
	v46 =	vor.u32 v1, v26;
	[tilespmem:s12+$0xD140] =	vst v41;
	v19 =	vld.idx.msk [tilespmem:v19+s7+$0x0], $0xffff;
	v17 =	vshll.u32 v17, $0x7  }
0x153: {  	v15 =	vcvt.f32.s32 v15;
	[tilespmem:s19+$0xD520] =	vst v13;
	v21 =	vld.idx.msk [tilespmem:v21+s7+$0x0], $0xffff;
	v17 =	vor.u32 v1, v17;
	v18 =	vshll.u32 v18, $0x7  }
0x154: {  	v3 =	vshll.u32 v3, $0x7;
	v6 =	vcvt.f32.s32 v6;
	v12 =	vld.idx.msk [tilespmem:v12+s7+$0x0], $0xffff;
	[tilespmem:s20+$0xD520] =	vst v8;
	v16 =	vor.u32 v1, v18  }
0x155: {  	v14 =	vor.u32 v1, v14;
	v3 =	vor.u32 v1, v3;
	v15 =	vshll.u32 v15, $0x7;
	v10 =	vld.idx.msk [tilespmem:v10+s7+$0x0], $0xffff  }
0x156: {  	v6 =	vshll.u32 v6, $0x7;
	v15 =	vor.u32 v1, v15;
	v49 =	vld [tilespmem:s10+$0x1500];
	[tilespmem:s10+$0xD150] =	vst v20;
	v20 =	vtrunc.f32 v61  }
0x157: {  	v11 =	vshll.u32 v11, $0x7;
	[tilespmem:s11+$0xD150] =	vst v19;
	v19 =	vcvt.f32.s32 v20;
	v20 =	vtrunc.f32 v31;
	v22 =	vld.idx.msk [tilespmem:v46+s7+$0x0], $0xffff  }
0x158: {  	v13 =	vtrunc.f32 v43;
	v11 =	vor.u32 v1, v11;
	[tilespmem:s12+$0xD150] =	vst v21;
	v20 =	vcvt.f32.s32 v20;
	v17 =	vld.idx.msk [tilespmem:v17+s7+$0x0], $0xffff  }
0x159: {  	v51 =	vtrunc.f32 v32;
	v4 =	vshll.u32 v19, $0x7;
	v19 =	vtrunc.f32 v36;
	v16 =	vld.idx.msk [tilespmem:v16+s7+$0x0], $0xffff  }
0x15a: {  	v63 =	vld [tilespmem:s12+$0x1550];
	[tilespmem:s19+$0xD530] =	vst v12;
	v50 =	vor.u32 v1, v4;
	v4 =	vshll.u32 v20, $0x7;
	v19 =	vcvt.f32.s32 v19  }
0x15b: {  	v33 =	vld [tilespmem:s12+$0x1520];
	[tilespmem:s20+$0xD530] =	vst v10;
	v54 =	vcvt.f32.s32 v51;
	v20 =	vor.u32 v1, v4;
	v4 =	vtrunc.f32 v37  }
0x15c: {  	v12 =	vld.idx.msk [tilespmem:v48+s7+$0x0], $0xffff;
	v30 =	vcvt.f32.s32 v4;
	v4 =	vtrunc.f32 v49;
	[tilespmem:s10+$0xD160] =	vst v22;
	v19 =	vshll.u32 v19, $0x7  }
0x15d: {  	v56 =	vld [tilespmem:s10+$0x1510];
	v55 =	vcvt.f32.s32 v4;
	v4 =	vor.u32 v1, v6;
	[tilespmem:s11+$0xD160] =	vst v17;
	v17 =	vor.u32 v1, v19  }
0x15e: {  	v18 =	vld [tilespmem:s12+$0x1530];
	v6 =	vshll.u32 v30, $0x7;
	v19 =	vtrunc.f32 v42;
	[tilespmem:s12+$0xD160] =	vst v16;
	v16 =	vshll.u32 v54, $0x7  }
0x15f: {  	v15 =	vld.idx.msk [tilespmem:v15+s7+$0x0], $0xffff;
	v57 =	vshll.u32 v55, $0x7;
	v19 =	vcvt.f32.s32 v19;
	v8 =	vor.u32 v1, v6  }
0x160: {  	v21 =	vld.idx.msk [tilespmem:v50+s7+$0x0], $0xffff;
	v6 =	vcvt.f32.s32 v13;
	v13 =	vtrunc.f32 v33;
	v22 =	vor.u32 v1, v57  }
0x161: {  	v20 =	vld.idx.msk [tilespmem:v20+s7+$0x0], $0xffff;
	v58 =	vor.u32 v1, v16;
	v13 =	vcvt.f32.s32 v13;
	v16 =	vshll.u32 v19, $0x7  }
0x162: {  	[tilespmem:s17+$0xD550] =	vst v5;
	v53 =	vld [tilespmem:s12+$0x1540];
	v6 =	vshll.u32 v6, $0x7;
	v59 =	vor.u32 v1, v16;
	v16 =	vtrunc.f32 v56  }
0x163: {  	[tilespmem:s18+$0xD540] =	vst v7;
	v19 =	vld [tilespmem:s10+$0x1520];
	v5 =	vor.u32 v1, v6;
	v6 =	vtrunc.f32 v47;
	v16 =	vcvt.f32.s32 v16  }
0x164: {  	v18 =	vtrunc.f32 v18;
	[tilespmem:s10+$0xD170] =	vst v15;
	v15 =	vld [tilespmem:s11+$0x1550];
	v13 =	vshll.u32 v13, $0x7;
	v60 =	vcvt.f32.s32 v6  }
0x165: {  	s17 =	sshll.u32 s15, $0x2;
	v6 =	vor.u32 v1, v13;
	v13 =	vcvt.f32.s32 v18;
	[tilespmem:s11+$0xD170] =	vst v21;
	v61 =	vld.idx.msk [tilespmem:v22+s7+$0x0], $0xffff;
	v16 =	vshll.u32 v16, $0x7  }
0x166: {  	s31 =	sadd.s32 s1, s17;
	v18 =	vtrunc.f32 v52;
	v17 =	vld.idx.msk [tilespmem:v17+s7+$0x0], $0xffff;
	[tilespmem:s12+$0xD170] =	vst v20;
	v7 =	vshll.u32 v60, $0x7;
	v20 =	vor.u32 v1, v16  }
0x167: {  	s23 =	smulhi.u32 $0xCCCCCCCD, s31;
	v13 =	vshll.u32 v13, $0x7;
	v62 =	vld.idx.msk [tilespmem:v8+s7+$0x0], $0xffff;
	v16 =	vcvt.f32.s32 v18;
	v18 =	vtrunc.f32 v53  }
0x168: {  	v11 =	vld.idx.msk [tilespmem:v11+s7+$0x0], $0xffff;
	v8 =	vor.u32 v1, v7;
	v7 =	vor.u32 v1, v13;
	v18 =	vcvt.f32.s32 v18  }
0x169: {  	s4 =	sshrl.u32 s23, $0x9;
	[tilespmem:s8+$0xD550] =	vst v9;
	v13 =	vld.idx.msk [tilespmem:v14+s7+$0x0], $0xffff;
	v14 =	vtrunc.f32 v15;
	v15 =	vtrunc.f32 v19;
	v10 =	vshll.u32 v16, $0x7  }
0x16a: {  	s0 =	smul.u32 $0x280, s4;
	v14 =	vcvt.f32.s32 v14;
	v16 =	vld [tilespmem:s10+$0x1530];
	v9 =	vshll.u32 v18, $0x7;
	v18 =	vcvt.f32.s32 v15;
	[tilespmem:s10+$0xD500] =	vst v61  }
0x16b: {  	v10 =	vor.u32 v1, v10;
	v9 =	vor.u32 v1, v9;
	[tilespmem:s11+$0xD500] =	vst v17;
	v15 =	vld.idx.msk [tilespmem:v20+s7+$0x0], $0xffff  }
0x16c: {  	s3 =	simm.s32 $0xB00;
	s0 =	ssub.s32 s31, s0;
	v17 =	vshll.u32 v14, $0x7;
	v14 =	vld.idx.msk [tilespmem:v58+s7+$0x0], $0xffff;
	v18 =	vshll.u32 v18, $0x7;
	[tilespmem:s12+$0xD500] =	vst v62;
	v20 =	vtrunc.f32 v63  }
0x16d: {  	s8 =	sshrl.u32 s0, $0x2;
	s0 =	simm.s32 $0x6;
	[tilespmem:s14+$0xD550] =	vst v11;
	s14 =	simm.s32 $0x580;
	v11 =	vor.u32 v1, v17;
	v19 =	vor.u32 v1, v18;
	v17 =	vld.idx.msk [tilespmem:v59+s7+$0x0], $0xffff;
	v18 =	vcvt.f32.s32 v20  }
.LBB2_3:
0x16e: {  	s5 =	sadd.s32 $0xFFFFFF00, s14;
	s16 =	sadd.s32 $0xFFFFFF00, s3;
	s21 =	sadd.s32 $0xFFFFFF80, s14;
	[tilespmem:s19+$0xD540] =	vst v13;
	v13 =	vld.idx.msk [tilespmem:v2+s7+$0x0], $0xffff;
	v2 =	vmov v4  }
0x16f: {  	s0 =	sadd.s32 $0x3, s0;
	s16 =	sand.u32 $0x7800, s16;
	s21 =	sand.u32 $0x380, s21;
	v4 =	vshll.u32 v18, $0x7;
	v18 =	vld.idx.msk [tilespmem:v3+s7+$0x0], $0xffff;
	[tilespmem:s20+$0xD540] =	vst v12;
	v3 =	vmov v11  }
0x170: {  	s23 =	sadd.s32 $0xFFFFFE00, s3;
	p0 =	slt.u32 s0, $0x2D;
	v11 =	vtrunc.f32 v16;
	s16 =	sor.u32 s21, s16;
	v12 =	vld [tilespmem:s10+$0x1540];
	v4 =	vor.u32 v1, v4  }
0x171: {  	s5 =	sand.u32 $0x380, s5;
	s21 =	sand.u32 $0x3800, s23;
	s23 =	sand.u32 $0x7800, s3;
	v11 =	vcvt.f32.s32 v11;
	v16 =	vld [tilespmem:s16+$0x1100];
	[tilespmem:s10+$0xD510] =	vst v15  }
0x172: {  	s5 =	sor.u32 s5, s21;
	s21 =	sand.u32 $0x380, s14;
	[tilespmem:s11+$0xD510] =	vst v14;
	v14 =	vld.idx.msk [tilespmem:v19+s7+$0x0], $0xffff  }
0x173: {  	s21 =	sor.u32 s21, s23;
	v11 =	vshll.u32 v11, $0x7;
	v15 =	vld [tilespmem:s5+$0x1100];
	[tilespmem:s12+$0xD510] =	vst v17  }
0x174: {  	v11 =	vor.u32 v1, v11;
	v17 =	vld [tilespmem:s21+$0x1100];
	[tilespmem:s18+$0xD550] =	vst v13;
	s18 =	smov.u32 s20;
	s20 =	smov.u32 s12;
	s12 =	smov.u32 s21  }
0x175: {  	v13 =	vld [tilespmem:s5+$0x1110];
	[tilespmem:s19+$0xD550] =	vst v18;
	s19 =	smov.u32 s11;
	s11 =	smov.u32 s5  }
0x176: {  	v16 =	vtrunc.f32 v16;
	v18 =	vld [tilespmem:s12+$0x1110]  }
0x177: {  	v12 =	vtrunc.f32 v12;
	v16 =	vcvt.f32.s32 v16;
	v19 =	vld [tilespmem:s10+$0x1550]  }
0x178: {  	v12 =	vcvt.f32.s32 v12;
	v15 =	vtrunc.f32 v15;
	v20 =	vld [tilespmem:s16+$0x1110];
	[tilespmem:s10+$0xD520] =	vst v14  }
0x179: {  	v14 =	vcvt.f32.s32 v15;
	v15 =	vshll.u32 v16, $0x7;
	v16 =	vtrunc.f32 v17;
	v11 =	vld.idx.msk [tilespmem:v11+s7+$0x0], $0xffff  }
0x17a: {  	v12 =	vshll.u32 v12, $0x7;
	v17 =	vld [tilespmem:s11+$0x1120];
	v15 =	vor.u32 v1, v15;
	v16 =	vcvt.f32.s32 v16  }
0x17b: {  	v12 =	vor.u32 v1, v12;
	v13 =	vtrunc.f32 v13;
	v14 =	vshll.u32 v14, $0x7;
	v21 =	vld [tilespmem:s12+$0x1120]  }
0x17c: {  	v18 =	vtrunc.f32 v18;
	v14 =	vor.u32 v1, v14;
	v22 =	vld [tilespmem:s11+$0x1130];
	v16 =	vshll.u32 v16, $0x7  }
0x17d: {  	v13 =	vcvt.f32.s32 v13;
	v20 =	vtrunc.f32 v20;
	v16 =	vor.u32 v1, v16;
	v23 =	vld [tilespmem:s12+$0x1130]  }
0x17e: {  	v19 =	vtrunc.f32 v19;
	v20 =	vcvt.f32.s32 v20;
	v24 =	vld [tilespmem:s16+$0x1120]  }
0x17f: {  	v18 =	vcvt.f32.s32 v18;
	v13 =	vshll.u32 v13, $0x7;
	v15 =	vld.idx.msk [tilespmem:v15+s7+$0x0], $0xffff;
	[tilespmem:s10+$0xD530] =	vst v11;
	v11 =	vcvt.f32.s32 v19  }
0x180: {  	v13 =	vor.u32 v1, v13;
	v17 =	vtrunc.f32 v17;
	v19 =	vshll.u32 v20, $0x7;
	v12 =	vld.idx.msk [tilespmem:v12+s7+$0x0], $0xffff  }
0x181: {  	v18 =	vshll.u32 v18, $0x7;
	v14 =	vld.idx.msk [tilespmem:v14+s7+$0x0], $0xffff;
	v19 =	vor.u32 v1, v19;
	v11 =	vshll.u32 v11, $0x7  }
0x182: {  	v18 =	vor.u32 v1, v18;
	v20 =	vtrunc.f32 v21;
	v16 =	vld.idx.msk [tilespmem:v16+s7+$0x0], $0xffff;
	v11 =	vor.u32 v1, v11  }
0x183: {  	v17 =	vcvt.f32.s32 v17;
	v20 =	vcvt.f32.s32 v20;
	v21 =	vld [tilespmem:s11+$0x1140]  }
0x184: {  	v22 =	vtrunc.f32 v22;
	v23 =	vtrunc.f32 v23;
	v25 =	vld [tilespmem:s12+$0x1140]  }
0x185: {  	v17 =	vshll.u32 v17, $0x7;
	v20 =	vshll.u32 v20, $0x7;
	[tilespmem:s16+$0xD100] =	vst v15;
	v15 =	vtrunc.f32 v24;
	v24 =	vld [tilespmem:s16+$0x1130]  }
0x186: {  	v17 =	vor.u32 v1, v17;
	v20 =	vor.u32 v1, v20;
	v19 =	vld.idx.msk [tilespmem:v19+s7+$0x0], $0xffff;
	v15 =	vcvt.f32.s32 v15;
	[tilespmem:s10+$0xD540] =	vst v12  }
0x187: {  	v12 =	vcvt.f32.s32 v22;
	[tilespmem:s11+$0xD100] =	vst v14;
	v14 =	vcvt.f32.s32 v23;
	v11 =	vld.idx.msk [tilespmem:v11+s7+$0x0], $0xffff  }
0x188: {  	v13 =	vld.idx.msk [tilespmem:v13+s7+$0x0], $0xffff;
	v21 =	vtrunc.f32 v21;
	v15 =	vshll.u32 v15, $0x7;
	[tilespmem:s12+$0xD100] =	vst v16  }
0x189: {  	v12 =	vshll.u32 v12, $0x7;
	v15 =	vor.u32 v1, v15;
	v16 =	vld.idx.msk [tilespmem:v18+s7+$0x0], $0xffff;
	v14 =	vshll.u32 v14, $0x7  }
0x18a: {  	v12 =	vor.u32 v1, v12;
	v22 =	vtrunc.f32 v25;
	v18 =	vld [tilespmem:s11+$0x1150];
	v14 =	vor.u32 v1, v14  }
0x18b: {  	v21 =	vcvt.f32.s32 v21;
	v22 =	vcvt.f32.s32 v22;
	v23 =	vld [tilespmem:s12+$0x1150]  }
0x18c: {  	v25 =	vld [tilespmem:s11+$0x1160];
	[tilespmem:s16+$0xD110] =	vst v19;
	v19 =	vtrunc.f32 v24  }
0x18d: {  	v21 =	vshll.u32 v21, $0x7;
	v22 =	vshll.u32 v22, $0x7;
	v19 =	vcvt.f32.s32 v19;
	v24 =	vld [tilespmem:s16+$0x1140];
	[tilespmem:s10+$0xD550] =	vst v11;
	s10 =	smov.u32 s16  }
0x18e: {  	v11 =	vor.u32 v1, v21;
	[tilespmem:s11+$0xD110] =	vst v13;
	v13 =	vld.idx.msk [tilespmem:v15+s7+$0x0], $0xffff;
	v15 =	vor.u32 v1, v22  }
0x18f: {  	v17 =	vld.idx.msk [tilespmem:v17+s7+$0x0], $0xffff;
	v18 =	vtrunc.f32 v18;
	v19 =	vshll.u32 v19, $0x7;
	[tilespmem:s12+$0xD110] =	vst v16  }
0x190: {  	v16 =	vcvt.f32.s32 v18;
	v18 =	vor.u32 v1, v19;
	v19 =	vld.idx.msk [tilespmem:v20+s7+$0x0], $0xffff;
	v20 =	vtrunc.f32 v23  }
0x191: {  	v21 =	vtrunc.f32 v25;
	v20 =	vcvt.f32.s32 v20;
	v22 =	vld [tilespmem:s12+$0x1160]  }
0x192: {  	v16 =	vshll.u32 v16, $0x7;
	v21 =	vcvt.f32.s32 v21;
	v23 =	vld [tilespmem:s11+$0x1170]  }
0x193: {  	v24 =	vtrunc.f32 v24;
	v16 =	vor.u32 v1, v16;
	v20 =	vshll.u32 v20, $0x7;
	v25 =	vld [tilespmem:s12+$0x1170]  }
0x194: {  	v21 =	vshll.u32 v21, $0x7;
	[tilespmem:s10+$0xD120] =	vst v13;
	v13 =	vcvt.f32.s32 v24;
	v24 =	vld [tilespmem:s10+$0x1150];
	v20 =	vor.u32 v1, v20  }
0x195: {  	[tilespmem:s11+$0xD120] =	vst v17;
	v17 =	vor.u32 v1, v21;
	v18 =	vld.idx.msk [tilespmem:v18+s7+$0x0], $0xffff  }
0x196: {  	v12 =	vld.idx.msk [tilespmem:v12+s7+$0x0], $0xffff;
	v13 =	vshll.u32 v13, $0x7;
	[tilespmem:s12+$0xD120] =	vst v19;
	v19 =	vtrunc.f32 v22  }
0x197: {  	v21 =	vtrunc.f32 v23;
	v13 =	vor.u32 v1, v13;
	v14 =	vld.idx.msk [tilespmem:v14+s7+$0x0], $0xffff;
	v19 =	vcvt.f32.s32 v19  }
0x198: {  	v21 =	vcvt.f32.s32 v21;
	v22 =	vld [tilespmem:s11+$0x1500];
	v23 =	vtrunc.f32 v25  }
0x199: {  	v19 =	vshll.u32 v19, $0x7;
	v23 =	vcvt.f32.s32 v23;
	v25 =	vld [tilespmem:s12+$0x1500]  }
0x19a: {  	v24 =	vtrunc.f32 v24;
	v21 =	vshll.u32 v21, $0x7;
	v26 =	vld [tilespmem:s11+$0x1510];
	v19 =	vor.u32 v1, v19  }
0x19b: {  	v21 =	vor.u32 v1, v21;
	[tilespmem:s10+$0xD130] =	vst v18;
	v18 =	vcvt.f32.s32 v24;
	v24 =	vld [tilespmem:s10+$0x1160];
	v23 =	vshll.u32 v23, $0x7  }
0x19c: {  	[tilespmem:s11+$0xD130] =	vst v12;
	v12 =	vld.idx.msk [tilespmem:v13+s7+$0x0], $0xffff;
	v13 =	vor.u32 v1, v23  }
0x19d: {  	v11 =	vld.idx.msk [tilespmem:v11+s7+$0x0], $0xffff;
	v22 =	vtrunc.f32 v22;
	v18 =	vshll.u32 v18, $0x7;
	[tilespmem:s12+$0xD130] =	vst v14  }
0x19e: {  	v14 =	vcvt.f32.s32 v22;
	v18 =	vor.u32 v1, v18;
	v15 =	vld.idx.msk [tilespmem:v15+s7+$0x0], $0xffff;
	v22 =	vtrunc.f32 v25  }
0x19f: {  	v23 =	vtrunc.f32 v26;
	v22 =	vcvt.f32.s32 v22;
	v25 =	vld [tilespmem:s12+$0x1510]  }
0x1a0: {  	v14 =	vshll.u32 v14, $0x7;
	v23 =	vcvt.f32.s32 v23;
	v26 =	vld [tilespmem:s11+$0x1520]  }
0x1a1: {  	v24 =	vtrunc.f32 v24;
	v14 =	vor.u32 v1, v14;
	v22 =	vshll.u32 v22, $0x7;
	v27 =	vld [tilespmem:s12+$0x1520]  }
0x1a2: {  	v23 =	vshll.u32 v23, $0x7;
	[tilespmem:s10+$0xD140] =	vst v12;
	v12 =	vcvt.f32.s32 v24;
	v24 =	vld [tilespmem:s10+$0x1170];
	v22 =	vor.u32 v1, v22  }
0x1a3: {  	[tilespmem:s11+$0xD140] =	vst v11;
	v23 =	vor.u32 v1, v23;
	v11 =	vld.idx.msk [tilespmem:v18+s7+$0x0], $0xffff  }
0x1a4: {  	v16 =	vld.idx.msk [tilespmem:v16+s7+$0x0], $0xffff;
	v12 =	vshll.u32 v12, $0x7;
	[tilespmem:s12+$0xD140] =	vst v15;
	v15 =	vtrunc.f32 v25  }
0x1a5: {  	v18 =	vtrunc.f32 v26;
	v12 =	vor.u32 v1, v12;
	v20 =	vld.idx.msk [tilespmem:v20+s7+$0x0], $0xffff;
	v15 =	vcvt.f32.s32 v15  }
0x1a6: {  	v18 =	vcvt.f32.s32 v18;
	v25 =	vld [tilespmem:s11+$0x1530];
	v26 =	vtrunc.f32 v27  }
0x1a7: {  	v15 =	vshll.u32 v15, $0x7;
	v26 =	vcvt.f32.s32 v26;
	v27 =	vld [tilespmem:s12+$0x1530]  }
0x1a8: {  	v24 =	vtrunc.f32 v24;
	v18 =	vshll.u32 v18, $0x7;
	v28 =	vor.u32 v1, v15;
	v15 =	vld.idx.msk [tilespmem:v5+s7+$0x0], $0xffff  }
0x1a9: {  	v5 =	vor.u32 v1, v18;
	[tilespmem:s10+$0xD150] =	vst v11;
	v11 =	vcvt.f32.s32 v24;
	v18 =	vld [tilespmem:s10+$0x1500];
	v24 =	vshll.u32 v26, $0x7  }
0x1aa: {  	[tilespmem:s11+$0xD150] =	vst v16;
	v12 =	vld.idx.msk [tilespmem:v12+s7+$0x0], $0xffff;
	v16 =	vor.u32 v1, v24  }
0x1ab: {  	v17 =	vld.idx.msk [tilespmem:v17+s7+$0x0], $0xffff;
	v24 =	vtrunc.f32 v25;
	v11 =	vshll.u32 v11, $0x7;
	[tilespmem:s12+$0xD150] =	vst v20  }
0x1ac: {  	v20 =	vcvt.f32.s32 v24;
	v11 =	vor.u32 v1, v11;
	v19 =	vld.idx.msk [tilespmem:v19+s7+$0x0], $0xffff;
	v24 =	vtrunc.f32 v27  }
0x1ad: {  	v24 =	vcvt.f32.s32 v24;
	v25 =	vld.idx.msk [tilespmem:v6+s7+$0x0], $0xffff;
	v6 =	vmov v16  }
0x1ae: {  	v16 =	vshll.u32 v20, $0x7;
	v20 =	vld [tilespmem:s11+$0x1540];
	[tilespmem:s19+$0xD520] =	vst v15  }
0x1af: {  	v15 =	vor.u32 v1, v16;
	v16 =	vtrunc.f32 v18;
	v18 =	vshll.u32 v24, $0x7;
	v24 =	vld [tilespmem:s12+$0x1540]  }
0x1b0: {  	[tilespmem:s10+$0xD160] =	vst v12;
	v12 =	vcvt.f32.s32 v16;
	v16 =	vld [tilespmem:s10+$0x1510];
	v18 =	vor.u32 v1, v18  }
0x1b1: {  	[tilespmem:s11+$0xD160] =	vst v17;
	v11 =	vld.idx.msk [tilespmem:v11+s7+$0x0], $0xffff  }
0x1b2: {  	v17 =	vld.idx.msk [tilespmem:v21+s7+$0x0], $0xffff;
	v12 =	vshll.u32 v12, $0x7;
	[tilespmem:s12+$0xD160] =	vst v19  }
0x1b3: {  	v19 =	vtrunc.f32 v20;
	v12 =	vor.u32 v1, v12;
	v13 =	vld.idx.msk [tilespmem:v13+s7+$0x0], $0xffff;
	[tilespmem:s20+$0xD520] =	vst v25  }
0x1b4: {  	v19 =	vcvt.f32.s32 v19;
	v20 =	vtrunc.f32 v24;
	v21 =	vld.idx.msk [tilespmem:v8+s7+$0x0], $0xffff;
	v8 =	vmov v15  }
0x1b5: {  	v15 =	vcvt.f32.s32 v20;
	v20 =	vld.idx.msk [tilespmem:v7+s7+$0x0], $0xffff;
	v7 =	vmov v18  }
0x1b6: {  	v16 =	vtrunc.f32 v16;
	v18 =	vshll.u32 v19, $0x7;
	v19 =	vld [tilespmem:s11+$0x1550]  }
0x1b7: {  	v18 =	vor.u32 v1, v18;
	[tilespmem:s10+$0xD170] =	vst v11;
	v11 =	vcvt.f32.s32 v16;
	v16 =	vld [tilespmem:s10+$0x1520];
	v15 =	vshll.u32 v15, $0x7  }
0x1b8: {  	[tilespmem:s11+$0xD170] =	vst v17;
	v17 =	vld.idx.msk [tilespmem:v12+s7+$0x0], $0xffff;
	v15 =	vor.u32 v1, v15  }
0x1b9: {  	v14 =	vld.idx.msk [tilespmem:v14+s7+$0x0], $0xffff;
	v11 =	vshll.u32 v11, $0x7;
	[tilespmem:s12+$0xD170] =	vst v13  }
0x1ba: {  	v24 =	vor.u32 v1, v11;
	v22 =	vld.idx.msk [tilespmem:v22+s7+$0x0], $0xffff;
	[tilespmem:s19+$0xD530] =	vst v21  }
0x1bb: {  	v11 =	vtrunc.f32 v19;
	v19 =	vld [tilespmem:s12+$0x1550];
	[tilespmem:s20+$0xD530] =	vst v20  }
0x1bc: {  	v11 =	vcvt.f32.s32 v11;
	v13 =	vld.idx.msk [tilespmem:v10+s7+$0x0], $0xffff;
	v10 =	vmov v18  }
.Ltmp2:
0x1bd: {  	v16 =	vtrunc.f32 v16;
	v12 =	vld.idx.msk [tilespmem:v9+s7+$0x0], $0xffff;
	v9 =	vmov v15;
	(pc) =	sbr.rel @p0 .LBB2_3-.Ltmp2, $4  }
0x1be: {  	v11 =	vshll.u32 v11, $0x7;
	[tilespmem:s10+$0xD500] =	vst v17;
	v17 =	vcvt.f32.s32 v16;
	v16 =	vld [tilespmem:s10+$0x1530]  }
0x1bf: {  	[tilespmem:s11+$0xD500] =	vst v14;
	v11 =	vor.u32 v1, v11;
	v15 =	vld.idx.msk [tilespmem:v24+s7+$0x0], $0xffff  }
0x1c0: {  	v14 =	vld.idx.msk [tilespmem:v23+s7+$0x0], $0xffff;
	v17 =	vshll.u32 v17, $0x7;
	[tilespmem:s12+$0xD500] =	vst v22;
	v18 =	vtrunc.f32 v19  }
0x1c1: {  	s3 =	sadd.s32 $0x300, s3;
	s14 =	sadd.s32 $0x180, s14;
	v19 =	vor.u32 v1, v17;
	v17 =	vld.idx.msk [tilespmem:v28+s7+$0x0], $0xffff;
	v18 =	vcvt.f32.s32 v18  }
0x1c2: {  	_ = 	snop  }
0x1c3: {  	v16 =	vtrunc.f32 v16  }
0x1c4: {  	v20 =	vld [tilespmem:s10+$0x1540];
	v16 =	vcvt.f32.s32 v16  }
0x1c5: {  	[tilespmem:s10+$0xD510] =	vst v15  }
0x1c6: {  	v15 =	vld.idx.msk [tilespmem:v19+s7+$0x0], $0xffff;
	[tilespmem:s11+$0xD510] =	vst v14;
	v16 =	vshll.u32 v16, $0x7  }
0x1c7: {  	[tilespmem:s12+$0xD510] =	vst v17;
	v5 =	vld.idx.msk [tilespmem:v5+s7+$0x0], $0xffff;
	v14 =	vor.u32 v1, v16  }
0x1c8: {  	v6 =	vld.idx.msk [tilespmem:v6+s7+$0x0], $0xffff  }
0x1c9: {  	v16 =	vtrunc.f32 v20  }
0x1ca: {  	v17 =	vld [tilespmem:s10+$0x1550];
	v16 =	vcvt.f32.s32 v16  }
0x1cb: {  	[tilespmem:s10+$0xD520] =	vst v15  }
0x1cc: {  	v15 =	vshll.u32 v16, $0x7;
	[tilespmem:s11+$0xD520] =	vst v5;
	v14 =	vld.idx.msk [tilespmem:v14+s7+$0x0], $0xffff  }
0x1cd: {  	v15 =	vor.u32 v1, v15;
	[tilespmem:s12+$0xD520] =	vst v6;
	v5 =	vld.idx.msk [tilespmem:v8+s7+$0x0], $0xffff  }
0x1ce: {  	v7 =	vld.idx.msk [tilespmem:v7+s7+$0x0], $0xffff  }
0x1cf: {  	v6 =	vtrunc.f32 v17  }
0x1d0: {  	v6 =	vcvt.f32.s32 v6  }
0x1d1: {  	[tilespmem:s10+$0xD530] =	vst v14  }
0x1d2: {  	v6 =	vshll.u32 v6, $0x7;
	[tilespmem:s11+$0xD530] =	vst v5;
	v8 =	vld.idx.msk [tilespmem:v15+s7+$0x0], $0xffff  }
0x1d3: {  	p0 =	seq.s32 s15, $0x9;
	v6 =	vor.u32 v1, v6;
	[tilespmem:s12+$0xD530] =	vst v7;
	v5 =	vld.idx.msk [tilespmem:v10+s7+$0x0], $0xffff  }
0x1d4: {  	s0 =	sadd.s32 @!p0 $0x4, s31;
	v7 =	vshll.u32 v18, $0x7;
	v9 =	vld.idx.msk [tilespmem:v9+s7+$0x0], $0xffff  }
0x1d5: {  	[tilespmem:s19+$0xD540] =	vst v13;
	v2 =	vld.idx.msk [tilespmem:v2+s7+$0x0], $0xffff;
	s3 =	smulhi.u32 @!p0 $0xCCCCCCCD, s0;
	v7 =	vor.u32 v1, v7  }
0x1d6: {  	[tilespmem:s20+$0xD540] =	vst v12;
	v3 =	vld.idx.msk [tilespmem:v3+s7+$0x0], $0xffff  }
0x1d7: {  	s5 =	smul.u32 $0xC000, s8;
	v4 =	vld.idx.msk [tilespmem:v4+s7+$0x0], $0xffff;
	s3 =	sshrl.u32 @!p0 s3, $0x9;
	[tilespmem:s10+$0xD540] =	vst v8  }
0x1d8: {  	s8 =	smul.u32 @!p0 $0x280, s3;
	[tilespmem:s11+$0xD540] =	vst v5;
	v6 =	vld.idx.msk [tilespmem:v6+s7+$0x0], $0xffff  }
0x1d9: {  	v5 =	vld.idx.msk [tilespmem:v11+s7+$0x0], $0xffff;
	[tilespmem:s12+$0xD540] =	vst v9  }
0x1da: {  	s4 =	smul.u32 $0x780000, s4;
	[tilespmem:s18+$0xD550] =	vst v2;
	s0 =	ssub.s32 @!p0 s0, s8;
	v2 =	vld.idx.msk [tilespmem:v7+s7+$0x0], $0xffff  }
0x1db: {  	s3 =	smul.u32 @!p0 $0x780000, s3;
	[tilespmem:s19+$0xD550] =	vst v3;
	s0 =	sshrl.u32 @!p0 s0, $0x2  }
0x1dc: {  	[tilespmem:s20+$0xD550] =	vst v4;
	s0 =	smul.u32 @!p0 $0xC000, s0  }
0x1dd: {  	s4 =	sadd.s32 s4, s5;
	[tilespmem:s10+$0xD550] =	vst v6  }
0x1de: {  	s4 =	sshrl.u32 s4, $0x3;
	s0 =	sadd.s32 @!p0 s3, s0;
	[tilespmem:s11+$0xD550] =	vst v5  }
0x1df: {  	s4 =	sadd.s32 s6, s4;
	s19 =	simm.s32 $0xD100;
	s0 =	sshrl.u32 @!p0 s0, $0x3;
	[tilespmem:s12+$0xD550] =	vst v2  }
0x1e0: {  	[hbm4b:s4+s7] =	stream.linear.scatter [tilespmem:s19], [sflag:$0x5], $0x3000, $0x38;
	[tilespmem:$0x19100] =	vst v63  }
0x1e1: {  	s3 =	simm.s32 @!p0 $0x0;
	s0 =	sadd.s32 @!p0 s2, s0;
	s4 =	simm.s32 @!p0 $0x1100  }
0x1e2: {  	[tilespmem:s4], [sflag:$0x1] =	stream.linear.gather @!p0 [hbm4b:s0+s3], $0x3000, $0x38;
	[tilespmem:$0x19100] =	vst v63  }
0x1e3: {  	_ =	swait.ge [sflag:s24], $0x3000  }
0x1e4: {  	s23 =	simm.s32 $0x0;
	s10 =	simm.s32 $0x100;
	[sflag:s24] =	ssyncset.done $0x0  }
0x1e5: {  	s11 =	simm.s32 $0x80;
	s0 =	simm.s32 @!p1 $0x6;
	[sflag:s24] =	ssyncadd.s32 $0xFFFFD000  }
0x1e6: {  	s5 =	sand.u32 $0x7800, s10;
	s8 =	sand.u32 $0x380, s11;
	_ =	swait.ge @!p1 [sflag:s0], $0x3000  }
0x1e7: {  	s12 =	simm.s32 $0x0;
	s10 =	sor.u32 s8, s5;
	[sflag:s0] =	ssyncset.done @!p1 $0x0  }
0x1e8: {  	s14 =	sand.u32 $0x3800, s12;
	s4 =	sand.u32 $0x380, s23;
	[sflag:s0] =	ssyncadd.s32 @!p1 $0xFFFFD000  }
0x1e9: {  	s8 =	sor.u32 s4, s14;
	v2 =	vld [tilespmem:s10+$0x4100]  }
0x1ea: {  	v3 =	vld [tilespmem:s8+$0x4100]  }
0x1eb: {  	v5 =	vld [tilespmem:s10+$0x4110]  }
0x1ec: {  	v6 =	vld [tilespmem:s8+$0x4110]  }
0x1ed: {  	v8 =	vld [tilespmem:s8+$0x4120]  }
0x1ee: {  	v10 =	vld [tilespmem:s8+$0x4130]  }
0x1ef: {  	v12 =	vld [tilespmem:s10+$0x4120]  }
0x1f0: {  	v13 =	vld [tilespmem:s8+$0x4140]  }
0x1f1: {  	v15 =	vld [tilespmem:s10+$0x4140]  }
0x1f2: {  	s21 =	simm.s32 $0x200;
	s20 =	simm.s32 $0x100;
	v16 =	vld [tilespmem:s8+$0x4160]  }
0x1f3: {  	s3 =	sand.u32 $0x7800, s21;
	s0 =	sand.u32 $0x380, s20;
	v17 =	vld [tilespmem:s10+$0x4530]  }
0x1f4: {  	s18 =	sor.u32 s0, s3;
	v20 =	vld [tilespmem:s10+$0x4550]  }
0x1f5: {  	v4 =	vld [tilespmem:s18+$0x4100]  }
0x1f6: {  	v7 =	vld [tilespmem:s18+$0x4110]  }
0x1f7: {  	s21 =	simm.s32 $0x180;
	s23 =	simm.s32 $0x300;
	v9 =	vld [tilespmem:s18+$0x4120];
	v2 =	vtrunc.f32 v2  }
0x1f8: {  	s19 =	simm.s32 $0x200;
	s11 =	sand.u32 $0x3800, s23;
	s5 =	sand.u32 $0x380, s21;
	v11 =	vld [tilespmem:s18+$0x4130];
	v2 =	vcvt.f32.s32 v2  }
0x1f9: {  	s3 =	sand.u32 $0x380, s19;
	s19 =	sor.u32 s5, s11;
	v14 =	vld [tilespmem:s18+$0x4140];
	v3 =	vtrunc.f32 v3  }
0x1fa: {  	v18 =	vld [tilespmem:s19+$0x4110];
	v3 =	vcvt.f32.s32 v3;
	v4 =	vtrunc.f32 v4;
	v2 =	vshll.u32 v2, $0x7  }
0x1fb: {  	v23 =	vld [tilespmem:s19+$0x4130];
	v4 =	vcvt.f32.s32 v4;
	v2 =	vor.u32 v1, v2  }
0x1fc: {  	v51 =	vld [tilespmem:s19+$0x4140];
	v3 =	vshll.u32 v3, $0x7  }
0x1fd: {  	v53 =	vld [tilespmem:s19+$0x4160];
	v3 =	vor.u32 v1, v3;
	v4 =	vshll.u32 v4, $0x7  }
0x1fe: {  	v56 =	vld [tilespmem:s19+$0x4170];
	v5 =	vtrunc.f32 v5;
	v4 =	vor.u32 v1, v4  }
0x1ff: {  	v58 =	vld [tilespmem:s19+$0x4500];
	v6 =	vtrunc.f32 v6;
	v5 =	vcvt.f32.s32 v5  }
0x200: {  	v6 =	vcvt.f32.s32 v6;
	v2 =	vld.idx.msk [tilespmem:v2+s7+$0x0], $0xffff  }
0x201: {  	s16 =	simm.s32 $0x400;
	v28 =	vld [tilespmem:s19+$0x4510];
	v7 =	vtrunc.f32 v7;
	v5 =	vshll.u32 v5, $0x7  }
0x202: {  	s0 =	sand.u32 $0x7800, s16;
	v7 =	vcvt.f32.s32 v7;
	v6 =	vshll.u32 v6, $0x7;
	v5 =	vor.u32 v1, v5;
	v3 =	vld.idx.msk [tilespmem:v3+s7+$0x0], $0xffff  }
0x203: {  	s31 =	sor.u32 s3, s0;
	v6 =	vor.u32 v1, v6;
	v4 =	vld.idx.msk [tilespmem:v4+s7+$0x0], $0xffff  }
0x204: {  	v21 =	vld [tilespmem:s31+$0x4110];
	v12 =	vtrunc.f32 v12;
	v7 =	vshll.u32 v7, $0x7  }
0x205: {  	v8 =	vtrunc.f32 v8;
	v12 =	vcvt.f32.s32 v12;
	v7 =	vor.u32 v1, v7;
	[tilespmem:s10+$0x10100] =	vst v2;
	v2 =	vld [tilespmem:s10+$0x4130]  }
0x206: {  	v25 =	vld [tilespmem:s31+$0x4120];
	v9 =	vtrunc.f32 v9;
	v8 =	vcvt.f32.s32 v8  }
0x207: {  	[tilespmem:s8+$0x10100] =	vst v3;
	v3 =	vcvt.f32.s32 v9;
	v9 =	vshll.u32 v12, $0x7;
	v5 =	vld.idx.msk [tilespmem:v5+s7+$0x0], $0xffff  }
0x208: {  	v6 =	vld.idx.msk [tilespmem:v6+s7+$0x0], $0xffff;
	[tilespmem:s18+$0x10100] =	vst v4;
	v4 =	vshll.u32 v8, $0x7;
	v8 =	vor.u32 v1, v9  }
0x209: {  	v52 =	vld [tilespmem:s31+$0x4130]  }
0x20a: {  	v7 =	vld.idx.msk [tilespmem:v7+s7+$0x0], $0xffff;
	v3 =	vshll.u32 v3, $0x7;
	v4 =	vor.u32 v1, v4;
	v2 =	vtrunc.f32 v2  }
0x20b: {  	v54 =	vld [tilespmem:s31+$0x4140];
	v3 =	vor.u32 v1, v3;
	v2 =	vcvt.f32.s32 v2  }
0x20c: {  	v57 =	vld [tilespmem:s31+$0x4150];
	v10 =	vtrunc.f32 v10;
	[tilespmem:s10+$0x10110] =	vst v5  }
0x20d: {  	v10 =	vcvt.f32.s32 v10;
	v5 =	vtrunc.f32 v11;
	[tilespmem:s8+$0x10110] =	vst v6;
	v6 =	vld.idx.msk [tilespmem:v8+s7+$0x0], $0xffff;
	v2 =	vshll.u32 v2, $0x7  }
0x20e: {  	v60 =	vld [tilespmem:s31+$0x4160];
	v5 =	vcvt.f32.s32 v5;
	v2 =	vor.u32 v1, v2  }
0x20f: {  	v4 =	vld.idx.msk [tilespmem:v4+s7+$0x0], $0xffff;
	[tilespmem:s18+$0x10110] =	vst v7;
	v7 =	vshll.u32 v10, $0x7  }
0x210: {  	v10 =	vtrunc.f32 v15;
	v3 =	vld.idx.msk [tilespmem:v3+s7+$0x0], $0xffff;
	v7 =	vor.u32 v1, v7;
	v5 =	vshll.u32 v5, $0x7  }
0x211: {  	v11 =	vld [tilespmem:s10+$0x4150];
	v10 =	vcvt.f32.s32 v10;
	v5 =	vor.u32 v1, v5  }
0x212: {  	v13 =	vtrunc.f32 v13;
	v9 =	vld [tilespmem:s8+$0x4150];
	[tilespmem:s10+$0x10120] =	vst v6  }
0x213: {  	v13 =	vcvt.f32.s32 v13;
	v10 =	vshll.u32 v10, $0x7;
	v6 =	vtrunc.f32 v14;
	v2 =	vld.idx.msk [tilespmem:v2+s7+$0x0], $0xffff  }
0x214: {  	v12 =	vld [tilespmem:s18+$0x4150];
	[tilespmem:s8+$0x10120] =	vst v4;
	v4 =	vor.u32 v1, v10;
	v6 =	vcvt.f32.s32 v6  }
0x215: {  	v10 =	vshll.u32 v13, $0x7;
	v7 =	vld.idx.msk [tilespmem:v7+s7+$0x0], $0xffff;
	[tilespmem:s18+$0x10120] =	vst v3  }
0x216: {  	v3 =	vshll.u32 v6, $0x7;
	v6 =	vor.u32 v1, v10;
	v5 =	vld.idx.msk [tilespmem:v5+s7+$0x0], $0xffff;
	v10 =	vtrunc.f32 v11  }
0x217: {  	v11 =	vld [tilespmem:s10+$0x4160];
	v3 =	vor.u32 v1, v3;
	v10 =	vcvt.f32.s32 v10  }
0x218: {  	v61 =	vld [tilespmem:s31+$0x4170];
	v9 =	vtrunc.f32 v9;
	[tilespmem:s10+$0x10130] =	vst v2  }
0x219: {  	v10 =	vshll.u32 v10, $0x7;
	v2 =	vcvt.f32.s32 v9;
	v9 =	vtrunc.f32 v12;
	v4 =	vld.idx.msk [tilespmem:v4+s7+$0x0], $0xffff  }
0x21a: {  	v8 =	vld [tilespmem:s18+$0x4160];
	[tilespmem:s8+$0x10130] =	vst v7;
	v7 =	vor.u32 v1, v10;
	v9 =	vcvt.f32.s32 v9  }
0x21b: {  	v6 =	vld.idx.msk [tilespmem:v6+s7+$0x0], $0xffff;
	[tilespmem:s18+$0x10130] =	vst v5;
	v2 =	vshll.u32 v2, $0x7  }
0x21c: {  	v3 =	vld.idx.msk [tilespmem:v3+s7+$0x0], $0xffff;
	v2 =	vor.u32 v1, v2;
	v5 =	vshll.u32 v9, $0x7;
	v9 =	vtrunc.f32 v11  }
0x21d: {  	v10 =	vld [tilespmem:s10+$0x4170];
	v5 =	vor.u32 v1, v5;
	v9 =	vcvt.f32.s32 v9  }
0x21e: {  	v15 =	vld [tilespmem:s8+$0x4170];
	v11 =	vtrunc.f32 v16;
	[tilespmem:s10+$0x10140] =	vst v4  }
0x21f: {  	v8 =	vtrunc.f32 v8;
	v4 =	vcvt.f32.s32 v11;
	v9 =	vshll.u32 v9, $0x7;
	v11 =	vld.idx.msk [tilespmem:v7+s7+$0x0], $0xffff  }
0x220: {  	v14 =	vld [tilespmem:s18+$0x4170];
	v8 =	vcvt.f32.s32 v8;
	[tilespmem:s8+$0x10140] =	vst v6;
	v6 =	vor.u32 v1, v9  }
0x221: {  	[tilespmem:s18+$0x10140] =	vst v3;
	v4 =	vshll.u32 v4, $0x7;
	v2 =	vld.idx.msk [tilespmem:v2+s7+$0x0], $0xffff  }
0x222: {  	v3 =	vor.u32 v1, v4;
	v4 =	vshll.u32 v8, $0x7;
	v5 =	vld.idx.msk [tilespmem:v5+s7+$0x0], $0xffff;
	v8 =	vtrunc.f32 v10  }
0x223: {  	v9 =	vld [tilespmem:s10+$0x4500];
	v4 =	vor.u32 v1, v4;
	v8 =	vcvt.f32.s32 v8  }
0x224: {  	v13 =	vld [tilespmem:s8+$0x4500];
	v10 =	vtrunc.f32 v15;
	[tilespmem:s10+$0x10150] =	vst v11  }
0x225: {  	v10 =	vcvt.f32.s32 v10;
	v11 =	vtrunc.f32 v14;
	v8 =	vshll.u32 v8, $0x7;
	v14 =	vld.idx.msk [tilespmem:v6+s7+$0x0], $0xffff  }
0x226: {  	v12 =	vld [tilespmem:s18+$0x4500];
	v11 =	vcvt.f32.s32 v11;
	[tilespmem:s8+$0x10150] =	vst v2;
	v2 =	vor.u32 v1, v8  }
0x227: {  	v8 =	vshll.u32 v10, $0x7;
	v10 =	vld.idx.msk [tilespmem:v3+s7+$0x0], $0xffff;
	[tilespmem:s18+$0x10150] =	vst v5  }
0x228: {  	v5 =	vor.u32 v1, v8;
	v8 =	vtrunc.f32 v9;
	v3 =	vshll.u32 v11, $0x7;
	v4 =	vld.idx.msk [tilespmem:v4+s7+$0x0], $0xffff  }
0x229: {  	v11 =	vld [tilespmem:s10+$0x4510];
	v9 =	vor.u32 v1, v3;
	v3 =	vcvt.f32.s32 v8  }
0x22a: {  	v13 =	vtrunc.f32 v13;
	v15 =	vld [tilespmem:s8+$0x4510];
	[tilespmem:s10+$0x10160] =	vst v14  }
0x22b: {  	v13 =	vcvt.f32.s32 v13;
	v12 =	vtrunc.f32 v12;
	v14 =	vshll.u32 v3, $0x7;
	v2 =	vld.idx.msk [tilespmem:v2+s7+$0x0], $0xffff  }
0x22c: {  	v16 =	vld [tilespmem:s18+$0x4510];
	v12 =	vcvt.f32.s32 v12;
	[tilespmem:s8+$0x10160] =	vst v10;
	v10 =	vor.u32 v1, v14  }
0x22d: {  	v13 =	vshll.u32 v13, $0x7;
	v5 =	vld.idx.msk [tilespmem:v5+s7+$0x0], $0xffff;
	[tilespmem:s18+$0x10160] =	vst v4  }
0x22e: {  	v12 =	vshll.u32 v12, $0x7;
	v4 =	vor.u32 v1, v13;
	v13 =	vld.idx.msk [tilespmem:v9+s7+$0x0], $0xffff;
	v9 =	vtrunc.f32 v11  }
0x22f: {  	v12 =	vor.u32 v1, v12;
	v14 =	vld [tilespmem:s10+$0x4520];
	v9 =	vcvt.f32.s32 v9  }
0x230: {  	v63 =	vld [tilespmem:s31+$0x4500];
	v15 =	vtrunc.f32 v15;
	[tilespmem:s10+$0x10170] =	vst v2  }
0x231: {  	v2 =	vcvt.f32.s32 v15;
	v15 =	vtrunc.f32 v16;
	v16 =	vshll.u32 v9, $0x7;
	v10 =	vld.idx.msk [tilespmem:v10+s7+$0x0], $0xffff  }
0x232: {  	v32 =	vld [tilespmem:s31+$0x4510];
	v15 =	vcvt.f32.s32 v15;
	[tilespmem:s8+$0x10170] =	vst v5;
	v5 =	vor.u32 v1, v16  }
0x233: {  	v2 =	vshll.u32 v2, $0x7;
	v16 =	vld.idx.msk [tilespmem:v4+s7+$0x0], $0xffff;
	[tilespmem:s18+$0x10170] =	vst v13  }
0x234: {  	v14 =	vtrunc.f32 v14;
	v13 =	vor.u32 v1, v2;
	v2 =	vshll.u32 v15, $0x7;
	v12 =	vld.idx.msk [tilespmem:v12+s7+$0x0], $0xffff  }
0x235: {  	s20 =	simm.s32 $0x280;
	s3 =	simm.s32 $0x500;
	v36 =	vld [tilespmem:s31+$0x4520];
	v15 =	vor.u32 v1, v2;
	v2 =	vcvt.f32.s32 v14  }
0x236: {  	s12 =	sand.u32 $0x380, s20;
	s0 =	sand.u32 $0x7800, s3;
	v43 =	vld [tilespmem:s31+$0x4550];
	[tilespmem:s10+$0x10500] =	vst v10  }
0x237: {  	s20 =	sor.u32 s12, s0;
	v10 =	vshll.u32 v2, $0x7;
	v5 =	vld.idx.msk [tilespmem:v5+s7+$0x0], $0xffff  }
0x238: {  	v19 =	vld [tilespmem:s20+$0x4110];
	[tilespmem:s8+$0x10500] =	vst v16;
	v16 =	vor.u32 v1, v10  }
0x239: {  	v10 =	vld.idx.msk [tilespmem:v13+s7+$0x0], $0xffff;
	[tilespmem:s18+$0x10500] =	vst v12  }
0x23a: {  	v14 =	vld.idx.msk [tilespmem:v15+s7+$0x0], $0xffff  }
0x23b: {  	v15 =	vld [tilespmem:s31+$0x4100]  }
0x23c: {  	v12 =	vtrunc.f32 v17;
	v13 =	vld [tilespmem:s10+$0x4540];
	[tilespmem:s10+$0x10510] =	vst v5  }
0x23d: {  	v5 =	vcvt.f32.s32 v12;
	v12 =	vld.idx.msk [tilespmem:v16+s7+$0x0], $0xffff  }
0x23e: {  	v16 =	vld [tilespmem:s19+$0x4100]  }
0x23f: {  	v17 =	vld [tilespmem:s20+$0x4100];
	v5 =	vshll.u32 v5, $0x7  }
0x240: {  	v22 =	vld [tilespmem:s20+$0x4120];
	v15 =	vtrunc.f32 v15;
	v5 =	vor.u32 v1, v5  }
0x241: {  	v24 =	vld [tilespmem:s20+$0x4130];
	v15 =	vcvt.f32.s32 v15  }
0x242: {  	v26 =	vld [tilespmem:s20+$0x4140];
	v13 =	vtrunc.f32 v13  }
0x243: {  	v55 =	vld [tilespmem:s20+$0x4160];
	v15 =	vshll.u32 v15, $0x7;
	v16 =	vtrunc.f32 v16;
	[tilespmem:s10+$0x10520] =	vst v12;
	v12 =	vcvt.f32.s32 v13  }
0x244: {  	s21 =	simm.s32 $0x300;
	s23 =	simm.s32 $0x600;
	s16 =	simm.s32 $0x380;
	v27 =	vld [tilespmem:s20+$0x4170];
	v15 =	vor.u32 v1, v15;
	v13 =	vcvt.f32.s32 v16;
	v16 =	vtrunc.f32 v17  }
0x245: {  	s5 =	sand.u32 $0x380, s21;
	s3 =	sand.u32 $0x380, s16;
	s16 =	sand.u32 $0x3800, s23;
	v5 =	vld.idx.msk [tilespmem:v5+s7+$0x0], $0xffff;
	v16 =	vcvt.f32.s32 v16;
	v12 =	vshll.u32 v12, $0x7  }
0x246: {  	s12 =	sor.u32 s5, s16;
	v59 =	vld [tilespmem:s20+$0x4500];
	v13 =	vshll.u32 v13, $0x7;
	v12 =	vor.u32 v1, v12  }
0x247: {  	v41 =	vld [tilespmem:s12+$0x4110];
	v21 =	vtrunc.f32 v21;
	v13 =	vor.u32 v1, v13;
	v16 =	vshll.u32 v16, $0x7  }
0x248: {  	v45 =	vld [tilespmem:s12+$0x4120];
	v21 =	vcvt.f32.s32 v21;
	v16 =	vor.u32 v1, v16  }
0x249: {  	v20 =	vtrunc.f32 v20;
	v18 =	vtrunc.f32 v18;
	v15 =	vld.idx.msk [tilespmem:v15+s7+$0x0], $0xffff  }
0x24a: {  	v18 =	vcvt.f32.s32 v18;
	v17 =	vld [tilespmem:s19+$0x4120];
	[tilespmem:s10+$0x10530] =	vst v5;
	v5 =	vcvt.f32.s32 v20;
	v20 =	vshll.u32 v21, $0x7  }
0x24b: {  	v19 =	vtrunc.f32 v19;
	v12 =	vld.idx.msk [tilespmem:v12+s7+$0x0], $0xffff;
	v20 =	vor.u32 v1, v20  }
0x24c: {  	s14 =	simm.s32 $0x700;
	v18 =	vshll.u32 v18, $0x7;
	v19 =	vcvt.f32.s32 v19;
	v13 =	vld.idx.msk [tilespmem:v13+s7+$0x0], $0xffff  }
0x24d: {  	s0 =	sand.u32 $0x7800, s14;
	v18 =	vor.u32 v1, v18;
	v16 =	vld.idx.msk [tilespmem:v16+s7+$0x0], $0xffff  }
0x24e: {  	s11 =	sor.u32 s3, s0;
	v47 =	vld [tilespmem:s12+$0x4130];
	v19 =	vshll.u32 v19, $0x7;
	[tilespmem:s31+$0x10100] =	vst v15;
	v15 =	vtrunc.f32 v25  }
0x24f: {  	v44 =	vld [tilespmem:s11+$0x4110];
	v19 =	vor.u32 v1, v19;
	v17 =	vtrunc.f32 v17;
	v15 =	vcvt.f32.s32 v15  }
0x250: {  	s4 =	simm.s32 $0x400;
	s14 =	simm.s32 $0x800;
	v17 =	vcvt.f32.s32 v17;
	v20 =	vld.idx.msk [tilespmem:v20+s7+$0x0], $0xffff;
	[tilespmem:s10+$0x10540] =	vst v12  }
0x251: {  	s21 =	sand.u32 $0x380, s4;
	s0 =	sand.u32 $0x7800, s14;
	v49 =	vld [tilespmem:s11+$0x4120];
	v15 =	vshll.u32 v15, $0x7;
	[tilespmem:s19+$0x10100] =	vst v13  }
0x252: {  	s14 =	sor.u32 s21, s0;
	v12 =	vtrunc.f32 v22;
	v15 =	vor.u32 v1, v15;
	v13 =	vld.idx.msk [tilespmem:v18+s7+$0x0], $0xffff;
	[tilespmem:s20+$0x10100] =	vst v16;
	v16 =	vshll.u32 v17, $0x7  }
0x253: {  	v40 =	vld [tilespmem:s14+$0x4100];
	v12 =	vcvt.f32.s32 v12;
	v16 =	vor.u32 v1, v16  }
0x254: {  	v25 =	vtrunc.f32 v52;
	v17 =	vld.idx.msk [tilespmem:v19+s7+$0x0], $0xffff  }
0x255: {  	v42 =	vld [tilespmem:s14+$0x4110];
	v12 =	vshll.u32 v12, $0x7;
	[tilespmem:s31+$0x10110] =	vst v20;
	v20 =	vcvt.f32.s32 v25  }
0x256: {  	v23 =	vtrunc.f32 v23;
	v46 =	vld [tilespmem:s14+$0x4120];
	v12 =	vor.u32 v1, v12  }
0x257: {  	v23 =	vcvt.f32.s32 v23;
	[tilespmem:s19+$0x10110] =	vst v13;
	v13 =	vld.idx.msk [tilespmem:v15+s7+$0x0], $0xffff;
	v20 =	vshll.u32 v20, $0x7  }
0x258: {  	v24 =	vtrunc.f32 v24;
	v16 =	vld.idx.msk [tilespmem:v16+s7+$0x0], $0xffff;
	v20 =	vor.u32 v1, v20  }
0x259: {  	v48 =	vld [tilespmem:s14+$0x4130];
	v15 =	vcvt.f32.s32 v24;
	[tilespmem:s20+$0x10110] =	vst v17;
	v17 =	vshll.u32 v23, $0x7  }
0x25a: {  	v38 =	vtrunc.f32 v36;
	v36 =	vld [tilespmem:s12+$0x4500];
	v17 =	vor.u32 v1, v17  }
0x25b: {  	v25 =	vtrunc.f32 v54;
	v12 =	vld.idx.msk [tilespmem:v12+s7+$0x0], $0xffff;
	v15 =	vshll.u32 v15, $0x7  }
0x25c: {  	v7 =	vld [tilespmem:s18+$0x4520];
	v15 =	vor.u32 v1, v15;
	[tilespmem:s31+$0x10120] =	vst v13;
	v13 =	vcvt.f32.s32 v25  }
0x25d: {  	v21 =	vtrunc.f32 v51;
	[tilespmem:s19+$0x10120] =	vst v16;
	v16 =	vld.idx.msk [tilespmem:v20+s7+$0x0], $0xffff  }
0x25e: {  	v21 =	vcvt.f32.s32 v21;
	v18 =	vld [tilespmem:s19+$0x4150];
	v13 =	vshll.u32 v13, $0x7  }
0x25f: {  	v26 =	vtrunc.f32 v26;
	v17 =	vld.idx.msk [tilespmem:v17+s7+$0x0], $0xffff;
	v13 =	vor.u32 v1, v13  }
0x260: {  	v19 =	vld [tilespmem:s20+$0x4150];
	v20 =	vcvt.f32.s32 v26;
	[tilespmem:s20+$0x10120] =	vst v12;
	v12 =	vshll.u32 v21, $0x7  }
0x261: {  	v25 =	vtrunc.f32 v57;
	v15 =	vld.idx.msk [tilespmem:v15+s7+$0x0], $0xffff;
	v12 =	vor.u32 v1, v12  }
0x262: {  	v6 =	vld [tilespmem:s18+$0x4530];
	v20 =	vshll.u32 v20, $0x7;
	[tilespmem:s31+$0x10130] =	vst v16;
	v16 =	vcvt.f32.s32 v25  }
0x263: {  	v7 =	vtrunc.f32 v7;
	v8 =	vld [tilespmem:s8+$0x4520];
	v18 =	vtrunc.f32 v18;
	v20 =	vor.u32 v1, v20  }
0x264: {  	v7 =	vcvt.f32.s32 v7;
	v18 =	vcvt.f32.s32 v18;
	[tilespmem:s19+$0x10130] =	vst v17;
	v17 =	vld.idx.msk [tilespmem:v13+s7+$0x0], $0xffff;
	v16 =	vshll.u32 v16, $0x7  }
0x265: {  	v34 =	vtrunc.f32 v32;
	v32 =	vld [tilespmem:s12+$0x4510];
	v19 =	vtrunc.f32 v19;
	v16 =	vor.u32 v1, v16  }
0x266: {  	v7 =	vshll.u32 v7, $0x7;
	v13 =	vcvt.f32.s32 v19;
	v12 =	vld.idx.msk [tilespmem:v12+s7+$0x0], $0xffff;
	[tilespmem:s20+$0x10130] =	vst v15;
	v15 =	vshll.u32 v18, $0x7  }
0x267: {  	v7 =	vor.u32 v1, v7;
	v3 =	vld [tilespmem:s18+$0x4540];
	v6 =	vtrunc.f32 v6;
	v15 =	vor.u32 v1, v15  }
0x268: {  	v6 =	vcvt.f32.s32 v6;
	v25 =	vtrunc.f32 v60;
	v18 =	vld.idx.msk [tilespmem:v20+s7+$0x0], $0xffff;
	v13 =	vshll.u32 v13, $0x7  }
0x269: {  	v11 =	vld [tilespmem:s8+$0x4530];
	v8 =	vtrunc.f32 v8;
	v29 =	vor.u32 v1, v13;
	[tilespmem:s31+$0x10140] =	vst v17;
	v17 =	vcvt.f32.s32 v25  }
0x26a: {  	v31 =	vshll.u32 v6, $0x7;
	v22 =	vtrunc.f32 v53;
	v20 =	vcvt.f32.s32 v8;
	v16 =	vld.idx.msk [tilespmem:v16+s7+$0x0], $0xffff  }
0x26b: {  	v6 =	vld [tilespmem:s20+$0x4540];
	v22 =	vcvt.f32.s32 v22;
	v23 =	vtrunc.f32 v55;
	[tilespmem:s19+$0x10140] =	vst v12;
	v17 =	vshll.u32 v17, $0x7  }
0x26c: {  	v20 =	vshll.u32 v20, $0x7;
	v12 =	vcvt.f32.s32 v23;
	v15 =	vld.idx.msk [tilespmem:v15+s7+$0x0], $0xffff;
	v17 =	vor.u32 v1, v17  }
0x26d: {  	v9 =	vld [tilespmem:s8+$0x4540];
	v20 =	vor.u32 v1, v20;
	[tilespmem:s20+$0x10140] =	vst v18;
	v18 =	vshll.u32 v22, $0x7  }
0x26e: {  	[tilespmem:s18+$0x10510] =	vst v14;
	v25 =	vtrunc.f32 v61;
	v18 =	vor.u32 v1, v18;
	v23 =	vshll.u32 v12, $0x7;
	v62 =	vld.idx.msk [tilespmem:v29+s7+$0x0], $0xffff  }
0x26f: {  	v4 =	vld [tilespmem:s8+$0x4550];
	v11 =	vtrunc.f32 v11;
	v23 =	vor.u32 v1, v23;
	[tilespmem:s31+$0x10150] =	vst v16;
	v16 =	vcvt.f32.s32 v25  }
0x270: {  	v11 =	vcvt.f32.s32 v11;
	[tilespmem:s8+$0x10510] =	vst v10;
	v7 =	vld.idx.msk [tilespmem:v7+s7+$0x0], $0xffff;
	v24 =	vtrunc.f32 v56  }
0x271: {  	v27 =	vtrunc.f32 v27;
	v24 =	vcvt.f32.s32 v24;
	[tilespmem:s19+$0x10150] =	vst v15;
	v15 =	vld.idx.msk [tilespmem:v17+s7+$0x0], $0xffff;
	v16 =	vshll.u32 v16, $0x7  }
0x272: {  	v11 =	vshll.u32 v11, $0x7;
	v20 =	vld.idx.msk [tilespmem:v20+s7+$0x0], $0xffff;
	v17 =	vcvt.f32.s32 v27;
	v16 =	vor.u32 v1, v16  }
0x273: {  	v11 =	vor.u32 v1, v11;
	v14 =	vshll.u32 v24, $0x7;
	v18 =	vld.idx.msk [tilespmem:v18+s7+$0x0], $0xffff;
	[tilespmem:s20+$0x10150] =	vst v62  }
0x274: {  	v30 =	vor.u32 v1, v14;
	v22 =	vld.idx.msk [tilespmem:v23+s7+$0x0], $0xffff;
	v14 =	vshll.u32 v17, $0x7  }
0x275: {  	v3 =	vtrunc.f32 v3;
	v2 =	vld [tilespmem:s18+$0x4550];
	[tilespmem:s18+$0x10520] =	vst v7;
	v25 =	vtrunc.f32 v63;
	v17 =	vor.u32 v1, v14  }
0x276: {  	v21 =	vtrunc.f32 v58;
	v19 =	vld [tilespmem:s20+$0x4510];
	[tilespmem:s31+$0x10160] =	vst v15;
	v15 =	vcvt.f32.s32 v25  }
0x277: {  	v24 =	vor.u32 v1, v31;
	v26 =	vtrunc.f32 v59;
	v21 =	vcvt.f32.s32 v21;
	[tilespmem:s8+$0x10520] =	vst v20;
	v16 =	vld.idx.msk [tilespmem:v16+s7+$0x0], $0xffff  }
0x278: {  	v9 =	vtrunc.f32 v9;
	v7 =	vld.idx.msk [tilespmem:v11+s7+$0x0], $0xffff;
	[tilespmem:s19+$0x10160] =	vst v18;
	v18 =	vcvt.f32.s32 v26;
	v15 =	vshll.u32 v15, $0x7  }
0x279: {  	v9 =	vcvt.f32.s32 v9;
	v21 =	vshll.u32 v21, $0x7;
	v23 =	vld.idx.msk [tilespmem:v30+s7+$0x0], $0xffff;
	[tilespmem:s20+$0x10160] =	vst v22;
	v15 =	vor.u32 v1, v15  }
0x27a: {  	v20 =	vor.u32 v1, v21;
	v11 =	vcvt.f32.s32 v3;
	v18 =	vshll.u32 v18, $0x7;
	v17 =	vld.idx.msk [tilespmem:v17+s7+$0x0], $0xffff  }
0x27b: {  	v35 =	vtrunc.f32 v28;
	v10 =	vld [tilespmem:s20+$0x4530];
	v3 =	vshll.u32 v9, $0x7;
	v9 =	vor.u32 v1, v18  }
0x27c: {  	v33 =	vor.u32 v1, v3;
	v11 =	vshll.u32 v11, $0x7;
	v18 =	vld.idx.msk [tilespmem:v24+s7+$0x0], $0xffff;
	[tilespmem:s31+$0x10170] =	vst v16;
	v16 =	vcvt.f32.s32 v34  }
0x27d: {  	v51 =	vld [tilespmem:s12+$0x4140];
	v19 =	vtrunc.f32 v19;
	v11 =	vor.u32 v1, v11;
	v24 =	vcvt.f32.s32 v35  }
0x27e: {  	v4 =	vtrunc.f32 v4;
	[tilespmem:s19+$0x10170] =	vst v23;
	v37 =	vld.idx.msk [tilespmem:v15+s7+$0x0], $0xffff;
	v15 =	vcvt.f32.s32 v19;
	v16 =	vshll.u32 v16, $0x7  }
0x27f: {  	v4 =	vcvt.f32.s32 v4;
	v19 =	vld.idx.msk [tilespmem:v20+s7+$0x0], $0xffff;
	[tilespmem:s20+$0x10170] =	vst v17;
	v17 =	vshll.u32 v24, $0x7;
	v16 =	vor.u32 v1, v16  }
0x280: {  	[tilespmem:s8+$0x10530] =	vst v7;
	v9 =	vld.idx.msk [tilespmem:v9+s7+$0x0], $0xffff;
	v17 =	vor.u32 v1, v17;
	v20 =	vshll.u32 v15, $0x7  }
0x281: {  	v4 =	vshll.u32 v4, $0x7;
	[tilespmem:s18+$0x10530] =	vst v18;
	v18 =	vld.idx.msk [tilespmem:v33+s7+$0x0], $0xffff;
	v20 =	vor.u32 v1, v20  }
0x282: {  	v39 =	vor.u32 v1, v4;
	v4 =	vcvt.f32.s32 v38;
	v7 =	vld.idx.msk [tilespmem:v11+s7+$0x0], $0xffff  }
0x283: {  	v11 =	vld [tilespmem:s31+$0x4530];
	[tilespmem:s31+$0x10500] =	vst v37  }
0x284: {  	v4 =	vshll.u32 v4, $0x7;
	[tilespmem:s19+$0x10500] =	vst v19;
	v19 =	vld.idx.msk [tilespmem:v16+s7+$0x0], $0xffff  }
0x285: {  	v16 =	vld.idx.msk [tilespmem:v17+s7+$0x0], $0xffff;
	[tilespmem:s20+$0x10500] =	vst v9;
	v17 =	vor.u32 v1, v4  }
0x286: {  	v5 =	vshll.u32 v5, $0x7;
	v4 =	vld.idx.msk [tilespmem:v20+s7+$0x0], $0xffff  }
0x287: {  	v5 =	vor.u32 v1, v5;
	v20 =	vld [tilespmem:s11+$0x4100]  }
0x288: {  	[tilespmem:s8+$0x10540] =	vst v18;
	v18 =	vld [tilespmem:s31+$0x4540];
	v11 =	vtrunc.f32 v11  }
0x289: {  	v11 =	vcvt.f32.s32 v11;
	[tilespmem:s31+$0x10510] =	vst v19;
	v19 =	vld [tilespmem:s12+$0x4100]  }
0x28a: {  	v17 =	vld.idx.msk [tilespmem:v17+s7+$0x0], $0xffff  }
0x28b: {  	v52 =	vld [tilespmem:s11+$0x4130];
	v11 =	vshll.u32 v11, $0x7  }
0x28c: {  	v5 =	vld.idx.msk [tilespmem:v5+s7+$0x0], $0xffff;
	v11 =	vor.u32 v1, v11;
	v20 =	vtrunc.f32 v20  }
0x28d: {  	v54 =	vld [tilespmem:s12+$0x4150];
	v20 =	vcvt.f32.s32 v20  }
0x28e: {  	v56 =	vld [tilespmem:s12+$0x4160];
	v18 =	vtrunc.f32 v18;
	v19 =	vtrunc.f32 v19  }
0x28f: {  	v55 =	vld [tilespmem:s14+$0x4150];
	[tilespmem:s31+$0x10520] =	vst v17;
	v17 =	vcvt.f32.s32 v18;
	v18 =	vcvt.f32.s32 v19;
	v19 =	vshll.u32 v20, $0x7  }
0x290: {  	v31 =	vld [tilespmem:s14+$0x4170];
	v19 =	vor.u32 v1, v19  }
0x291: {  	v57 =	vtrunc.f32 v52;
	v20 =	vtrunc.f32 v40;
	v11 =	vld.idx.msk [tilespmem:v11+s7+$0x0], $0xffff;
	v17 =	vshll.u32 v17, $0x7  }
0x292: {  	v52 =	vld [tilespmem:s12+$0x4540];
	v20 =	vcvt.f32.s32 v20;
	v18 =	vshll.u32 v18, $0x7;
	v17 =	vor.u32 v1, v17  }
0x293: {  	v58 =	vld [tilespmem:s11+$0x4140];
	v25 =	vtrunc.f32 v44;
	v18 =	vor.u32 v1, v18  }
0x294: {  	v60 =	vld [tilespmem:s14+$0x4160];
	v25 =	vcvt.f32.s32 v25;
	v22 =	vtrunc.f32 v41;
	v20 =	vshll.u32 v20, $0x7  }
0x295: {  	v22 =	vcvt.f32.s32 v22;
	v20 =	vor.u32 v1, v20;
	v19 =	vld.idx.msk [tilespmem:v19+s7+$0x0], $0xffff  }
0x296: {  	v8 =	vld [tilespmem:s20+$0x4520];
	v50 =	vshll.u32 v25, $0x7;
	[tilespmem:s31+$0x10530] =	vst v11  }
0x297: {  	v22 =	vshll.u32 v22, $0x7;
	v23 =	vtrunc.f32 v42;
	v24 =	vtrunc.f32 v43;
	v17 =	vld.idx.msk [tilespmem:v17+s7+$0x0], $0xffff  }
0x298: {  	v23 =	vcvt.f32.s32 v23;
	v11 =	vcvt.f32.s32 v24;
	v24 =	vor.u32 v1, v50;
	v18 =	vld.idx.msk [tilespmem:v18+s7+$0x0], $0xffff  }
0x299: {  	v13 =	vld [tilespmem:s19+$0x4520];
	v22 =	vor.u32 v1, v22  }
0x29a: {  	v23 =	vshll.u32 v23, $0x7;
	v20 =	vld.idx.msk [tilespmem:v20+s7+$0x0], $0xffff;
	[tilespmem:s11+$0x10100] =	vst v19;
	v19 =	vtrunc.f32 v49  }
0x29b: {  	v61 =	vld [tilespmem:s12+$0x4170];
	v23 =	vor.u32 v1, v23;
	v19 =	vcvt.f32.s32 v19  }
0x29c: {  	v12 =	vld [tilespmem:s19+$0x4530];
	v21 =	vtrunc.f32 v45;
	[tilespmem:s31+$0x10540] =	vst v17  }
0x29d: {  	v21 =	vcvt.f32.s32 v21;
	v24 =	vld.idx.msk [tilespmem:v24+s7+$0x0], $0xffff;
	v17 =	vtrunc.f32 v46;
	[tilespmem:s12+$0x10100] =	vst v18;
	v19 =	vshll.u32 v19, $0x7  }
0x29e: {  	v6 =	vtrunc.f32 v6;
	v17 =	vcvt.f32.s32 v17;
	v18 =	vld.idx.msk [tilespmem:v22+s7+$0x0], $0xffff;
	v19 =	vor.u32 v1, v19  }
0x29f: {  	v6 =	vcvt.f32.s32 v6;
	v2 =	vtrunc.f32 v2;
	v63 =	vld [tilespmem:s11+$0x4150];
	[tilespmem:s14+$0x10100] =	vst v20;
	v20 =	vshll.u32 v21, $0x7  }
0x2a0: {  	v2 =	vcvt.f32.s32 v2;
	v53 =	vld.idx.msk [tilespmem:v23+s7+$0x0], $0xffff;
	v20 =	vor.u32 v1, v20;
	v17 =	vshll.u32 v17, $0x7  }
0x2a1: {  	v28 =	vtrunc.f32 v48;
	v27 =	vtrunc.f32 v47;
	v47 =	vld [tilespmem:s12+$0x4530];
	v17 =	vor.u32 v1, v17  }
0x2a2: {  	v6 =	vshll.u32 v6, $0x7;
	v2 =	vshll.u32 v2, $0x7;
	v45 =	vld [tilespmem:s11+$0x4170];
	[tilespmem:s11+$0x10110] =	vst v24;
	v24 =	vcvt.f32.s32 v57  }
0x2a3: {  	v48 =	vor.u32 v1, v6;
	v2 =	vor.u32 v1, v2;
	v27 =	vcvt.f32.s32 v27;
	[tilespmem:s12+$0x10110] =	vst v18;
	v18 =	vld.idx.msk [tilespmem:v19+s7+$0x0], $0xffff  }
0x2a4: {  	v10 =	vtrunc.f32 v10;
	v8 =	vtrunc.f32 v8;
	v30 =	vld [tilespmem:s14+$0x4140];
	v24 =	vshll.u32 v24, $0x7  }
0x2a5: {  	v59 =	vshll.u32 v27, $0x7;
	v19 =	vcvt.f32.s32 v28;
	v20 =	vld.idx.msk [tilespmem:v20+s7+$0x0], $0xffff;
	[tilespmem:s14+$0x10110] =	vst v53;
	v24 =	vor.u32 v1, v24  }
0x2a6: {  	v10 =	vcvt.f32.s32 v10;
	v8 =	vcvt.f32.s32 v8;
	v21 =	vor.u32 v1, v59;
	v17 =	vld.idx.msk [tilespmem:v17+s7+$0x0], $0xffff  }
0x2a7: {  	v13 =	vtrunc.f32 v13;
	v29 =	vtrunc.f32 v58;
	v14 =	vld [tilespmem:s19+$0x4540];
	v19 =	vshll.u32 v19, $0x7  }
0x2a8: {  	v62 =	vcvt.f32.s32 v29;
	v3 =	vld [tilespmem:s19+$0x4550];
	v19 =	vor.u32 v1, v19;
	[tilespmem:s11+$0x10120] =	vst v18;
	v18 =	vtrunc.f32 v51  }
0x2a9: {  	v10 =	vshll.u32 v10, $0x7;
	v13 =	vcvt.f32.s32 v13;
	v42 =	vld [tilespmem:s14+$0x4510];
	v18 =	vcvt.f32.s32 v18  }
0x2aa: {  	v8 =	vshll.u32 v8, $0x7;
	v25 =	vshll.u32 v62, $0x7;
	v30 =	vtrunc.f32 v30;
	[tilespmem:s12+$0x10120] =	vst v20;
	v20 =	vld.idx.msk [tilespmem:v24+s7+$0x0], $0xffff  }
0x2ab: {  	v35 =	vcvt.f32.s32 v30;
	v21 =	vld.idx.msk [tilespmem:v21+s7+$0x0], $0xffff;
	[tilespmem:s14+$0x10120] =	vst v17;
	v17 =	vshll.u32 v18, $0x7;
	v18 =	vor.u32 v1, v25  }
0x2ac: {  	v10 =	vor.u32 v1, v10;
	v8 =	vor.u32 v1, v8;
	v43 =	vld [tilespmem:s12+$0x4520];
	v17 =	vor.u32 v1, v17  }
0x2ad: {  	v13 =	vshll.u32 v13, $0x7;
	v12 =	vtrunc.f32 v12;
	v24 =	vshll.u32 v35, $0x7;
	v19 =	vld.idx.msk [tilespmem:v19+s7+$0x0], $0xffff  }
0x2ae: {  	v12 =	vcvt.f32.s32 v12;
	v29 =	vtrunc.f32 v63;
	v9 =	vld.idx.msk [tilespmem:v39+s7+$0x0], $0xffff;
	v24 =	vor.u32 v1, v24  }
0x2af: {  	v13 =	vor.u32 v1, v13;
	v38 =	vcvt.f32.s32 v29;
	v39 =	vld [tilespmem:s11+$0x4160];
	[tilespmem:s11+$0x10130] =	vst v20;
	v20 =	vtrunc.f32 v54  }
0x2b0: {  	v12 =	vshll.u32 v12, $0x7;
	v23 =	vtrunc.f32 v55;
	[tilespmem:s12+$0x10130] =	vst v21;
	v20 =	vcvt.f32.s32 v20;
	v18 =	vld.idx.msk [tilespmem:v18+s7+$0x0], $0xffff  }
0x2b1: {  	v14 =	vtrunc.f32 v14;
	v22 =	vshll.u32 v38, $0x7;
	v40 =	vcvt.f32.s32 v23;
	v17 =	vld.idx.msk [tilespmem:v17+s7+$0x0], $0xffff  }
0x2b2: {  	v3 =	vtrunc.f32 v3;
	v15 =	vld [tilespmem:s20+$0x4550];
	[tilespmem:s14+$0x10130] =	vst v19;
	v19 =	vshll.u32 v20, $0x7;
	v20 =	vor.u32 v1, v22  }
0x2b3: {  	v14 =	vcvt.f32.s32 v14;
	[tilespmem:s19+$0x10510] =	vst v16;
	v21 =	vshll.u32 v40, $0x7;
	v41 =	vld.idx.msk [tilespmem:v24+s7+$0x0], $0xffff;
	v19 =	vor.u32 v1, v19  }
0x2b4: {  	v3 =	vcvt.f32.s32 v3;
	v29 =	vtrunc.f32 v39;
	v13 =	vld.idx.msk [tilespmem:v13+s7+$0x0], $0xffff;
	[tilespmem:s20+$0x10510] =	vst v4;
	v21 =	vor.u32 v1, v21  }
0x2b5: {  	v12 =	vor.u32 v1, v12;
	v44 =	vcvt.f32.s32 v29;
	v8 =	vld.idx.msk [tilespmem:v8+s7+$0x0], $0xffff;
	[tilespmem:s11+$0x10140] =	vst v18;
	v18 =	vtrunc.f32 v56  }
0x2b6: {  	v14 =	vshll.u32 v14, $0x7;
	v37 =	vld [tilespmem:s14+$0x4500];
	[tilespmem:s12+$0x10140] =	vst v17;
	v17 =	vcvt.f32.s32 v18;
	v18 =	vtrunc.f32 v60  }
0x2b7: {  	v6 =	vtrunc.f32 v15;
	v26 =	vshll.u32 v44, $0x7;
	v20 =	vld.idx.msk [tilespmem:v20+s7+$0x0], $0xffff;
	v18 =	vcvt.f32.s32 v18  }
0x2b8: {  	v15 =	vtrunc.f32 v45;
	v46 =	vor.u32 v1, v26;
	[tilespmem:s14+$0x10140] =	vst v41;
	v19 =	vld.idx.msk [tilespmem:v19+s7+$0x0], $0xffff;
	v17 =	vshll.u32 v17, $0x7  }
0x2b9: {  	v15 =	vcvt.f32.s32 v15;
	[tilespmem:s19+$0x10520] =	vst v13;
	v21 =	vld.idx.msk [tilespmem:v21+s7+$0x0], $0xffff;
	v17 =	vor.u32 v1, v17;
	v18 =	vshll.u32 v18, $0x7  }
0x2ba: {  	v3 =	vshll.u32 v3, $0x7;
	v6 =	vcvt.f32.s32 v6;
	v12 =	vld.idx.msk [tilespmem:v12+s7+$0x0], $0xffff;
	[tilespmem:s20+$0x10520] =	vst v8;
	v16 =	vor.u32 v1, v18  }
0x2bb: {  	v14 =	vor.u32 v1, v14;
	v3 =	vor.u32 v1, v3;
	v15 =	vshll.u32 v15, $0x7;
	v10 =	vld.idx.msk [tilespmem:v10+s7+$0x0], $0xffff  }
0x2bc: {  	v6 =	vshll.u32 v6, $0x7;
	v15 =	vor.u32 v1, v15;
	v49 =	vld [tilespmem:s11+$0x4500];
	[tilespmem:s11+$0x10150] =	vst v20;
	v20 =	vtrunc.f32 v61  }
0x2bd: {  	v11 =	vshll.u32 v11, $0x7;
	[tilespmem:s12+$0x10150] =	vst v19;
	v19 =	vcvt.f32.s32 v20;
	v20 =	vtrunc.f32 v31;
	v22 =	vld.idx.msk [tilespmem:v46+s7+$0x0], $0xffff  }
0x2be: {  	v13 =	vtrunc.f32 v43;
	v11 =	vor.u32 v1, v11;
	[tilespmem:s14+$0x10150] =	vst v21;
	v20 =	vcvt.f32.s32 v20;
	v17 =	vld.idx.msk [tilespmem:v17+s7+$0x0], $0xffff  }
0x2bf: {  	v51 =	vtrunc.f32 v32;
	v4 =	vshll.u32 v19, $0x7;
	v19 =	vtrunc.f32 v36;
	v16 =	vld.idx.msk [tilespmem:v16+s7+$0x0], $0xffff  }
0x2c0: {  	v63 =	vld [tilespmem:s14+$0x4550];
	[tilespmem:s19+$0x10530] =	vst v12;
	v50 =	vor.u32 v1, v4;
	v4 =	vshll.u32 v20, $0x7;
	v19 =	vcvt.f32.s32 v19  }
0x2c1: {  	v33 =	vld [tilespmem:s14+$0x4520];
	[tilespmem:s20+$0x10530] =	vst v10;
	v54 =	vcvt.f32.s32 v51;
	v20 =	vor.u32 v1, v4;
	v4 =	vtrunc.f32 v37  }
0x2c2: {  	v12 =	vld.idx.msk [tilespmem:v48+s7+$0x0], $0xffff;
	v30 =	vcvt.f32.s32 v4;
	v4 =	vtrunc.f32 v49;
	[tilespmem:s11+$0x10160] =	vst v22;
	v19 =	vshll.u32 v19, $0x7  }
0x2c3: {  	v56 =	vld [tilespmem:s11+$0x4510];
	v55 =	vcvt.f32.s32 v4;
	v4 =	vor.u32 v1, v6;
	[tilespmem:s12+$0x10160] =	vst v17;
	v17 =	vor.u32 v1, v19  }
0x2c4: {  	v18 =	vld [tilespmem:s14+$0x4530];
	v6 =	vshll.u32 v30, $0x7;
	v19 =	vtrunc.f32 v42;
	[tilespmem:s14+$0x10160] =	vst v16;
	v16 =	vshll.u32 v54, $0x7  }
0x2c5: {  	v15 =	vld.idx.msk [tilespmem:v15+s7+$0x0], $0xffff;
	v57 =	vshll.u32 v55, $0x7;
	v19 =	vcvt.f32.s32 v19;
	v8 =	vor.u32 v1, v6  }
0x2c6: {  	v21 =	vld.idx.msk [tilespmem:v50+s7+$0x0], $0xffff;
	v6 =	vcvt.f32.s32 v13;
	v13 =	vtrunc.f32 v33;
	v22 =	vor.u32 v1, v57  }
0x2c7: {  	v20 =	vld.idx.msk [tilespmem:v20+s7+$0x0], $0xffff;
	v58 =	vor.u32 v1, v16;
	v13 =	vcvt.f32.s32 v13;
	v16 =	vshll.u32 v19, $0x7  }
0x2c8: {  	[tilespmem:s10+$0x10550] =	vst v5;
	v53 =	vld [tilespmem:s14+$0x4540];
	v6 =	vshll.u32 v6, $0x7;
	v59 =	vor.u32 v1, v16;
	v16 =	vtrunc.f32 v56  }
0x2c9: {  	[tilespmem:s18+$0x10540] =	vst v7;
	v19 =	vld [tilespmem:s11+$0x4520];
	v5 =	vor.u32 v1, v6;
	v6 =	vtrunc.f32 v47;
	v16 =	vcvt.f32.s32 v16  }
0x2ca: {  	v18 =	vtrunc.f32 v18;
	[tilespmem:s11+$0x10170] =	vst v15;
	v15 =	vld [tilespmem:s12+$0x4550];
	v13 =	vshll.u32 v13, $0x7;
	v60 =	vcvt.f32.s32 v6  }
0x2cb: {  	s17 =	sadd.s32 s17, s1;
	v6 =	vor.u32 v1, v13;
	v13 =	vcvt.f32.s32 v18;
	[tilespmem:s12+$0x10170] =	vst v21;
	v61 =	vld.idx.msk [tilespmem:v22+s7+$0x0], $0xffff;
	v16 =	vshll.u32 v16, $0x7  }
0x2cc: {  	s10 =	sadd.s32 $0x1, s17;
	v18 =	vtrunc.f32 v52;
	v17 =	vld.idx.msk [tilespmem:v17+s7+$0x0], $0xffff;
	[tilespmem:s14+$0x10170] =	vst v20;
	v7 =	vshll.u32 v60, $0x7;
	v20 =	vor.u32 v1, v16  }
0x2cd: {  	s23 =	smulhi.u32 $0xCCCCCCCD, s10;
	v13 =	vshll.u32 v13, $0x7;
	v62 =	vld.idx.msk [tilespmem:v8+s7+$0x0], $0xffff;
	v16 =	vcvt.f32.s32 v18;
	v18 =	vtrunc.f32 v53  }
0x2ce: {  	v11 =	vld.idx.msk [tilespmem:v11+s7+$0x0], $0xffff;
	v8 =	vor.u32 v1, v7;
	v7 =	vor.u32 v1, v13;
	v18 =	vcvt.f32.s32 v18  }
0x2cf: {  	s4 =	sshrl.u32 s23, $0x9;
	[tilespmem:s8+$0x10550] =	vst v9;
	v13 =	vld.idx.msk [tilespmem:v14+s7+$0x0], $0xffff;
	v14 =	vtrunc.f32 v15;
	v15 =	vtrunc.f32 v19;
	v10 =	vshll.u32 v16, $0x7  }
0x2d0: {  	s0 =	smul.u32 $0x280, s4;
	v14 =	vcvt.f32.s32 v14;
	v16 =	vld [tilespmem:s11+$0x4530];
	v9 =	vshll.u32 v18, $0x7;
	v18 =	vcvt.f32.s32 v15;
	[tilespmem:s11+$0x10500] =	vst v61  }
0x2d1: {  	v10 =	vor.u32 v1, v10;
	v9 =	vor.u32 v1, v9;
	[tilespmem:s12+$0x10500] =	vst v17;
	v15 =	vld.idx.msk [tilespmem:v20+s7+$0x0], $0xffff  }
0x2d2: {  	s3 =	simm.s32 $0xB00;
	s0 =	ssub.s32 s10, s0;
	v17 =	vshll.u32 v14, $0x7;
	v14 =	vld.idx.msk [tilespmem:v58+s7+$0x0], $0xffff;
	v18 =	vshll.u32 v18, $0x7;
	[tilespmem:s14+$0x10500] =	vst v62;
	v20 =	vtrunc.f32 v63  }
0x2d3: {  	s8 =	sshrl.u32 s0, $0x2;
	s0 =	simm.s32 $0x6;
	[tilespmem:s31+$0x10550] =	vst v11;
	s31 =	simm.s32 $0x580;
	v11 =	vor.u32 v1, v17;
	v19 =	vor.u32 v1, v18;
	v17 =	vld.idx.msk [tilespmem:v59+s7+$0x0], $0xffff;
	v18 =	vcvt.f32.s32 v20  }
.LBB2_5:
0x2d4: {  	s5 =	sadd.s32 $0xFFFFFF00, s31;
	s16 =	sadd.s32 $0xFFFFFF00, s3;
	s21 =	sadd.s32 $0xFFFFFF80, s31;
	[tilespmem:s19+$0x10540] =	vst v13;
	v13 =	vld.idx.msk [tilespmem:v2+s7+$0x0], $0xffff;
	v2 =	vmov v4  }
0x2d5: {  	s0 =	sadd.s32 $0x3, s0;
	s16 =	sand.u32 $0x7800, s16;
	s21 =	sand.u32 $0x380, s21;
	v4 =	vshll.u32 v18, $0x7;
	v18 =	vld.idx.msk [tilespmem:v3+s7+$0x0], $0xffff;
	[tilespmem:s20+$0x10540] =	vst v12;
	v3 =	vmov v11  }
0x2d6: {  	s23 =	sadd.s32 $0xFFFFFE00, s3;
	p2 =	slt.u32 s0, $0x2D;
	v11 =	vtrunc.f32 v16;
	s16 =	sor.u32 s21, s16;
	v12 =	vld [tilespmem:s11+$0x4540];
	v4 =	vor.u32 v1, v4  }
0x2d7: {  	s5 =	sand.u32 $0x380, s5;
	s21 =	sand.u32 $0x3800, s23;
	s23 =	sand.u32 $0x7800, s3;
	v11 =	vcvt.f32.s32 v11;
	v16 =	vld [tilespmem:s16+$0x4100];
	[tilespmem:s11+$0x10510] =	vst v15  }
0x2d8: {  	s5 =	sor.u32 s5, s21;
	s21 =	sand.u32 $0x380, s31;
	[tilespmem:s12+$0x10510] =	vst v14;
	v14 =	vld.idx.msk [tilespmem:v19+s7+$0x0], $0xffff  }
0x2d9: {  	s21 =	sor.u32 s21, s23;
	v11 =	vshll.u32 v11, $0x7;
	v15 =	vld [tilespmem:s5+$0x4100];
	[tilespmem:s14+$0x10510] =	vst v17  }
0x2da: {  	v11 =	vor.u32 v1, v11;
	v17 =	vld [tilespmem:s21+$0x4100];
	[tilespmem:s18+$0x10550] =	vst v13;
	s18 =	smov.u32 s20;
	s20 =	smov.u32 s14;
	s14 =	smov.u32 s21  }
0x2db: {  	v13 =	vld [tilespmem:s5+$0x4110];
	[tilespmem:s19+$0x10550] =	vst v18;
	s19 =	smov.u32 s12;
	s12 =	smov.u32 s5  }
0x2dc: {  	v16 =	vtrunc.f32 v16;
	v18 =	vld [tilespmem:s14+$0x4110]  }
0x2dd: {  	v12 =	vtrunc.f32 v12;
	v16 =	vcvt.f32.s32 v16;
	v19 =	vld [tilespmem:s11+$0x4550]  }
0x2de: {  	v12 =	vcvt.f32.s32 v12;
	v15 =	vtrunc.f32 v15;
	v20 =	vld [tilespmem:s16+$0x4110];
	[tilespmem:s11+$0x10520] =	vst v14  }
0x2df: {  	v14 =	vcvt.f32.s32 v15;
	v15 =	vshll.u32 v16, $0x7;
	v16 =	vtrunc.f32 v17;
	v11 =	vld.idx.msk [tilespmem:v11+s7+$0x0], $0xffff  }
0x2e0: {  	v12 =	vshll.u32 v12, $0x7;
	v17 =	vld [tilespmem:s12+$0x4120];
	v15 =	vor.u32 v1, v15;
	v16 =	vcvt.f32.s32 v16  }
0x2e1: {  	v12 =	vor.u32 v1, v12;
	v13 =	vtrunc.f32 v13;
	v14 =	vshll.u32 v14, $0x7;
	v21 =	vld [tilespmem:s14+$0x4120]  }
0x2e2: {  	v18 =	vtrunc.f32 v18;
	v14 =	vor.u32 v1, v14;
	v22 =	vld [tilespmem:s12+$0x4130];
	v16 =	vshll.u32 v16, $0x7  }
0x2e3: {  	v13 =	vcvt.f32.s32 v13;
	v20 =	vtrunc.f32 v20;
	v16 =	vor.u32 v1, v16;
	v23 =	vld [tilespmem:s14+$0x4130]  }
0x2e4: {  	v19 =	vtrunc.f32 v19;
	v20 =	vcvt.f32.s32 v20;
	v24 =	vld [tilespmem:s16+$0x4120]  }
0x2e5: {  	v18 =	vcvt.f32.s32 v18;
	v13 =	vshll.u32 v13, $0x7;
	v15 =	vld.idx.msk [tilespmem:v15+s7+$0x0], $0xffff;
	[tilespmem:s11+$0x10530] =	vst v11;
	v11 =	vcvt.f32.s32 v19  }
0x2e6: {  	v13 =	vor.u32 v1, v13;
	v17 =	vtrunc.f32 v17;
	v19 =	vshll.u32 v20, $0x7;
	v12 =	vld.idx.msk [tilespmem:v12+s7+$0x0], $0xffff  }
0x2e7: {  	v18 =	vshll.u32 v18, $0x7;
	v14 =	vld.idx.msk [tilespmem:v14+s7+$0x0], $0xffff;
	v19 =	vor.u32 v1, v19;
	v11 =	vshll.u32 v11, $0x7  }
0x2e8: {  	v18 =	vor.u32 v1, v18;
	v20 =	vtrunc.f32 v21;
	v16 =	vld.idx.msk [tilespmem:v16+s7+$0x0], $0xffff;
	v11 =	vor.u32 v1, v11  }
0x2e9: {  	v17 =	vcvt.f32.s32 v17;
	v20 =	vcvt.f32.s32 v20;
	v21 =	vld [tilespmem:s12+$0x4140]  }
0x2ea: {  	v22 =	vtrunc.f32 v22;
	v23 =	vtrunc.f32 v23;
	v25 =	vld [tilespmem:s14+$0x4140]  }
0x2eb: {  	v17 =	vshll.u32 v17, $0x7;
	v20 =	vshll.u32 v20, $0x7;
	[tilespmem:s16+$0x10100] =	vst v15;
	v15 =	vtrunc.f32 v24;
	v24 =	vld [tilespmem:s16+$0x4130]  }
0x2ec: {  	v17 =	vor.u32 v1, v17;
	v20 =	vor.u32 v1, v20;
	v19 =	vld.idx.msk [tilespmem:v19+s7+$0x0], $0xffff;
	v15 =	vcvt.f32.s32 v15;
	[tilespmem:s11+$0x10540] =	vst v12  }
0x2ed: {  	v12 =	vcvt.f32.s32 v22;
	[tilespmem:s12+$0x10100] =	vst v14;
	v14 =	vcvt.f32.s32 v23;
	v11 =	vld.idx.msk [tilespmem:v11+s7+$0x0], $0xffff  }
0x2ee: {  	v13 =	vld.idx.msk [tilespmem:v13+s7+$0x0], $0xffff;
	v21 =	vtrunc.f32 v21;
	v15 =	vshll.u32 v15, $0x7;
	[tilespmem:s14+$0x10100] =	vst v16  }
0x2ef: {  	v12 =	vshll.u32 v12, $0x7;
	v15 =	vor.u32 v1, v15;
	v16 =	vld.idx.msk [tilespmem:v18+s7+$0x0], $0xffff;
	v14 =	vshll.u32 v14, $0x7  }
0x2f0: {  	v12 =	vor.u32 v1, v12;
	v22 =	vtrunc.f32 v25;
	v18 =	vld [tilespmem:s12+$0x4150];
	v14 =	vor.u32 v1, v14  }
0x2f1: {  	v21 =	vcvt.f32.s32 v21;
	v22 =	vcvt.f32.s32 v22;
	v23 =	vld [tilespmem:s14+$0x4150]  }
0x2f2: {  	v25 =	vld [tilespmem:s12+$0x4160];
	[tilespmem:s16+$0x10110] =	vst v19;
	v19 =	vtrunc.f32 v24  }
0x2f3: {  	v21 =	vshll.u32 v21, $0x7;
	v22 =	vshll.u32 v22, $0x7;
	v19 =	vcvt.f32.s32 v19;
	v24 =	vld [tilespmem:s16+$0x4140];
	[tilespmem:s11+$0x10550] =	vst v11;
	s11 =	smov.u32 s16  }
0x2f4: {  	v11 =	vor.u32 v1, v21;
	[tilespmem:s12+$0x10110] =	vst v13;
	v13 =	vld.idx.msk [tilespmem:v15+s7+$0x0], $0xffff;
	v15 =	vor.u32 v1, v22  }
0x2f5: {  	v17 =	vld.idx.msk [tilespmem:v17+s7+$0x0], $0xffff;
	v18 =	vtrunc.f32 v18;
	v19 =	vshll.u32 v19, $0x7;
	[tilespmem:s14+$0x10110] =	vst v16  }
0x2f6: {  	v16 =	vcvt.f32.s32 v18;
	v18 =	vor.u32 v1, v19;
	v19 =	vld.idx.msk [tilespmem:v20+s7+$0x0], $0xffff;
	v20 =	vtrunc.f32 v23  }
0x2f7: {  	v21 =	vtrunc.f32 v25;
	v20 =	vcvt.f32.s32 v20;
	v22 =	vld [tilespmem:s14+$0x4160]  }
0x2f8: {  	v16 =	vshll.u32 v16, $0x7;
	v21 =	vcvt.f32.s32 v21;
	v23 =	vld [tilespmem:s12+$0x4170]  }
0x2f9: {  	v24 =	vtrunc.f32 v24;
	v16 =	vor.u32 v1, v16;
	v20 =	vshll.u32 v20, $0x7;
	v25 =	vld [tilespmem:s14+$0x4170]  }
0x2fa: {  	v21 =	vshll.u32 v21, $0x7;
	[tilespmem:s11+$0x10120] =	vst v13;
	v13 =	vcvt.f32.s32 v24;
	v24 =	vld [tilespmem:s11+$0x4150];
	v20 =	vor.u32 v1, v20  }
0x2fb: {  	[tilespmem:s12+$0x10120] =	vst v17;
	v17 =	vor.u32 v1, v21;
	v18 =	vld.idx.msk [tilespmem:v18+s7+$0x0], $0xffff  }
0x2fc: {  	v12 =	vld.idx.msk [tilespmem:v12+s7+$0x0], $0xffff;
	v13 =	vshll.u32 v13, $0x7;
	[tilespmem:s14+$0x10120] =	vst v19;
	v19 =	vtrunc.f32 v22  }
0x2fd: {  	v21 =	vtrunc.f32 v23;
	v13 =	vor.u32 v1, v13;
	v14 =	vld.idx.msk [tilespmem:v14+s7+$0x0], $0xffff;
	v19 =	vcvt.f32.s32 v19  }
0x2fe: {  	v21 =	vcvt.f32.s32 v21;
	v22 =	vld [tilespmem:s12+$0x4500];
	v23 =	vtrunc.f32 v25  }
0x2ff: {  	v19 =	vshll.u32 v19, $0x7;
	v23 =	vcvt.f32.s32 v23;
	v25 =	vld [tilespmem:s14+$0x4500]  }
0x300: {  	v24 =	vtrunc.f32 v24;
	v21 =	vshll.u32 v21, $0x7;
	v26 =	vld [tilespmem:s12+$0x4510];
	v19 =	vor.u32 v1, v19  }
0x301: {  	v21 =	vor.u32 v1, v21;
	[tilespmem:s11+$0x10130] =	vst v18;
	v18 =	vcvt.f32.s32 v24;
	v24 =	vld [tilespmem:s11+$0x4160];
	v23 =	vshll.u32 v23, $0x7  }
0x302: {  	[tilespmem:s12+$0x10130] =	vst v12;
	v12 =	vld.idx.msk [tilespmem:v13+s7+$0x0], $0xffff;
	v13 =	vor.u32 v1, v23  }
0x303: {  	v11 =	vld.idx.msk [tilespmem:v11+s7+$0x0], $0xffff;
	v22 =	vtrunc.f32 v22;
	v18 =	vshll.u32 v18, $0x7;
	[tilespmem:s14+$0x10130] =	vst v14  }
0x304: {  	v14 =	vcvt.f32.s32 v22;
	v18 =	vor.u32 v1, v18;
	v15 =	vld.idx.msk [tilespmem:v15+s7+$0x0], $0xffff;
	v22 =	vtrunc.f32 v25  }
0x305: {  	v23 =	vtrunc.f32 v26;
	v22 =	vcvt.f32.s32 v22;
	v25 =	vld [tilespmem:s14+$0x4510]  }
0x306: {  	v14 =	vshll.u32 v14, $0x7;
	v23 =	vcvt.f32.s32 v23;
	v26 =	vld [tilespmem:s12+$0x4520]  }
0x307: {  	v24 =	vtrunc.f32 v24;
	v14 =	vor.u32 v1, v14;
	v22 =	vshll.u32 v22, $0x7;
	v27 =	vld [tilespmem:s14+$0x4520]  }
0x308: {  	v23 =	vshll.u32 v23, $0x7;
	[tilespmem:s11+$0x10140] =	vst v12;
	v12 =	vcvt.f32.s32 v24;
	v24 =	vld [tilespmem:s11+$0x4170];
	v22 =	vor.u32 v1, v22  }
0x309: {  	[tilespmem:s12+$0x10140] =	vst v11;
	v23 =	vor.u32 v1, v23;
	v11 =	vld.idx.msk [tilespmem:v18+s7+$0x0], $0xffff  }
0x30a: {  	v16 =	vld.idx.msk [tilespmem:v16+s7+$0x0], $0xffff;
	v12 =	vshll.u32 v12, $0x7;
	[tilespmem:s14+$0x10140] =	vst v15;
	v15 =	vtrunc.f32 v25  }
0x30b: {  	v18 =	vtrunc.f32 v26;
	v12 =	vor.u32 v1, v12;
	v20 =	vld.idx.msk [tilespmem:v20+s7+$0x0], $0xffff;
	v15 =	vcvt.f32.s32 v15  }
0x30c: {  	v18 =	vcvt.f32.s32 v18;
	v25 =	vld [tilespmem:s12+$0x4530];
	v26 =	vtrunc.f32 v27  }
0x30d: {  	v15 =	vshll.u32 v15, $0x7;
	v26 =	vcvt.f32.s32 v26;
	v27 =	vld [tilespmem:s14+$0x4530]  }
0x30e: {  	v24 =	vtrunc.f32 v24;
	v18 =	vshll.u32 v18, $0x7;
	v28 =	vor.u32 v1, v15;
	v15 =	vld.idx.msk [tilespmem:v5+s7+$0x0], $0xffff  }
0x30f: {  	v5 =	vor.u32 v1, v18;
	[tilespmem:s11+$0x10150] =	vst v11;
	v11 =	vcvt.f32.s32 v24;
	v18 =	vld [tilespmem:s11+$0x4500];
	v24 =	vshll.u32 v26, $0x7  }
0x310: {  	[tilespmem:s12+$0x10150] =	vst v16;
	v12 =	vld.idx.msk [tilespmem:v12+s7+$0x0], $0xffff;
	v16 =	vor.u32 v1, v24  }
0x311: {  	v17 =	vld.idx.msk [tilespmem:v17+s7+$0x0], $0xffff;
	v24 =	vtrunc.f32 v25;
	v11 =	vshll.u32 v11, $0x7;
	[tilespmem:s14+$0x10150] =	vst v20  }
0x312: {  	v20 =	vcvt.f32.s32 v24;
	v11 =	vor.u32 v1, v11;
	v19 =	vld.idx.msk [tilespmem:v19+s7+$0x0], $0xffff;
	v24 =	vtrunc.f32 v27  }
0x313: {  	v24 =	vcvt.f32.s32 v24;
	v25 =	vld.idx.msk [tilespmem:v6+s7+$0x0], $0xffff;
	v6 =	vmov v16  }
0x314: {  	v16 =	vshll.u32 v20, $0x7;
	v20 =	vld [tilespmem:s12+$0x4540];
	[tilespmem:s19+$0x10520] =	vst v15  }
0x315: {  	v15 =	vor.u32 v1, v16;
	v16 =	vtrunc.f32 v18;
	v18 =	vshll.u32 v24, $0x7;
	v24 =	vld [tilespmem:s14+$0x4540]  }
0x316: {  	[tilespmem:s11+$0x10160] =	vst v12;
	v12 =	vcvt.f32.s32 v16;
	v16 =	vld [tilespmem:s11+$0x4510];
	v18 =	vor.u32 v1, v18  }
0x317: {  	[tilespmem:s12+$0x10160] =	vst v17;
	v11 =	vld.idx.msk [tilespmem:v11+s7+$0x0], $0xffff  }
0x318: {  	v17 =	vld.idx.msk [tilespmem:v21+s7+$0x0], $0xffff;
	v12 =	vshll.u32 v12, $0x7;
	[tilespmem:s14+$0x10160] =	vst v19  }
0x319: {  	v19 =	vtrunc.f32 v20;
	v12 =	vor.u32 v1, v12;
	v13 =	vld.idx.msk [tilespmem:v13+s7+$0x0], $0xffff;
	[tilespmem:s20+$0x10520] =	vst v25  }
0x31a: {  	v19 =	vcvt.f32.s32 v19;
	v20 =	vtrunc.f32 v24;
	v21 =	vld.idx.msk [tilespmem:v8+s7+$0x0], $0xffff;
	v8 =	vmov v15  }
0x31b: {  	v15 =	vcvt.f32.s32 v20;
	v20 =	vld.idx.msk [tilespmem:v7+s7+$0x0], $0xffff;
	v7 =	vmov v18  }
0x31c: {  	v16 =	vtrunc.f32 v16;
	v18 =	vshll.u32 v19, $0x7;
	v19 =	vld [tilespmem:s12+$0x4550]  }
0x31d: {  	v18 =	vor.u32 v1, v18;
	[tilespmem:s11+$0x10170] =	vst v11;
	v11 =	vcvt.f32.s32 v16;
	v16 =	vld [tilespmem:s11+$0x4520];
	v15 =	vshll.u32 v15, $0x7  }
0x31e: {  	[tilespmem:s12+$0x10170] =	vst v17;
	v17 =	vld.idx.msk [tilespmem:v12+s7+$0x0], $0xffff;
	v15 =	vor.u32 v1, v15  }
0x31f: {  	v14 =	vld.idx.msk [tilespmem:v14+s7+$0x0], $0xffff;
	v11 =	vshll.u32 v11, $0x7;
	[tilespmem:s14+$0x10170] =	vst v13  }
0x320: {  	v24 =	vor.u32 v1, v11;
	v22 =	vld.idx.msk [tilespmem:v22+s7+$0x0], $0xffff;
	[tilespmem:s19+$0x10530] =	vst v21  }
0x321: {  	v11 =	vtrunc.f32 v19;
	v19 =	vld [tilespmem:s14+$0x4550];
	[tilespmem:s20+$0x10530] =	vst v20  }
0x322: {  	v11 =	vcvt.f32.s32 v11;
	v13 =	vld.idx.msk [tilespmem:v10+s7+$0x0], $0xffff;
	v10 =	vmov v18  }
.Ltmp3:
0x323: {  	v16 =	vtrunc.f32 v16;
	v12 =	vld.idx.msk [tilespmem:v9+s7+$0x0], $0xffff;
	v9 =	vmov v15;
	(pc) =	sbr.rel @p2 .LBB2_5-.Ltmp3, $4  }
0x324: {  	v11 =	vshll.u32 v11, $0x7;
	[tilespmem:s11+$0x10500] =	vst v17;
	v17 =	vcvt.f32.s32 v16;
	v16 =	vld [tilespmem:s11+$0x4530]  }
0x325: {  	[tilespmem:s12+$0x10500] =	vst v14;
	v11 =	vor.u32 v1, v11;
	v15 =	vld.idx.msk [tilespmem:v24+s7+$0x0], $0xffff  }
0x326: {  	v14 =	vld.idx.msk [tilespmem:v23+s7+$0x0], $0xffff;
	v17 =	vshll.u32 v17, $0x7;
	[tilespmem:s14+$0x10500] =	vst v22;
	v18 =	vtrunc.f32 v19  }
0x327: {  	s3 =	sadd.s32 $0x300, s3;
	s31 =	sadd.s32 $0x180, s31;
	v19 =	vor.u32 v1, v17;
	v17 =	vld.idx.msk [tilespmem:v28+s7+$0x0], $0xffff;
	v18 =	vcvt.f32.s32 v18  }
0x328: {  	_ = 	snop  }
0x329: {  	v16 =	vtrunc.f32 v16  }
0x32a: {  	v20 =	vld [tilespmem:s11+$0x4540];
	v16 =	vcvt.f32.s32 v16  }
0x32b: {  	[tilespmem:s11+$0x10510] =	vst v15  }
0x32c: {  	v15 =	vld.idx.msk [tilespmem:v19+s7+$0x0], $0xffff;
	[tilespmem:s12+$0x10510] =	vst v14;
	v16 =	vshll.u32 v16, $0x7  }
0x32d: {  	[tilespmem:s14+$0x10510] =	vst v17;
	v5 =	vld.idx.msk [tilespmem:v5+s7+$0x0], $0xffff;
	v14 =	vor.u32 v1, v16  }
0x32e: {  	v6 =	vld.idx.msk [tilespmem:v6+s7+$0x0], $0xffff  }
0x32f: {  	v16 =	vtrunc.f32 v20  }
0x330: {  	v17 =	vld [tilespmem:s11+$0x4550];
	v16 =	vcvt.f32.s32 v16  }
0x331: {  	[tilespmem:s11+$0x10520] =	vst v15  }
0x332: {  	v15 =	vshll.u32 v16, $0x7;
	[tilespmem:s12+$0x10520] =	vst v5;
	v14 =	vld.idx.msk [tilespmem:v14+s7+$0x0], $0xffff  }
0x333: {  	v15 =	vor.u32 v1, v15;
	[tilespmem:s14+$0x10520] =	vst v6;
	v5 =	vld.idx.msk [tilespmem:v8+s7+$0x0], $0xffff  }
0x334: {  	v7 =	vld.idx.msk [tilespmem:v7+s7+$0x0], $0xffff  }
0x335: {  	v6 =	vtrunc.f32 v17  }
0x336: {  	v6 =	vcvt.f32.s32 v6  }
0x337: {  	[tilespmem:s11+$0x10530] =	vst v14  }
0x338: {  	v6 =	vshll.u32 v6, $0x7;
	[tilespmem:s12+$0x10530] =	vst v5;
	v8 =	vld.idx.msk [tilespmem:v15+s7+$0x0], $0xffff  }
0x339: {  	v6 =	vor.u32 v1, v6;
	[tilespmem:s14+$0x10530] =	vst v7;
	v5 =	vld.idx.msk [tilespmem:v10+s7+$0x0], $0xffff  }
0x33a: {  	s0 =	sadd.s32 @!p0 $0x4, s10;
	v7 =	vshll.u32 v18, $0x7;
	v9 =	vld.idx.msk [tilespmem:v9+s7+$0x0], $0xffff  }
0x33b: {  	[tilespmem:s19+$0x10540] =	vst v13;
	v2 =	vld.idx.msk [tilespmem:v2+s7+$0x0], $0xffff;
	s3 =	smulhi.u32 @!p0 $0xCCCCCCCD, s0;
	v7 =	vor.u32 v1, v7  }
0x33c: {  	[tilespmem:s20+$0x10540] =	vst v12;
	v3 =	vld.idx.msk [tilespmem:v3+s7+$0x0], $0xffff  }
0x33d: {  	s5 =	smul.u32 $0xC000, s8;
	v4 =	vld.idx.msk [tilespmem:v4+s7+$0x0], $0xffff;
	s3 =	sshrl.u32 @!p0 s3, $0x9;
	[tilespmem:s11+$0x10540] =	vst v8  }
0x33e: {  	s8 =	smul.u32 @!p0 $0x280, s3;
	[tilespmem:s12+$0x10540] =	vst v5;
	v6 =	vld.idx.msk [tilespmem:v6+s7+$0x0], $0xffff  }
0x33f: {  	v5 =	vld.idx.msk [tilespmem:v11+s7+$0x0], $0xffff;
	[tilespmem:s14+$0x10540] =	vst v9  }
0x340: {  	s4 =	smul.u32 $0x780000, s4;
	[tilespmem:s18+$0x10550] =	vst v2;
	s0 =	ssub.s32 @!p0 s0, s8;
	v2 =	vld.idx.msk [tilespmem:v7+s7+$0x0], $0xffff  }
0x341: {  	s3 =	smul.u32 @!p0 $0x780000, s3;
	[tilespmem:s19+$0x10550] =	vst v3;
	s0 =	sshrl.u32 @!p0 s0, $0x2  }
0x342: {  	[tilespmem:s20+$0x10550] =	vst v4;
	s0 =	smul.u32 @!p0 $0xC000, s0  }
0x343: {  	s4 =	sadd.s32 s4, s5;
	[tilespmem:s11+$0x10550] =	vst v6  }
0x344: {  	s4 =	sshrl.u32 s4, $0x3;
	s0 =	sadd.s32 @!p0 s3, s0;
	[tilespmem:s12+$0x10550] =	vst v5  }
0x345: {  	s4 =	sadd.s32 s4, s13;
	s0 =	sshrl.u32 @!p0 s0, $0x3;
	[tilespmem:s14+$0x10550] =	vst v2  }
0x346: {  	[hbm4b:s4+s7] =	stream.linear.scatter [tilespmem:s25], [sflag:$0x6], $0x3000, $0x38;
	[tilespmem:$0x19100] =	vst v63  }
0x347: {  	s3 =	simm.s32 @!p0 $0x0;
	s0 =	sadd.s32 @!p0 s0, s9;
	s4 =	simm.s32 @!p0 $0x4100  }
0x348: {  	[tilespmem:s4], [sflag:$0x2] =	stream.linear.gather @!p0 [hbm4b:s0+s3], $0x3000, $0x38;
	[tilespmem:$0x19100] =	vst v63  }
0x349: {  	_ =	swait.ge [sflag:s26], $0x3000  }
0x34a: {  	s23 =	simm.s32 $0x0;
	s10 =	simm.s32 $0x100;
	[sflag:s26] =	ssyncset.done $0x0  }
0x34b: {  	s5 =	sand.u32 $0x7800, s10;
	s0 =	simm.s32 @!p1 $0x7;
	[sflag:s26] =	ssyncadd.s32 $0xFFFFD000  }
0x34c: {  	s11 =	simm.s32 $0x80;
	s12 =	simm.s32 $0x0;
	_ =	swait.ge @!p1 [sflag:s0], $0x3000  }
0x34d: {  	s8 =	sand.u32 $0x380, s11;
	s14 =	sand.u32 $0x3800, s12;
	[sflag:s0] =	ssyncset.done @!p1 $0x0  }
0x34e: {  	s10 =	sor.u32 s8, s5;
	s4 =	sand.u32 $0x380, s23;
	[sflag:s0] =	ssyncadd.s32 @!p1 $0xFFFFD000  }
0x34f: {  	s8 =	sor.u32 s4, s14;
	v2 =	vld [tilespmem:s10+$0x7100]  }
0x350: {  	v3 =	vld [tilespmem:s8+$0x7100]  }
0x351: {  	v5 =	vld [tilespmem:s10+$0x7110]  }
0x352: {  	v6 =	vld [tilespmem:s8+$0x7110]  }
0x353: {  	v8 =	vld [tilespmem:s8+$0x7120]  }
0x354: {  	v10 =	vld [tilespmem:s8+$0x7130]  }
0x355: {  	v12 =	vld [tilespmem:s10+$0x7120]  }
0x356: {  	v13 =	vld [tilespmem:s8+$0x7140]  }
0x357: {  	v15 =	vld [tilespmem:s10+$0x7140]  }
0x358: {  	s21 =	simm.s32 $0x200;
	s20 =	simm.s32 $0x100;
	v16 =	vld [tilespmem:s8+$0x7160]  }
0x359: {  	s3 =	sand.u32 $0x7800, s21;
	s0 =	sand.u32 $0x380, s20;
	v17 =	vld [tilespmem:s10+$0x7530]  }
0x35a: {  	s18 =	sor.u32 s0, s3;
	v20 =	vld [tilespmem:s10+$0x7550]  }
0x35b: {  	v4 =	vld [tilespmem:s18+$0x7100]  }
0x35c: {  	v7 =	vld [tilespmem:s18+$0x7110]  }
0x35d: {  	s21 =	simm.s32 $0x180;
	s23 =	simm.s32 $0x300;
	v9 =	vld [tilespmem:s18+$0x7120];
	v2 =	vtrunc.f32 v2  }
0x35e: {  	s19 =	simm.s32 $0x200;
	s11 =	sand.u32 $0x3800, s23;
	s5 =	sand.u32 $0x380, s21;
	v11 =	vld [tilespmem:s18+$0x7130];
	v2 =	vcvt.f32.s32 v2  }
0x35f: {  	s3 =	sand.u32 $0x380, s19;
	s19 =	sor.u32 s5, s11;
	v14 =	vld [tilespmem:s18+$0x7140];
	v3 =	vtrunc.f32 v3  }
0x360: {  	v18 =	vld [tilespmem:s19+$0x7110];
	v3 =	vcvt.f32.s32 v3;
	v4 =	vtrunc.f32 v4;
	v2 =	vshll.u32 v2, $0x7  }
0x361: {  	v23 =	vld [tilespmem:s19+$0x7130];
	v4 =	vcvt.f32.s32 v4;
	v2 =	vor.u32 v1, v2  }
0x362: {  	v51 =	vld [tilespmem:s19+$0x7140];
	v3 =	vshll.u32 v3, $0x7  }
0x363: {  	v53 =	vld [tilespmem:s19+$0x7160];
	v3 =	vor.u32 v1, v3;
	v4 =	vshll.u32 v4, $0x7  }
0x364: {  	v56 =	vld [tilespmem:s19+$0x7170];
	v5 =	vtrunc.f32 v5;
	v4 =	vor.u32 v1, v4  }
0x365: {  	v58 =	vld [tilespmem:s19+$0x7500];
	v6 =	vtrunc.f32 v6;
	v5 =	vcvt.f32.s32 v5  }
0x366: {  	v6 =	vcvt.f32.s32 v6;
	v2 =	vld.idx.msk [tilespmem:v2+s7+$0x0], $0xffff  }
0x367: {  	s16 =	simm.s32 $0x400;
	v28 =	vld [tilespmem:s19+$0x7510];
	v7 =	vtrunc.f32 v7;
	v5 =	vshll.u32 v5, $0x7  }
0x368: {  	s0 =	sand.u32 $0x7800, s16;
	v7 =	vcvt.f32.s32 v7;
	v6 =	vshll.u32 v6, $0x7;
	v5 =	vor.u32 v1, v5;
	v3 =	vld.idx.msk [tilespmem:v3+s7+$0x0], $0xffff  }
0x369: {  	s31 =	sor.u32 s3, s0;
	v6 =	vor.u32 v1, v6;
	v4 =	vld.idx.msk [tilespmem:v4+s7+$0x0], $0xffff  }
0x36a: {  	v21 =	vld [tilespmem:s31+$0x7110];
	v12 =	vtrunc.f32 v12;
	v7 =	vshll.u32 v7, $0x7  }
0x36b: {  	v8 =	vtrunc.f32 v8;
	v12 =	vcvt.f32.s32 v12;
	v7 =	vor.u32 v1, v7;
	[tilespmem:s10+$0x13100] =	vst v2;
	v2 =	vld [tilespmem:s10+$0x7130]  }
0x36c: {  	v25 =	vld [tilespmem:s31+$0x7120];
	v9 =	vtrunc.f32 v9;
	v8 =	vcvt.f32.s32 v8  }
0x36d: {  	[tilespmem:s8+$0x13100] =	vst v3;
	v3 =	vcvt.f32.s32 v9;
	v9 =	vshll.u32 v12, $0x7;
	v5 =	vld.idx.msk [tilespmem:v5+s7+$0x0], $0xffff  }
0x36e: {  	v6 =	vld.idx.msk [tilespmem:v6+s7+$0x0], $0xffff;
	[tilespmem:s18+$0x13100] =	vst v4;
	v4 =	vshll.u32 v8, $0x7;
	v8 =	vor.u32 v1, v9  }
0x36f: {  	v52 =	vld [tilespmem:s31+$0x7130]  }
0x370: {  	v7 =	vld.idx.msk [tilespmem:v7+s7+$0x0], $0xffff;
	v3 =	vshll.u32 v3, $0x7;
	v4 =	vor.u32 v1, v4;
	v2 =	vtrunc.f32 v2  }
0x371: {  	v54 =	vld [tilespmem:s31+$0x7140];
	v3 =	vor.u32 v1, v3;
	v2 =	vcvt.f32.s32 v2  }
0x372: {  	v57 =	vld [tilespmem:s31+$0x7150];
	v10 =	vtrunc.f32 v10;
	[tilespmem:s10+$0x13110] =	vst v5  }
0x373: {  	v10 =	vcvt.f32.s32 v10;
	v5 =	vtrunc.f32 v11;
	[tilespmem:s8+$0x13110] =	vst v6;
	v6 =	vld.idx.msk [tilespmem:v8+s7+$0x0], $0xffff;
	v2 =	vshll.u32 v2, $0x7  }
0x374: {  	v60 =	vld [tilespmem:s31+$0x7160];
	v5 =	vcvt.f32.s32 v5;
	v2 =	vor.u32 v1, v2  }
0x375: {  	v4 =	vld.idx.msk [tilespmem:v4+s7+$0x0], $0xffff;
	[tilespmem:s18+$0x13110] =	vst v7;
	v7 =	vshll.u32 v10, $0x7  }
0x376: {  	v10 =	vtrunc.f32 v15;
	v3 =	vld.idx.msk [tilespmem:v3+s7+$0x0], $0xffff;
	v7 =	vor.u32 v1, v7;
	v5 =	vshll.u32 v5, $0x7  }
0x377: {  	v11 =	vld [tilespmem:s10+$0x7150];
	v10 =	vcvt.f32.s32 v10;
	v5 =	vor.u32 v1, v5  }
0x378: {  	v13 =	vtrunc.f32 v13;
	v9 =	vld [tilespmem:s8+$0x7150];
	[tilespmem:s10+$0x13120] =	vst v6  }
0x379: {  	v13 =	vcvt.f32.s32 v13;
	v10 =	vshll.u32 v10, $0x7;
	v6 =	vtrunc.f32 v14;
	v2 =	vld.idx.msk [tilespmem:v2+s7+$0x0], $0xffff  }
0x37a: {  	v12 =	vld [tilespmem:s18+$0x7150];
	[tilespmem:s8+$0x13120] =	vst v4;
	v4 =	vor.u32 v1, v10;
	v6 =	vcvt.f32.s32 v6  }
0x37b: {  	v10 =	vshll.u32 v13, $0x7;
	v7 =	vld.idx.msk [tilespmem:v7+s7+$0x0], $0xffff;
	[tilespmem:s18+$0x13120] =	vst v3  }
0x37c: {  	v3 =	vshll.u32 v6, $0x7;
	v6 =	vor.u32 v1, v10;
	v5 =	vld.idx.msk [tilespmem:v5+s7+$0x0], $0xffff;
	v10 =	vtrunc.f32 v11  }
0x37d: {  	v11 =	vld [tilespmem:s10+$0x7160];
	v3 =	vor.u32 v1, v3;
	v10 =	vcvt.f32.s32 v10  }
0x37e: {  	v61 =	vld [tilespmem:s31+$0x7170];
	v9 =	vtrunc.f32 v9;
	[tilespmem:s10+$0x13130] =	vst v2  }
0x37f: {  	v10 =	vshll.u32 v10, $0x7;
	v2 =	vcvt.f32.s32 v9;
	v9 =	vtrunc.f32 v12;
	v4 =	vld.idx.msk [tilespmem:v4+s7+$0x0], $0xffff  }
0x380: {  	v8 =	vld [tilespmem:s18+$0x7160];
	[tilespmem:s8+$0x13130] =	vst v7;
	v7 =	vor.u32 v1, v10;
	v9 =	vcvt.f32.s32 v9  }
0x381: {  	v6 =	vld.idx.msk [tilespmem:v6+s7+$0x0], $0xffff;
	[tilespmem:s18+$0x13130] =	vst v5;
	v2 =	vshll.u32 v2, $0x7  }
0x382: {  	v3 =	vld.idx.msk [tilespmem:v3+s7+$0x0], $0xffff;
	v2 =	vor.u32 v1, v2;
	v5 =	vshll.u32 v9, $0x7;
	v9 =	vtrunc.f32 v11  }
0x383: {  	v10 =	vld [tilespmem:s10+$0x7170];
	v5 =	vor.u32 v1, v5;
	v9 =	vcvt.f32.s32 v9  }
0x384: {  	v15 =	vld [tilespmem:s8+$0x7170];
	v11 =	vtrunc.f32 v16;
	[tilespmem:s10+$0x13140] =	vst v4  }
0x385: {  	v8 =	vtrunc.f32 v8;
	v4 =	vcvt.f32.s32 v11;
	v9 =	vshll.u32 v9, $0x7;
	v11 =	vld.idx.msk [tilespmem:v7+s7+$0x0], $0xffff  }
0x386: {  	v14 =	vld [tilespmem:s18+$0x7170];
	v8 =	vcvt.f32.s32 v8;
	[tilespmem:s8+$0x13140] =	vst v6;
	v6 =	vor.u32 v1, v9  }
0x387: {  	[tilespmem:s18+$0x13140] =	vst v3;
	v4 =	vshll.u32 v4, $0x7;
	v2 =	vld.idx.msk [tilespmem:v2+s7+$0x0], $0xffff  }
0x388: {  	v3 =	vor.u32 v1, v4;
	v4 =	vshll.u32 v8, $0x7;
	v5 =	vld.idx.msk [tilespmem:v5+s7+$0x0], $0xffff;
	v8 =	vtrunc.f32 v10  }
0x389: {  	v9 =	vld [tilespmem:s10+$0x7500];
	v4 =	vor.u32 v1, v4;
	v8 =	vcvt.f32.s32 v8  }
0x38a: {  	v13 =	vld [tilespmem:s8+$0x7500];
	v10 =	vtrunc.f32 v15;
	[tilespmem:s10+$0x13150] =	vst v11  }
0x38b: {  	v10 =	vcvt.f32.s32 v10;
	v11 =	vtrunc.f32 v14;
	v8 =	vshll.u32 v8, $0x7;
	v14 =	vld.idx.msk [tilespmem:v6+s7+$0x0], $0xffff  }
0x38c: {  	v12 =	vld [tilespmem:s18+$0x7500];
	v11 =	vcvt.f32.s32 v11;
	[tilespmem:s8+$0x13150] =	vst v2;
	v2 =	vor.u32 v1, v8  }
0x38d: {  	v8 =	vshll.u32 v10, $0x7;
	v10 =	vld.idx.msk [tilespmem:v3+s7+$0x0], $0xffff;
	[tilespmem:s18+$0x13150] =	vst v5  }
0x38e: {  	v5 =	vor.u32 v1, v8;
	v8 =	vtrunc.f32 v9;
	v3 =	vshll.u32 v11, $0x7;
	v4 =	vld.idx.msk [tilespmem:v4+s7+$0x0], $0xffff  }
0x38f: {  	v11 =	vld [tilespmem:s10+$0x7510];
	v9 =	vor.u32 v1, v3;
	v3 =	vcvt.f32.s32 v8  }
0x390: {  	v13 =	vtrunc.f32 v13;
	v15 =	vld [tilespmem:s8+$0x7510];
	[tilespmem:s10+$0x13160] =	vst v14  }
0x391: {  	v13 =	vcvt.f32.s32 v13;
	v12 =	vtrunc.f32 v12;
	v14 =	vshll.u32 v3, $0x7;
	v2 =	vld.idx.msk [tilespmem:v2+s7+$0x0], $0xffff  }
0x392: {  	v16 =	vld [tilespmem:s18+$0x7510];
	v12 =	vcvt.f32.s32 v12;
	[tilespmem:s8+$0x13160] =	vst v10;
	v10 =	vor.u32 v1, v14  }
0x393: {  	v13 =	vshll.u32 v13, $0x7;
	v5 =	vld.idx.msk [tilespmem:v5+s7+$0x0], $0xffff;
	[tilespmem:s18+$0x13160] =	vst v4  }
0x394: {  	v12 =	vshll.u32 v12, $0x7;
	v4 =	vor.u32 v1, v13;
	v13 =	vld.idx.msk [tilespmem:v9+s7+$0x0], $0xffff;
	v9 =	vtrunc.f32 v11  }
0x395: {  	v12 =	vor.u32 v1, v12;
	v14 =	vld [tilespmem:s10+$0x7520];
	v9 =	vcvt.f32.s32 v9  }
0x396: {  	v63 =	vld [tilespmem:s31+$0x7500];
	v15 =	vtrunc.f32 v15;
	[tilespmem:s10+$0x13170] =	vst v2  }
0x397: {  	v2 =	vcvt.f32.s32 v15;
	v15 =	vtrunc.f32 v16;
	v16 =	vshll.u32 v9, $0x7;
	v10 =	vld.idx.msk [tilespmem:v10+s7+$0x0], $0xffff  }
0x398: {  	v32 =	vld [tilespmem:s31+$0x7510];
	v15 =	vcvt.f32.s32 v15;
	[tilespmem:s8+$0x13170] =	vst v5;
	v5 =	vor.u32 v1, v16  }
0x399: {  	v2 =	vshll.u32 v2, $0x7;
	v16 =	vld.idx.msk [tilespmem:v4+s7+$0x0], $0xffff;
	[tilespmem:s18+$0x13170] =	vst v13  }
0x39a: {  	v14 =	vtrunc.f32 v14;
	v13 =	vor.u32 v1, v2;
	v2 =	vshll.u32 v15, $0x7;
	v12 =	vld.idx.msk [tilespmem:v12+s7+$0x0], $0xffff  }
0x39b: {  	s20 =	simm.s32 $0x280;
	s3 =	simm.s32 $0x500;
	v36 =	vld [tilespmem:s31+$0x7520];
	v15 =	vor.u32 v1, v2;
	v2 =	vcvt.f32.s32 v14  }
0x39c: {  	s12 =	sand.u32 $0x380, s20;
	s0 =	sand.u32 $0x7800, s3;
	v43 =	vld [tilespmem:s31+$0x7550];
	[tilespmem:s10+$0x13500] =	vst v10  }
0x39d: {  	s20 =	sor.u32 s12, s0;
	v10 =	vshll.u32 v2, $0x7;
	v5 =	vld.idx.msk [tilespmem:v5+s7+$0x0], $0xffff  }
0x39e: {  	v19 =	vld [tilespmem:s20+$0x7110];
	[tilespmem:s8+$0x13500] =	vst v16;
	v16 =	vor.u32 v1, v10  }
0x39f: {  	v10 =	vld.idx.msk [tilespmem:v13+s7+$0x0], $0xffff;
	[tilespmem:s18+$0x13500] =	vst v12  }
0x3a0: {  	v14 =	vld.idx.msk [tilespmem:v15+s7+$0x0], $0xffff  }
0x3a1: {  	v15 =	vld [tilespmem:s31+$0x7100]  }
0x3a2: {  	v12 =	vtrunc.f32 v17;
	v13 =	vld [tilespmem:s10+$0x7540];
	[tilespmem:s10+$0x13510] =	vst v5  }
0x3a3: {  	v5 =	vcvt.f32.s32 v12;
	v12 =	vld.idx.msk [tilespmem:v16+s7+$0x0], $0xffff  }
0x3a4: {  	v16 =	vld [tilespmem:s19+$0x7100]  }
0x3a5: {  	v17 =	vld [tilespmem:s20+$0x7100];
	v5 =	vshll.u32 v5, $0x7  }
0x3a6: {  	v22 =	vld [tilespmem:s20+$0x7120];
	v15 =	vtrunc.f32 v15;
	v5 =	vor.u32 v1, v5  }
0x3a7: {  	v24 =	vld [tilespmem:s20+$0x7130];
	v15 =	vcvt.f32.s32 v15  }
0x3a8: {  	v26 =	vld [tilespmem:s20+$0x7140];
	v13 =	vtrunc.f32 v13  }
0x3a9: {  	v55 =	vld [tilespmem:s20+$0x7160];
	v15 =	vshll.u32 v15, $0x7;
	v16 =	vtrunc.f32 v16;
	[tilespmem:s10+$0x13520] =	vst v12;
	v12 =	vcvt.f32.s32 v13  }
0x3aa: {  	s21 =	simm.s32 $0x300;
	s23 =	simm.s32 $0x600;
	s16 =	simm.s32 $0x380;
	v27 =	vld [tilespmem:s20+$0x7170];
	v15 =	vor.u32 v1, v15;
	v13 =	vcvt.f32.s32 v16;
	v16 =	vtrunc.f32 v17  }
0x3ab: {  	s5 =	sand.u32 $0x380, s21;
	s3 =	sand.u32 $0x380, s16;
	s16 =	sand.u32 $0x3800, s23;
	v5 =	vld.idx.msk [tilespmem:v5+s7+$0x0], $0xffff;
	v16 =	vcvt.f32.s32 v16;
	v12 =	vshll.u32 v12, $0x7  }
0x3ac: {  	s12 =	sor.u32 s5, s16;
	v59 =	vld [tilespmem:s20+$0x7500];
	v13 =	vshll.u32 v13, $0x7;
	v12 =	vor.u32 v1, v12  }
0x3ad: {  	v41 =	vld [tilespmem:s12+$0x7110];
	v21 =	vtrunc.f32 v21;
	v13 =	vor.u32 v1, v13;
	v16 =	vshll.u32 v16, $0x7  }
0x3ae: {  	v45 =	vld [tilespmem:s12+$0x7120];
	v21 =	vcvt.f32.s32 v21;
	v16 =	vor.u32 v1, v16  }
0x3af: {  	v20 =	vtrunc.f32 v20;
	v18 =	vtrunc.f32 v18;
	v15 =	vld.idx.msk [tilespmem:v15+s7+$0x0], $0xffff  }
0x3b0: {  	v18 =	vcvt.f32.s32 v18;
	v17 =	vld [tilespmem:s19+$0x7120];
	[tilespmem:s10+$0x13530] =	vst v5;
	v5 =	vcvt.f32.s32 v20;
	v20 =	vshll.u32 v21, $0x7  }
0x3b1: {  	v19 =	vtrunc.f32 v19;
	v12 =	vld.idx.msk [tilespmem:v12+s7+$0x0], $0xffff;
	v20 =	vor.u32 v1, v20  }
0x3b2: {  	s14 =	simm.s32 $0x700;
	v18 =	vshll.u32 v18, $0x7;
	v19 =	vcvt.f32.s32 v19;
	v13 =	vld.idx.msk [tilespmem:v13+s7+$0x0], $0xffff  }
0x3b3: {  	s0 =	sand.u32 $0x7800, s14;
	v18 =	vor.u32 v1, v18;
	v16 =	vld.idx.msk [tilespmem:v16+s7+$0x0], $0xffff  }
0x3b4: {  	s11 =	sor.u32 s3, s0;
	v47 =	vld [tilespmem:s12+$0x7130];
	v19 =	vshll.u32 v19, $0x7;
	[tilespmem:s31+$0x13100] =	vst v15;
	v15 =	vtrunc.f32 v25  }
0x3b5: {  	v44 =	vld [tilespmem:s11+$0x7110];
	v19 =	vor.u32 v1, v19;
	v17 =	vtrunc.f32 v17;
	v15 =	vcvt.f32.s32 v15  }
0x3b6: {  	s4 =	simm.s32 $0x400;
	s14 =	simm.s32 $0x800;
	v17 =	vcvt.f32.s32 v17;
	v20 =	vld.idx.msk [tilespmem:v20+s7+$0x0], $0xffff;
	[tilespmem:s10+$0x13540] =	vst v12  }
0x3b7: {  	s21 =	sand.u32 $0x380, s4;
	s0 =	sand.u32 $0x7800, s14;
	v49 =	vld [tilespmem:s11+$0x7120];
	v15 =	vshll.u32 v15, $0x7;
	[tilespmem:s19+$0x13100] =	vst v13  }
0x3b8: {  	s14 =	sor.u32 s21, s0;
	v12 =	vtrunc.f32 v22;
	v15 =	vor.u32 v1, v15;
	v13 =	vld.idx.msk [tilespmem:v18+s7+$0x0], $0xffff;
	[tilespmem:s20+$0x13100] =	vst v16;
	v16 =	vshll.u32 v17, $0x7  }
0x3b9: {  	v40 =	vld [tilespmem:s14+$0x7100];
	v12 =	vcvt.f32.s32 v12;
	v16 =	vor.u32 v1, v16  }
0x3ba: {  	v25 =	vtrunc.f32 v52;
	v17 =	vld.idx.msk [tilespmem:v19+s7+$0x0], $0xffff  }
0x3bb: {  	v42 =	vld [tilespmem:s14+$0x7110];
	v12 =	vshll.u32 v12, $0x7;
	[tilespmem:s31+$0x13110] =	vst v20;
	v20 =	vcvt.f32.s32 v25  }
0x3bc: {  	v23 =	vtrunc.f32 v23;
	v46 =	vld [tilespmem:s14+$0x7120];
	v12 =	vor.u32 v1, v12  }
0x3bd: {  	v23 =	vcvt.f32.s32 v23;
	[tilespmem:s19+$0x13110] =	vst v13;
	v13 =	vld.idx.msk [tilespmem:v15+s7+$0x0], $0xffff;
	v20 =	vshll.u32 v20, $0x7  }
0x3be: {  	v24 =	vtrunc.f32 v24;
	v16 =	vld.idx.msk [tilespmem:v16+s7+$0x0], $0xffff;
	v20 =	vor.u32 v1, v20  }
0x3bf: {  	v48 =	vld [tilespmem:s14+$0x7130];
	v15 =	vcvt.f32.s32 v24;
	[tilespmem:s20+$0x13110] =	vst v17;
	v17 =	vshll.u32 v23, $0x7  }
0x3c0: {  	v38 =	vtrunc.f32 v36;
	v36 =	vld [tilespmem:s12+$0x7500];
	v17 =	vor.u32 v1, v17  }
0x3c1: {  	v25 =	vtrunc.f32 v54;
	v12 =	vld.idx.msk [tilespmem:v12+s7+$0x0], $0xffff;
	v15 =	vshll.u32 v15, $0x7  }
0x3c2: {  	v7 =	vld [tilespmem:s18+$0x7520];
	v15 =	vor.u32 v1, v15;
	[tilespmem:s31+$0x13120] =	vst v13;
	v13 =	vcvt.f32.s32 v25  }
0x3c3: {  	v21 =	vtrunc.f32 v51;
	[tilespmem:s19+$0x13120] =	vst v16;
	v16 =	vld.idx.msk [tilespmem:v20+s7+$0x0], $0xffff  }
0x3c4: {  	v21 =	vcvt.f32.s32 v21;
	v18 =	vld [tilespmem:s19+$0x7150];
	v13 =	vshll.u32 v13, $0x7  }
0x3c5: {  	v26 =	vtrunc.f32 v26;
	v17 =	vld.idx.msk [tilespmem:v17+s7+$0x0], $0xffff;
	v13 =	vor.u32 v1, v13  }
0x3c6: {  	v19 =	vld [tilespmem:s20+$0x7150];
	v20 =	vcvt.f32.s32 v26;
	[tilespmem:s20+$0x13120] =	vst v12;
	v12 =	vshll.u32 v21, $0x7  }
0x3c7: {  	v25 =	vtrunc.f32 v57;
	v15 =	vld.idx.msk [tilespmem:v15+s7+$0x0], $0xffff;
	v12 =	vor.u32 v1, v12  }
0x3c8: {  	v6 =	vld [tilespmem:s18+$0x7530];
	v20 =	vshll.u32 v20, $0x7;
	[tilespmem:s31+$0x13130] =	vst v16;
	v16 =	vcvt.f32.s32 v25  }
0x3c9: {  	v7 =	vtrunc.f32 v7;
	v8 =	vld [tilespmem:s8+$0x7520];
	v18 =	vtrunc.f32 v18;
	v20 =	vor.u32 v1, v20  }
0x3ca: {  	v7 =	vcvt.f32.s32 v7;
	v18 =	vcvt.f32.s32 v18;
	[tilespmem:s19+$0x13130] =	vst v17;
	v17 =	vld.idx.msk [tilespmem:v13+s7+$0x0], $0xffff;
	v16 =	vshll.u32 v16, $0x7  }
0x3cb: {  	v34 =	vtrunc.f32 v32;
	v32 =	vld [tilespmem:s12+$0x7510];
	v19 =	vtrunc.f32 v19;
	v16 =	vor.u32 v1, v16  }
0x3cc: {  	v7 =	vshll.u32 v7, $0x7;
	v13 =	vcvt.f32.s32 v19;
	v12 =	vld.idx.msk [tilespmem:v12+s7+$0x0], $0xffff;
	[tilespmem:s20+$0x13130] =	vst v15;
	v15 =	vshll.u32 v18, $0x7  }
0x3cd: {  	v7 =	vor.u32 v1, v7;
	v3 =	vld [tilespmem:s18+$0x7540];
	v6 =	vtrunc.f32 v6;
	v15 =	vor.u32 v1, v15  }
0x3ce: {  	v6 =	vcvt.f32.s32 v6;
	v25 =	vtrunc.f32 v60;
	v18 =	vld.idx.msk [tilespmem:v20+s7+$0x0], $0xffff;
	v13 =	vshll.u32 v13, $0x7  }
0x3cf: {  	v11 =	vld [tilespmem:s8+$0x7530];
	v8 =	vtrunc.f32 v8;
	v29 =	vor.u32 v1, v13;
	[tilespmem:s31+$0x13140] =	vst v17;
	v17 =	vcvt.f32.s32 v25  }
0x3d0: {  	v31 =	vshll.u32 v6, $0x7;
	v22 =	vtrunc.f32 v53;
	v20 =	vcvt.f32.s32 v8;
	v16 =	vld.idx.msk [tilespmem:v16+s7+$0x0], $0xffff  }
0x3d1: {  	v6 =	vld [tilespmem:s20+$0x7540];
	v22 =	vcvt.f32.s32 v22;
	v23 =	vtrunc.f32 v55;
	[tilespmem:s19+$0x13140] =	vst v12;
	v17 =	vshll.u32 v17, $0x7  }
0x3d2: {  	v20 =	vshll.u32 v20, $0x7;
	v12 =	vcvt.f32.s32 v23;
	v15 =	vld.idx.msk [tilespmem:v15+s7+$0x0], $0xffff;
	v17 =	vor.u32 v1, v17  }
0x3d3: {  	v9 =	vld [tilespmem:s8+$0x7540];
	v20 =	vor.u32 v1, v20;
	[tilespmem:s20+$0x13140] =	vst v18;
	v18 =	vshll.u32 v22, $0x7  }
0x3d4: {  	[tilespmem:s18+$0x13510] =	vst v14;
	v25 =	vtrunc.f32 v61;
	v18 =	vor.u32 v1, v18;
	v23 =	vshll.u32 v12, $0x7;
	v62 =	vld.idx.msk [tilespmem:v29+s7+$0x0], $0xffff  }
0x3d5: {  	v4 =	vld [tilespmem:s8+$0x7550];
	v11 =	vtrunc.f32 v11;
	v23 =	vor.u32 v1, v23;
	[tilespmem:s31+$0x13150] =	vst v16;
	v16 =	vcvt.f32.s32 v25  }
0x3d6: {  	v11 =	vcvt.f32.s32 v11;
	[tilespmem:s8+$0x13510] =	vst v10;
	v7 =	vld.idx.msk [tilespmem:v7+s7+$0x0], $0xffff;
	v24 =	vtrunc.f32 v56  }
0x3d7: {  	v27 =	vtrunc.f32 v27;
	v24 =	vcvt.f32.s32 v24;
	[tilespmem:s19+$0x13150] =	vst v15;
	v15 =	vld.idx.msk [tilespmem:v17+s7+$0x0], $0xffff;
	v16 =	vshll.u32 v16, $0x7  }
0x3d8: {  	v11 =	vshll.u32 v11, $0x7;
	v20 =	vld.idx.msk [tilespmem:v20+s7+$0x0], $0xffff;
	v17 =	vcvt.f32.s32 v27;
	v16 =	vor.u32 v1, v16  }
0x3d9: {  	v11 =	vor.u32 v1, v11;
	v14 =	vshll.u32 v24, $0x7;
	v18 =	vld.idx.msk [tilespmem:v18+s7+$0x0], $0xffff;
	[tilespmem:s20+$0x13150] =	vst v62  }
0x3da: {  	v30 =	vor.u32 v1, v14;
	v22 =	vld.idx.msk [tilespmem:v23+s7+$0x0], $0xffff;
	v14 =	vshll.u32 v17, $0x7  }
0x3db: {  	v3 =	vtrunc.f32 v3;
	v2 =	vld [tilespmem:s18+$0x7550];
	[tilespmem:s18+$0x13520] =	vst v7;
	v25 =	vtrunc.f32 v63;
	v17 =	vor.u32 v1, v14  }
0x3dc: {  	v21 =	vtrunc.f32 v58;
	v19 =	vld [tilespmem:s20+$0x7510];
	[tilespmem:s31+$0x13160] =	vst v15;
	v15 =	vcvt.f32.s32 v25  }
0x3dd: {  	v24 =	vor.u32 v1, v31;
	v26 =	vtrunc.f32 v59;
	v21 =	vcvt.f32.s32 v21;
	[tilespmem:s8+$0x13520] =	vst v20;
	v16 =	vld.idx.msk [tilespmem:v16+s7+$0x0], $0xffff  }
0x3de: {  	v9 =	vtrunc.f32 v9;
	v7 =	vld.idx.msk [tilespmem:v11+s7+$0x0], $0xffff;
	[tilespmem:s19+$0x13160] =	vst v18;
	v18 =	vcvt.f32.s32 v26;
	v15 =	vshll.u32 v15, $0x7  }
0x3df: {  	v9 =	vcvt.f32.s32 v9;
	v21 =	vshll.u32 v21, $0x7;
	v23 =	vld.idx.msk [tilespmem:v30+s7+$0x0], $0xffff;
	[tilespmem:s20+$0x13160] =	vst v22;
	v15 =	vor.u32 v1, v15  }
0x3e0: {  	v20 =	vor.u32 v1, v21;
	v11 =	vcvt.f32.s32 v3;
	v18 =	vshll.u32 v18, $0x7;
	v17 =	vld.idx.msk [tilespmem:v17+s7+$0x0], $0xffff  }
0x3e1: {  	v35 =	vtrunc.f32 v28;
	v10 =	vld [tilespmem:s20+$0x7530];
	v3 =	vshll.u32 v9, $0x7;
	v9 =	vor.u32 v1, v18  }
0x3e2: {  	v33 =	vor.u32 v1, v3;
	v11 =	vshll.u32 v11, $0x7;
	v18 =	vld.idx.msk [tilespmem:v24+s7+$0x0], $0xffff;
	[tilespmem:s31+$0x13170] =	vst v16;
	v16 =	vcvt.f32.s32 v34  }
0x3e3: {  	v51 =	vld [tilespmem:s12+$0x7140];
	v19 =	vtrunc.f32 v19;
	v11 =	vor.u32 v1, v11;
	v24 =	vcvt.f32.s32 v35  }
0x3e4: {  	v4 =	vtrunc.f32 v4;
	[tilespmem:s19+$0x13170] =	vst v23;
	v37 =	vld.idx.msk [tilespmem:v15+s7+$0x0], $0xffff;
	v15 =	vcvt.f32.s32 v19;
	v16 =	vshll.u32 v16, $0x7  }
0x3e5: {  	v4 =	vcvt.f32.s32 v4;
	v19 =	vld.idx.msk [tilespmem:v20+s7+$0x0], $0xffff;
	[tilespmem:s20+$0x13170] =	vst v17;
	v17 =	vshll.u32 v24, $0x7;
	v16 =	vor.u32 v1, v16  }
0x3e6: {  	[tilespmem:s8+$0x13530] =	vst v7;
	v9 =	vld.idx.msk [tilespmem:v9+s7+$0x0], $0xffff;
	v17 =	vor.u32 v1, v17;
	v20 =	vshll.u32 v15, $0x7  }
0x3e7: {  	v4 =	vshll.u32 v4, $0x7;
	[tilespmem:s18+$0x13530] =	vst v18;
	v18 =	vld.idx.msk [tilespmem:v33+s7+$0x0], $0xffff;
	v20 =	vor.u32 v1, v20  }
0x3e8: {  	v39 =	vor.u32 v1, v4;
	v4 =	vcvt.f32.s32 v38;
	v7 =	vld.idx.msk [tilespmem:v11+s7+$0x0], $0xffff  }
0x3e9: {  	v11 =	vld [tilespmem:s31+$0x7530];
	[tilespmem:s31+$0x13500] =	vst v37  }
0x3ea: {  	v4 =	vshll.u32 v4, $0x7;
	[tilespmem:s19+$0x13500] =	vst v19;
	v19 =	vld.idx.msk [tilespmem:v16+s7+$0x0], $0xffff  }
0x3eb: {  	v16 =	vld.idx.msk [tilespmem:v17+s7+$0x0], $0xffff;
	[tilespmem:s20+$0x13500] =	vst v9;
	v17 =	vor.u32 v1, v4  }
0x3ec: {  	v5 =	vshll.u32 v5, $0x7;
	v4 =	vld.idx.msk [tilespmem:v20+s7+$0x0], $0xffff  }
0x3ed: {  	v5 =	vor.u32 v1, v5;
	v20 =	vld [tilespmem:s11+$0x7100]  }
0x3ee: {  	[tilespmem:s8+$0x13540] =	vst v18;
	v18 =	vld [tilespmem:s31+$0x7540];
	v11 =	vtrunc.f32 v11  }
0x3ef: {  	v11 =	vcvt.f32.s32 v11;
	[tilespmem:s31+$0x13510] =	vst v19;
	v19 =	vld [tilespmem:s12+$0x7100]  }
0x3f0: {  	v17 =	vld.idx.msk [tilespmem:v17+s7+$0x0], $0xffff  }
0x3f1: {  	v52 =	vld [tilespmem:s11+$0x7130];
	v11 =	vshll.u32 v11, $0x7  }
0x3f2: {  	v5 =	vld.idx.msk [tilespmem:v5+s7+$0x0], $0xffff;
	v11 =	vor.u32 v1, v11;
	v20 =	vtrunc.f32 v20  }
0x3f3: {  	v54 =	vld [tilespmem:s12+$0x7150];
	v20 =	vcvt.f32.s32 v20  }
0x3f4: {  	v56 =	vld [tilespmem:s12+$0x7160];
	v18 =	vtrunc.f32 v18;
	v19 =	vtrunc.f32 v19  }
0x3f5: {  	v55 =	vld [tilespmem:s14+$0x7150];
	[tilespmem:s31+$0x13520] =	vst v17;
	v17 =	vcvt.f32.s32 v18;
	v18 =	vcvt.f32.s32 v19;
	v19 =	vshll.u32 v20, $0x7  }
0x3f6: {  	v31 =	vld [tilespmem:s14+$0x7170];
	v19 =	vor.u32 v1, v19  }
0x3f7: {  	v57 =	vtrunc.f32 v52;
	v20 =	vtrunc.f32 v40;
	v11 =	vld.idx.msk [tilespmem:v11+s7+$0x0], $0xffff;
	v17 =	vshll.u32 v17, $0x7  }
0x3f8: {  	v52 =	vld [tilespmem:s12+$0x7540];
	v20 =	vcvt.f32.s32 v20;
	v18 =	vshll.u32 v18, $0x7;
	v17 =	vor.u32 v1, v17  }
0x3f9: {  	v58 =	vld [tilespmem:s11+$0x7140];
	v25 =	vtrunc.f32 v44;
	v18 =	vor.u32 v1, v18  }
0x3fa: {  	v60 =	vld [tilespmem:s14+$0x7160];
	v25 =	vcvt.f32.s32 v25;
	v22 =	vtrunc.f32 v41;
	v20 =	vshll.u32 v20, $0x7  }
0x3fb: {  	v22 =	vcvt.f32.s32 v22;
	v20 =	vor.u32 v1, v20;
	v19 =	vld.idx.msk [tilespmem:v19+s7+$0x0], $0xffff  }
0x3fc: {  	v8 =	vld [tilespmem:s20+$0x7520];
	v50 =	vshll.u32 v25, $0x7;
	[tilespmem:s31+$0x13530] =	vst v11  }
0x3fd: {  	v22 =	vshll.u32 v22, $0x7;
	v23 =	vtrunc.f32 v42;
	v24 =	vtrunc.f32 v43;
	v17 =	vld.idx.msk [tilespmem:v17+s7+$0x0], $0xffff  }
0x3fe: {  	v23 =	vcvt.f32.s32 v23;
	v11 =	vcvt.f32.s32 v24;
	v24 =	vor.u32 v1, v50;
	v18 =	vld.idx.msk [tilespmem:v18+s7+$0x0], $0xffff  }
0x3ff: {  	v13 =	vld [tilespmem:s19+$0x7520];
	v22 =	vor.u32 v1, v22  }
0x400: {  	v23 =	vshll.u32 v23, $0x7;
	v20 =	vld.idx.msk [tilespmem:v20+s7+$0x0], $0xffff;
	[tilespmem:s11+$0x13100] =	vst v19;
	v19 =	vtrunc.f32 v49  }
0x401: {  	v61 =	vld [tilespmem:s12+$0x7170];
	v23 =	vor.u32 v1, v23;
	v19 =	vcvt.f32.s32 v19  }
0x402: {  	v12 =	vld [tilespmem:s19+$0x7530];
	v21 =	vtrunc.f32 v45;
	[tilespmem:s31+$0x13540] =	vst v17  }
0x403: {  	v21 =	vcvt.f32.s32 v21;
	v24 =	vld.idx.msk [tilespmem:v24+s7+$0x0], $0xffff;
	v17 =	vtrunc.f32 v46;
	[tilespmem:s12+$0x13100] =	vst v18;
	v19 =	vshll.u32 v19, $0x7  }
0x404: {  	v6 =	vtrunc.f32 v6;
	v17 =	vcvt.f32.s32 v17;
	v18 =	vld.idx.msk [tilespmem:v22+s7+$0x0], $0xffff;
	v19 =	vor.u32 v1, v19  }
0x405: {  	v6 =	vcvt.f32.s32 v6;
	v2 =	vtrunc.f32 v2;
	v63 =	vld [tilespmem:s11+$0x7150];
	[tilespmem:s14+$0x13100] =	vst v20;
	v20 =	vshll.u32 v21, $0x7  }
0x406: {  	v2 =	vcvt.f32.s32 v2;
	v53 =	vld.idx.msk [tilespmem:v23+s7+$0x0], $0xffff;
	v20 =	vor.u32 v1, v20;
	v17 =	vshll.u32 v17, $0x7  }
0x407: {  	v28 =	vtrunc.f32 v48;
	v27 =	vtrunc.f32 v47;
	v47 =	vld [tilespmem:s12+$0x7530];
	v17 =	vor.u32 v1, v17  }
0x408: {  	v6 =	vshll.u32 v6, $0x7;
	v2 =	vshll.u32 v2, $0x7;
	v45 =	vld [tilespmem:s11+$0x7170];
	[tilespmem:s11+$0x13110] =	vst v24;
	v24 =	vcvt.f32.s32 v57  }
0x409: {  	v48 =	vor.u32 v1, v6;
	v2 =	vor.u32 v1, v2;
	v27 =	vcvt.f32.s32 v27;
	[tilespmem:s12+$0x13110] =	vst v18;
	v18 =	vld.idx.msk [tilespmem:v19+s7+$0x0], $0xffff  }
0x40a: {  	v10 =	vtrunc.f32 v10;
	v8 =	vtrunc.f32 v8;
	v30 =	vld [tilespmem:s14+$0x7140];
	v24 =	vshll.u32 v24, $0x7  }
0x40b: {  	v59 =	vshll.u32 v27, $0x7;
	v19 =	vcvt.f32.s32 v28;
	v20 =	vld.idx.msk [tilespmem:v20+s7+$0x0], $0xffff;
	[tilespmem:s14+$0x13110] =	vst v53;
	v24 =	vor.u32 v1, v24  }
0x40c: {  	v10 =	vcvt.f32.s32 v10;
	v8 =	vcvt.f32.s32 v8;
	v21 =	vor.u32 v1, v59;
	v17 =	vld.idx.msk [tilespmem:v17+s7+$0x0], $0xffff  }
0x40d: {  	v13 =	vtrunc.f32 v13;
	v29 =	vtrunc.f32 v58;
	v14 =	vld [tilespmem:s19+$0x7540];
	v19 =	vshll.u32 v19, $0x7  }
0x40e: {  	v62 =	vcvt.f32.s32 v29;
	v3 =	vld [tilespmem:s19+$0x7550];
	v19 =	vor.u32 v1, v19;
	[tilespmem:s11+$0x13120] =	vst v18;
	v18 =	vtrunc.f32 v51  }
0x40f: {  	v10 =	vshll.u32 v10, $0x7;
	v13 =	vcvt.f32.s32 v13;
	v42 =	vld [tilespmem:s14+$0x7510];
	v18 =	vcvt.f32.s32 v18  }
0x410: {  	v8 =	vshll.u32 v8, $0x7;
	v25 =	vshll.u32 v62, $0x7;
	v30 =	vtrunc.f32 v30;
	[tilespmem:s12+$0x13120] =	vst v20;
	v20 =	vld.idx.msk [tilespmem:v24+s7+$0x0], $0xffff  }
0x411: {  	v35 =	vcvt.f32.s32 v30;
	v21 =	vld.idx.msk [tilespmem:v21+s7+$0x0], $0xffff;
	[tilespmem:s14+$0x13120] =	vst v17;
	v17 =	vshll.u32 v18, $0x7;
	v18 =	vor.u32 v1, v25  }
0x412: {  	v10 =	vor.u32 v1, v10;
	v8 =	vor.u32 v1, v8;
	v43 =	vld [tilespmem:s12+$0x7520];
	v17 =	vor.u32 v1, v17  }
0x413: {  	v13 =	vshll.u32 v13, $0x7;
	v12 =	vtrunc.f32 v12;
	v24 =	vshll.u32 v35, $0x7;
	v19 =	vld.idx.msk [tilespmem:v19+s7+$0x0], $0xffff  }
0x414: {  	v12 =	vcvt.f32.s32 v12;
	v29 =	vtrunc.f32 v63;
	v9 =	vld.idx.msk [tilespmem:v39+s7+$0x0], $0xffff;
	v24 =	vor.u32 v1, v24  }
0x415: {  	v13 =	vor.u32 v1, v13;
	v38 =	vcvt.f32.s32 v29;
	v39 =	vld [tilespmem:s11+$0x7160];
	[tilespmem:s11+$0x13130] =	vst v20;
	v20 =	vtrunc.f32 v54  }
0x416: {  	v12 =	vshll.u32 v12, $0x7;
	v23 =	vtrunc.f32 v55;
	[tilespmem:s12+$0x13130] =	vst v21;
	v20 =	vcvt.f32.s32 v20;
	v18 =	vld.idx.msk [tilespmem:v18+s7+$0x0], $0xffff  }
0x417: {  	v14 =	vtrunc.f32 v14;
	v22 =	vshll.u32 v38, $0x7;
	v40 =	vcvt.f32.s32 v23;
	v17 =	vld.idx.msk [tilespmem:v17+s7+$0x0], $0xffff  }
0x418: {  	v3 =	vtrunc.f32 v3;
	v15 =	vld [tilespmem:s20+$0x7550];
	[tilespmem:s14+$0x13130] =	vst v19;
	v19 =	vshll.u32 v20, $0x7;
	v20 =	vor.u32 v1, v22  }
0x419: {  	v14 =	vcvt.f32.s32 v14;
	[tilespmem:s19+$0x13510] =	vst v16;
	v21 =	vshll.u32 v40, $0x7;
	v41 =	vld.idx.msk [tilespmem:v24+s7+$0x0], $0xffff;
	v19 =	vor.u32 v1, v19  }
0x41a: {  	v3 =	vcvt.f32.s32 v3;
	v29 =	vtrunc.f32 v39;
	v13 =	vld.idx.msk [tilespmem:v13+s7+$0x0], $0xffff;
	[tilespmem:s20+$0x13510] =	vst v4;
	v21 =	vor.u32 v1, v21  }
0x41b: {  	v12 =	vor.u32 v1, v12;
	v44 =	vcvt.f32.s32 v29;
	v8 =	vld.idx.msk [tilespmem:v8+s7+$0x0], $0xffff;
	[tilespmem:s11+$0x13140] =	vst v18;
	v18 =	vtrunc.f32 v56  }
0x41c: {  	v14 =	vshll.u32 v14, $0x7;
	v37 =	vld [tilespmem:s14+$0x7500];
	[tilespmem:s12+$0x13140] =	vst v17;
	v17 =	vcvt.f32.s32 v18;
	v18 =	vtrunc.f32 v60  }
0x41d: {  	v6 =	vtrunc.f32 v15;
	v26 =	vshll.u32 v44, $0x7;
	v20 =	vld.idx.msk [tilespmem:v20+s7+$0x0], $0xffff;
	v18 =	vcvt.f32.s32 v18  }
0x41e: {  	v15 =	vtrunc.f32 v45;
	v46 =	vor.u32 v1, v26;
	[tilespmem:s14+$0x13140] =	vst v41;
	v19 =	vld.idx.msk [tilespmem:v19+s7+$0x0], $0xffff;
	v17 =	vshll.u32 v17, $0x7  }
0x41f: {  	v15 =	vcvt.f32.s32 v15;
	[tilespmem:s19+$0x13520] =	vst v13;
	v21 =	vld.idx.msk [tilespmem:v21+s7+$0x0], $0xffff;
	v17 =	vor.u32 v1, v17;
	v18 =	vshll.u32 v18, $0x7  }
0x420: {  	v3 =	vshll.u32 v3, $0x7;
	v6 =	vcvt.f32.s32 v6;
	v12 =	vld.idx.msk [tilespmem:v12+s7+$0x0], $0xffff;
	[tilespmem:s20+$0x13520] =	vst v8;
	v16 =	vor.u32 v1, v18  }
0x421: {  	v14 =	vor.u32 v1, v14;
	v3 =	vor.u32 v1, v3;
	v15 =	vshll.u32 v15, $0x7;
	v10 =	vld.idx.msk [tilespmem:v10+s7+$0x0], $0xffff  }
0x422: {  	v6 =	vshll.u32 v6, $0x7;
	v15 =	vor.u32 v1, v15;
	v49 =	vld [tilespmem:s11+$0x7500];
	[tilespmem:s11+$0x13150] =	vst v20;
	v20 =	vtrunc.f32 v61  }
0x423: {  	v11 =	vshll.u32 v11, $0x7;
	[tilespmem:s12+$0x13150] =	vst v19;
	v19 =	vcvt.f32.s32 v20;
	v20 =	vtrunc.f32 v31;
	v22 =	vld.idx.msk [tilespmem:v46+s7+$0x0], $0xffff  }
0x424: {  	v13 =	vtrunc.f32 v43;
	v11 =	vor.u32 v1, v11;
	[tilespmem:s14+$0x13150] =	vst v21;
	v20 =	vcvt.f32.s32 v20;
	v17 =	vld.idx.msk [tilespmem:v17+s7+$0x0], $0xffff  }
0x425: {  	v51 =	vtrunc.f32 v32;
	v4 =	vshll.u32 v19, $0x7;
	v19 =	vtrunc.f32 v36;
	v16 =	vld.idx.msk [tilespmem:v16+s7+$0x0], $0xffff  }
0x426: {  	v63 =	vld [tilespmem:s14+$0x7550];
	[tilespmem:s19+$0x13530] =	vst v12;
	v50 =	vor.u32 v1, v4;
	v4 =	vshll.u32 v20, $0x7;
	v19 =	vcvt.f32.s32 v19  }
0x427: {  	v33 =	vld [tilespmem:s14+$0x7520];
	[tilespmem:s20+$0x13530] =	vst v10;
	v54 =	vcvt.f32.s32 v51;
	v20 =	vor.u32 v1, v4;
	v4 =	vtrunc.f32 v37  }
0x428: {  	v12 =	vld.idx.msk [tilespmem:v48+s7+$0x0], $0xffff;
	v30 =	vcvt.f32.s32 v4;
	v4 =	vtrunc.f32 v49;
	[tilespmem:s11+$0x13160] =	vst v22;
	v19 =	vshll.u32 v19, $0x7  }
0x429: {  	v56 =	vld [tilespmem:s11+$0x7510];
	v55 =	vcvt.f32.s32 v4;
	v4 =	vor.u32 v1, v6;
	[tilespmem:s12+$0x13160] =	vst v17;
	v17 =	vor.u32 v1, v19  }
0x42a: {  	v18 =	vld [tilespmem:s14+$0x7530];
	v6 =	vshll.u32 v30, $0x7;
	v19 =	vtrunc.f32 v42;
	[tilespmem:s14+$0x13160] =	vst v16;
	v16 =	vshll.u32 v54, $0x7  }
0x42b: {  	v15 =	vld.idx.msk [tilespmem:v15+s7+$0x0], $0xffff;
	v57 =	vshll.u32 v55, $0x7;
	v19 =	vcvt.f32.s32 v19;
	v8 =	vor.u32 v1, v6  }
0x42c: {  	v21 =	vld.idx.msk [tilespmem:v50+s7+$0x0], $0xffff;
	v6 =	vcvt.f32.s32 v13;
	v13 =	vtrunc.f32 v33;
	v22 =	vor.u32 v1, v57  }
0x42d: {  	v20 =	vld.idx.msk [tilespmem:v20+s7+$0x0], $0xffff;
	v58 =	vor.u32 v1, v16;
	v13 =	vcvt.f32.s32 v13;
	v16 =	vshll.u32 v19, $0x7  }
0x42e: {  	[tilespmem:s10+$0x13550] =	vst v5;
	v53 =	vld [tilespmem:s14+$0x7540];
	v6 =	vshll.u32 v6, $0x7;
	v59 =	vor.u32 v1, v16;
	v16 =	vtrunc.f32 v56  }
0x42f: {  	[tilespmem:s18+$0x13540] =	vst v7;
	v19 =	vld [tilespmem:s11+$0x7520];
	v5 =	vor.u32 v1, v6;
	v6 =	vtrunc.f32 v47;
	v16 =	vcvt.f32.s32 v16  }
0x430: {  	v18 =	vtrunc.f32 v18;
	[tilespmem:s11+$0x13170] =	vst v15;
	v15 =	vld [tilespmem:s12+$0x7550];
	v13 =	vshll.u32 v13, $0x7;
	v60 =	vcvt.f32.s32 v6  }
0x431: {  	v6 =	vor.u32 v1, v13;
	v13 =	vcvt.f32.s32 v18;
	[tilespmem:s12+$0x13170] =	vst v21;
	v61 =	vld.idx.msk [tilespmem:v22+s7+$0x0], $0xffff;
	v16 =	vshll.u32 v16, $0x7  }
0x432: {  	s10 =	sadd.s32 $0x2, s17;
	v18 =	vtrunc.f32 v52;
	v17 =	vld.idx.msk [tilespmem:v17+s7+$0x0], $0xffff;
	[tilespmem:s14+$0x13170] =	vst v20;
	v7 =	vshll.u32 v60, $0x7;
	v20 =	vor.u32 v1, v16  }
0x433: {  	s23 =	smulhi.u32 $0xCCCCCCCD, s10;
	v13 =	vshll.u32 v13, $0x7;
	v62 =	vld.idx.msk [tilespmem:v8+s7+$0x0], $0xffff;
	v16 =	vcvt.f32.s32 v18;
	v18 =	vtrunc.f32 v53  }
0x434: {  	v11 =	vld.idx.msk [tilespmem:v11+s7+$0x0], $0xffff;
	v8 =	vor.u32 v1, v7;
	v7 =	vor.u32 v1, v13;
	v18 =	vcvt.f32.s32 v18  }
0x435: {  	s4 =	sshrl.u32 s23, $0x9;
	[tilespmem:s8+$0x13550] =	vst v9;
	v13 =	vld.idx.msk [tilespmem:v14+s7+$0x0], $0xffff;
	v14 =	vtrunc.f32 v15;
	v15 =	vtrunc.f32 v19;
	v10 =	vshll.u32 v16, $0x7  }
0x436: {  	s0 =	smul.u32 $0x280, s4;
	v14 =	vcvt.f32.s32 v14;
	v16 =	vld [tilespmem:s11+$0x7530];
	v9 =	vshll.u32 v18, $0x7;
	v18 =	vcvt.f32.s32 v15;
	[tilespmem:s11+$0x13500] =	vst v61  }
0x437: {  	v10 =	vor.u32 v1, v10;
	v9 =	vor.u32 v1, v9;
	[tilespmem:s12+$0x13500] =	vst v17;
	v15 =	vld.idx.msk [tilespmem:v20+s7+$0x0], $0xffff  }
0x438: {  	s3 =	simm.s32 $0xB00;
	s0 =	ssub.s32 s10, s0;
	v17 =	vshll.u32 v14, $0x7;
	v14 =	vld.idx.msk [tilespmem:v58+s7+$0x0], $0xffff;
	v18 =	vshll.u32 v18, $0x7;
	[tilespmem:s14+$0x13500] =	vst v62;
	v20 =	vtrunc.f32 v63  }
0x439: {  	s8 =	sshrl.u32 s0, $0x2;
	s0 =	simm.s32 $0x6;
	[tilespmem:s31+$0x13550] =	vst v11;
	s31 =	simm.s32 $0x580;
	v11 =	vor.u32 v1, v17;
	v19 =	vor.u32 v1, v18;
	v17 =	vld.idx.msk [tilespmem:v59+s7+$0x0], $0xffff;
	v18 =	vcvt.f32.s32 v20  }
.LBB2_7:
0x43a: {  	s5 =	sadd.s32 $0xFFFFFF00, s31;
	s16 =	sadd.s32 $0xFFFFFF00, s3;
	s21 =	sadd.s32 $0xFFFFFF80, s31;
	[tilespmem:s19+$0x13540] =	vst v13;
	v13 =	vld.idx.msk [tilespmem:v2+s7+$0x0], $0xffff;
	v2 =	vmov v4  }
0x43b: {  	s0 =	sadd.s32 $0x3, s0;
	s16 =	sand.u32 $0x7800, s16;
	s21 =	sand.u32 $0x380, s21;
	v4 =	vshll.u32 v18, $0x7;
	v18 =	vld.idx.msk [tilespmem:v3+s7+$0x0], $0xffff;
	[tilespmem:s20+$0x13540] =	vst v12;
	v3 =	vmov v11  }
0x43c: {  	s23 =	sadd.s32 $0xFFFFFE00, s3;
	p2 =	slt.u32 s0, $0x2D;
	v11 =	vtrunc.f32 v16;
	s16 =	sor.u32 s21, s16;
	v12 =	vld [tilespmem:s11+$0x7540];
	v4 =	vor.u32 v1, v4  }
0x43d: {  	s5 =	sand.u32 $0x380, s5;
	s21 =	sand.u32 $0x3800, s23;
	s23 =	sand.u32 $0x7800, s3;
	v11 =	vcvt.f32.s32 v11;
	v16 =	vld [tilespmem:s16+$0x7100];
	[tilespmem:s11+$0x13510] =	vst v15  }
0x43e: {  	s5 =	sor.u32 s5, s21;
	s21 =	sand.u32 $0x380, s31;
	[tilespmem:s12+$0x13510] =	vst v14;
	v14 =	vld.idx.msk [tilespmem:v19+s7+$0x0], $0xffff  }
0x43f: {  	s21 =	sor.u32 s21, s23;
	v11 =	vshll.u32 v11, $0x7;
	v15 =	vld [tilespmem:s5+$0x7100];
	[tilespmem:s14+$0x13510] =	vst v17  }
0x440: {  	v11 =	vor.u32 v1, v11;
	v17 =	vld [tilespmem:s21+$0x7100];
	[tilespmem:s18+$0x13550] =	vst v13;
	s18 =	smov.u32 s20;
	s20 =	smov.u32 s14;
	s14 =	smov.u32 s21  }
0x441: {  	v13 =	vld [tilespmem:s5+$0x7110];
	[tilespmem:s19+$0x13550] =	vst v18;
	s19 =	smov.u32 s12;
	s12 =	smov.u32 s5  }
0x442: {  	v16 =	vtrunc.f32 v16;
	v18 =	vld [tilespmem:s14+$0x7110]  }
0x443: {  	v12 =	vtrunc.f32 v12;
	v16 =	vcvt.f32.s32 v16;
	v19 =	vld [tilespmem:s11+$0x7550]  }
0x444: {  	v12 =	vcvt.f32.s32 v12;
	v15 =	vtrunc.f32 v15;
	v20 =	vld [tilespmem:s16+$0x7110];
	[tilespmem:s11+$0x13520] =	vst v14  }
0x445: {  	v14 =	vcvt.f32.s32 v15;
	v15 =	vshll.u32 v16, $0x7;
	v16 =	vtrunc.f32 v17;
	v11 =	vld.idx.msk [tilespmem:v11+s7+$0x0], $0xffff  }
0x446: {  	v12 =	vshll.u32 v12, $0x7;
	v17 =	vld [tilespmem:s12+$0x7120];
	v15 =	vor.u32 v1, v15;
	v16 =	vcvt.f32.s32 v16  }
0x447: {  	v12 =	vor.u32 v1, v12;
	v13 =	vtrunc.f32 v13;
	v14 =	vshll.u32 v14, $0x7;
	v21 =	vld [tilespmem:s14+$0x7120]  }
0x448: {  	v18 =	vtrunc.f32 v18;
	v14 =	vor.u32 v1, v14;
	v22 =	vld [tilespmem:s12+$0x7130];
	v16 =	vshll.u32 v16, $0x7  }
0x449: {  	v13 =	vcvt.f32.s32 v13;
	v20 =	vtrunc.f32 v20;
	v16 =	vor.u32 v1, v16;
	v23 =	vld [tilespmem:s14+$0x7130]  }
0x44a: {  	v19 =	vtrunc.f32 v19;
	v20 =	vcvt.f32.s32 v20;
	v24 =	vld [tilespmem:s16+$0x7120]  }
0x44b: {  	v18 =	vcvt.f32.s32 v18;
	v13 =	vshll.u32 v13, $0x7;
	v15 =	vld.idx.msk [tilespmem:v15+s7+$0x0], $0xffff;
	[tilespmem:s11+$0x13530] =	vst v11;
	v11 =	vcvt.f32.s32 v19  }
0x44c: {  	v13 =	vor.u32 v1, v13;
	v17 =	vtrunc.f32 v17;
	v19 =	vshll.u32 v20, $0x7;
	v12 =	vld.idx.msk [tilespmem:v12+s7+$0x0], $0xffff  }
0x44d: {  	v18 =	vshll.u32 v18, $0x7;
	v14 =	vld.idx.msk [tilespmem:v14+s7+$0x0], $0xffff;
	v19 =	vor.u32 v1, v19;
	v11 =	vshll.u32 v11, $0x7  }
0x44e: {  	v18 =	vor.u32 v1, v18;
	v20 =	vtrunc.f32 v21;
	v16 =	vld.idx.msk [tilespmem:v16+s7+$0x0], $0xffff;
	v11 =	vor.u32 v1, v11  }
0x44f: {  	v17 =	vcvt.f32.s32 v17;
	v20 =	vcvt.f32.s32 v20;
	v21 =	vld [tilespmem:s12+$0x7140]  }
0x450: {  	v22 =	vtrunc.f32 v22;
	v23 =	vtrunc.f32 v23;
	v25 =	vld [tilespmem:s14+$0x7140]  }
0x451: {  	v17 =	vshll.u32 v17, $0x7;
	v20 =	vshll.u32 v20, $0x7;
	[tilespmem:s16+$0x13100] =	vst v15;
	v15 =	vtrunc.f32 v24;
	v24 =	vld [tilespmem:s16+$0x7130]  }
0x452: {  	v17 =	vor.u32 v1, v17;
	v20 =	vor.u32 v1, v20;
	v19 =	vld.idx.msk [tilespmem:v19+s7+$0x0], $0xffff;
	v15 =	vcvt.f32.s32 v15;
	[tilespmem:s11+$0x13540] =	vst v12  }
0x453: {  	v12 =	vcvt.f32.s32 v22;
	[tilespmem:s12+$0x13100] =	vst v14;
	v14 =	vcvt.f32.s32 v23;
	v11 =	vld.idx.msk [tilespmem:v11+s7+$0x0], $0xffff  }
0x454: {  	v13 =	vld.idx.msk [tilespmem:v13+s7+$0x0], $0xffff;
	v21 =	vtrunc.f32 v21;
	v15 =	vshll.u32 v15, $0x7;
	[tilespmem:s14+$0x13100] =	vst v16  }
0x455: {  	v12 =	vshll.u32 v12, $0x7;
	v15 =	vor.u32 v1, v15;
	v16 =	vld.idx.msk [tilespmem:v18+s7+$0x0], $0xffff;
	v14 =	vshll.u32 v14, $0x7  }
0x456: {  	v12 =	vor.u32 v1, v12;
	v22 =	vtrunc.f32 v25;
	v18 =	vld [tilespmem:s12+$0x7150];
	v14 =	vor.u32 v1, v14  }
0x457: {  	v21 =	vcvt.f32.s32 v21;
	v22 =	vcvt.f32.s32 v22;
	v23 =	vld [tilespmem:s14+$0x7150]  }
0x458: {  	v25 =	vld [tilespmem:s12+$0x7160];
	[tilespmem:s16+$0x13110] =	vst v19;
	v19 =	vtrunc.f32 v24  }
0x459: {  	v21 =	vshll.u32 v21, $0x7;
	v22 =	vshll.u32 v22, $0x7;
	v19 =	vcvt.f32.s32 v19;
	v24 =	vld [tilespmem:s16+$0x7140];
	[tilespmem:s11+$0x13550] =	vst v11;
	s11 =	smov.u32 s16  }
0x45a: {  	v11 =	vor.u32 v1, v21;
	[tilespmem:s12+$0x13110] =	vst v13;
	v13 =	vld.idx.msk [tilespmem:v15+s7+$0x0], $0xffff;
	v15 =	vor.u32 v1, v22  }
0x45b: {  	v17 =	vld.idx.msk [tilespmem:v17+s7+$0x0], $0xffff;
	v18 =	vtrunc.f32 v18;
	v19 =	vshll.u32 v19, $0x7;
	[tilespmem:s14+$0x13110] =	vst v16  }
0x45c: {  	v16 =	vcvt.f32.s32 v18;
	v18 =	vor.u32 v1, v19;
	v19 =	vld.idx.msk [tilespmem:v20+s7+$0x0], $0xffff;
	v20 =	vtrunc.f32 v23  }
0x45d: {  	v21 =	vtrunc.f32 v25;
	v20 =	vcvt.f32.s32 v20;
	v22 =	vld [tilespmem:s14+$0x7160]  }
0x45e: {  	v16 =	vshll.u32 v16, $0x7;
	v21 =	vcvt.f32.s32 v21;
	v23 =	vld [tilespmem:s12+$0x7170]  }
0x45f: {  	v24 =	vtrunc.f32 v24;
	v16 =	vor.u32 v1, v16;
	v20 =	vshll.u32 v20, $0x7;
	v25 =	vld [tilespmem:s14+$0x7170]  }
0x460: {  	v21 =	vshll.u32 v21, $0x7;
	[tilespmem:s11+$0x13120] =	vst v13;
	v13 =	vcvt.f32.s32 v24;
	v24 =	vld [tilespmem:s11+$0x7150];
	v20 =	vor.u32 v1, v20  }
0x461: {  	[tilespmem:s12+$0x13120] =	vst v17;
	v17 =	vor.u32 v1, v21;
	v18 =	vld.idx.msk [tilespmem:v18+s7+$0x0], $0xffff  }
0x462: {  	v12 =	vld.idx.msk [tilespmem:v12+s7+$0x0], $0xffff;
	v13 =	vshll.u32 v13, $0x7;
	[tilespmem:s14+$0x13120] =	vst v19;
	v19 =	vtrunc.f32 v22  }
0x463: {  	v21 =	vtrunc.f32 v23;
	v13 =	vor.u32 v1, v13;
	v14 =	vld.idx.msk [tilespmem:v14+s7+$0x0], $0xffff;
	v19 =	vcvt.f32.s32 v19  }
0x464: {  	v21 =	vcvt.f32.s32 v21;
	v22 =	vld [tilespmem:s12+$0x7500];
	v23 =	vtrunc.f32 v25  }
0x465: {  	v19 =	vshll.u32 v19, $0x7;
	v23 =	vcvt.f32.s32 v23;
	v25 =	vld [tilespmem:s14+$0x7500]  }
0x466: {  	v24 =	vtrunc.f32 v24;
	v21 =	vshll.u32 v21, $0x7;
	v26 =	vld [tilespmem:s12+$0x7510];
	v19 =	vor.u32 v1, v19  }
0x467: {  	v21 =	vor.u32 v1, v21;
	[tilespmem:s11+$0x13130] =	vst v18;
	v18 =	vcvt.f32.s32 v24;
	v24 =	vld [tilespmem:s11+$0x7160];
	v23 =	vshll.u32 v23, $0x7  }
0x468: {  	[tilespmem:s12+$0x13130] =	vst v12;
	v12 =	vld.idx.msk [tilespmem:v13+s7+$0x0], $0xffff;
	v13 =	vor.u32 v1, v23  }
0x469: {  	v11 =	vld.idx.msk [tilespmem:v11+s7+$0x0], $0xffff;
	v22 =	vtrunc.f32 v22;
	v18 =	vshll.u32 v18, $0x7;
	[tilespmem:s14+$0x13130] =	vst v14  }
0x46a: {  	v14 =	vcvt.f32.s32 v22;
	v18 =	vor.u32 v1, v18;
	v15 =	vld.idx.msk [tilespmem:v15+s7+$0x0], $0xffff;
	v22 =	vtrunc.f32 v25  }
0x46b: {  	v23 =	vtrunc.f32 v26;
	v22 =	vcvt.f32.s32 v22;
	v25 =	vld [tilespmem:s14+$0x7510]  }
0x46c: {  	v14 =	vshll.u32 v14, $0x7;
	v23 =	vcvt.f32.s32 v23;
	v26 =	vld [tilespmem:s12+$0x7520]  }
0x46d: {  	v24 =	vtrunc.f32 v24;
	v14 =	vor.u32 v1, v14;
	v22 =	vshll.u32 v22, $0x7;
	v27 =	vld [tilespmem:s14+$0x7520]  }
0x46e: {  	v23 =	vshll.u32 v23, $0x7;
	[tilespmem:s11+$0x13140] =	vst v12;
	v12 =	vcvt.f32.s32 v24;
	v24 =	vld [tilespmem:s11+$0x7170];
	v22 =	vor.u32 v1, v22  }
0x46f: {  	[tilespmem:s12+$0x13140] =	vst v11;
	v23 =	vor.u32 v1, v23;
	v11 =	vld.idx.msk [tilespmem:v18+s7+$0x0], $0xffff  }
0x470: {  	v16 =	vld.idx.msk [tilespmem:v16+s7+$0x0], $0xffff;
	v12 =	vshll.u32 v12, $0x7;
	[tilespmem:s14+$0x13140] =	vst v15;
	v15 =	vtrunc.f32 v25  }
0x471: {  	v18 =	vtrunc.f32 v26;
	v12 =	vor.u32 v1, v12;
	v20 =	vld.idx.msk [tilespmem:v20+s7+$0x0], $0xffff;
	v15 =	vcvt.f32.s32 v15  }
0x472: {  	v18 =	vcvt.f32.s32 v18;
	v25 =	vld [tilespmem:s12+$0x7530];
	v26 =	vtrunc.f32 v27  }
0x473: {  	v15 =	vshll.u32 v15, $0x7;
	v26 =	vcvt.f32.s32 v26;
	v27 =	vld [tilespmem:s14+$0x7530]  }
0x474: {  	v24 =	vtrunc.f32 v24;
	v18 =	vshll.u32 v18, $0x7;
	v28 =	vor.u32 v1, v15;
	v15 =	vld.idx.msk [tilespmem:v5+s7+$0x0], $0xffff  }
0x475: {  	v5 =	vor.u32 v1, v18;
	[tilespmem:s11+$0x13150] =	vst v11;
	v11 =	vcvt.f32.s32 v24;
	v18 =	vld [tilespmem:s11+$0x7500];
	v24 =	vshll.u32 v26, $0x7  }
0x476: {  	[tilespmem:s12+$0x13150] =	vst v16;
	v12 =	vld.idx.msk [tilespmem:v12+s7+$0x0], $0xffff;
	v16 =	vor.u32 v1, v24  }
0x477: {  	v17 =	vld.idx.msk [tilespmem:v17+s7+$0x0], $0xffff;
	v24 =	vtrunc.f32 v25;
	v11 =	vshll.u32 v11, $0x7;
	[tilespmem:s14+$0x13150] =	vst v20  }
0x478: {  	v20 =	vcvt.f32.s32 v24;
	v11 =	vor.u32 v1, v11;
	v19 =	vld.idx.msk [tilespmem:v19+s7+$0x0], $0xffff;
	v24 =	vtrunc.f32 v27  }
0x479: {  	v24 =	vcvt.f32.s32 v24;
	v25 =	vld.idx.msk [tilespmem:v6+s7+$0x0], $0xffff;
	v6 =	vmov v16  }
0x47a: {  	v16 =	vshll.u32 v20, $0x7;
	v20 =	vld [tilespmem:s12+$0x7540];
	[tilespmem:s19+$0x13520] =	vst v15  }
0x47b: {  	v15 =	vor.u32 v1, v16;
	v16 =	vtrunc.f32 v18;
	v18 =	vshll.u32 v24, $0x7;
	v24 =	vld [tilespmem:s14+$0x7540]  }
0x47c: {  	[tilespmem:s11+$0x13160] =	vst v12;
	v12 =	vcvt.f32.s32 v16;
	v16 =	vld [tilespmem:s11+$0x7510];
	v18 =	vor.u32 v1, v18  }
0x47d: {  	[tilespmem:s12+$0x13160] =	vst v17;
	v11 =	vld.idx.msk [tilespmem:v11+s7+$0x0], $0xffff  }
0x47e: {  	v17 =	vld.idx.msk [tilespmem:v21+s7+$0x0], $0xffff;
	v12 =	vshll.u32 v12, $0x7;
	[tilespmem:s14+$0x13160] =	vst v19  }
0x47f: {  	v19 =	vtrunc.f32 v20;
	v12 =	vor.u32 v1, v12;
	v13 =	vld.idx.msk [tilespmem:v13+s7+$0x0], $0xffff;
	[tilespmem:s20+$0x13520] =	vst v25  }
0x480: {  	v19 =	vcvt.f32.s32 v19;
	v20 =	vtrunc.f32 v24;
	v21 =	vld.idx.msk [tilespmem:v8+s7+$0x0], $0xffff;
	v8 =	vmov v15  }
0x481: {  	v15 =	vcvt.f32.s32 v20;
	v20 =	vld.idx.msk [tilespmem:v7+s7+$0x0], $0xffff;
	v7 =	vmov v18  }
0x482: {  	v16 =	vtrunc.f32 v16;
	v18 =	vshll.u32 v19, $0x7;
	v19 =	vld [tilespmem:s12+$0x7550]  }
0x483: {  	v18 =	vor.u32 v1, v18;
	[tilespmem:s11+$0x13170] =	vst v11;
	v11 =	vcvt.f32.s32 v16;
	v16 =	vld [tilespmem:s11+$0x7520];
	v15 =	vshll.u32 v15, $0x7  }
0x484: {  	[tilespmem:s12+$0x13170] =	vst v17;
	v17 =	vld.idx.msk [tilespmem:v12+s7+$0x0], $0xffff;
	v15 =	vor.u32 v1, v15  }
0x485: {  	v14 =	vld.idx.msk [tilespmem:v14+s7+$0x0], $0xffff;
	v11 =	vshll.u32 v11, $0x7;
	[tilespmem:s14+$0x13170] =	vst v13  }
0x486: {  	v24 =	vor.u32 v1, v11;
	v22 =	vld.idx.msk [tilespmem:v22+s7+$0x0], $0xffff;
	[tilespmem:s19+$0x13530] =	vst v21  }
0x487: {  	v11 =	vtrunc.f32 v19;
	v19 =	vld [tilespmem:s14+$0x7550];
	[tilespmem:s20+$0x13530] =	vst v20  }
0x488: {  	v11 =	vcvt.f32.s32 v11;
	v13 =	vld.idx.msk [tilespmem:v10+s7+$0x0], $0xffff;
	v10 =	vmov v18  }
.Ltmp4:
0x489: {  	v16 =	vtrunc.f32 v16;
	v12 =	vld.idx.msk [tilespmem:v9+s7+$0x0], $0xffff;
	v9 =	vmov v15;
	(pc) =	sbr.rel @p2 .LBB2_7-.Ltmp4, $4  }
0x48a: {  	v11 =	vshll.u32 v11, $0x7;
	[tilespmem:s11+$0x13500] =	vst v17;
	v17 =	vcvt.f32.s32 v16;
	v16 =	vld [tilespmem:s11+$0x7530]  }
0x48b: {  	[tilespmem:s12+$0x13500] =	vst v14;
	v11 =	vor.u32 v1, v11;
	v15 =	vld.idx.msk [tilespmem:v24+s7+$0x0], $0xffff  }
0x48c: {  	v14 =	vld.idx.msk [tilespmem:v23+s7+$0x0], $0xffff;
	v17 =	vshll.u32 v17, $0x7;
	[tilespmem:s14+$0x13500] =	vst v22;
	v18 =	vtrunc.f32 v19  }
0x48d: {  	s3 =	sadd.s32 $0x300, s3;
	s31 =	sadd.s32 $0x180, s31;
	v19 =	vor.u32 v1, v17;
	v17 =	vld.idx.msk [tilespmem:v28+s7+$0x0], $0xffff;
	v18 =	vcvt.f32.s32 v18  }
0x48e: {  	_ = 	snop  }
0x48f: {  	v16 =	vtrunc.f32 v16  }
0x490: {  	v20 =	vld [tilespmem:s11+$0x7540];
	v16 =	vcvt.f32.s32 v16  }
0x491: {  	[tilespmem:s11+$0x13510] =	vst v15  }
0x492: {  	v15 =	vld.idx.msk [tilespmem:v19+s7+$0x0], $0xffff;
	[tilespmem:s12+$0x13510] =	vst v14;
	v16 =	vshll.u32 v16, $0x7  }
0x493: {  	[tilespmem:s14+$0x13510] =	vst v17;
	v5 =	vld.idx.msk [tilespmem:v5+s7+$0x0], $0xffff;
	v14 =	vor.u32 v1, v16  }
0x494: {  	v6 =	vld.idx.msk [tilespmem:v6+s7+$0x0], $0xffff  }
0x495: {  	v16 =	vtrunc.f32 v20  }
0x496: {  	v17 =	vld [tilespmem:s11+$0x7550];
	v16 =	vcvt.f32.s32 v16  }
0x497: {  	[tilespmem:s11+$0x13520] =	vst v15  }
0x498: {  	v15 =	vshll.u32 v16, $0x7;
	[tilespmem:s12+$0x13520] =	vst v5;
	v14 =	vld.idx.msk [tilespmem:v14+s7+$0x0], $0xffff  }
0x499: {  	v15 =	vor.u32 v1, v15;
	[tilespmem:s14+$0x13520] =	vst v6;
	v5 =	vld.idx.msk [tilespmem:v8+s7+$0x0], $0xffff  }
0x49a: {  	v7 =	vld.idx.msk [tilespmem:v7+s7+$0x0], $0xffff  }
0x49b: {  	v6 =	vtrunc.f32 v17  }
0x49c: {  	v6 =	vcvt.f32.s32 v6  }
0x49d: {  	[tilespmem:s11+$0x13530] =	vst v14  }
0x49e: {  	v6 =	vshll.u32 v6, $0x7;
	[tilespmem:s12+$0x13530] =	vst v5;
	v8 =	vld.idx.msk [tilespmem:v15+s7+$0x0], $0xffff  }
0x49f: {  	s0 =	sadd.s32 @!p0 $0x4, s10;
	v6 =	vor.u32 v1, v6;
	[tilespmem:s14+$0x13530] =	vst v7;
	v5 =	vld.idx.msk [tilespmem:v10+s7+$0x0], $0xffff  }
0x4a0: {  	s3 =	smulhi.u32 @!p0 $0xCCCCCCCD, s0;
	v7 =	vshll.u32 v18, $0x7;
	v9 =	vld.idx.msk [tilespmem:v9+s7+$0x0], $0xffff  }
0x4a1: {  	[tilespmem:s19+$0x13540] =	vst v13;
	v2 =	vld.idx.msk [tilespmem:v2+s7+$0x0], $0xffff;
	v7 =	vor.u32 v1, v7  }
0x4a2: {  	[tilespmem:s20+$0x13540] =	vst v12;
	s5 =	smul.u32 $0xC000, s8;
	v3 =	vld.idx.msk [tilespmem:v3+s7+$0x0], $0xffff;
	s3 =	sshrl.u32 @!p0 s3, $0x9  }
0x4a3: {  	v4 =	vld.idx.msk [tilespmem:v4+s7+$0x0], $0xffff;
	s8 =	smul.u32 @!p0 $0x280, s3;
	[tilespmem:s11+$0x13540] =	vst v8  }
0x4a4: {  	[tilespmem:s12+$0x13540] =	vst v5;
	v6 =	vld.idx.msk [tilespmem:v6+s7+$0x0], $0xffff  }
0x4a5: {  	s4 =	smul.u32 $0x780000, s4;
	s0 =	ssub.s32 @!p0 s0, s8;
	v5 =	vld.idx.msk [tilespmem:v11+s7+$0x0], $0xffff;
	[tilespmem:s14+$0x13540] =	vst v9  }
0x4a6: {  	s3 =	smul.u32 @!p0 $0x780000, s3;
	[tilespmem:s18+$0x13550] =	vst v2;
	s0 =	sshrl.u32 @!p0 s0, $0x2;
	v2 =	vld.idx.msk [tilespmem:v7+s7+$0x0], $0xffff  }
0x4a7: {  	[tilespmem:s19+$0x13550] =	vst v3;
	s0 =	smul.u32 @!p0 $0xC000, s0  }
0x4a8: {  	s4 =	sadd.s32 s4, s5;
	[tilespmem:s20+$0x13550] =	vst v4  }
0x4a9: {  	s4 =	sadd.s32 $0x6000, s4;
	s0 =	sadd.s32 @!p0 s3, s0;
	[tilespmem:s11+$0x13550] =	vst v6  }
0x4aa: {  	s4 =	sshrl.u32 s4, $0x3;
	s0 =	sadd.s32 @!p0 $0x6000, s0;
	[tilespmem:s12+$0x13550] =	vst v5  }
0x4ab: {  	s4 =	sadd.s32 s6, s4;
	s0 =	sshrl.u32 @!p0 s0, $0x3;
	[tilespmem:s14+$0x13550] =	vst v2  }
0x4ac: {  	[hbm4b:s4+s7] =	stream.linear.scatter [tilespmem:s28], [sflag:$0x7], $0x3000, $0x38;
	[tilespmem:$0x19100] =	vst v63  }
0x4ad: {  	s3 =	simm.s32 @!p0 $0x0;
	s0 =	sadd.s32 @!p0 s2, s0;
	s4 =	simm.s32 @!p0 $0x7100  }
0x4ae: {  	[tilespmem:s4], [sflag:$0x3] =	stream.linear.gather @!p0 [hbm4b:s0+s3], $0x3000, $0x38;
	[tilespmem:$0x19100] =	vst v63  }
0x4af: {  	_ =	swait.ge [sflag:s29], $0x3000  }
0x4b0: {  	s31 =	simm.s32 $0x0;
	s10 =	simm.s32 $0x100;
	[sflag:s29] =	ssyncset.done $0x0  }
0x4b1: {  	s5 =	sand.u32 $0x7800, s10;
	s0 =	simm.s32 @!p1 $0x8;
	[sflag:s29] =	ssyncadd.s32 $0xFFFFD000  }
0x4b2: {  	s11 =	simm.s32 $0x80;
	s12 =	simm.s32 $0x0;
	_ =	swait.ge @!p1 [sflag:s0], $0x3000  }
0x4b3: {  	s8 =	sand.u32 $0x380, s11;
	s14 =	sand.u32 $0x3800, s12;
	[sflag:s0] =	ssyncset.done @!p1 $0x0  }
0x4b4: {  	s10 =	sor.u32 s8, s5;
	s4 =	sand.u32 $0x380, s31;
	[sflag:s0] =	ssyncadd.s32 @!p1 $0xFFFFD000  }
0x4b5: {  	s8 =	sor.u32 s4, s14;
	v2 =	vld [tilespmem:s10+$0xA100]  }
0x4b6: {  	v3 =	vld [tilespmem:s8+$0xA100]  }
0x4b7: {  	v5 =	vld [tilespmem:s10+$0xA110]  }
0x4b8: {  	v6 =	vld [tilespmem:s8+$0xA110]  }
0x4b9: {  	v8 =	vld [tilespmem:s8+$0xA120]  }
0x4ba: {  	v10 =	vld [tilespmem:s8+$0xA130]  }
0x4bb: {  	v12 =	vld [tilespmem:s10+$0xA120]  }
0x4bc: {  	v13 =	vld [tilespmem:s8+$0xA140]  }
0x4bd: {  	v15 =	vld [tilespmem:s10+$0xA140]  }
0x4be: {  	s21 =	simm.s32 $0x100;
	s23 =	simm.s32 $0x200;
	v16 =	vld [tilespmem:s8+$0xA160]  }
0x4bf: {  	s3 =	sand.u32 $0x7800, s23;
	s0 =	sand.u32 $0x380, s21;
	v17 =	vld [tilespmem:s10+$0xA530]  }
0x4c0: {  	s18 =	sor.u32 s0, s3;
	v20 =	vld [tilespmem:s10+$0xA550]  }
0x4c1: {  	v4 =	vld [tilespmem:s18+$0xA100]  }
0x4c2: {  	v7 =	vld [tilespmem:s18+$0xA110]  }
0x4c3: {  	s16 =	simm.s32 $0x400;
	s23 =	simm.s32 $0x300;
	s21 =	simm.s32 $0x180;
	v9 =	vld [tilespmem:s18+$0xA120];
	v2 =	vtrunc.f32 v2  }
0x4c4: {  	s19 =	simm.s32 $0x200;
	s11 =	sand.u32 $0x3800, s23;
	s5 =	sand.u32 $0x380, s21;
	v11 =	vld [tilespmem:s18+$0xA130];
	v2 =	vcvt.f32.s32 v2  }
0x4c5: {  	s0 =	sand.u32 $0x7800, s16;
	s3 =	sand.u32 $0x380, s19;
	v14 =	vld [tilespmem:s18+$0xA140];
	s19 =	sor.u32 s5, s11;
	v3 =	vtrunc.f32 v3  }
0x4c6: {  	s31 =	sor.u32 s3, s0;
	v18 =	vld [tilespmem:s19+$0xA110];
	v3 =	vcvt.f32.s32 v3;
	v4 =	vtrunc.f32 v4;
	v2 =	vshll.u32 v2, $0x7  }
0x4c7: {  	v21 =	vld [tilespmem:s31+$0xA110];
	v4 =	vcvt.f32.s32 v4;
	v2 =	vor.u32 v1, v2  }
0x4c8: {  	v23 =	vld [tilespmem:s19+$0xA130];
	v3 =	vshll.u32 v3, $0x7  }
0x4c9: {  	v25 =	vld [tilespmem:s31+$0xA120];
	v3 =	vor.u32 v1, v3;
	v4 =	vshll.u32 v4, $0x7  }
0x4ca: {  	v51 =	vld [tilespmem:s19+$0xA140];
	v5 =	vtrunc.f32 v5;
	v4 =	vor.u32 v1, v4  }
0x4cb: {  	v52 =	vld [tilespmem:s31+$0xA130];
	v6 =	vtrunc.f32 v6;
	v5 =	vcvt.f32.s32 v5  }
0x4cc: {  	v6 =	vcvt.f32.s32 v6;
	v2 =	vld.idx.msk [tilespmem:v2+s7+$0x0], $0xffff  }
0x4cd: {  	v53 =	vld [tilespmem:s19+$0xA160];
	v7 =	vtrunc.f32 v7;
	v5 =	vshll.u32 v5, $0x7  }
0x4ce: {  	v7 =	vcvt.f32.s32 v7;
	v6 =	vshll.u32 v6, $0x7;
	v5 =	vor.u32 v1, v5;
	v3 =	vld.idx.msk [tilespmem:v3+s7+$0x0], $0xffff  }
0x4cf: {  	v6 =	vor.u32 v1, v6;
	v4 =	vld.idx.msk [tilespmem:v4+s7+$0x0], $0xffff  }
0x4d0: {  	v54 =	vld [tilespmem:s31+$0xA140];
	v12 =	vtrunc.f32 v12;
	v7 =	vshll.u32 v7, $0x7  }
0x4d1: {  	v8 =	vtrunc.f32 v8;
	v12 =	vcvt.f32.s32 v12;
	v7 =	vor.u32 v1, v7;
	[tilespmem:s10+$0x16100] =	vst v2;
	v2 =	vld [tilespmem:s10+$0xA130]  }
0x4d2: {  	v56 =	vld [tilespmem:s19+$0xA170];
	v9 =	vtrunc.f32 v9;
	v8 =	vcvt.f32.s32 v8  }
0x4d3: {  	[tilespmem:s8+$0x16100] =	vst v3;
	v3 =	vcvt.f32.s32 v9;
	v9 =	vshll.u32 v12, $0x7;
	v5 =	vld.idx.msk [tilespmem:v5+s7+$0x0], $0xffff  }
0x4d4: {  	v6 =	vld.idx.msk [tilespmem:v6+s7+$0x0], $0xffff;
	[tilespmem:s18+$0x16100] =	vst v4;
	v4 =	vshll.u32 v8, $0x7;
	v8 =	vor.u32 v1, v9  }
0x4d5: {  	v57 =	vld [tilespmem:s31+$0xA150]  }
0x4d6: {  	v7 =	vld.idx.msk [tilespmem:v7+s7+$0x0], $0xffff;
	v3 =	vshll.u32 v3, $0x7;
	v4 =	vor.u32 v1, v4;
	v2 =	vtrunc.f32 v2  }
0x4d7: {  	v58 =	vld [tilespmem:s19+$0xA500];
	v3 =	vor.u32 v1, v3;
	v2 =	vcvt.f32.s32 v2  }
0x4d8: {  	v28 =	vld [tilespmem:s19+$0xA510];
	v10 =	vtrunc.f32 v10;
	[tilespmem:s10+$0x16110] =	vst v5  }
0x4d9: {  	v10 =	vcvt.f32.s32 v10;
	v5 =	vtrunc.f32 v11;
	[tilespmem:s8+$0x16110] =	vst v6;
	v6 =	vld.idx.msk [tilespmem:v8+s7+$0x0], $0xffff;
	v2 =	vshll.u32 v2, $0x7  }
0x4da: {  	v60 =	vld [tilespmem:s31+$0xA160];
	v5 =	vcvt.f32.s32 v5;
	v2 =	vor.u32 v1, v2  }
0x4db: {  	v4 =	vld.idx.msk [tilespmem:v4+s7+$0x0], $0xffff;
	[tilespmem:s18+$0x16110] =	vst v7;
	v7 =	vshll.u32 v10, $0x7  }
0x4dc: {  	v10 =	vtrunc.f32 v15;
	v3 =	vld.idx.msk [tilespmem:v3+s7+$0x0], $0xffff;
	v7 =	vor.u32 v1, v7;
	v5 =	vshll.u32 v5, $0x7  }
0x4dd: {  	v11 =	vld [tilespmem:s10+$0xA150];
	v10 =	vcvt.f32.s32 v10;
	v5 =	vor.u32 v1, v5  }
0x4de: {  	v13 =	vtrunc.f32 v13;
	v9 =	vld [tilespmem:s8+$0xA150];
	[tilespmem:s10+$0x16120] =	vst v6  }
0x4df: {  	v13 =	vcvt.f32.s32 v13;
	v10 =	vshll.u32 v10, $0x7;
	v6 =	vtrunc.f32 v14;
	v2 =	vld.idx.msk [tilespmem:v2+s7+$0x0], $0xffff  }
0x4e0: {  	v12 =	vld [tilespmem:s18+$0xA150];
	[tilespmem:s8+$0x16120] =	vst v4;
	v4 =	vor.u32 v1, v10;
	v6 =	vcvt.f32.s32 v6  }
0x4e1: {  	v10 =	vshll.u32 v13, $0x7;
	v7 =	vld.idx.msk [tilespmem:v7+s7+$0x0], $0xffff;
	[tilespmem:s18+$0x16120] =	vst v3  }
0x4e2: {  	v3 =	vshll.u32 v6, $0x7;
	v6 =	vor.u32 v1, v10;
	v5 =	vld.idx.msk [tilespmem:v5+s7+$0x0], $0xffff;
	v10 =	vtrunc.f32 v11  }
0x4e3: {  	v11 =	vld [tilespmem:s10+$0xA160];
	v3 =	vor.u32 v1, v3;
	v10 =	vcvt.f32.s32 v10  }
0x4e4: {  	v61 =	vld [tilespmem:s31+$0xA170];
	v9 =	vtrunc.f32 v9;
	[tilespmem:s10+$0x16130] =	vst v2  }
0x4e5: {  	v10 =	vshll.u32 v10, $0x7;
	v2 =	vcvt.f32.s32 v9;
	v9 =	vtrunc.f32 v12;
	v4 =	vld.idx.msk [tilespmem:v4+s7+$0x0], $0xffff  }
0x4e6: {  	v8 =	vld [tilespmem:s18+$0xA160];
	[tilespmem:s8+$0x16130] =	vst v7;
	v7 =	vor.u32 v1, v10;
	v9 =	vcvt.f32.s32 v9  }
0x4e7: {  	v6 =	vld.idx.msk [tilespmem:v6+s7+$0x0], $0xffff;
	[tilespmem:s18+$0x16130] =	vst v5;
	v2 =	vshll.u32 v2, $0x7  }
0x4e8: {  	v3 =	vld.idx.msk [tilespmem:v3+s7+$0x0], $0xffff;
	v2 =	vor.u32 v1, v2;
	v5 =	vshll.u32 v9, $0x7;
	v9 =	vtrunc.f32 v11  }
0x4e9: {  	v10 =	vld [tilespmem:s10+$0xA170];
	v5 =	vor.u32 v1, v5;
	v9 =	vcvt.f32.s32 v9  }
0x4ea: {  	v15 =	vld [tilespmem:s8+$0xA170];
	v11 =	vtrunc.f32 v16;
	[tilespmem:s10+$0x16140] =	vst v4  }
0x4eb: {  	v8 =	vtrunc.f32 v8;
	v4 =	vcvt.f32.s32 v11;
	v9 =	vshll.u32 v9, $0x7;
	v11 =	vld.idx.msk [tilespmem:v7+s7+$0x0], $0xffff  }
0x4ec: {  	v14 =	vld [tilespmem:s18+$0xA170];
	v8 =	vcvt.f32.s32 v8;
	[tilespmem:s8+$0x16140] =	vst v6;
	v6 =	vor.u32 v1, v9  }
0x4ed: {  	[tilespmem:s18+$0x16140] =	vst v3;
	v4 =	vshll.u32 v4, $0x7;
	v2 =	vld.idx.msk [tilespmem:v2+s7+$0x0], $0xffff  }
0x4ee: {  	v3 =	vor.u32 v1, v4;
	v4 =	vshll.u32 v8, $0x7;
	v5 =	vld.idx.msk [tilespmem:v5+s7+$0x0], $0xffff;
	v8 =	vtrunc.f32 v10  }
0x4ef: {  	v9 =	vld [tilespmem:s10+$0xA500];
	v4 =	vor.u32 v1, v4;
	v8 =	vcvt.f32.s32 v8  }
0x4f0: {  	v13 =	vld [tilespmem:s8+$0xA500];
	v10 =	vtrunc.f32 v15;
	[tilespmem:s10+$0x16150] =	vst v11  }
0x4f1: {  	v10 =	vcvt.f32.s32 v10;
	v11 =	vtrunc.f32 v14;
	v8 =	vshll.u32 v8, $0x7;
	v14 =	vld.idx.msk [tilespmem:v6+s7+$0x0], $0xffff  }
0x4f2: {  	v12 =	vld [tilespmem:s18+$0xA500];
	v11 =	vcvt.f32.s32 v11;
	[tilespmem:s8+$0x16150] =	vst v2;
	v2 =	vor.u32 v1, v8  }
0x4f3: {  	v8 =	vshll.u32 v10, $0x7;
	v10 =	vld.idx.msk [tilespmem:v3+s7+$0x0], $0xffff;
	[tilespmem:s18+$0x16150] =	vst v5  }
0x4f4: {  	v5 =	vor.u32 v1, v8;
	v8 =	vtrunc.f32 v9;
	v3 =	vshll.u32 v11, $0x7;
	v4 =	vld.idx.msk [tilespmem:v4+s7+$0x0], $0xffff  }
0x4f5: {  	v11 =	vld [tilespmem:s10+$0xA510];
	v9 =	vor.u32 v1, v3;
	v3 =	vcvt.f32.s32 v8  }
0x4f6: {  	v13 =	vtrunc.f32 v13;
	v15 =	vld [tilespmem:s8+$0xA510];
	[tilespmem:s10+$0x16160] =	vst v14  }
0x4f7: {  	v13 =	vcvt.f32.s32 v13;
	v12 =	vtrunc.f32 v12;
	v14 =	vshll.u32 v3, $0x7;
	v2 =	vld.idx.msk [tilespmem:v2+s7+$0x0], $0xffff  }
0x4f8: {  	v16 =	vld [tilespmem:s18+$0xA510];
	v12 =	vcvt.f32.s32 v12;
	[tilespmem:s8+$0x16160] =	vst v10;
	v10 =	vor.u32 v1, v14  }
0x4f9: {  	v13 =	vshll.u32 v13, $0x7;
	v5 =	vld.idx.msk [tilespmem:v5+s7+$0x0], $0xffff;
	[tilespmem:s18+$0x16160] =	vst v4  }
0x4fa: {  	v12 =	vshll.u32 v12, $0x7;
	v4 =	vor.u32 v1, v13;
	v13 =	vld.idx.msk [tilespmem:v9+s7+$0x0], $0xffff;
	v9 =	vtrunc.f32 v11  }
0x4fb: {  	v12 =	vor.u32 v1, v12;
	v14 =	vld [tilespmem:s10+$0xA520];
	v9 =	vcvt.f32.s32 v9  }
0x4fc: {  	v63 =	vld [tilespmem:s31+$0xA500];
	v15 =	vtrunc.f32 v15;
	[tilespmem:s10+$0x16170] =	vst v2  }
0x4fd: {  	v2 =	vcvt.f32.s32 v15;
	v15 =	vtrunc.f32 v16;
	v16 =	vshll.u32 v9, $0x7;
	v10 =	vld.idx.msk [tilespmem:v10+s7+$0x0], $0xffff  }
0x4fe: {  	v32 =	vld [tilespmem:s31+$0xA510];
	v15 =	vcvt.f32.s32 v15;
	[tilespmem:s8+$0x16170] =	vst v5;
	v5 =	vor.u32 v1, v16  }
0x4ff: {  	v2 =	vshll.u32 v2, $0x7;
	v16 =	vld.idx.msk [tilespmem:v4+s7+$0x0], $0xffff;
	[tilespmem:s18+$0x16170] =	vst v13  }
0x500: {  	v14 =	vtrunc.f32 v14;
	v13 =	vor.u32 v1, v2;
	v2 =	vshll.u32 v15, $0x7;
	v12 =	vld.idx.msk [tilespmem:v12+s7+$0x0], $0xffff  }
0x501: {  	s20 =	simm.s32 $0x280;
	s3 =	simm.s32 $0x500;
	v36 =	vld [tilespmem:s31+$0xA520];
	v15 =	vor.u32 v1, v2;
	v2 =	vcvt.f32.s32 v14  }
0x502: {  	s12 =	sand.u32 $0x380, s20;
	s0 =	sand.u32 $0x7800, s3;
	v43 =	vld [tilespmem:s31+$0xA550];
	[tilespmem:s10+$0x16500] =	vst v10  }
0x503: {  	s20 =	sor.u32 s12, s0;
	v10 =	vshll.u32 v2, $0x7;
	v5 =	vld.idx.msk [tilespmem:v5+s7+$0x0], $0xffff  }
0x504: {  	v19 =	vld [tilespmem:s20+$0xA110];
	[tilespmem:s8+$0x16500] =	vst v16;
	v16 =	vor.u32 v1, v10  }
0x505: {  	v10 =	vld.idx.msk [tilespmem:v13+s7+$0x0], $0xffff;
	[tilespmem:s18+$0x16500] =	vst v12  }
0x506: {  	v14 =	vld.idx.msk [tilespmem:v15+s7+$0x0], $0xffff  }
0x507: {  	v15 =	vld [tilespmem:s31+$0xA100]  }
0x508: {  	v12 =	vtrunc.f32 v17;
	v13 =	vld [tilespmem:s10+$0xA540];
	[tilespmem:s10+$0x16510] =	vst v5  }
0x509: {  	v5 =	vcvt.f32.s32 v12;
	v12 =	vld.idx.msk [tilespmem:v16+s7+$0x0], $0xffff  }
0x50a: {  	v16 =	vld [tilespmem:s19+$0xA100]  }
0x50b: {  	v17 =	vld [tilespmem:s20+$0xA100];
	v5 =	vshll.u32 v5, $0x7  }
0x50c: {  	v22 =	vld [tilespmem:s20+$0xA120];
	v15 =	vtrunc.f32 v15;
	v5 =	vor.u32 v1, v5  }
0x50d: {  	v24 =	vld [tilespmem:s20+$0xA130];
	v15 =	vcvt.f32.s32 v15  }
0x50e: {  	v26 =	vld [tilespmem:s20+$0xA140];
	v13 =	vtrunc.f32 v13  }
0x50f: {  	v55 =	vld [tilespmem:s20+$0xA160];
	v15 =	vshll.u32 v15, $0x7;
	v16 =	vtrunc.f32 v16;
	[tilespmem:s10+$0x16520] =	vst v12;
	v12 =	vcvt.f32.s32 v13  }
0x510: {  	s23 =	simm.s32 $0x600;
	s16 =	simm.s32 $0x380;
	s21 =	simm.s32 $0x300;
	v27 =	vld [tilespmem:s20+$0xA170];
	v15 =	vor.u32 v1, v15;
	v13 =	vcvt.f32.s32 v16;
	v16 =	vtrunc.f32 v17  }
0x511: {  	s5 =	sand.u32 $0x380, s21;
	s3 =	sand.u32 $0x380, s16;
	s16 =	sand.u32 $0x3800, s23;
	v5 =	vld.idx.msk [tilespmem:v5+s7+$0x0], $0xffff;
	v16 =	vcvt.f32.s32 v16;
	v12 =	vshll.u32 v12, $0x7  }
0x512: {  	s12 =	sor.u32 s5, s16;
	v59 =	vld [tilespmem:s20+$0xA500];
	v13 =	vshll.u32 v13, $0x7;
	v12 =	vor.u32 v1, v12  }
0x513: {  	v41 =	vld [tilespmem:s12+$0xA110];
	v21 =	vtrunc.f32 v21;
	v13 =	vor.u32 v1, v13;
	v16 =	vshll.u32 v16, $0x7  }
0x514: {  	v45 =	vld [tilespmem:s12+$0xA120];
	v21 =	vcvt.f32.s32 v21;
	v16 =	vor.u32 v1, v16  }
0x515: {  	v20 =	vtrunc.f32 v20;
	v18 =	vtrunc.f32 v18;
	v15 =	vld.idx.msk [tilespmem:v15+s7+$0x0], $0xffff  }
0x516: {  	v18 =	vcvt.f32.s32 v18;
	v17 =	vld [tilespmem:s19+$0xA120];
	[tilespmem:s10+$0x16530] =	vst v5;
	v5 =	vcvt.f32.s32 v20;
	v20 =	vshll.u32 v21, $0x7  }
0x517: {  	v19 =	vtrunc.f32 v19;
	v12 =	vld.idx.msk [tilespmem:v12+s7+$0x0], $0xffff;
	v20 =	vor.u32 v1, v20  }
0x518: {  	s14 =	simm.s32 $0x700;
	v19 =	vcvt.f32.s32 v19;
	v18 =	vshll.u32 v18, $0x7;
	v13 =	vld.idx.msk [tilespmem:v13+s7+$0x0], $0xffff  }
0x519: {  	s0 =	sand.u32 $0x7800, s14;
	v18 =	vor.u32 v1, v18;
	v16 =	vld.idx.msk [tilespmem:v16+s7+$0x0], $0xffff  }
0x51a: {  	s11 =	sor.u32 s3, s0;
	v47 =	vld [tilespmem:s12+$0xA130];
	v19 =	vshll.u32 v19, $0x7;
	[tilespmem:s31+$0x16100] =	vst v15;
	v15 =	vtrunc.f32 v25  }
0x51b: {  	v44 =	vld [tilespmem:s11+$0xA110];
	v19 =	vor.u32 v1, v19;
	v17 =	vtrunc.f32 v17;
	v15 =	vcvt.f32.s32 v15  }
0x51c: {  	s4 =	simm.s32 $0x400;
	s14 =	simm.s32 $0x800;
	v17 =	vcvt.f32.s32 v17;
	v20 =	vld.idx.msk [tilespmem:v20+s7+$0x0], $0xffff;
	[tilespmem:s10+$0x16540] =	vst v12  }
0x51d: {  	s21 =	sand.u32 $0x380, s4;
	s0 =	sand.u32 $0x7800, s14;
	v49 =	vld [tilespmem:s11+$0xA120];
	v15 =	vshll.u32 v15, $0x7;
	[tilespmem:s19+$0x16100] =	vst v13  }
0x51e: {  	s14 =	sor.u32 s21, s0;
	v12 =	vtrunc.f32 v22;
	v15 =	vor.u32 v1, v15;
	v13 =	vld.idx.msk [tilespmem:v18+s7+$0x0], $0xffff;
	[tilespmem:s20+$0x16100] =	vst v16;
	v16 =	vshll.u32 v17, $0x7  }
0x51f: {  	v40 =	vld [tilespmem:s14+$0xA100];
	v12 =	vcvt.f32.s32 v12;
	v16 =	vor.u32 v1, v16  }
0x520: {  	v25 =	vtrunc.f32 v52;
	v17 =	vld.idx.msk [tilespmem:v19+s7+$0x0], $0xffff  }
0x521: {  	v42 =	vld [tilespmem:s14+$0xA110];
	v12 =	vshll.u32 v12, $0x7;
	[tilespmem:s31+$0x16110] =	vst v20;
	v20 =	vcvt.f32.s32 v25  }
0x522: {  	v46 =	vld [tilespmem:s14+$0xA120];
	v23 =	vtrunc.f32 v23;
	v12 =	vor.u32 v1, v12  }
0x523: {  	v23 =	vcvt.f32.s32 v23;
	[tilespmem:s19+$0x16110] =	vst v13;
	v13 =	vld.idx.msk [tilespmem:v15+s7+$0x0], $0xffff;
	v20 =	vshll.u32 v20, $0x7  }
0x524: {  	v24 =	vtrunc.f32 v24;
	v16 =	vld.idx.msk [tilespmem:v16+s7+$0x0], $0xffff;
	v20 =	vor.u32 v1, v20  }
0x525: {  	v48 =	vld [tilespmem:s14+$0xA130];
	v15 =	vcvt.f32.s32 v24;
	[tilespmem:s20+$0x16110] =	vst v17;
	v17 =	vshll.u32 v23, $0x7  }
0x526: {  	v38 =	vtrunc.f32 v36;
	v36 =	vld [tilespmem:s12+$0xA500];
	v17 =	vor.u32 v1, v17  }
0x527: {  	v25 =	vtrunc.f32 v54;
	v12 =	vld.idx.msk [tilespmem:v12+s7+$0x0], $0xffff;
	v15 =	vshll.u32 v15, $0x7  }
0x528: {  	v7 =	vld [tilespmem:s18+$0xA520];
	v15 =	vor.u32 v1, v15;
	[tilespmem:s31+$0x16120] =	vst v13;
	v13 =	vcvt.f32.s32 v25  }
0x529: {  	v21 =	vtrunc.f32 v51;
	[tilespmem:s19+$0x16120] =	vst v16;
	v16 =	vld.idx.msk [tilespmem:v20+s7+$0x0], $0xffff  }
0x52a: {  	v21 =	vcvt.f32.s32 v21;
	v18 =	vld [tilespmem:s19+$0xA150];
	v13 =	vshll.u32 v13, $0x7  }
0x52b: {  	v26 =	vtrunc.f32 v26;
	v17 =	vld.idx.msk [tilespmem:v17+s7+$0x0], $0xffff;
	v13 =	vor.u32 v1, v13  }
0x52c: {  	v19 =	vld [tilespmem:s20+$0xA150];
	v20 =	vcvt.f32.s32 v26;
	[tilespmem:s20+$0x16120] =	vst v12;
	v12 =	vshll.u32 v21, $0x7  }
0x52d: {  	v25 =	vtrunc.f32 v57;
	v15 =	vld.idx.msk [tilespmem:v15+s7+$0x0], $0xffff;
	v12 =	vor.u32 v1, v12  }
0x52e: {  	v6 =	vld [tilespmem:s18+$0xA530];
	v20 =	vshll.u32 v20, $0x7;
	[tilespmem:s31+$0x16130] =	vst v16;
	v16 =	vcvt.f32.s32 v25  }
0x52f: {  	v7 =	vtrunc.f32 v7;
	v8 =	vld [tilespmem:s8+$0xA520];
	v18 =	vtrunc.f32 v18;
	v20 =	vor.u32 v1, v20  }
0x530: {  	v7 =	vcvt.f32.s32 v7;
	v18 =	vcvt.f32.s32 v18;
	[tilespmem:s19+$0x16130] =	vst v17;
	v17 =	vld.idx.msk [tilespmem:v13+s7+$0x0], $0xffff;
	v16 =	vshll.u32 v16, $0x7  }
0x531: {  	v34 =	vtrunc.f32 v32;
	v32 =	vld [tilespmem:s12+$0xA510];
	v19 =	vtrunc.f32 v19;
	v16 =	vor.u32 v1, v16  }
0x532: {  	v7 =	vshll.u32 v7, $0x7;
	v13 =	vcvt.f32.s32 v19;
	v12 =	vld.idx.msk [tilespmem:v12+s7+$0x0], $0xffff;
	[tilespmem:s20+$0x16130] =	vst v15;
	v15 =	vshll.u32 v18, $0x7  }
0x533: {  	v7 =	vor.u32 v1, v7;
	v3 =	vld [tilespmem:s18+$0xA540];
	v6 =	vtrunc.f32 v6;
	v15 =	vor.u32 v1, v15  }
0x534: {  	v6 =	vcvt.f32.s32 v6;
	v25 =	vtrunc.f32 v60;
	v18 =	vld.idx.msk [tilespmem:v20+s7+$0x0], $0xffff;
	v13 =	vshll.u32 v13, $0x7  }
0x535: {  	v11 =	vld [tilespmem:s8+$0xA530];
	v8 =	vtrunc.f32 v8;
	v29 =	vor.u32 v1, v13;
	[tilespmem:s31+$0x16140] =	vst v17;
	v17 =	vcvt.f32.s32 v25  }
0x536: {  	v31 =	vshll.u32 v6, $0x7;
	v22 =	vtrunc.f32 v53;
	v20 =	vcvt.f32.s32 v8;
	v16 =	vld.idx.msk [tilespmem:v16+s7+$0x0], $0xffff  }
0x537: {  	v6 =	vld [tilespmem:s20+$0xA540];
	v22 =	vcvt.f32.s32 v22;
	v23 =	vtrunc.f32 v55;
	[tilespmem:s19+$0x16140] =	vst v12;
	v17 =	vshll.u32 v17, $0x7  }
0x538: {  	v20 =	vshll.u32 v20, $0x7;
	v12 =	vcvt.f32.s32 v23;
	v15 =	vld.idx.msk [tilespmem:v15+s7+$0x0], $0xffff;
	v17 =	vor.u32 v1, v17  }
0x539: {  	v9 =	vld [tilespmem:s8+$0xA540];
	v20 =	vor.u32 v1, v20;
	[tilespmem:s20+$0x16140] =	vst v18;
	v18 =	vshll.u32 v22, $0x7  }
0x53a: {  	[tilespmem:s18+$0x16510] =	vst v14;
	v25 =	vtrunc.f32 v61;
	v18 =	vor.u32 v1, v18;
	v23 =	vshll.u32 v12, $0x7;
	v62 =	vld.idx.msk [tilespmem:v29+s7+$0x0], $0xffff  }
0x53b: {  	v4 =	vld [tilespmem:s8+$0xA550];
	v11 =	vtrunc.f32 v11;
	v23 =	vor.u32 v1, v23;
	[tilespmem:s31+$0x16150] =	vst v16;
	v16 =	vcvt.f32.s32 v25  }
0x53c: {  	v11 =	vcvt.f32.s32 v11;
	[tilespmem:s8+$0x16510] =	vst v10;
	v7 =	vld.idx.msk [tilespmem:v7+s7+$0x0], $0xffff;
	v24 =	vtrunc.f32 v56  }
0x53d: {  	v27 =	vtrunc.f32 v27;
	v24 =	vcvt.f32.s32 v24;
	[tilespmem:s19+$0x16150] =	vst v15;
	v15 =	vld.idx.msk [tilespmem:v17+s7+$0x0], $0xffff;
	v16 =	vshll.u32 v16, $0x7  }
0x53e: {  	v11 =	vshll.u32 v11, $0x7;
	v20 =	vld.idx.msk [tilespmem:v20+s7+$0x0], $0xffff;
	v17 =	vcvt.f32.s32 v27;
	v16 =	vor.u32 v1, v16  }
0x53f: {  	v11 =	vor.u32 v1, v11;
	v14 =	vshll.u32 v24, $0x7;
	v18 =	vld.idx.msk [tilespmem:v18+s7+$0x0], $0xffff;
	[tilespmem:s20+$0x16150] =	vst v62  }
0x540: {  	v30 =	vor.u32 v1, v14;
	v22 =	vld.idx.msk [tilespmem:v23+s7+$0x0], $0xffff;
	v14 =	vshll.u32 v17, $0x7  }
0x541: {  	v3 =	vtrunc.f32 v3;
	v2 =	vld [tilespmem:s18+$0xA550];
	[tilespmem:s18+$0x16520] =	vst v7;
	v25 =	vtrunc.f32 v63;
	v17 =	vor.u32 v1, v14  }
0x542: {  	v21 =	vtrunc.f32 v58;
	v19 =	vld [tilespmem:s20+$0xA510];
	[tilespmem:s31+$0x16160] =	vst v15;
	v15 =	vcvt.f32.s32 v25  }
0x543: {  	v24 =	vor.u32 v1, v31;
	v26 =	vtrunc.f32 v59;
	v21 =	vcvt.f32.s32 v21;
	[tilespmem:s8+$0x16520] =	vst v20;
	v16 =	vld.idx.msk [tilespmem:v16+s7+$0x0], $0xffff  }
0x544: {  	v9 =	vtrunc.f32 v9;
	v7 =	vld.idx.msk [tilespmem:v11+s7+$0x0], $0xffff;
	[tilespmem:s19+$0x16160] =	vst v18;
	v18 =	vcvt.f32.s32 v26;
	v15 =	vshll.u32 v15, $0x7  }
0x545: {  	v9 =	vcvt.f32.s32 v9;
	v21 =	vshll.u32 v21, $0x7;
	v23 =	vld.idx.msk [tilespmem:v30+s7+$0x0], $0xffff;
	[tilespmem:s20+$0x16160] =	vst v22;
	v15 =	vor.u32 v1, v15  }
0x546: {  	v20 =	vor.u32 v1, v21;
	v11 =	vcvt.f32.s32 v3;
	v18 =	vshll.u32 v18, $0x7;
	v17 =	vld.idx.msk [tilespmem:v17+s7+$0x0], $0xffff  }
0x547: {  	v35 =	vtrunc.f32 v28;
	v10 =	vld [tilespmem:s20+$0xA530];
	v3 =	vshll.u32 v9, $0x7;
	v9 =	vor.u32 v1, v18  }
0x548: {  	v33 =	vor.u32 v1, v3;
	v11 =	vshll.u32 v11, $0x7;
	v18 =	vld.idx.msk [tilespmem:v24+s7+$0x0], $0xffff;
	[tilespmem:s31+$0x16170] =	vst v16;
	v16 =	vcvt.f32.s32 v34  }
0x549: {  	v51 =	vld [tilespmem:s12+$0xA140];
	v19 =	vtrunc.f32 v19;
	v11 =	vor.u32 v1, v11;
	v24 =	vcvt.f32.s32 v35  }
0x54a: {  	v4 =	vtrunc.f32 v4;
	[tilespmem:s19+$0x16170] =	vst v23;
	v37 =	vld.idx.msk [tilespmem:v15+s7+$0x0], $0xffff;
	v15 =	vcvt.f32.s32 v19;
	v16 =	vshll.u32 v16, $0x7  }
0x54b: {  	v4 =	vcvt.f32.s32 v4;
	v19 =	vld.idx.msk [tilespmem:v20+s7+$0x0], $0xffff;
	[tilespmem:s20+$0x16170] =	vst v17;
	v17 =	vshll.u32 v24, $0x7;
	v16 =	vor.u32 v1, v16  }
0x54c: {  	[tilespmem:s8+$0x16530] =	vst v7;
	v9 =	vld.idx.msk [tilespmem:v9+s7+$0x0], $0xffff;
	v17 =	vor.u32 v1, v17;
	v20 =	vshll.u32 v15, $0x7  }
0x54d: {  	v4 =	vshll.u32 v4, $0x7;
	[tilespmem:s18+$0x16530] =	vst v18;
	v18 =	vld.idx.msk [tilespmem:v33+s7+$0x0], $0xffff;
	v20 =	vor.u32 v1, v20  }
0x54e: {  	v39 =	vor.u32 v1, v4;
	v4 =	vcvt.f32.s32 v38;
	v7 =	vld.idx.msk [tilespmem:v11+s7+$0x0], $0xffff  }
0x54f: {  	v11 =	vld [tilespmem:s31+$0xA530];
	[tilespmem:s31+$0x16500] =	vst v37  }
0x550: {  	v4 =	vshll.u32 v4, $0x7;
	[tilespmem:s19+$0x16500] =	vst v19;
	v19 =	vld.idx.msk [tilespmem:v16+s7+$0x0], $0xffff  }
0x551: {  	v16 =	vld.idx.msk [tilespmem:v17+s7+$0x0], $0xffff;
	[tilespmem:s20+$0x16500] =	vst v9;
	v17 =	vor.u32 v1, v4  }
0x552: {  	v5 =	vshll.u32 v5, $0x7;
	v4 =	vld.idx.msk [tilespmem:v20+s7+$0x0], $0xffff  }
0x553: {  	v5 =	vor.u32 v1, v5;
	v20 =	vld [tilespmem:s11+$0xA100]  }
0x554: {  	[tilespmem:s8+$0x16540] =	vst v18;
	v18 =	vld [tilespmem:s31+$0xA540];
	v11 =	vtrunc.f32 v11  }
0x555: {  	v11 =	vcvt.f32.s32 v11;
	[tilespmem:s31+$0x16510] =	vst v19;
	v19 =	vld [tilespmem:s12+$0xA100]  }
0x556: {  	v17 =	vld.idx.msk [tilespmem:v17+s7+$0x0], $0xffff  }
0x557: {  	v52 =	vld [tilespmem:s11+$0xA130];
	v11 =	vshll.u32 v11, $0x7  }
0x558: {  	v5 =	vld.idx.msk [tilespmem:v5+s7+$0x0], $0xffff;
	v11 =	vor.u32 v1, v11;
	v20 =	vtrunc.f32 v20  }
0x559: {  	v54 =	vld [tilespmem:s12+$0xA150];
	v20 =	vcvt.f32.s32 v20  }
0x55a: {  	v56 =	vld [tilespmem:s12+$0xA160];
	v18 =	vtrunc.f32 v18;
	v19 =	vtrunc.f32 v19  }
0x55b: {  	v55 =	vld [tilespmem:s14+$0xA150];
	[tilespmem:s31+$0x16520] =	vst v17;
	v17 =	vcvt.f32.s32 v18;
	v18 =	vcvt.f32.s32 v19;
	v19 =	vshll.u32 v20, $0x7  }
0x55c: {  	v31 =	vld [tilespmem:s14+$0xA170];
	v19 =	vor.u32 v1, v19  }
0x55d: {  	v57 =	vtrunc.f32 v52;
	v20 =	vtrunc.f32 v40;
	v11 =	vld.idx.msk [tilespmem:v11+s7+$0x0], $0xffff;
	v17 =	vshll.u32 v17, $0x7  }
0x55e: {  	v52 =	vld [tilespmem:s12+$0xA540];
	v20 =	vcvt.f32.s32 v20;
	v18 =	vshll.u32 v18, $0x7;
	v17 =	vor.u32 v1, v17  }
0x55f: {  	v58 =	vld [tilespmem:s11+$0xA140];
	v25 =	vtrunc.f32 v44;
	v18 =	vor.u32 v1, v18  }
0x560: {  	v60 =	vld [tilespmem:s14+$0xA160];
	v25 =	vcvt.f32.s32 v25;
	v22 =	vtrunc.f32 v41;
	v20 =	vshll.u32 v20, $0x7  }
0x561: {  	v22 =	vcvt.f32.s32 v22;
	v20 =	vor.u32 v1, v20;
	v19 =	vld.idx.msk [tilespmem:v19+s7+$0x0], $0xffff  }
0x562: {  	v8 =	vld [tilespmem:s20+$0xA520];
	v50 =	vshll.u32 v25, $0x7;
	[tilespmem:s31+$0x16530] =	vst v11  }
0x563: {  	v22 =	vshll.u32 v22, $0x7;
	v23 =	vtrunc.f32 v42;
	v24 =	vtrunc.f32 v43;
	v17 =	vld.idx.msk [tilespmem:v17+s7+$0x0], $0xffff  }
0x564: {  	v23 =	vcvt.f32.s32 v23;
	v11 =	vcvt.f32.s32 v24;
	v24 =	vor.u32 v1, v50;
	v18 =	vld.idx.msk [tilespmem:v18+s7+$0x0], $0xffff  }
0x565: {  	v13 =	vld [tilespmem:s19+$0xA520];
	v22 =	vor.u32 v1, v22  }
0x566: {  	v23 =	vshll.u32 v23, $0x7;
	v20 =	vld.idx.msk [tilespmem:v20+s7+$0x0], $0xffff;
	[tilespmem:s11+$0x16100] =	vst v19;
	v19 =	vtrunc.f32 v49  }
0x567: {  	v61 =	vld [tilespmem:s12+$0xA170];
	v23 =	vor.u32 v1, v23;
	v19 =	vcvt.f32.s32 v19  }
0x568: {  	v12 =	vld [tilespmem:s19+$0xA530];
	v21 =	vtrunc.f32 v45;
	[tilespmem:s31+$0x16540] =	vst v17  }
0x569: {  	v21 =	vcvt.f32.s32 v21;
	v24 =	vld.idx.msk [tilespmem:v24+s7+$0x0], $0xffff;
	v17 =	vtrunc.f32 v46;
	[tilespmem:s12+$0x16100] =	vst v18;
	v19 =	vshll.u32 v19, $0x7  }
0x56a: {  	v6 =	vtrunc.f32 v6;
	v17 =	vcvt.f32.s32 v17;
	v18 =	vld.idx.msk [tilespmem:v22+s7+$0x0], $0xffff;
	v19 =	vor.u32 v1, v19  }
0x56b: {  	v6 =	vcvt.f32.s32 v6;
	v2 =	vtrunc.f32 v2;
	v63 =	vld [tilespmem:s11+$0xA150];
	[tilespmem:s14+$0x16100] =	vst v20;
	v20 =	vshll.u32 v21, $0x7  }
0x56c: {  	v2 =	vcvt.f32.s32 v2;
	v53 =	vld.idx.msk [tilespmem:v23+s7+$0x0], $0xffff;
	v20 =	vor.u32 v1, v20;
	v17 =	vshll.u32 v17, $0x7  }
0x56d: {  	v28 =	vtrunc.f32 v48;
	v27 =	vtrunc.f32 v47;
	v47 =	vld [tilespmem:s12+$0xA530];
	v17 =	vor.u32 v1, v17  }
0x56e: {  	v6 =	vshll.u32 v6, $0x7;
	v2 =	vshll.u32 v2, $0x7;
	v45 =	vld [tilespmem:s11+$0xA170];
	[tilespmem:s11+$0x16110] =	vst v24;
	v24 =	vcvt.f32.s32 v57  }
0x56f: {  	v48 =	vor.u32 v1, v6;
	v2 =	vor.u32 v1, v2;
	v27 =	vcvt.f32.s32 v27;
	[tilespmem:s12+$0x16110] =	vst v18;
	v18 =	vld.idx.msk [tilespmem:v19+s7+$0x0], $0xffff  }
0x570: {  	v10 =	vtrunc.f32 v10;
	v8 =	vtrunc.f32 v8;
	v30 =	vld [tilespmem:s14+$0xA140];
	v24 =	vshll.u32 v24, $0x7  }
0x571: {  	v59 =	vshll.u32 v27, $0x7;
	v19 =	vcvt.f32.s32 v28;
	v20 =	vld.idx.msk [tilespmem:v20+s7+$0x0], $0xffff;
	[tilespmem:s14+$0x16110] =	vst v53;
	v24 =	vor.u32 v1, v24  }
0x572: {  	v10 =	vcvt.f32.s32 v10;
	v8 =	vcvt.f32.s32 v8;
	v21 =	vor.u32 v1, v59;
	v17 =	vld.idx.msk [tilespmem:v17+s7+$0x0], $0xffff  }
0x573: {  	v13 =	vtrunc.f32 v13;
	v29 =	vtrunc.f32 v58;
	v14 =	vld [tilespmem:s19+$0xA540];
	v19 =	vshll.u32 v19, $0x7  }
0x574: {  	v62 =	vcvt.f32.s32 v29;
	v3 =	vld [tilespmem:s19+$0xA550];
	v19 =	vor.u32 v1, v19;
	[tilespmem:s11+$0x16120] =	vst v18;
	v18 =	vtrunc.f32 v51  }
0x575: {  	v10 =	vshll.u32 v10, $0x7;
	v13 =	vcvt.f32.s32 v13;
	v42 =	vld [tilespmem:s14+$0xA510];
	v18 =	vcvt.f32.s32 v18  }
0x576: {  	v8 =	vshll.u32 v8, $0x7;
	v25 =	vshll.u32 v62, $0x7;
	v30 =	vtrunc.f32 v30;
	[tilespmem:s12+$0x16120] =	vst v20;
	v20 =	vld.idx.msk [tilespmem:v24+s7+$0x0], $0xffff  }
0x577: {  	v35 =	vcvt.f32.s32 v30;
	v21 =	vld.idx.msk [tilespmem:v21+s7+$0x0], $0xffff;
	[tilespmem:s14+$0x16120] =	vst v17;
	v17 =	vshll.u32 v18, $0x7;
	v18 =	vor.u32 v1, v25  }
0x578: {  	v10 =	vor.u32 v1, v10;
	v8 =	vor.u32 v1, v8;
	v43 =	vld [tilespmem:s12+$0xA520];
	v17 =	vor.u32 v1, v17  }
0x579: {  	v13 =	vshll.u32 v13, $0x7;
	v12 =	vtrunc.f32 v12;
	v24 =	vshll.u32 v35, $0x7;
	v19 =	vld.idx.msk [tilespmem:v19+s7+$0x0], $0xffff  }
0x57a: {  	v12 =	vcvt.f32.s32 v12;
	v29 =	vtrunc.f32 v63;
	v9 =	vld.idx.msk [tilespmem:v39+s7+$0x0], $0xffff;
	v24 =	vor.u32 v1, v24  }
0x57b: {  	v13 =	vor.u32 v1, v13;
	v38 =	vcvt.f32.s32 v29;
	v39 =	vld [tilespmem:s11+$0xA160];
	[tilespmem:s11+$0x16130] =	vst v20;
	v20 =	vtrunc.f32 v54  }
0x57c: {  	v12 =	vshll.u32 v12, $0x7;
	v23 =	vtrunc.f32 v55;
	[tilespmem:s12+$0x16130] =	vst v21;
	v20 =	vcvt.f32.s32 v20;
	v18 =	vld.idx.msk [tilespmem:v18+s7+$0x0], $0xffff  }
0x57d: {  	v14 =	vtrunc.f32 v14;
	v22 =	vshll.u32 v38, $0x7;
	v40 =	vcvt.f32.s32 v23;
	v17 =	vld.idx.msk [tilespmem:v17+s7+$0x0], $0xffff  }
0x57e: {  	v3 =	vtrunc.f32 v3;
	v15 =	vld [tilespmem:s20+$0xA550];
	[tilespmem:s14+$0x16130] =	vst v19;
	v19 =	vshll.u32 v20, $0x7;
	v20 =	vor.u32 v1, v22  }
0x57f: {  	v14 =	vcvt.f32.s32 v14;
	[tilespmem:s19+$0x16510] =	vst v16;
	v21 =	vshll.u32 v40, $0x7;
	v41 =	vld.idx.msk [tilespmem:v24+s7+$0x0], $0xffff;
	v19 =	vor.u32 v1, v19  }
0x580: {  	v3 =	vcvt.f32.s32 v3;
	v29 =	vtrunc.f32 v39;
	v13 =	vld.idx.msk [tilespmem:v13+s7+$0x0], $0xffff;
	[tilespmem:s20+$0x16510] =	vst v4;
	v21 =	vor.u32 v1, v21  }
0x581: {  	v12 =	vor.u32 v1, v12;
	v44 =	vcvt.f32.s32 v29;
	v8 =	vld.idx.msk [tilespmem:v8+s7+$0x0], $0xffff;
	[tilespmem:s11+$0x16140] =	vst v18;
	v18 =	vtrunc.f32 v56  }
0x582: {  	v14 =	vshll.u32 v14, $0x7;
	v37 =	vld [tilespmem:s14+$0xA500];
	[tilespmem:s12+$0x16140] =	vst v17;
	v17 =	vcvt.f32.s32 v18;
	v18 =	vtrunc.f32 v60  }
0x583: {  	v6 =	vtrunc.f32 v15;
	v26 =	vshll.u32 v44, $0x7;
	v20 =	vld.idx.msk [tilespmem:v20+s7+$0x0], $0xffff;
	v18 =	vcvt.f32.s32 v18  }
0x584: {  	v15 =	vtrunc.f32 v45;
	v46 =	vor.u32 v1, v26;
	[tilespmem:s14+$0x16140] =	vst v41;
	v19 =	vld.idx.msk [tilespmem:v19+s7+$0x0], $0xffff;
	v17 =	vshll.u32 v17, $0x7  }
0x585: {  	v15 =	vcvt.f32.s32 v15;
	[tilespmem:s19+$0x16520] =	vst v13;
	v21 =	vld.idx.msk [tilespmem:v21+s7+$0x0], $0xffff;
	v17 =	vor.u32 v1, v17;
	v18 =	vshll.u32 v18, $0x7  }
0x586: {  	v3 =	vshll.u32 v3, $0x7;
	v6 =	vcvt.f32.s32 v6;
	v12 =	vld.idx.msk [tilespmem:v12+s7+$0x0], $0xffff;
	[tilespmem:s20+$0x16520] =	vst v8;
	v16 =	vor.u32 v1, v18  }
0x587: {  	v14 =	vor.u32 v1, v14;
	v3 =	vor.u32 v1, v3;
	v15 =	vshll.u32 v15, $0x7;
	v10 =	vld.idx.msk [tilespmem:v10+s7+$0x0], $0xffff  }
0x588: {  	v6 =	vshll.u32 v6, $0x7;
	v15 =	vor.u32 v1, v15;
	v49 =	vld [tilespmem:s11+$0xA500];
	[tilespmem:s11+$0x16150] =	vst v20;
	v20 =	vtrunc.f32 v61  }
0x589: {  	v11 =	vshll.u32 v11, $0x7;
	[tilespmem:s12+$0x16150] =	vst v19;
	v19 =	vcvt.f32.s32 v20;
	v20 =	vtrunc.f32 v31;
	v22 =	vld.idx.msk [tilespmem:v46+s7+$0x0], $0xffff  }
0x58a: {  	v13 =	vtrunc.f32 v43;
	v11 =	vor.u32 v1, v11;
	[tilespmem:s14+$0x16150] =	vst v21;
	v20 =	vcvt.f32.s32 v20;
	v17 =	vld.idx.msk [tilespmem:v17+s7+$0x0], $0xffff  }
0x58b: {  	v51 =	vtrunc.f32 v32;
	v4 =	vshll.u32 v19, $0x7;
	v19 =	vtrunc.f32 v36;
	v16 =	vld.idx.msk [tilespmem:v16+s7+$0x0], $0xffff  }
0x58c: {  	v63 =	vld [tilespmem:s14+$0xA550];
	[tilespmem:s19+$0x16530] =	vst v12;
	v50 =	vor.u32 v1, v4;
	v4 =	vshll.u32 v20, $0x7;
	v19 =	vcvt.f32.s32 v19  }
0x58d: {  	v33 =	vld [tilespmem:s14+$0xA520];
	[tilespmem:s20+$0x16530] =	vst v10;
	v54 =	vcvt.f32.s32 v51;
	v20 =	vor.u32 v1, v4;
	v4 =	vtrunc.f32 v37  }
0x58e: {  	v12 =	vld.idx.msk [tilespmem:v48+s7+$0x0], $0xffff;
	v30 =	vcvt.f32.s32 v4;
	v4 =	vtrunc.f32 v49;
	[tilespmem:s11+$0x16160] =	vst v22;
	v19 =	vshll.u32 v19, $0x7  }
0x58f: {  	v56 =	vld [tilespmem:s11+$0xA510];
	v55 =	vcvt.f32.s32 v4;
	v4 =	vor.u32 v1, v6;
	[tilespmem:s12+$0x16160] =	vst v17;
	v17 =	vor.u32 v1, v19  }
0x590: {  	v18 =	vld [tilespmem:s14+$0xA530];
	v6 =	vshll.u32 v30, $0x7;
	v19 =	vtrunc.f32 v42;
	[tilespmem:s14+$0x16160] =	vst v16;
	v16 =	vshll.u32 v54, $0x7  }
0x591: {  	v15 =	vld.idx.msk [tilespmem:v15+s7+$0x0], $0xffff;
	v57 =	vshll.u32 v55, $0x7;
	v19 =	vcvt.f32.s32 v19;
	v8 =	vor.u32 v1, v6  }
0x592: {  	v21 =	vld.idx.msk [tilespmem:v50+s7+$0x0], $0xffff;
	v6 =	vcvt.f32.s32 v13;
	v13 =	vtrunc.f32 v33;
	v22 =	vor.u32 v1, v57  }
0x593: {  	v20 =	vld.idx.msk [tilespmem:v20+s7+$0x0], $0xffff;
	v58 =	vor.u32 v1, v16;
	v13 =	vcvt.f32.s32 v13;
	v16 =	vshll.u32 v19, $0x7  }
0x594: {  	[tilespmem:s10+$0x16550] =	vst v5;
	v53 =	vld [tilespmem:s14+$0xA540];
	v6 =	vshll.u32 v6, $0x7;
	v59 =	vor.u32 v1, v16;
	v16 =	vtrunc.f32 v56  }
0x595: {  	[tilespmem:s18+$0x16540] =	vst v7;
	v19 =	vld [tilespmem:s11+$0xA520];
	v5 =	vor.u32 v1, v6;
	v6 =	vtrunc.f32 v47;
	v16 =	vcvt.f32.s32 v16  }
0x596: {  	v18 =	vtrunc.f32 v18;
	[tilespmem:s11+$0x16170] =	vst v15;
	v15 =	vld [tilespmem:s12+$0xA550];
	v13 =	vshll.u32 v13, $0x7;
	v60 =	vcvt.f32.s32 v6  }
0x597: {  	v6 =	vor.u32 v1, v13;
	v13 =	vcvt.f32.s32 v18;
	[tilespmem:s12+$0x16170] =	vst v21;
	v61 =	vld.idx.msk [tilespmem:v22+s7+$0x0], $0xffff;
	v16 =	vshll.u32 v16, $0x7  }
0x598: {  	s10 =	sadd.s32 $0x3, s17;
	v18 =	vtrunc.f32 v52;
	v17 =	vld.idx.msk [tilespmem:v17+s7+$0x0], $0xffff;
	[tilespmem:s14+$0x16170] =	vst v20;
	v7 =	vshll.u32 v60, $0x7;
	v20 =	vor.u32 v1, v16  }
0x599: {  	s23 =	smulhi.u32 $0xCCCCCCCD, s10;
	v13 =	vshll.u32 v13, $0x7;
	v62 =	vld.idx.msk [tilespmem:v8+s7+$0x0], $0xffff;
	v16 =	vcvt.f32.s32 v18;
	v18 =	vtrunc.f32 v53  }
0x59a: {  	v11 =	vld.idx.msk [tilespmem:v11+s7+$0x0], $0xffff;
	v8 =	vor.u32 v1, v7;
	v7 =	vor.u32 v1, v13;
	v18 =	vcvt.f32.s32 v18  }
0x59b: {  	s4 =	sshrl.u32 s23, $0x9;
	[tilespmem:s8+$0x16550] =	vst v9;
	v13 =	vld.idx.msk [tilespmem:v14+s7+$0x0], $0xffff;
	v14 =	vtrunc.f32 v15;
	v15 =	vtrunc.f32 v19;
	v10 =	vshll.u32 v16, $0x7  }
0x59c: {  	s0 =	smul.u32 $0x280, s4;
	v14 =	vcvt.f32.s32 v14;
	v16 =	vld [tilespmem:s11+$0xA530];
	v9 =	vshll.u32 v18, $0x7;
	v18 =	vcvt.f32.s32 v15;
	[tilespmem:s11+$0x16500] =	vst v61  }
0x59d: {  	v10 =	vor.u32 v1, v10;
	v9 =	vor.u32 v1, v9;
	[tilespmem:s12+$0x16500] =	vst v17;
	v15 =	vld.idx.msk [tilespmem:v20+s7+$0x0], $0xffff  }
0x59e: {  	s3 =	simm.s32 $0xB00;
	s0 =	ssub.s32 s10, s0;
	v17 =	vshll.u32 v14, $0x7;
	v14 =	vld.idx.msk [tilespmem:v58+s7+$0x0], $0xffff;
	v18 =	vshll.u32 v18, $0x7;
	[tilespmem:s14+$0x16500] =	vst v62;
	v20 =	vtrunc.f32 v63  }
0x59f: {  	s17 =	simm.s32 $0x580;
	s8 =	sshrl.u32 s0, $0x2;
	s0 =	simm.s32 $0x6;
	[tilespmem:s31+$0x16550] =	vst v11;
	v11 =	vor.u32 v1, v17;
	v19 =	vor.u32 v1, v18;
	v17 =	vld.idx.msk [tilespmem:v59+s7+$0x0], $0xffff;
	v18 =	vcvt.f32.s32 v20  }
.LBB2_9:
0x5a0: {  	s5 =	sadd.s32 $0xFFFFFF00, s17;
	s16 =	sadd.s32 $0xFFFFFF00, s3;
	s21 =	sadd.s32 $0xFFFFFF80, s17;
	[tilespmem:s19+$0x16540] =	vst v13;
	v13 =	vld.idx.msk [tilespmem:v2+s7+$0x0], $0xffff;
	v2 =	vmov v4  }
0x5a1: {  	s0 =	sadd.s32 $0x3, s0;
	s16 =	sand.u32 $0x7800, s16;
	s21 =	sand.u32 $0x380, s21;
	v4 =	vshll.u32 v18, $0x7;
	v18 =	vld.idx.msk [tilespmem:v3+s7+$0x0], $0xffff;
	[tilespmem:s20+$0x16540] =	vst v12;
	v3 =	vmov v11  }
0x5a2: {  	s23 =	sadd.s32 $0xFFFFFE00, s3;
	p1 =	slt.u32 s0, $0x2D;
	v11 =	vtrunc.f32 v16;
	s16 =	sor.u32 s21, s16;
	v12 =	vld [tilespmem:s11+$0xA540];
	v4 =	vor.u32 v1, v4  }
0x5a3: {  	s5 =	sand.u32 $0x380, s5;
	s21 =	sand.u32 $0x3800, s23;
	s23 =	sand.u32 $0x7800, s3;
	v11 =	vcvt.f32.s32 v11;
	v16 =	vld [tilespmem:s16+$0xA100];
	[tilespmem:s11+$0x16510] =	vst v15  }
0x5a4: {  	s5 =	sor.u32 s5, s21;
	s21 =	sand.u32 $0x380, s17;
	[tilespmem:s12+$0x16510] =	vst v14;
	v14 =	vld.idx.msk [tilespmem:v19+s7+$0x0], $0xffff  }
0x5a5: {  	s21 =	sor.u32 s21, s23;
	v11 =	vshll.u32 v11, $0x7;
	v15 =	vld [tilespmem:s5+$0xA100];
	[tilespmem:s14+$0x16510] =	vst v17  }
0x5a6: {  	v11 =	vor.u32 v1, v11;
	v17 =	vld [tilespmem:s21+$0xA100];
	[tilespmem:s18+$0x16550] =	vst v13;
	s18 =	smov.u32 s20;
	s20 =	smov.u32 s14;
	s14 =	smov.u32 s21  }
0x5a7: {  	v13 =	vld [tilespmem:s5+$0xA110];
	[tilespmem:s19+$0x16550] =	vst v18;
	s19 =	smov.u32 s12;
	s12 =	smov.u32 s5  }
0x5a8: {  	v16 =	vtrunc.f32 v16;
	v18 =	vld [tilespmem:s14+$0xA110]  }
0x5a9: {  	v12 =	vtrunc.f32 v12;
	v16 =	vcvt.f32.s32 v16;
	v19 =	vld [tilespmem:s11+$0xA550]  }
0x5aa: {  	v12 =	vcvt.f32.s32 v12;
	v15 =	vtrunc.f32 v15;
	v20 =	vld [tilespmem:s16+$0xA110];
	[tilespmem:s11+$0x16520] =	vst v14  }
0x5ab: {  	v14 =	vcvt.f32.s32 v15;
	v15 =	vshll.u32 v16, $0x7;
	v16 =	vtrunc.f32 v17;
	v11 =	vld.idx.msk [tilespmem:v11+s7+$0x0], $0xffff  }
0x5ac: {  	v12 =	vshll.u32 v12, $0x7;
	v17 =	vld [tilespmem:s12+$0xA120];
	v15 =	vor.u32 v1, v15;
	v16 =	vcvt.f32.s32 v16  }
0x5ad: {  	v12 =	vor.u32 v1, v12;
	v13 =	vtrunc.f32 v13;
	v14 =	vshll.u32 v14, $0x7;
	v21 =	vld [tilespmem:s14+$0xA120]  }
0x5ae: {  	v18 =	vtrunc.f32 v18;
	v14 =	vor.u32 v1, v14;
	v22 =	vld [tilespmem:s12+$0xA130];
	v16 =	vshll.u32 v16, $0x7  }
0x5af: {  	v13 =	vcvt.f32.s32 v13;
	v20 =	vtrunc.f32 v20;
	v16 =	vor.u32 v1, v16;
	v23 =	vld [tilespmem:s14+$0xA130]  }
0x5b0: {  	v19 =	vtrunc.f32 v19;
	v20 =	vcvt.f32.s32 v20;
	v24 =	vld [tilespmem:s16+$0xA120]  }
0x5b1: {  	v18 =	vcvt.f32.s32 v18;
	v13 =	vshll.u32 v13, $0x7;
	v15 =	vld.idx.msk [tilespmem:v15+s7+$0x0], $0xffff;
	[tilespmem:s11+$0x16530] =	vst v11;
	v11 =	vcvt.f32.s32 v19  }
0x5b2: {  	v13 =	vor.u32 v1, v13;
	v17 =	vtrunc.f32 v17;
	v19 =	vshll.u32 v20, $0x7;
	v12 =	vld.idx.msk [tilespmem:v12+s7+$0x0], $0xffff  }
0x5b3: {  	v18 =	vshll.u32 v18, $0x7;
	v14 =	vld.idx.msk [tilespmem:v14+s7+$0x0], $0xffff;
	v19 =	vor.u32 v1, v19;
	v11 =	vshll.u32 v11, $0x7  }
0x5b4: {  	v18 =	vor.u32 v1, v18;
	v20 =	vtrunc.f32 v21;
	v16 =	vld.idx.msk [tilespmem:v16+s7+$0x0], $0xffff;
	v11 =	vor.u32 v1, v11  }
0x5b5: {  	v17 =	vcvt.f32.s32 v17;
	v20 =	vcvt.f32.s32 v20;
	v21 =	vld [tilespmem:s12+$0xA140]  }
0x5b6: {  	v22 =	vtrunc.f32 v22;
	v23 =	vtrunc.f32 v23;
	v25 =	vld [tilespmem:s14+$0xA140]  }
0x5b7: {  	v17 =	vshll.u32 v17, $0x7;
	v20 =	vshll.u32 v20, $0x7;
	[tilespmem:s16+$0x16100] =	vst v15;
	v15 =	vtrunc.f32 v24;
	v24 =	vld [tilespmem:s16+$0xA130]  }
0x5b8: {  	v17 =	vor.u32 v1, v17;
	v20 =	vor.u32 v1, v20;
	v19 =	vld.idx.msk [tilespmem:v19+s7+$0x0], $0xffff;
	v15 =	vcvt.f32.s32 v15;
	[tilespmem:s11+$0x16540] =	vst v12  }
0x5b9: {  	v12 =	vcvt.f32.s32 v22;
	[tilespmem:s12+$0x16100] =	vst v14;
	v14 =	vcvt.f32.s32 v23;
	v11 =	vld.idx.msk [tilespmem:v11+s7+$0x0], $0xffff  }
0x5ba: {  	v13 =	vld.idx.msk [tilespmem:v13+s7+$0x0], $0xffff;
	v21 =	vtrunc.f32 v21;
	v15 =	vshll.u32 v15, $0x7;
	[tilespmem:s14+$0x16100] =	vst v16  }
0x5bb: {  	v12 =	vshll.u32 v12, $0x7;
	v15 =	vor.u32 v1, v15;
	v16 =	vld.idx.msk [tilespmem:v18+s7+$0x0], $0xffff;
	v14 =	vshll.u32 v14, $0x7  }
0x5bc: {  	v12 =	vor.u32 v1, v12;
	v22 =	vtrunc.f32 v25;
	v18 =	vld [tilespmem:s12+$0xA150];
	v14 =	vor.u32 v1, v14  }
0x5bd: {  	v21 =	vcvt.f32.s32 v21;
	v22 =	vcvt.f32.s32 v22;
	v23 =	vld [tilespmem:s14+$0xA150]  }
0x5be: {  	v25 =	vld [tilespmem:s12+$0xA160];
	[tilespmem:s16+$0x16110] =	vst v19;
	v19 =	vtrunc.f32 v24  }
0x5bf: {  	v21 =	vshll.u32 v21, $0x7;
	v22 =	vshll.u32 v22, $0x7;
	v19 =	vcvt.f32.s32 v19;
	v24 =	vld [tilespmem:s16+$0xA140];
	[tilespmem:s11+$0x16550] =	vst v11;
	s11 =	smov.u32 s16  }
0x5c0: {  	v11 =	vor.u32 v1, v21;
	[tilespmem:s12+$0x16110] =	vst v13;
	v13 =	vld.idx.msk [tilespmem:v15+s7+$0x0], $0xffff;
	v15 =	vor.u32 v1, v22  }
0x5c1: {  	v17 =	vld.idx.msk [tilespmem:v17+s7+$0x0], $0xffff;
	v18 =	vtrunc.f32 v18;
	v19 =	vshll.u32 v19, $0x7;
	[tilespmem:s14+$0x16110] =	vst v16  }
0x5c2: {  	v16 =	vcvt.f32.s32 v18;
	v18 =	vor.u32 v1, v19;
	v19 =	vld.idx.msk [tilespmem:v20+s7+$0x0], $0xffff;
	v20 =	vtrunc.f32 v23  }
0x5c3: {  	v21 =	vtrunc.f32 v25;
	v20 =	vcvt.f32.s32 v20;
	v22 =	vld [tilespmem:s14+$0xA160]  }
0x5c4: {  	v16 =	vshll.u32 v16, $0x7;
	v21 =	vcvt.f32.s32 v21;
	v23 =	vld [tilespmem:s12+$0xA170]  }
0x5c5: {  	v24 =	vtrunc.f32 v24;
	v16 =	vor.u32 v1, v16;
	v20 =	vshll.u32 v20, $0x7;
	v25 =	vld [tilespmem:s14+$0xA170]  }
0x5c6: {  	v21 =	vshll.u32 v21, $0x7;
	[tilespmem:s11+$0x16120] =	vst v13;
	v13 =	vcvt.f32.s32 v24;
	v24 =	vld [tilespmem:s11+$0xA150];
	v20 =	vor.u32 v1, v20  }
0x5c7: {  	[tilespmem:s12+$0x16120] =	vst v17;
	v17 =	vor.u32 v1, v21;
	v18 =	vld.idx.msk [tilespmem:v18+s7+$0x0], $0xffff  }
0x5c8: {  	v12 =	vld.idx.msk [tilespmem:v12+s7+$0x0], $0xffff;
	v13 =	vshll.u32 v13, $0x7;
	[tilespmem:s14+$0x16120] =	vst v19;
	v19 =	vtrunc.f32 v22  }
0x5c9: {  	v21 =	vtrunc.f32 v23;
	v13 =	vor.u32 v1, v13;
	v14 =	vld.idx.msk [tilespmem:v14+s7+$0x0], $0xffff;
	v19 =	vcvt.f32.s32 v19  }
0x5ca: {  	v21 =	vcvt.f32.s32 v21;
	v22 =	vld [tilespmem:s12+$0xA500];
	v23 =	vtrunc.f32 v25  }
0x5cb: {  	v19 =	vshll.u32 v19, $0x7;
	v23 =	vcvt.f32.s32 v23;
	v25 =	vld [tilespmem:s14+$0xA500]  }
0x5cc: {  	v24 =	vtrunc.f32 v24;
	v21 =	vshll.u32 v21, $0x7;
	v26 =	vld [tilespmem:s12+$0xA510];
	v19 =	vor.u32 v1, v19  }
0x5cd: {  	v21 =	vor.u32 v1, v21;
	[tilespmem:s11+$0x16130] =	vst v18;
	v18 =	vcvt.f32.s32 v24;
	v24 =	vld [tilespmem:s11+$0xA160];
	v23 =	vshll.u32 v23, $0x7  }
0x5ce: {  	[tilespmem:s12+$0x16130] =	vst v12;
	v12 =	vld.idx.msk [tilespmem:v13+s7+$0x0], $0xffff;
	v13 =	vor.u32 v1, v23  }
0x5cf: {  	v11 =	vld.idx.msk [tilespmem:v11+s7+$0x0], $0xffff;
	v22 =	vtrunc.f32 v22;
	v18 =	vshll.u32 v18, $0x7;
	[tilespmem:s14+$0x16130] =	vst v14  }
0x5d0: {  	v14 =	vcvt.f32.s32 v22;
	v18 =	vor.u32 v1, v18;
	v15 =	vld.idx.msk [tilespmem:v15+s7+$0x0], $0xffff;
	v22 =	vtrunc.f32 v25  }
0x5d1: {  	v23 =	vtrunc.f32 v26;
	v22 =	vcvt.f32.s32 v22;
	v25 =	vld [tilespmem:s14+$0xA510]  }
0x5d2: {  	v14 =	vshll.u32 v14, $0x7;
	v23 =	vcvt.f32.s32 v23;
	v26 =	vld [tilespmem:s12+$0xA520]  }
0x5d3: {  	v24 =	vtrunc.f32 v24;
	v14 =	vor.u32 v1, v14;
	v22 =	vshll.u32 v22, $0x7;
	v27 =	vld [tilespmem:s14+$0xA520]  }
0x5d4: {  	v23 =	vshll.u32 v23, $0x7;
	[tilespmem:s11+$0x16140] =	vst v12;
	v12 =	vcvt.f32.s32 v24;
	v24 =	vld [tilespmem:s11+$0xA170];
	v22 =	vor.u32 v1, v22  }
0x5d5: {  	[tilespmem:s12+$0x16140] =	vst v11;
	v23 =	vor.u32 v1, v23;
	v11 =	vld.idx.msk [tilespmem:v18+s7+$0x0], $0xffff  }
0x5d6: {  	v16 =	vld.idx.msk [tilespmem:v16+s7+$0x0], $0xffff;
	v12 =	vshll.u32 v12, $0x7;
	[tilespmem:s14+$0x16140] =	vst v15;
	v15 =	vtrunc.f32 v25  }
0x5d7: {  	v18 =	vtrunc.f32 v26;
	v12 =	vor.u32 v1, v12;
	v20 =	vld.idx.msk [tilespmem:v20+s7+$0x0], $0xffff;
	v15 =	vcvt.f32.s32 v15  }
0x5d8: {  	v18 =	vcvt.f32.s32 v18;
	v25 =	vld [tilespmem:s12+$0xA530];
	v26 =	vtrunc.f32 v27  }
0x5d9: {  	v15 =	vshll.u32 v15, $0x7;
	v26 =	vcvt.f32.s32 v26;
	v27 =	vld [tilespmem:s14+$0xA530]  }
0x5da: {  	v24 =	vtrunc.f32 v24;
	v18 =	vshll.u32 v18, $0x7;
	v28 =	vor.u32 v1, v15;
	v15 =	vld.idx.msk [tilespmem:v5+s7+$0x0], $0xffff  }
0x5db: {  	v5 =	vor.u32 v1, v18;
	[tilespmem:s11+$0x16150] =	vst v11;
	v11 =	vcvt.f32.s32 v24;
	v18 =	vld [tilespmem:s11+$0xA500];
	v24 =	vshll.u32 v26, $0x7  }
0x5dc: {  	[tilespmem:s12+$0x16150] =	vst v16;
	v12 =	vld.idx.msk [tilespmem:v12+s7+$0x0], $0xffff;
	v16 =	vor.u32 v1, v24  }
0x5dd: {  	v17 =	vld.idx.msk [tilespmem:v17+s7+$0x0], $0xffff;
	v24 =	vtrunc.f32 v25;
	v11 =	vshll.u32 v11, $0x7;
	[tilespmem:s14+$0x16150] =	vst v20  }
0x5de: {  	v20 =	vcvt.f32.s32 v24;
	v11 =	vor.u32 v1, v11;
	v19 =	vld.idx.msk [tilespmem:v19+s7+$0x0], $0xffff;
	v24 =	vtrunc.f32 v27  }
0x5df: {  	v24 =	vcvt.f32.s32 v24;
	v25 =	vld.idx.msk [tilespmem:v6+s7+$0x0], $0xffff;
	v6 =	vmov v16  }
0x5e0: {  	v16 =	vshll.u32 v20, $0x7;
	v20 =	vld [tilespmem:s12+$0xA540];
	[tilespmem:s19+$0x16520] =	vst v15  }
0x5e1: {  	v15 =	vor.u32 v1, v16;
	v16 =	vtrunc.f32 v18;
	v18 =	vshll.u32 v24, $0x7;
	v24 =	vld [tilespmem:s14+$0xA540]  }
0x5e2: {  	[tilespmem:s11+$0x16160] =	vst v12;
	v12 =	vcvt.f32.s32 v16;
	v16 =	vld [tilespmem:s11+$0xA510];
	v18 =	vor.u32 v1, v18  }
0x5e3: {  	[tilespmem:s12+$0x16160] =	vst v17;
	v11 =	vld.idx.msk [tilespmem:v11+s7+$0x0], $0xffff  }
0x5e4: {  	v17 =	vld.idx.msk [tilespmem:v21+s7+$0x0], $0xffff;
	v12 =	vshll.u32 v12, $0x7;
	[tilespmem:s14+$0x16160] =	vst v19  }
0x5e5: {  	v19 =	vtrunc.f32 v20;
	v12 =	vor.u32 v1, v12;
	v13 =	vld.idx.msk [tilespmem:v13+s7+$0x0], $0xffff;
	[tilespmem:s20+$0x16520] =	vst v25  }
0x5e6: {  	v19 =	vcvt.f32.s32 v19;
	v20 =	vtrunc.f32 v24;
	v21 =	vld.idx.msk [tilespmem:v8+s7+$0x0], $0xffff;
	v8 =	vmov v15  }
0x5e7: {  	v15 =	vcvt.f32.s32 v20;
	v20 =	vld.idx.msk [tilespmem:v7+s7+$0x0], $0xffff;
	v7 =	vmov v18  }
0x5e8: {  	v16 =	vtrunc.f32 v16;
	v18 =	vshll.u32 v19, $0x7;
	v19 =	vld [tilespmem:s12+$0xA550]  }
0x5e9: {  	v18 =	vor.u32 v1, v18;
	[tilespmem:s11+$0x16170] =	vst v11;
	v11 =	vcvt.f32.s32 v16;
	v16 =	vld [tilespmem:s11+$0xA520];
	v15 =	vshll.u32 v15, $0x7  }
0x5ea: {  	[tilespmem:s12+$0x16170] =	vst v17;
	v17 =	vld.idx.msk [tilespmem:v12+s7+$0x0], $0xffff;
	v15 =	vor.u32 v1, v15  }
0x5eb: {  	v14 =	vld.idx.msk [tilespmem:v14+s7+$0x0], $0xffff;
	v11 =	vshll.u32 v11, $0x7;
	[tilespmem:s14+$0x16170] =	vst v13  }
0x5ec: {  	v24 =	vor.u32 v1, v11;
	v22 =	vld.idx.msk [tilespmem:v22+s7+$0x0], $0xffff;
	[tilespmem:s19+$0x16530] =	vst v21  }
0x5ed: {  	v11 =	vtrunc.f32 v19;
	v19 =	vld [tilespmem:s14+$0xA550];
	[tilespmem:s20+$0x16530] =	vst v20  }
0x5ee: {  	v11 =	vcvt.f32.s32 v11;
	v13 =	vld.idx.msk [tilespmem:v10+s7+$0x0], $0xffff;
	v10 =	vmov v18  }
.Ltmp5:
0x5ef: {  	v16 =	vtrunc.f32 v16;
	v12 =	vld.idx.msk [tilespmem:v9+s7+$0x0], $0xffff;
	v9 =	vmov v15;
	(pc) =	sbr.rel @p1 .LBB2_9-.Ltmp5, $4  }
0x5f0: {  	v11 =	vshll.u32 v11, $0x7;
	[tilespmem:s11+$0x16500] =	vst v17;
	v17 =	vcvt.f32.s32 v16;
	v16 =	vld [tilespmem:s11+$0xA530]  }
0x5f1: {  	[tilespmem:s12+$0x16500] =	vst v14;
	v11 =	vor.u32 v1, v11;
	v15 =	vld.idx.msk [tilespmem:v24+s7+$0x0], $0xffff  }
0x5f2: {  	v14 =	vld.idx.msk [tilespmem:v23+s7+$0x0], $0xffff;
	v17 =	vshll.u32 v17, $0x7;
	[tilespmem:s14+$0x16500] =	vst v22;
	v18 =	vtrunc.f32 v19  }
0x5f3: {  	s3 =	sadd.s32 $0x300, s3;
	s17 =	sadd.s32 $0x180, s17;
	v19 =	vor.u32 v1, v17;
	v17 =	vld.idx.msk [tilespmem:v28+s7+$0x0], $0xffff;
	v18 =	vcvt.f32.s32 v18  }
0x5f4: {  	_ = 	snop  }
0x5f5: {  	v16 =	vtrunc.f32 v16  }
0x5f6: {  	v20 =	vld [tilespmem:s11+$0xA540];
	v16 =	vcvt.f32.s32 v16  }
0x5f7: {  	[tilespmem:s11+$0x16510] =	vst v15  }
0x5f8: {  	v15 =	vld.idx.msk [tilespmem:v19+s7+$0x0], $0xffff;
	[tilespmem:s12+$0x16510] =	vst v14;
	v16 =	vshll.u32 v16, $0x7  }
0x5f9: {  	[tilespmem:s14+$0x16510] =	vst v17;
	v5 =	vld.idx.msk [tilespmem:v5+s7+$0x0], $0xffff;
	v57 =	vor.u32 v1, v16  }
0x5fa: {  	v6 =	vld.idx.msk [tilespmem:v6+s7+$0x0], $0xffff  }
0x5fb: {  	v58 =	vtrunc.f32 v20  }
0x5fc: {  	v59 =	vld [tilespmem:s11+$0xA550];
	v16 =	vcvt.f32.s32 v58  }
0x5fd: {  	[tilespmem:s11+$0x16520] =	vst v15  }
0x5fe: {  	v60 =	vshll.u32 v16, $0x7;
	[tilespmem:s12+$0x16520] =	vst v5;
	v14 =	vld.idx.msk [tilespmem:v57+s7+$0x0], $0xffff  }
0x5ff: {  	v15 =	vor.u32 v1, v60;
	[tilespmem:s14+$0x16520] =	vst v6;
	v5 =	vld.idx.msk [tilespmem:v8+s7+$0x0], $0xffff  }
0x600: {  	v7 =	vld.idx.msk [tilespmem:v7+s7+$0x0], $0xffff  }
0x601: {  	v61 =	vtrunc.f32 v59  }
0x602: {  	v6 =	vcvt.f32.s32 v61  }
0x603: {  	[tilespmem:s11+$0x16530] =	vst v14  }
0x604: {  	v6 =	vshll.u32 v6, $0x7;
	[tilespmem:s12+$0x16530] =	vst v5;
	v62 =	vld.idx.msk [tilespmem:v15+s7+$0x0], $0xffff  }
0x605: {  	v6 =	vor.u32 v1, v6;
	[tilespmem:s14+$0x16530] =	vst v7;
	v5 =	vld.idx.msk [tilespmem:v10+s7+$0x0], $0xffff  }
0x606: {  	v63 =	vshll.u32 v18, $0x7;
	v9 =	vld.idx.msk [tilespmem:v9+s7+$0x0], $0xffff  }
0x607: {  	[tilespmem:s19+$0x16540] =	vst v13;
	v2 =	vld.idx.msk [tilespmem:v2+s7+$0x0], $0xffff;
	v7 =	vor.u32 v1, v63  }
0x608: {  	[tilespmem:s20+$0x16540] =	vst v12;
	v3 =	vld.idx.msk [tilespmem:v3+s7+$0x0], $0xffff  }
0x609: {  	v4 =	vld.idx.msk [tilespmem:v4+s7+$0x0], $0xffff;
	[tilespmem:s11+$0x16540] =	vst v62  }
0x60a: {  	[tilespmem:s12+$0x16540] =	vst v5;
	v6 =	vld.idx.msk [tilespmem:v6+s7+$0x0], $0xffff  }
0x60b: {  	s0 =	smul.u32 $0x780000, s4;
	v5 =	vld.idx.msk [tilespmem:v11+s7+$0x0], $0xffff;
	[tilespmem:s14+$0x16540] =	vst v9  }
0x60c: {  	s3 =	smul.u32 $0xC000, s8;
	[tilespmem:s18+$0x16550] =	vst v2;
	v2 =	vld.idx.msk [tilespmem:v7+s7+$0x0], $0xffff  }
0x60d: {  	[tilespmem:s19+$0x16550] =	vst v3  }
.Ltmp6:
0x60e: {  	s0 =	sadd.s32 s0, s3;
	[tilespmem:s20+$0x16550] =	vst v4;
	(pc) =	sbr.rel @p0 .LBB2_12-.Ltmp6, $4  }
0x60f: {  	s0 =	sadd.s32 $0x9000, s0;
	[tilespmem:s11+$0x16550] =	vst v6  }
0x610: {  	s0 =	sshrl.u32 s0, $0x3;
	[tilespmem:s12+$0x16550] =	vst v5  }
0x611: {  	s0 =	sadd.s32 s6, s0;
	[tilespmem:s14+$0x16550] =	vst v2  }
0x612: {  	[hbm4b:s0+s7] =	stream.linear.scatter [tilespmem:s30], [sflag:$0x8], $0x3000, $0x38;
	[tilespmem:$0x19100] =	vst v63  }
0x613: {  	s0 =	sadd.s32 $0x4, s10  }
0x614: {  	s3 =	smulhi.u32 $0xCCCCCCCD, s0;
	_ =	sdelay $0x1  }
0x615: {  	s3 =	sshrl.u32 s3, $0x9  }
0x616: {  	s4 =	smul.u32 $0x280, s3;
	_ =	sdelay $0x1  }
0x617: {  	s0 =	ssub.s32 s0, s4  }
0x618: {  	s3 =	smul.u32 $0x780000, s3;
	s0 =	sshrl.u32 s0, $0x2  }
0x619: {  	s0 =	smul.u32 $0xC000, s0;
	_ =	sdelay $0x1  }
.Ltmp7:
0x61a: {  	s0 =	sadd.s32 s3, s0;
	(pc) =	sbr.rel .LBB2_2-.Ltmp7, $4  }
0x61b: {  	s0 =	sadd.s32 $0x9000, s0  }
0x61c: {  	s0 =	sshrl.u32 s0, $0x3  }
0x61d: {  	s31 =	simm.s32 $0xA100;
	s15 =	sadd.s32 $0x1, s15;
	s0 =	sadd.s32 s2, s0  }
0x61e: {  	[tilespmem:s31], [sflag:$0x4] =	stream.linear.gather [hbm4b:s0+s7], $0x3000, $0x38;
	[tilespmem:$0x19100] =	vst v63  }
.LBB2_13:
0x61f: {  	_ =	sfence.sel $0x180000  }
0x620: {  	[bflag:$0x0] =	sbarrier.arrive $0xFFFF  }
0x621: {  	_ =	strace $0x90000047  }
0x622: {  	s0 =	stileid.u32;
	[bflag:$0x2] =	sbarrier.arrive $0xFFFF  }
0x623: {  	p0 =	sne.s32 s0, $0x0;
	s0 =	rddreg [dreg:$0x4]  }
0x624: {  	s0 =	sadd.s32 @!p0 $0x100000, s0  }
0x625: {  	[sflag:s0] =	ssyncadd.tile.s32 @!p0 $0x1;
	_ =	shalt  }
.Lfunc_end2:
_tile_overlayer_lowered:
.L_overlay_start_2:
0x626: {  	(tag) =	ssettag $0x2  }
0x627: {  	s0 =	rddreg [dreg:$0x0];
	s2 =	stileid.u32  }
0x628: {  	s1 =	rddreg [dreg:$0x1];
	p0 =	sne.s32 s2, $0x0  }
0x629: {  	s3 =	rddreg [dreg:$0x2];
	[bflag:$0x3] =	sbarrier.arrive $0xFFFF;
	s2 =	simm.s32 @!p0 $0x1C09  }
0x62a: {  	[timem:s3], [sflag:s2] =	dma.local @!p0 [hbm:s0], s1  }
0x62b: {  	s0 =	simm.s32 @!p0 $0x9  }
0x62c: {  	_ =	swait.ge @!p0 [sflag:s0], s1  }
0x62d: {  	s1 =	ssub.s32 @!p0 $0x0, s1;
	[sflag:s0] =	ssyncset.done @!p0 $0x0  }
0x62e: {  	[sflag:s0] =	ssyncadd.s32 @!p0 s1  }
0x62f: {  	[bflag:$0x3] =	sbarrier.arrive $0xFFFF  }
0x630: {  	_ =	shalt  }

</sc_bundles>
